<compile_context>
chip_gen: v7x
topology: tpu7x:2x2x1
jax: 0.10.2.dev20260603
libtpu: 0.0.44.dev20260713+nightly
codegen_flags: <defaults>
</compile_context>

<pallas_src>
import functools

import jax
import jax.numpy as jnp
from jax import lax
from jax.experimental import pallas as pl
from jax.experimental.pallas import tpu as pltpu
from jax.experimental.pallas import tpu_sc as plsc


def _gather_sc(idx, table, cb):
    n, = idx.shape
    v, d = table.shape
    assert d == 32
    info = plsc.get_sparse_core_info()
    nc = info.num_cores
    nw = nc * info.num_subcores
    n_per_w = n // nw
    blocks_per_w = n_per_w // 128
    a = cb * 128
    n_chunks = n_per_w // a
    ts = cb * 1024
    gs = (n // 128) * 1024
    mesh = plsc.VectorSubcoreMesh(core_axis_name="c", subcore_axis_name="s")

    @functools.partial(
        pl.kernel,
        mesh=mesh,
        out_type=jax.ShapeDtypeStruct((n * d,), jnp.float32),
        scratch_types=[
            pltpu.VMEM((n_per_w,), jnp.int32),
            pltpu.VMEM((a, d), jnp.float32),
            pltpu.VMEM((4 * ts,), jnp.float32),
            pltpu.SemaphoreType.DMA,
            pltpu.SemaphoreType.DMA,
            pltpu.SemaphoreType.DMA,
        ],
        compiler_params=pltpu.CompilerParams(
            use_tc_tiling_on_sc=False, needs_layout_passes=False),
    )
    def k(idx_hbm, table_hbm, out_hbm, idx_all, rows_v, rows_t, si, sg, so):
        wid = lax.axis_index("s") * nc + lax.axis_index("c")
        base = wid * n_per_w
        base_blk = wid * blocks_per_w
        pltpu.async_copy(
            idx_hbm.at[pl.ds(base, n_per_w)], idx_all, si).wait()

        jj = jnp.arange(16, dtype=jnp.int32)

        def out_slices(j):
            for g in range(4):
                yield (rows_t.at[pl.ds(g * ts, ts)],
                       out_hbm.at[pl.ds(
                           g * gs + (base_blk + j * cb) * 1024, ts)])

        @pl.loop(0, n_chunks)
        def _(j):
            pltpu.async_copy(
                table_hbm.at[idx_all.at[pl.ds(j * a, a)]], rows_v, sg).wait()

            @pl.when(j > 0)
            def _():
                for src, dst in out_slices(0):
                    pltpu.make_async_copy(src, dst, so).wait()

            for t in range(16):
                jrot = (t + jj) & 15
                d_t = (jrot >> 3) * ts + (jrot & 7) * 128 + jj
                col1 = jrot + 16

                @pl.loop(0, cb * 8, unroll=4)
                def _(m):
                    c = m >> 3
                    k16 = m & 7
                    rowv = jnp.full((16,), m * 16, jnp.int32) + jj
                    ev = jnp.full((16,), c * 1024 + k16 * 16, jnp.int32) + d_t
                    v0 = plsc.load_gather(rows_v, [rowv, jrot])
                    plsc.store_scatter(rows_t, [ev], v0)
                    v1 = plsc.load_gather(rows_v, [rowv, col1])
                    plsc.store_scatter(rows_t, [ev + (2 * ts)], v1)

            for src, dst in out_slices(j):
                pltpu.async_copy(src, dst, so)

        for src, dst in out_slices(0):
            pltpu.make_async_copy(src, dst, so).wait()

    return k(idx, table)


def kernel(inputs, table):
    bsz, h = inputs.shape
    _, d = table.shape
    n = bsz * h
    idx = inputs.reshape(n).astype(jnp.int32)
    out1d = _gather_sc(idx, table, cb=10)
    out4d = out1d.reshape(d // 8, n // 128, 8, 128)
    return out4d.transpose(1, 3, 0, 2).reshape(n, d)

# --- scband reference (transcript-rebuilt; emitter-appended) ---
"""Pipeline reference for scband-authorlayer-4191888081410 (READ-ONLY COPY).

The authoritative reference and input builder live on the scoring server;
editing this copy changes nothing except your own understanding.
"""

import jax, jax.numpy as jnp
import numpy as np

AUTHORS = 1000000
EMBED_DIM = 32
BATCH = 16384
HIST = 50

def setup_inputs(seed: int = 0) -> dict:
    key = jax.random.key(seed)
    k1, k2 = jax.random.split(key)
    inputs = jax.random.randint(k1, (BATCH, HIST), 0, AUTHORS, dtype=jnp.int64)
    # nn.Embedding default init: N(0, 1)
    table = jax.random.normal(k2, (AUTHORS, EMBED_DIM), dtype=jnp.float32)
    return {"inputs": inputs, "table": table}

def reference(inputs, table):
    # authorembed = self.embedding(inputs)
    authorembed = jnp.take(table, inputs, axis=0)
    # output = authorembed.view((-1, self.output_dim))
    output = authorembed.reshape((-1, EMBED_DIM))
    return output

if __name__ == "__main__":
    import jax
    _d = setup_inputs()
    print(jax.jit(kernel)(*tuple(_d.values())))

</pallas_src>

<mosaic_0001>
#map = affine_map<(d0, d1) -> (0)>
#map1 = affine_map<(d0, d1) -> (0, 0)>
module attributes {stable_mosaic.version = 14 : i64} {
  func.func @k(%arg0: i32, %arg1: i32, %arg2: memref<819200xi32, #tpu.memory_space<hbm>>, %arg3: memref<1000000x32xf32, #tpu.memory_space<hbm>>, %arg4: memref<26214400xf32, #tpu.memory_space<hbm>>, %arg5: memref<25600xi32, #tpu.memory_space<vmem>>, %arg6: memref<1280x32xf32, #tpu.memory_space<vmem>>, %arg7: memref<40960xf32, #tpu.memory_space<vmem>>, %arg8: memref<!tpu.dma_semaphore, #tpu.memory_space<semaphore_mem>>, %arg9: memref<!tpu.dma_semaphore, #tpu.memory_space<semaphore_mem>>, %arg10: memref<!tpu.dma_semaphore, #tpu.memory_space<semaphore_mem>>) attributes {dimension_semantics = [#tpu.dimension_semantics<core_parallel>, #tpu.dimension_semantics<subcore_parallel>], iteration_bounds = array<i64: 2, 16>, scalar_prefetch = 0 : i64, scratch_operands = 6 : i64, tpu.core_type = #tpu.core_type<sc_vector_subcore>, window_params = [{transform_indices = #map}, {transform_indices = #map1}, {transform_indices = #map}]} {
    %mul3A = arith.constant 2 : i32
    %mul3A_0 = arith.muli %arg1, %mul3A : i32
    %add3A = arith.addi %mul3A_0, %arg0 : i32
    %mul3A_1 = arith.constant 25600 : i32
    %mul3A_2 = arith.muli %add3A, %mul3A_1 : i32
    %mul3A_3 = arith.constant 200 : i32
    %mul3A_4 = arith.muli %add3A, %mul3A_3 : i32
    %dma_start3A = tpu.memref_slice %arg2[%mul3A_2] : memref<819200xi32, #tpu.memory_space<hbm>> -> memref<25600xi32, #tpu.memory_space<hbm>>
    %dma_start3A_5 = tpu.memref_slice %arg2[%mul3A_2] : memref<819200xi32, #tpu.memory_space<hbm>> -> memref<25600xi32, #tpu.memory_space<hbm>>
    tpu.enqueue_dma source(%dma_start3A_5 : memref<25600xi32, #tpu.memory_space<hbm>>) target(%arg5 : memref<25600xi32, #tpu.memory_space<vmem>>) target_semaphore(%arg8 : memref<!tpu.dma_semaphore, #tpu.memory_space<semaphore_mem>>)
    %dma_wait3A = tpu.memref_slice %arg2[%mul3A_2] : memref<819200xi32, #tpu.memory_space<hbm>> -> memref<25600xi32, #tpu.memory_space<hbm>>
    %dma_wait3A_6 = tpu.memref_slice %arg2[%mul3A_2] : memref<819200xi32, #tpu.memory_space<hbm>> -> memref<25600xi32, #tpu.memory_space<hbm>>
    tpu.wait_dma2 semaphore(%arg8 : memref<!tpu.dma_semaphore, #tpu.memory_space<semaphore_mem>>) src(%dma_wait3A_6 : memref<25600xi32, #tpu.memory_space<hbm>>) dst(%arg5 : memref<25600xi32, #tpu.memory_space<vmem>>)
    %iota3A = tpu.iota {dimensions = array<i32: 0>} : vector<16xi32>
    %scan3A = arith.constant 0 : i32
    %scan3A_7 = arith.constant 20 : i32
    %scan3A_8 = arith.addi %scan3A, %scan3A_7 : i32
    %scan3A_9 = arith.constant 1 : i32
    scf.for %scan3A_59 = %scan3A to %scan3A_8 step %scan3A_9  : i32 {
      %mul3A_60 = arith.constant 1 : i32
      %mul3A_61 = arith.muli %scan3A_59, %mul3A_60 : i32
      %add3A_62 = arith.constant 0 : i32
      %add3A_63 = arith.addi %add3A_62, %mul3A_61 : i32
      %mul3A_64 = arith.constant 1280 : i32
      %mul3A_65 = arith.muli %add3A_63, %mul3A_64 : i32
      %dma_start3A_66 = tpu.memref_slice %arg5[%mul3A_65] : memref<25600xi32, #tpu.memory_space<vmem>> -> memref<1280xi32, #tpu.memory_space<vmem>>
      %dma_start3A_67 = arith.constant 0 : i32
      %dma_start3A_68 = arith.constant 0 : i32
      %dma_start3A_69 = tpu.memref_slice %arg3[%dma_start3A_67, %dma_start3A_68] : memref<1000000x32xf32, #tpu.memory_space<hbm>> -> memref<1000000x32xf32, #tpu.memory_space<hbm>>
      tpu.enqueue_indirect_dma source(%dma_start3A_69 : memref<1000000x32xf32, #tpu.memory_space<hbm>>) target(%arg6 : memref<1280x32xf32, #tpu.memory_space<vmem>>) offsets(%dma_start3A_66 : memref<1280xi32, #tpu.memory_space<vmem>>) semaphore(%arg9 : memref<!tpu.dma_semaphore, #tpu.memory_space<semaphore_mem>>)
      %dma_wait3A_70 = tpu.memref_slice %arg5[%mul3A_65] : memref<25600xi32, #tpu.memory_space<vmem>> -> memref<1280xi32, #tpu.memory_space<vmem>>
      %dma_wait3A_71 = arith.constant 0 : i32
      %dma_wait3A_72 = arith.constant 0 : i32
      %dma_wait3A_73 = tpu.memref_slice %arg3[%dma_wait3A_71, %dma_wait3A_72] : memref<1000000x32xf32, #tpu.memory_space<hbm>> -> memref<1000000x32xf32, #tpu.memory_space<hbm>>
      tpu.wait_indirect_dma semaphore(%arg9 : memref<!tpu.dma_semaphore, #tpu.memory_space<semaphore_mem>>) src(%dma_wait3A_73 : memref<1000000x32xf32, #tpu.memory_space<hbm>>) dst(%arg6 : memref<1280x32xf32, #tpu.memory_space<vmem>>)
      %gt3A = arith.constant 0 : i32
      %gt3A_74 = arith.cmpi sgt, %add3A_63, %gt3A : i32
      %convert_element_type3A = arith.extui %gt3A_74 : i1 to i32
      %cond3A = arith.constant 0 : i32
      %cond3A_75 = arith.cmpi ne, %convert_element_type3A, %cond3A : i32
      scf.if %cond3A_75 {
        %add3A_574 = arith.constant 0 : i32
        %add3A_575 = arith.addi %mul3A_4, %add3A_574 : i32
        %mul3A_576 = arith.constant 1024 : i32
        %mul3A_577 = arith.muli %add3A_575, %mul3A_576 : i32
        %add3A_578 = arith.constant 0 : i32
        %add3A_579 = arith.addi %add3A_578, %mul3A_577 : i32
        %dma_wait3A_580 = arith.constant 0 : i32
        %dma_wait3A_581 = tpu.memref_slice %arg7[%dma_wait3A_580] : memref<40960xf32, #tpu.memory_space<vmem>> -> memref<10240xf32, #tpu.memory_space<vmem>>
        %dma_wait3A_582 = tpu.memref_slice %arg4[%add3A_579] : memref<26214400xf32, #tpu.memory_space<hbm>> -> memref<10240xf32, #tpu.memory_space<hbm>>
        %dma_wait3A_583 = tpu.memref_slice %arg4[%add3A_579] : memref<26214400xf32, #tpu.memory_space<hbm>> -> memref<10240xf32, #tpu.memory_space<hbm>>
        %dma_wait3A_584 = arith.constant 0 : i32
        %dma_wait3A_585 = tpu.memref_slice %arg7[%dma_wait3A_584] : memref<40960xf32, #tpu.memory_space<vmem>> -> memref<10240xf32, #tpu.memory_space<vmem>>
        tpu.wait_dma2 semaphore(%arg10 : memref<!tpu.dma_semaphore, #tpu.memory_space<semaphore_mem>>) src(%dma_wait3A_585 : memref<10240xf32, #tpu.memory_space<vmem>>) dst(%dma_wait3A_583 : memref<10240xf32, #tpu.memory_space<hbm>>)
        %add3A_586 = arith.constant 0 : i32
        %add3A_587 = arith.addi %mul3A_4, %add3A_586 : i32
        %mul3A_588 = arith.constant 1024 : i32
        %mul3A_589 = arith.muli %add3A_587, %mul3A_588 : i32
        %add3A_590 = arith.constant 6553600 : i32
        %add3A_591 = arith.addi %add3A_590, %mul3A_589 : i32
        %dma_wait3A_592 = arith.constant 10240 : i32
        %dma_wait3A_593 = tpu.memref_slice %arg7[%dma_wait3A_592] : memref<40960xf32, #tpu.memory_space<vmem>> -> memref<10240xf32, #tpu.memory_space<vmem>>
        %dma_wait3A_594 = tpu.memref_slice %arg4[%add3A_591] : memref<26214400xf32, #tpu.memory_space<hbm>> -> memref<10240xf32, #tpu.memory_space<hbm>>
        %dma_wait3A_595 = tpu.memref_slice %arg4[%add3A_591] : memref<26214400xf32, #tpu.memory_space<hbm>> -> memref<10240xf32, #tpu.memory_space<hbm>>
        %dma_wait3A_596 = arith.constant 10240 : i32
        %dma_wait3A_597 = tpu.memref_slice %arg7[%dma_wait3A_596] : memref<40960xf32, #tpu.memory_space<vmem>> -> memref<10240xf32, #tpu.memory_space<vmem>>
        tpu.wait_dma2 semaphore(%arg10 : memref<!tpu.dma_semaphore, #tpu.memory_space<semaphore_mem>>) src(%dma_wait3A_597 : memref<10240xf32, #tpu.memory_space<vmem>>) dst(%dma_wait3A_595 : memref<10240xf32, #tpu.memory_space<hbm>>)
        %add3A_598 = arith.constant 0 : i32
        %add3A_599 = arith.addi %mul3A_4, %add3A_598 : i32
        %mul3A_600 = arith.constant 1024 : i32
        %mul3A_601 = arith.muli %add3A_599, %mul3A_600 : i32
        %add3A_602 = arith.constant 13107200 : i32
        %add3A_603 = arith.addi %add3A_602, %mul3A_601 : i32
        %dma_wait3A_604 = arith.constant 20480 : i32
        %dma_wait3A_605 = tpu.memref_slice %arg7[%dma_wait3A_604] : memref<40960xf32, #tpu.memory_space<vmem>> -> memref<10240xf32, #tpu.memory_space<vmem>>
        %dma_wait3A_606 = tpu.memref_slice %arg4[%add3A_603] : memref<26214400xf32, #tpu.memory_space<hbm>> -> memref<10240xf32, #tpu.memory_space<hbm>>
        %dma_wait3A_607 = tpu.memref_slice %arg4[%add3A_603] : memref<26214400xf32, #tpu.memory_space<hbm>> -> memref<10240xf32, #tpu.memory_space<hbm>>
        %dma_wait3A_608 = arith.constant 20480 : i32
        %dma_wait3A_609 = tpu.memref_slice %arg7[%dma_wait3A_608] : memref<40960xf32, #tpu.memory_space<vmem>> -> memref<10240xf32, #tpu.memory_space<vmem>>
        tpu.wait_dma2 semaphore(%arg10 : memref<!tpu.dma_semaphore, #tpu.memory_space<semaphore_mem>>) src(%dma_wait3A_609 : memref<10240xf32, #tpu.memory_space<vmem>>) dst(%dma_wait3A_607 : memref<10240xf32, #tpu.memory_space<hbm>>)
        %add3A_610 = arith.constant 0 : i32
        %add3A_611 = arith.addi %mul3A_4, %add3A_610 : i32
        %mul3A_612 = arith.constant 1024 : i32
        %mul3A_613 = arith.muli %add3A_611, %mul3A_612 : i32
        %add3A_614 = arith.constant 19660800 : i32
        %add3A_615 = arith.addi %add3A_614, %mul3A_613 : i32
        %dma_wait3A_616 = arith.constant 30720 : i32
        %dma_wait3A_617 = tpu.memref_slice %arg7[%dma_wait3A_616] : memref<40960xf32, #tpu.memory_space<vmem>> -> memref<10240xf32, #tpu.memory_space<vmem>>
        %dma_wait3A_618 = tpu.memref_slice %arg4[%add3A_615] : memref<26214400xf32, #tpu.memory_space<hbm>> -> memref<10240xf32, #tpu.memory_space<hbm>>
        %dma_wait3A_619 = tpu.memref_slice %arg4[%add3A_615] : memref<26214400xf32, #tpu.memory_space<hbm>> -> memref<10240xf32, #tpu.memory_space<hbm>>
        %dma_wait3A_620 = arith.constant 30720 : i32
        %dma_wait3A_621 = tpu.memref_slice %arg7[%dma_wait3A_620] : memref<40960xf32, #tpu.memory_space<vmem>> -> memref<10240xf32, #tpu.memory_space<vmem>>
        tpu.wait_dma2 semaphore(%arg10 : memref<!tpu.dma_semaphore, #tpu.memory_space<semaphore_mem>>) src(%dma_wait3A_621 : memref<10240xf32, #tpu.memory_space<vmem>>) dst(%dma_wait3A_619 : memref<10240xf32, #tpu.memory_space<hbm>>)
      } else {
      }
      %add3A_76 = arith.constant 0 : i32
      %add3A_77 = vector.broadcast %add3A_76 : i32 to vector<16xi32>
      %add3A_78 = arith.addi %add3A_77, %iota3A : vector<16xi32>
      %and3A = arith.constant 15 : i32
      %and3A_79 = vector.broadcast %and3A : i32 to vector<16xi32>
      %and3A_80 = arith.andi %add3A_78, %and3A_79 : vector<16xi32>
      %shift_right_arithmetic3A = arith.constant 3 : i32
      %shift_right_arithmetic3A_81 = vector.broadcast %shift_right_arithmetic3A : i32 to vector<16xi32>
      %shift_right_arithmetic3A_82 = arith.shrsi %and3A_80, %shift_right_arithmetic3A_81 : vector<16xi32>
      %mul3A_83 = arith.constant 10240 : i32
      %mul3A_84 = vector.broadcast %mul3A_83 : i32 to vector<16xi32>
      %mul3A_85 = arith.muli %shift_right_arithmetic3A_82, %mul3A_84 : vector<16xi32>
      %and3A_86 = arith.constant 7 : i32
      %and3A_87 = vector.broadcast %and3A_86 : i32 to vector<16xi32>
      %and3A_88 = arith.andi %and3A_80, %and3A_87 : vector<16xi32>
      %mul3A_89 = arith.constant 128 : i32
      %mul3A_90 = vector.broadcast %mul3A_89 : i32 to vector<16xi32>
      %mul3A_91 = arith.muli %and3A_88, %mul3A_90 : vector<16xi32>
      %add3A_92 = arith.addi %mul3A_85, %mul3A_91 : vector<16xi32>
      %add3A_93 = arith.addi %add3A_92, %iota3A : vector<16xi32>
      %add3A_94 = arith.constant 16 : i32
      %add3A_95 = vector.broadcast %add3A_94 : i32 to vector<16xi32>
      %add3A_96 = arith.addi %and3A_80, %add3A_95 : vector<16xi32>
      %scan3A_97 = arith.constant 0 : i32
      %scan3A_98 = arith.constant 80 : i32
      %scan3A_99 = arith.addi %scan3A_97, %scan3A_98 : i32
      %scan3A_100 = arith.constant 4 : i32
      scf.for %scan3A_574 = %scan3A_97 to %scan3A_99 step %scan3A_100  : i32 {
        %mul3A_575 = arith.constant 1 : i32
        %mul3A_576 = arith.muli %scan3A_574, %mul3A_575 : i32
        %add3A_577 = arith.constant 0 : i32
        %add3A_578 = arith.addi %add3A_577, %mul3A_576 : i32
        %shift_right_arithmetic3A_579 = arith.constant 3 : i32
        %shift_right_arithmetic3A_580 = arith.shrsi %add3A_578, %shift_right_arithmetic3A_579 : i32
        %and3A_581 = arith.constant 7 : i32
        %and3A_582 = arith.andi %add3A_578, %and3A_581 : i32
        %mul3A_583 = arith.constant 16 : i32
        %mul3A_584 = arith.muli %add3A_578, %mul3A_583 : i32
        %broadcast_in_dim3A = vector.broadcast %mul3A_584 : i32 to vector<16xi32>
        %add3A_585 = arith.addi %broadcast_in_dim3A, %iota3A : vector<16xi32>
        %mul3A_586 = arith.constant 1024 : i32
        %mul3A_587 = arith.muli %shift_right_arithmetic3A_580, %mul3A_586 : i32
        %mul3A_588 = arith.constant 16 : i32
        %mul3A_589 = arith.muli %and3A_582, %mul3A_588 : i32
        %add3A_590 = arith.addi %mul3A_587, %mul3A_589 : i32
        %broadcast_in_dim3A_591 = vector.broadcast %add3A_590 : i32 to vector<16xi32>
        %add3A_592 = arith.addi %broadcast_in_dim3A_591, %add3A_93 : vector<16xi32>
        %gather3A = tpu.vector_load_idx %arg6[%add3A_585, %and3A_80] : memref<1280x32xf32, #tpu.memory_space<vmem>>[vector<16xi32>, vector<16xi32>], vector<16xf32>,
        tpu.vector_store_idx %arg7[%add3A_592], %gather3A : memref<40960xf32, #tpu.memory_space<vmem>>[vector<16xi32>], vector<16xf32>,
        %gather3A_593 = tpu.vector_load_idx %arg6[%add3A_585, %add3A_96] : memref<1280x32xf32, #tpu.memory_space<vmem>>[vector<16xi32>, vector<16xi32>], vector<16xf32>,
        %add3A_594 = arith.constant 20480 : i32
        %add3A_595 = vector.broadcast %add3A_594 : i32 to vector<16xi32>
        %add3A_596 = arith.addi %add3A_592, %add3A_595 : vector<16xi32>
        tpu.vector_store_idx %arg7[%add3A_596], %gather3A_593 : memref<40960xf32, #tpu.memory_space<vmem>>[vector<16xi32>], vector<16xf32>,
        %scan3A_597 = arith.constant 1 : i32
        %scan3A_598 = arith.addi %scan3A_574, %scan3A_597 : i32
        %mul3A_599 = arith.constant 1 : i32
        %mul3A_600 = arith.muli %scan3A_598, %mul3A_599 : i32
        %add3A_601 = arith.constant 0 : i32
        %add3A_602 = arith.addi %add3A_601, %mul3A_600 : i32
        %shift_right_arithmetic3A_603 = arith.constant 3 : i32
        %shift_right_arithmetic3A_604 = arith.shrsi %add3A_602, %shift_right_arithmetic3A_603 : i32
        %and3A_605 = arith.constant 7 : i32
        %and3A_606 = arith.andi %add3A_602, %and3A_605 : i32
        %mul3A_607 = arith.constant 16 : i32
        %mul3A_608 = arith.muli %add3A_602, %mul3A_607 : i32
        %broadcast_in_dim3A_609 = vector.broadcast %mul3A_608 : i32 to vector<16xi32>
        %add3A_610 = arith.addi %broadcast_in_dim3A_609, %iota3A : vector<16xi32>
        %mul3A_611 = arith.constant 1024 : i32
        %mul3A_612 = arith.muli %shift_right_arithmetic3A_604, %mul3A_611 : i32
        %mul3A_613 = arith.constant 16 : i32
        %mul3A_614 = arith.muli %and3A_606, %mul3A_613 : i32
        %add3A_615 = arith.addi %mul3A_612, %mul3A_614 : i32
        %broadcast_in_dim3A_616 = vector.broadcast %add3A_615 : i32 to vector<16xi32>
        %add3A_617 = arith.addi %broadcast_in_dim3A_616, %add3A_93 : vector<16xi32>
        %gather3A_618 = tpu.vector_load_idx %arg6[%add3A_610, %and3A_80] : memref<1280x32xf32, #tpu.memory_space<vmem>>[vector<16xi32>, vector<16xi32>], vector<16xf32>,
        tpu.vector_store_idx %arg7[%add3A_617], %gather3A_618 : memref<40960xf32, #tpu.memory_space<vmem>>[vector<16xi32>], vector<16xf32>,
        %gather3A_619 = tpu.vector_load_idx %arg6[%add3A_610, %add3A_96] : memref<1280x32xf32, #tpu.memory_space<vmem>>[vector<16xi32>, vector<16xi32>], vector<16xf32>,
        %add3A_620 = arith.constant 20480 : i32
        %add3A_621 = vector.broadcast %add3A_620 : i32 to vector<16xi32>
        %add3A_622 = arith.addi %add3A_617, %add3A_621 : vector<16xi32>
        tpu.vector_store_idx %arg7[%add3A_622], %gather3A_619 : memref<40960xf32, #tpu.memory_space<vmem>>[vector<16xi32>], vector<16xf32>,
        %scan3A_623 = arith.constant 2 : i32
        %scan3A_624 = arith.addi %scan3A_574, %scan3A_623 : i32
        %mul3A_625 = arith.constant 1 : i32
        %mul3A_626 = arith.muli %scan3A_624, %mul3A_625 : i32
        %add3A_627 = arith.constant 0 : i32
        %add3A_628 = arith.addi %add3A_627, %mul3A_626 : i32
        %shift_right_arithmetic3A_629 = arith.constant 3 : i32
        %shift_right_arithmetic3A_630 = arith.shrsi %add3A_628, %shift_right_arithmetic3A_629 : i32
        %and3A_631 = arith.constant 7 : i32
        %and3A_632 = arith.andi %add3A_628, %and3A_631 : i32
        %mul3A_633 = arith.constant 16 : i32
        %mul3A_634 = arith.muli %add3A_628, %mul3A_633 : i32
        %broadcast_in_dim3A_635 = vector.broadcast %mul3A_634 : i32 to vector<16xi32>
        %add3A_636 = arith.addi %broadcast_in_dim3A_635, %iota3A : vector<16xi32>
        %mul3A_637 = arith.constant 1024 : i32
        %mul3A_638 = arith.muli %shift_right_arithmetic3A_630, %mul3A_637 : i32
        %mul3A_639 = arith.constant 16 : i32
        %mul3A_640 = arith.muli %and3A_632, %mul3A_639 : i32
        %add3A_641 = arith.addi %mul3A_638, %mul3A_640 : i32
        %broadcast_in_dim3A_642 = vector.broadcast %add3A_641 : i32 to vector<16xi32>
        %add3A_643 = arith.addi %broadcast_in_dim3A_642, %add3A_93 : vector<16xi32>
        %gather3A_644 = tpu.vector_load_idx %arg6[%add3A_636, %and3A_80] : memref<1280x32xf32, #tpu.memory_space<vmem>>[vector<16xi32>, vector<16xi32>], vector<16xf32>,
        tpu.vector_store_idx %arg7[%add3A_643], %gather3A_644 : memref<40960xf32, #tpu.memory_space<vmem>>[vector<16xi32>], vector<16xf32>,
        %gather3A_645 = tpu.vector_load_idx %arg6[%add3A_636, %add3A_96] : memref<1280x32xf32, #tpu.memory_space<vmem>>[vector<16xi32>, vector<16xi32>], vector<16xf32>,
        %add3A_646 = arith.constant 20480 : i32
        %add3A_647 = vector.broadcast %add3A_646 : i32 to vector<16xi32>
        %add3A_648 = arith.addi %add3A_643, %add3A_647 : vector<16xi32>
        tpu.vector_store_idx %arg7[%add3A_648], %gather3A_645 : memref<40960xf32, #tpu.memory_space<vmem>>[vector<16xi32>], vector<16xf32>,
        %scan3A_649 = arith.constant 3 : i32
        %scan3A_650 = arith.addi %scan3A_574, %scan3A_649 : i32
        %mul3A_651 = arith.constant 1 : i32
        %mul3A_652 = arith.muli %scan3A_650, %mul3A_651 : i32
        %add3A_653 = arith.constant 0 : i32
        %add3A_654 = arith.addi %add3A_653, %mul3A_652 : i32
        %shift_right_arithmetic3A_655 = arith.constant 3 : i32
        %shift_right_arithmetic3A_656 = arith.shrsi %add3A_654, %shift_right_arithmetic3A_655 : i32
        %and3A_657 = arith.constant 7 : i32
        %and3A_658 = arith.andi %add3A_654, %and3A_657 : i32
        %mul3A_659 = arith.constant 16 : i32
        %mul3A_660 = arith.muli %add3A_654, %mul3A_659 : i32
        %broadcast_in_dim3A_661 = vector.broadcast %mul3A_660 : i32 to vector<16xi32>
        %add3A_662 = arith.addi %broadcast_in_dim3A_661, %iota3A : vector<16xi32>
        %mul3A_663 = arith.constant 1024 : i32
        %mul3A_664 = arith.muli %shift_right_arithmetic3A_656, %mul3A_663 : i32
        %mul3A_665 = arith.constant 16 : i32
        %mul3A_666 = arith.muli %and3A_658, %mul3A_665 : i32
        %add3A_667 = arith.addi %mul3A_664, %mul3A_666 : i32
        %broadcast_in_dim3A_668 = vector.broadcast %add3A_667 : i32 to vector<16xi32>
        %add3A_669 = arith.addi %broadcast_in_dim3A_668, %add3A_93 : vector<16xi32>
        %gather3A_670 = tpu.vector_load_idx %arg6[%add3A_662, %and3A_80] : memref<1280x32xf32, #tpu.memory_space<vmem>>[vector<16xi32>, vector<16xi32>], vector<16xf32>,
        tpu.vector_store_idx %arg7[%add3A_669], %gather3A_670 : memref<40960xf32, #tpu.memory_space<vmem>>[vector<16xi32>], vector<16xf32>,
        %gather3A_671 = tpu.vector_load_idx %arg6[%add3A_662, %add3A_96] : memref<1280x32xf32, #tpu.memory_space<vmem>>[vector<16xi32>, vector<16xi32>], vector<16xf32>,
        %add3A_672 = arith.constant 20480 : i32
        %add3A_673 = vector.broadcast %add3A_672 : i32 to vector<16xi32>
        %add3A_674 = arith.addi %add3A_669, %add3A_673 : vector<16xi32>
        tpu.vector_store_idx %arg7[%add3A_674], %gather3A_671 : memref<40960xf32, #tpu.memory_space<vmem>>[vector<16xi32>], vector<16xf32>,
      }
      %scan3A_101 = arith.constant 80 : i32
      %add3A_102 = arith.constant 1 : i32
      %add3A_103 = vector.broadcast %add3A_102 : i32 to vector<16xi32>
      %add3A_104 = arith.addi %add3A_103, %iota3A : vector<16xi32>
      %and3A_105 = arith.constant 15 : i32
      %and3A_106 = vector.broadcast %and3A_105 : i32 to vector<16xi32>
      %and3A_107 = arith.andi %add3A_104, %and3A_106 : vector<16xi32>
      %shift_right_arithmetic3A_108 = arith.constant 3 : i32
      %shift_right_arithmetic3A_109 = vector.broadcast %shift_right_arithmetic3A_108 : i32 to vector<16xi32>
      %shift_right_arithmetic3A_110 = arith.shrsi %and3A_107, %shift_right_arithmetic3A_109 : vector<16xi32>
      %mul3A_111 = arith.constant 10240 : i32
      %mul3A_112 = vector.broadcast %mul3A_111 : i32 to vector<16xi32>
      %mul3A_113 = arith.muli %shift_right_arithmetic3A_110, %mul3A_112 : vector<16xi32>
      %and3A_114 = arith.constant 7 : i32
      %and3A_115 = vector.broadcast %and3A_114 : i32 to vector<16xi32>
      %and3A_116 = arith.andi %and3A_107, %and3A_115 : vector<16xi32>
      %mul3A_117 = arith.constant 128 : i32
      %mul3A_118 = vector.broadcast %mul3A_117 : i32 to vector<16xi32>
      %mul3A_119 = arith.muli %and3A_116, %mul3A_118 : vector<16xi32>
      %add3A_120 = arith.addi %mul3A_113, %mul3A_119 : vector<16xi32>
      %add3A_121 = arith.addi %add3A_120, %iota3A : vector<16xi32>
      %add3A_122 = arith.constant 16 : i32
      %add3A_123 = vector.broadcast %add3A_122 : i32 to vector<16xi32>
      %add3A_124 = arith.addi %and3A_107, %add3A_123 : vector<16xi32>
      %scan3A_125 = arith.constant 0 : i32
      %scan3A_126 = arith.constant 80 : i32
      %scan3A_127 = arith.addi %scan3A_125, %scan3A_126 : i32
      %scan3A_128 = arith.constant 4 : i32
      scf.for %scan3A_574 = %scan3A_125 to %scan3A_127 step %scan3A_128  : i32 {
        %mul3A_575 = arith.constant 1 : i32
        %mul3A_576 = arith.muli %scan3A_574, %mul3A_575 : i32
        %add3A_577 = arith.constant 0 : i32
        %add3A_578 = arith.addi %add3A_577, %mul3A_576 : i32
        %shift_right_arithmetic3A_579 = arith.constant 3 : i32
        %shift_right_arithmetic3A_580 = arith.shrsi %add3A_578, %shift_right_arithmetic3A_579 : i32
        %and3A_581 = arith.constant 7 : i32
        %and3A_582 = arith.andi %add3A_578, %and3A_581 : i32
        %mul3A_583 = arith.constant 16 : i32
        %mul3A_584 = arith.muli %add3A_578, %mul3A_583 : i32
        %broadcast_in_dim3A = vector.broadcast %mul3A_584 : i32 to vector<16xi32>
        %add3A_585 = arith.addi %broadcast_in_dim3A, %iota3A : vector<16xi32>
        %mul3A_586 = arith.constant 1024 : i32
        %mul3A_587 = arith.muli %shift_right_arithmetic3A_580, %mul3A_586 : i32
        %mul3A_588 = arith.constant 16 : i32
        %mul3A_589 = arith.muli %and3A_582, %mul3A_588 : i32
        %add3A_590 = arith.addi %mul3A_587, %mul3A_589 : i32
        %broadcast_in_dim3A_591 = vector.broadcast %add3A_590 : i32 to vector<16xi32>
        %add3A_592 = arith.addi %broadcast_in_dim3A_591, %add3A_121 : vector<16xi32>
        %gather3A = tpu.vector_load_idx %arg6[%add3A_585, %and3A_107] : memref<1280x32xf32, #tpu.memory_space<vmem>>[vector<16xi32>, vector<16xi32>], vector<16xf32>,
        tpu.vector_store_idx %arg7[%add3A_592], %gather3A : memref<40960xf32, #tpu.memory_space<vmem>>[vector<16xi32>], vector<16xf32>,
        %gather3A_593 = tpu.vector_load_idx %arg6[%add3A_585, %add3A_124] : memref<1280x32xf32, #tpu.memory_space<vmem>>[vector<16xi32>, vector<16xi32>], vector<16xf32>,
        %add3A_594 = arith.constant 20480 : i32
        %add3A_595 = vector.broadcast %add3A_594 : i32 to vector<16xi32>
        %add3A_596 = arith.addi %add3A_592, %add3A_595 : vector<16xi32>
        tpu.vector_store_idx %arg7[%add3A_596], %gather3A_593 : memref<40960xf32, #tpu.memory_space<vmem>>[vector<16xi32>], vector<16xf32>,
        %scan3A_597 = arith.constant 1 : i32
        %scan3A_598 = arith.addi %scan3A_574, %scan3A_597 : i32
        %mul3A_599 = arith.constant 1 : i32
        %mul3A_600 = arith.muli %scan3A_598, %mul3A_599 : i32
        %add3A_601 = arith.constant 0 : i32
        %add3A_602 = arith.addi %add3A_601, %mul3A_600 : i32
        %shift_right_arithmetic3A_603 = arith.constant 3 : i32
        %shift_right_arithmetic3A_604 = arith.shrsi %add3A_602, %shift_right_arithmetic3A_603 : i32
        %and3A_605 = arith.constant 7 : i32
        %and3A_606 = arith.andi %add3A_602, %and3A_605 : i32
        %mul3A_607 = arith.constant 16 : i32
        %mul3A_608 = arith.muli %add3A_602, %mul3A_607 : i32
        %broadcast_in_dim3A_609 = vector.broadcast %mul3A_608 : i32 to vector<16xi32>
        %add3A_610 = arith.addi %broadcast_in_dim3A_609, %iota3A : vector<16xi32>
        %mul3A_611 = arith.constant 1024 : i32
        %mul3A_612 = arith.muli %shift_right_arithmetic3A_604, %mul3A_611 : i32
        %mul3A_613 = arith.constant 16 : i32
        %mul3A_614 = arith.muli %and3A_606, %mul3A_613 : i32
        %add3A_615 = arith.addi %mul3A_612, %mul3A_614 : i32
        %broadcast_in_dim3A_616 = vector.broadcast %add3A_615 : i32 to vector<16xi32>
        %add3A_617 = arith.addi %broadcast_in_dim3A_616, %add3A_121 : vector<16xi32>
        %gather3A_618 = tpu.vector_load_idx %arg6[%add3A_610, %and3A_107] : memref<1280x32xf32, #tpu.memory_space<vmem>>[vector<16xi32>, vector<16xi32>], vector<16xf32>,
        tpu.vector_store_idx %arg7[%add3A_617], %gather3A_618 : memref<40960xf32, #tpu.memory_space<vmem>>[vector<16xi32>], vector<16xf32>,
        %gather3A_619 = tpu.vector_load_idx %arg6[%add3A_610, %add3A_124] : memref<1280x32xf32, #tpu.memory_space<vmem>>[vector<16xi32>, vector<16xi32>], vector<16xf32>,
        %add3A_620 = arith.constant 20480 : i32
        %add3A_621 = vector.broadcast %add3A_620 : i32 to vector<16xi32>
        %add3A_622 = arith.addi %add3A_617, %add3A_621 : vector<16xi32>
        tpu.vector_store_idx %arg7[%add3A_622], %gather3A_619 : memref<40960xf32, #tpu.memory_space<vmem>>[vector<16xi32>], vector<16xf32>,
        %scan3A_623 = arith.constant 2 : i32
        %scan3A_624 = arith.addi %scan3A_574, %scan3A_623 : i32
        %mul3A_625 = arith.constant 1 : i32
        %mul3A_626 = arith.muli %scan3A_624, %mul3A_625 : i32
        %add3A_627 = arith.constant 0 : i32
        %add3A_628 = arith.addi %add3A_627, %mul3A_626 : i32
        %shift_right_arithmetic3A_629 = arith.constant 3 : i32
        %shift_right_arithmetic3A_630 = arith.shrsi %add3A_628, %shift_right_arithmetic3A_629 : i32
        %and3A_631 = arith.constant 7 : i32
        %and3A_632 = arith.andi %add3A_628, %and3A_631 : i32
        %mul3A_633 = arith.constant 16 : i32
        %mul3A_634 = arith.muli %add3A_628, %mul3A_633 : i32
        %broadcast_in_dim3A_635 = vector.broadcast %mul3A_634 : i32 to vector<16xi32>
        %add3A_636 = arith.addi %broadcast_in_dim3A_635, %iota3A : vector<16xi32>
        %mul3A_637 = arith.constant 1024 : i32
        %mul3A_638 = arith.muli %shift_right_arithmetic3A_630, %mul3A_637 : i32
        %mul3A_639 = arith.constant 16 : i32
        %mul3A_640 = arith.muli %and3A_632, %mul3A_639 : i32
        %add3A_641 = arith.addi %mul3A_638, %mul3A_640 : i32
        %broadcast_in_dim3A_642 = vector.broadcast %add3A_641 : i32 to vector<16xi32>
        %add3A_643 = arith.addi %broadcast_in_dim3A_642, %add3A_121 : vector<16xi32>
        %gather3A_644 = tpu.vector_load_idx %arg6[%add3A_636, %and3A_107] : memref<1280x32xf32, #tpu.memory_space<vmem>>[vector<16xi32>, vector<16xi32>], vector<16xf32>,
        tpu.vector_store_idx %arg7[%add3A_643], %gather3A_644 : memref<40960xf32, #tpu.memory_space<vmem>>[vector<16xi32>], vector<16xf32>,
        %gather3A_645 = tpu.vector_load_idx %arg6[%add3A_636, %add3A_124] : memref<1280x32xf32, #tpu.memory_space<vmem>>[vector<16xi32>, vector<16xi32>], vector<16xf32>,
        %add3A_646 = arith.constant 20480 : i32
        %add3A_647 = vector.broadcast %add3A_646 : i32 to vector<16xi32>
        %add3A_648 = arith.addi %add3A_643, %add3A_647 : vector<16xi32>
        tpu.vector_store_idx %arg7[%add3A_648], %gather3A_645 : memref<40960xf32, #tpu.memory_space<vmem>>[vector<16xi32>], vector<16xf32>,
        %scan3A_649 = arith.constant 3 : i32
        %scan3A_650 = arith.addi %scan3A_574, %scan3A_649 : i32
        %mul3A_651 = arith.constant 1 : i32
        %mul3A_652 = arith.muli %scan3A_650, %mul3A_651 : i32
        %add3A_653 = arith.constant 0 : i32
        %add3A_654 = arith.addi %add3A_653, %mul3A_652 : i32
        %shift_right_arithmetic3A_655 = arith.constant 3 : i32
        %shift_right_arithmetic3A_656 = arith.shrsi %add3A_654, %shift_right_arithmetic3A_655 : i32
        %and3A_657 = arith.constant 7 : i32
        %and3A_658 = arith.andi %add3A_654, %and3A_657 : i32
        %mul3A_659 = arith.constant 16 : i32
        %mul3A_660 = arith.muli %add3A_654, %mul3A_659 : i32
        %broadcast_in_dim3A_661 = vector.broadcast %mul3A_660 : i32 to vector<16xi32>
        %add3A_662 = arith.addi %broadcast_in_dim3A_661, %iota3A : vector<16xi32>
        %mul3A_663 = arith.constant 1024 : i32
        %mul3A_664 = arith.muli %shift_right_arithmetic3A_656, %mul3A_663 : i32
        %mul3A_665 = arith.constant 16 : i32
        %mul3A_666 = arith.muli %and3A_658, %mul3A_665 : i32
        %add3A_667 = arith.addi %mul3A_664, %mul3A_666 : i32
        %broadcast_in_dim3A_668 = vector.broadcast %add3A_667 : i32 to vector<16xi32>
        %add3A_669 = arith.addi %broadcast_in_dim3A_668, %add3A_121 : vector<16xi32>
        %gather3A_670 = tpu.vector_load_idx %arg6[%add3A_662, %and3A_107] : memref<1280x32xf32, #tpu.memory_space<vmem>>[vector<16xi32>, vector<16xi32>], vector<16xf32>,
        tpu.vector_store_idx %arg7[%add3A_669], %gather3A_670 : memref<40960xf32, #tpu.memory_space<vmem>>[vector<16xi32>], vector<16xf32>,
        %gather3A_671 = tpu.vector_load_idx %arg6[%add3A_662, %add3A_124] : memref<1280x32xf32, #tpu.memory_space<vmem>>[vector<16xi32>, vector<16xi32>], vector<16xf32>,
        %add3A_672 = arith.constant 20480 : i32
        %add3A_673 = vector.broadcast %add3A_672 : i32 to vector<16xi32>
        %add3A_674 = arith.addi %add3A_669, %add3A_673 : vector<16xi32>
        tpu.vector_store_idx %arg7[%add3A_674], %gather3A_671 : memref<40960xf32, #tpu.memory_space<vmem>>[vector<16xi32>], vector<16xf32>,
      }
      %scan3A_129 = arith.constant 80 : i32
      %add3A_130 = arith.constant 2 : i32
      %add3A_131 = vector.broadcast %add3A_130 : i32 to vector<16xi32>
      %add3A_132 = arith.addi %add3A_131, %iota3A : vector<16xi32>
      %and3A_133 = arith.constant 15 : i32
      %and3A_134 = vector.broadcast %and3A_133 : i32 to vector<16xi32>
      %and3A_135 = arith.andi %add3A_132, %and3A_134 : vector<16xi32>
      %shift_right_arithmetic3A_136 = arith.constant 3 : i32
      %shift_right_arithmetic3A_137 = vector.broadcast %shift_right_arithmetic3A_136 : i32 to vector<16xi32>
      %shift_right_arithmetic3A_138 = arith.shrsi %and3A_135, %shift_right_arithmetic3A_137 : vector<16xi32>
      %mul3A_139 = arith.constant 10240 : i32
      %mul3A_140 = vector.broadcast %mul3A_139 : i32 to vector<16xi32>
      %mul3A_141 = arith.muli %shift_right_arithmetic3A_138, %mul3A_140 : vector<16xi32>
      %and3A_142 = arith.constant 7 : i32
      %and3A_143 = vector.broadcast %and3A_142 : i32 to vector<16xi32>
      %and3A_144 = arith.andi %and3A_135, %and3A_143 : vector<16xi32>
      %mul3A_145 = arith.constant 128 : i32
      %mul3A_146 = vector.broadcast %mul3A_145 : i32 to vector<16xi32>
      %mul3A_147 = arith.muli %and3A_144, %mul3A_146 : vector<16xi32>
      %add3A_148 = arith.addi %mul3A_141, %mul3A_147 : vector<16xi32>
      %add3A_149 = arith.addi %add3A_148, %iota3A : vector<16xi32>
      %add3A_150 = arith.constant 16 : i32
      %add3A_151 = vector.broadcast %add3A_150 : i32 to vector<16xi32>
      %add3A_152 = arith.addi %and3A_135, %add3A_151 : vector<16xi32>
      %scan3A_153 = arith.constant 0 : i32
      %scan3A_154 = arith.constant 80 : i32
      %scan3A_155 = arith.addi %scan3A_153, %scan3A_154 : i32
      %scan3A_156 = arith.constant 4 : i32
      scf.for %scan3A_574 = %scan3A_153 to %scan3A_155 step %scan3A_156  : i32 {
        %mul3A_575 = arith.constant 1 : i32
        %mul3A_576 = arith.muli %scan3A_574, %mul3A_575 : i32
        %add3A_577 = arith.constant 0 : i32
        %add3A_578 = arith.addi %add3A_577, %mul3A_576 : i32
        %shift_right_arithmetic3A_579 = arith.constant 3 : i32
        %shift_right_arithmetic3A_580 = arith.shrsi %add3A_578, %shift_right_arithmetic3A_579 : i32
        %and3A_581 = arith.constant 7 : i32
        %and3A_582 = arith.andi %add3A_578, %and3A_581 : i32
        %mul3A_583 = arith.constant 16 : i32
        %mul3A_584 = arith.muli %add3A_578, %mul3A_583 : i32
        %broadcast_in_dim3A = vector.broadcast %mul3A_584 : i32 to vector<16xi32>
        %add3A_585 = arith.addi %broadcast_in_dim3A, %iota3A : vector<16xi32>
        %mul3A_586 = arith.constant 1024 : i32
        %mul3A_587 = arith.muli %shift_right_arithmetic3A_580, %mul3A_586 : i32
        %mul3A_588 = arith.constant 16 : i32
        %mul3A_589 = arith.muli %and3A_582, %mul3A_588 : i32
        %add3A_590 = arith.addi %mul3A_587, %mul3A_589 : i32
        %broadcast_in_dim3A_591 = vector.broadcast %add3A_590 : i32 to vector<16xi32>
        %add3A_592 = arith.addi %broadcast_in_dim3A_591, %add3A_149 : vector<16xi32>
        %gather3A = tpu.vector_load_idx %arg6[%add3A_585, %and3A_135] : memref<1280x32xf32, #tpu.memory_space<vmem>>[vector<16xi32>, vector<16xi32>], vector<16xf32>,
        tpu.vector_store_idx %arg7[%add3A_592], %gather3A : memref<40960xf32, #tpu.memory_space<vmem>>[vector<16xi32>], vector<16xf32>,
        %gather3A_593 = tpu.vector_load_idx %arg6[%add3A_585, %add3A_152] : memref<1280x32xf32, #tpu.memory_space<vmem>>[vector<16xi32>, vector<16xi32>], vector<16xf32>,
        %add3A_594 = arith.constant 20480 : i32
        %add3A_595 = vector.broadcast %add3A_594 : i32 to vector<16xi32>
        %add3A_596 = arith.addi %add3A_592, %add3A_595 : vector<16xi32>
        tpu.vector_store_idx %arg7[%add3A_596], %gather3A_593 : memref<40960xf32, #tpu.memory_space<vmem>>[vector<16xi32>], vector<16xf32>,
        %scan3A_597 = arith.constant 1 : i32
        %scan3A_598 = arith.addi %scan3A_574, %scan3A_597 : i32
        %mul3A_599 = arith.constant 1 : i32
        %mul3A_600 = arith.muli %scan3A_598, %mul3A_599 : i32
        %add3A_601 = arith.constant 0 : i32
        %add3A_602 = arith.addi %add3A_601, %mul3A_600 : i32
        %shift_right_arithmetic3A_603 = arith.constant 3 : i32
        %shift_right_arithmetic3A_604 = arith.shrsi %add3A_602, %shift_right_arithmetic3A_603 : i32
        %and3A_605 = arith.constant 7 : i32
        %and3A_606 = arith.andi %add3A_602, %and3A_605 : i32
        %mul3A_607 = arith.constant 16 : i32
        %mul3A_608 = arith.muli %add3A_602, %mul3A_607 : i32
        %broadcast_in_dim3A_609 = vector.broadcast %mul3A_608 : i32 to vector<16xi32>
        %add3A_610 = arith.addi %broadcast_in_dim3A_609, %iota3A : vector<16xi32>
        %mul3A_611 = arith.constant 1024 : i32
        %mul3A_612 = arith.muli %shift_right_arithmetic3A_604, %mul3A_611 : i32
        %mul3A_613 = arith.constant 16 : i32
        %mul3A_614 = arith.muli %and3A_606, %mul3A_613 : i32
        %add3A_615 = arith.addi %mul3A_612, %mul3A_614 : i32
        %broadcast_in_dim3A_616 = vector.broadcast %add3A_615 : i32 to vector<16xi32>
        %add3A_617 = arith.addi %broadcast_in_dim3A_616, %add3A_149 : vector<16xi32>
        %gather3A_618 = tpu.vector_load_idx %arg6[%add3A_610, %and3A_135] : memref<1280x32xf32, #tpu.memory_space<vmem>>[vector<16xi32>, vector<16xi32>], vector<16xf32>,
        tpu.vector_store_idx %arg7[%add3A_617], %gather3A_618 : memref<40960xf32, #tpu.memory_space<vmem>>[vector<16xi32>], vector<16xf32>,
        %gather3A_619 = tpu.vector_load_idx %arg6[%add3A_610, %add3A_152] : memref<1280x32xf32, #tpu.memory_space<vmem>>[vector<16xi32>, vector<16xi32>], vector<16xf32>,
        %add3A_620 = arith.constant 20480 : i32
        %add3A_621 = vector.broadcast %add3A_620 : i32 to vector<16xi32>
        %add3A_622 = arith.addi %add3A_617, %add3A_621 : vector<16xi32>
        tpu.vector_store_idx %arg7[%add3A_622], %gather3A_619 : memref<40960xf32, #tpu.memory_space<vmem>>[vector<16xi32>], vector<16xf32>,
        %scan3A_623 = arith.constant 2 : i32
        %scan3A_624 = arith.addi %scan3A_574, %scan3A_623 : i32
        %mul3A_625 = arith.constant 1 : i32
        %mul3A_626 = arith.muli %scan3A_624, %mul3A_625 : i32
        %add3A_627 = arith.constant 0 : i32
        %add3A_628 = arith.addi %add3A_627, %mul3A_626 : i32
        %shift_right_arithmetic3A_629 = arith.constant 3 : i32
        %shift_right_arithmetic3A_630 = arith.shrsi %add3A_628, %shift_right_arithmetic3A_629 : i32
        %and3A_631 = arith.constant 7 : i32
        %and3A_632 = arith.andi %add3A_628, %and3A_631 : i32
        %mul3A_633 = arith.constant 16 : i32
        %mul3A_634 = arith.muli %add3A_628, %mul3A_633 : i32
        %broadcast_in_dim3A_635 = vector.broadcast %mul3A_634 : i32 to vector<16xi32>
        %add3A_636 = arith.addi %broadcast_in_dim3A_635, %iota3A : vector<16xi32>
        %mul3A_637 = arith.constant 1024 : i32
        %mul3A_638 = arith.muli %shift_right_arithmetic3A_630, %mul3A_637 : i32
        %mul3A_639 = arith.constant 16 : i32
        %mul3A_640 = arith.muli %and3A_632, %mul3A_639 : i32
        %add3A_641 = arith.addi %mul3A_638, %mul3A_640 : i32
        %broadcast_in_dim3A_642 = vector.broadcast %add3A_641 : i32 to vector<16xi32>
        %add3A_643 = arith.addi %broadcast_in_dim3A_642, %add3A_149 : vector<16xi32>
        %gather3A_644 = tpu.vector_load_idx %arg6[%add3A_636, %and3A_135] : memref<1280x32xf32, #tpu.memory_space<vmem>>[vector<16xi32>, vector<16xi32>], vector<16xf32>,
        tpu.vector_store_idx %arg7[%add3A_643], %gather3A_644 : memref<40960xf32, #tpu.memory_space<vmem>>[vector<16xi32>], vector<16xf32>,
        %gather3A_645 = tpu.vector_load_idx %arg6[%add3A_636, %add3A_152] : memref<1280x32xf32, #tpu.memory_space<vmem>>[vector<16xi32>, vector<16xi32>], vector<16xf32>,
        %add3A_646 = arith.constant 20480 : i32
        %add3A_647 = vector.broadcast %add3A_646 : i32 to vector<16xi32>
        %add3A_648 = arith.addi %add3A_643, %add3A_647 : vector<16xi32>
        tpu.vector_store_idx %arg7[%add3A_648], %gather3A_645 : memref<40960xf32, #tpu.memory_space<vmem>>[vector<16xi32>], vector<16xf32>,
        %scan3A_649 = arith.constant 3 : i32
        %scan3A_650 = arith.addi %scan3A_574, %scan3A_649 : i32
        %mul3A_651 = arith.constant 1 : i32
        %mul3A_652 = arith.muli %scan3A_650, %mul3A_651 : i32
        %add3A_653 = arith.constant 0 : i32
        %add3A_654 = arith.addi %add3A_653, %mul3A_652 : i32
        %shift_right_arithmetic3A_655 = arith.constant 3 : i32
        %shift_right_arithmetic3A_656 = arith.shrsi %add3A_654, %shift_right_arithmetic3A_655 : i32
        %and3A_657 = arith.constant 7 : i32
        %and3A_658 = arith.andi %add3A_654, %and3A_657 : i32
        %mul3A_659 = arith.constant 16 : i32
        %mul3A_660 = arith.muli %add3A_654, %mul3A_659 : i32
        %broadcast_in_dim3A_661 = vector.broadcast %mul3A_660 : i32 to vector<16xi32>
        %add3A_662 = arith.addi %broadcast_in_dim3A_661, %iota3A : vector<16xi32>
        %mul3A_663 = arith.constant 1024 : i32
        %mul3A_664 = arith.muli %shift_right_arithmetic3A_656, %mul3A_663 : i32
        %mul3A_665 = arith.constant 16 : i32
        %mul3A_666 = arith.muli %and3A_658, %mul3A_665 : i32
        %add3A_667 = arith.addi %mul3A_664, %mul3A_666 : i32
        %broadcast_in_dim3A_668 = vector.broadcast %add3A_667 : i32 to vector<16xi32>
        %add3A_669 = arith.addi %broadcast_in_dim3A_668, %add3A_149 : vector<16xi32>
        %gather3A_670 = tpu.vector_load_idx %arg6[%add3A_662, %and3A_135] : memref<1280x32xf32, #tpu.memory_space<vmem>>[vector<16xi32>, vector<16xi32>], vector<16xf32>,
        tpu.vector_store_idx %arg7[%add3A_669], %gather3A_670 : memref<40960xf32, #tpu.memory_space<vmem>>[vector<16xi32>], vector<16xf32>,
        %gather3A_671 = tpu.vector_load_idx %arg6[%add3A_662, %add3A_152] : memref<1280x32xf32, #tpu.memory_space<vmem>>[vector<16xi32>, vector<16xi32>], vector<16xf32>,
        %add3A_672 = arith.constant 20480 : i32
        %add3A_673 = vector.broadcast %add3A_672 : i32 to vector<16xi32>
        %add3A_674 = arith.addi %add3A_669, %add3A_673 : vector<16xi32>
        tpu.vector_store_idx %arg7[%add3A_674], %gather3A_671 : memref<40960xf32, #tpu.memory_space<vmem>>[vector<16xi32>], vector<16xf32>,
      }
      %scan3A_157 = arith.constant 80 : i32
      %add3A_158 = arith.constant 3 : i32
      %add3A_159 = vector.broadcast %add3A_158 : i32 to vector<16xi32>
      %add3A_160 = arith.addi %add3A_159, %iota3A : vector<16xi32>
      %and3A_161 = arith.constant 15 : i32
      %and3A_162 = vector.broadcast %and3A_161 : i32 to vector<16xi32>
      %and3A_163 = arith.andi %add3A_160, %and3A_162 : vector<16xi32>
      %shift_right_arithmetic3A_164 = arith.constant 3 : i32
      %shift_right_arithmetic3A_165 = vector.broadcast %shift_right_arithmetic3A_164 : i32 to vector<16xi32>
      %shift_right_arithmetic3A_166 = arith.shrsi %and3A_163, %shift_right_arithmetic3A_165 : vector<16xi32>
      %mul3A_167 = arith.constant 10240 : i32
      %mul3A_168 = vector.broadcast %mul3A_167 : i32 to vector<16xi32>
      %mul3A_169 = arith.muli %shift_right_arithmetic3A_166, %mul3A_168 : vector<16xi32>
      %and3A_170 = arith.constant 7 : i32
      %and3A_171 = vector.broadcast %and3A_170 : i32 to vector<16xi32>
      %and3A_172 = arith.andi %and3A_163, %and3A_171 : vector<16xi32>
      %mul3A_173 = arith.constant 128 : i32
      %mul3A_174 = vector.broadcast %mul3A_173 : i32 to vector<16xi32>
      %mul3A_175 = arith.muli %and3A_172, %mul3A_174 : vector<16xi32>
      %add3A_176 = arith.addi %mul3A_169, %mul3A_175 : vector<16xi32>
      %add3A_177 = arith.addi %add3A_176, %iota3A : vector<16xi32>
      %add3A_178 = arith.constant 16 : i32
      %add3A_179 = vector.broadcast %add3A_178 : i32 to vector<16xi32>
      %add3A_180 = arith.addi %and3A_163, %add3A_179 : vector<16xi32>
      %scan3A_181 = arith.constant 0 : i32
      %scan3A_182 = arith.constant 80 : i32
      %scan3A_183 = arith.addi %scan3A_181, %scan3A_182 : i32
      %scan3A_184 = arith.constant 4 : i32
      scf.for %scan3A_574 = %scan3A_181 to %scan3A_183 step %scan3A_184  : i32 {
        %mul3A_575 = arith.constant 1 : i32
        %mul3A_576 = arith.muli %scan3A_574, %mul3A_575 : i32
        %add3A_577 = arith.constant 0 : i32
        %add3A_578 = arith.addi %add3A_577, %mul3A_576 : i32
        %shift_right_arithmetic3A_579 = arith.constant 3 : i32
        %shift_right_arithmetic3A_580 = arith.shrsi %add3A_578, %shift_right_arithmetic3A_579 : i32
        %and3A_581 = arith.constant 7 : i32
        %and3A_582 = arith.andi %add3A_578, %and3A_581 : i32
        %mul3A_583 = arith.constant 16 : i32
        %mul3A_584 = arith.muli %add3A_578, %mul3A_583 : i32
        %broadcast_in_dim3A = vector.broadcast %mul3A_584 : i32 to vector<16xi32>
        %add3A_585 = arith.addi %broadcast_in_dim3A, %iota3A : vector<16xi32>
        %mul3A_586 = arith.constant 1024 : i32
        %mul3A_587 = arith.muli %shift_right_arithmetic3A_580, %mul3A_586 : i32
        %mul3A_588 = arith.constant 16 : i32
        %mul3A_589 = arith.muli %and3A_582, %mul3A_588 : i32
        %add3A_590 = arith.addi %mul3A_587, %mul3A_589 : i32
        %broadcast_in_dim3A_591 = vector.broadcast %add3A_590 : i32 to vector<16xi32>
        %add3A_592 = arith.addi %broadcast_in_dim3A_591, %add3A_177 : vector<16xi32>
        %gather3A = tpu.vector_load_idx %arg6[%add3A_585, %and3A_163] : memref<1280x32xf32, #tpu.memory_space<vmem>>[vector<16xi32>, vector<16xi32>], vector<16xf32>,
        tpu.vector_store_idx %arg7[%add3A_592], %gather3A : memref<40960xf32, #tpu.memory_space<vmem>>[vector<16xi32>], vector<16xf32>,
        %gather3A_593 = tpu.vector_load_idx %arg6[%add3A_585, %add3A_180] : memref<1280x32xf32, #tpu.memory_space<vmem>>[vector<16xi32>, vector<16xi32>], vector<16xf32>,
        %add3A_594 = arith.constant 20480 : i32
        %add3A_595 = vector.broadcast %add3A_594 : i32 to vector<16xi32>
        %add3A_596 = arith.addi %add3A_592, %add3A_595 : vector<16xi32>
        tpu.vector_store_idx %arg7[%add3A_596], %gather3A_593 : memref<40960xf32, #tpu.memory_space<vmem>>[vector<16xi32>], vector<16xf32>,
        %scan3A_597 = arith.constant 1 : i32
        %scan3A_598 = arith.addi %scan3A_574, %scan3A_597 : i32
        %mul3A_599 = arith.constant 1 : i32
        %mul3A_600 = arith.muli %scan3A_598, %mul3A_599 : i32
        %add3A_601 = arith.constant 0 : i32
        %add3A_602 = arith.addi %add3A_601, %mul3A_600 : i32
        %shift_right_arithmetic3A_603 = arith.constant 3 : i32
        %shift_right_arithmetic3A_604 = arith.shrsi %add3A_602, %shift_right_arithmetic3A_603 : i32
        %and3A_605 = arith.constant 7 : i32
        %and3A_606 = arith.andi %add3A_602, %and3A_605 : i32
        %mul3A_607 = arith.constant 16 : i32
        %mul3A_608 = arith.muli %add3A_602, %mul3A_607 : i32
        %broadcast_in_dim3A_609 = vector.broadcast %mul3A_608 : i32 to vector<16xi32>
        %add3A_610 = arith.addi %broadcast_in_dim3A_609, %iota3A : vector<16xi32>
        %mul3A_611 = arith.constant 1024 : i32
        %mul3A_612 = arith.muli %shift_right_arithmetic3A_604, %mul3A_611 : i32
        %mul3A_613 = arith.constant 16 : i32
        %mul3A_614 = arith.muli %and3A_606, %mul3A_613 : i32
        %add3A_615 = arith.addi %mul3A_612, %mul3A_614 : i32
        %broadcast_in_dim3A_616 = vector.broadcast %add3A_615 : i32 to vector<16xi32>
        %add3A_617 = arith.addi %broadcast_in_dim3A_616, %add3A_177 : vector<16xi32>
        %gather3A_618 = tpu.vector_load_idx %arg6[%add3A_610, %and3A_163] : memref<1280x32xf32, #tpu.memory_space<vmem>>[vector<16xi32>, vector<16xi32>], vector<16xf32>,
        tpu.vector_store_idx %arg7[%add3A_617], %gather3A_618 : memref<40960xf32, #tpu.memory_space<vmem>>[vector<16xi32>], vector<16xf32>,
        %gather3A_619 = tpu.vector_load_idx %arg6[%add3A_610, %add3A_180] : memref<1280x32xf32, #tpu.memory_space<vmem>>[vector<16xi32>, vector<16xi32>], vector<16xf32>,
        %add3A_620 = arith.constant 20480 : i32
        %add3A_621 = vector.broadcast %add3A_620 : i32 to vector<16xi32>
        %add3A_622 = arith.addi %add3A_617, %add3A_621 : vector<16xi32>
        tpu.vector_store_idx %arg7[%add3A_622], %gather3A_619 : memref<40960xf32, #tpu.memory_space<vmem>>[vector<16xi32>], vector<16xf32>,
        %scan3A_623 = arith.constant 2 : i32
        %scan3A_624 = arith.addi %scan3A_574, %scan3A_623 : i32
        %mul3A_625 = arith.constant 1 : i32
        %mul3A_626 = arith.muli %scan3A_624, %mul3A_625 : i32
        %add3A_627 = arith.constant 0 : i32
        %add3A_628 = arith.addi %add3A_627, %mul3A_626 : i32
        %shift_right_arithmetic3A_629 = arith.constant 3 : i32
        %shift_right_arithmetic3A_630 = arith.shrsi %add3A_628, %shift_right_arithmetic3A_629 : i32
        %and3A_631 = arith.constant 7 : i32
        %and3A_632 = arith.andi %add3A_628, %and3A_631 : i32
        %mul3A_633 = arith.constant 16 : i32
        %mul3A_634 = arith.muli %add3A_628, %mul3A_633 : i32
        %broadcast_in_dim3A_635 = vector.broadcast %mul3A_634 : i32 to vector<16xi32>
        %add3A_636 = arith.addi %broadcast_in_dim3A_635, %iota3A : vector<16xi32>
        %mul3A_637 = arith.constant 1024 : i32
        %mul3A_638 = arith.muli %shift_right_arithmetic3A_630, %mul3A_637 : i32
        %mul3A_639 = arith.constant 16 : i32
        %mul3A_640 = arith.muli %and3A_632, %mul3A_639 : i32
        %add3A_641 = arith.addi %mul3A_638, %mul3A_640 : i32
        %broadcast_in_dim3A_642 = vector.broadcast %add3A_641 : i32 to vector<16xi32>
        %add3A_643 = arith.addi %broadcast_in_dim3A_642, %add3A_177 : vector<16xi32>
        %gather3A_644 = tpu.vector_load_idx %arg6[%add3A_636, %and3A_163] : memref<1280x32xf32, #tpu.memory_space<vmem>>[vector<16xi32>, vector<16xi32>], vector<16xf32>,
        tpu.vector_store_idx %arg7[%add3A_643], %gather3A_644 : memref<40960xf32, #tpu.memory_space<vmem>>[vector<16xi32>], vector<16xf32>,
        %gather3A_645 = tpu.vector_load_idx %arg6[%add3A_636, %add3A_180] : memref<1280x32xf32, #tpu.memory_space<vmem>>[vector<16xi32>, vector<16xi32>], vector<16xf32>,
        %add3A_646 = arith.constant 20480 : i32
        %add3A_647 = vector.broadcast %add3A_646 : i32 to vector<16xi32>
        %add3A_648 = arith.addi %add3A_643, %add3A_647 : vector<16xi32>
        tpu.vector_store_idx %arg7[%add3A_648], %gather3A_645 : memref<40960xf32, #tpu.memory_space<vmem>>[vector<16xi32>], vector<16xf32>,
        %scan3A_649 = arith.constant 3 : i32
        %scan3A_650 = arith.addi %scan3A_574, %scan3A_649 : i32
        %mul3A_651 = arith.constant 1 : i32
        %mul3A_652 = arith.muli %scan3A_650, %mul3A_651 : i32
        %add3A_653 = arith.constant 0 : i32
        %add3A_654 = arith.addi %add3A_653, %mul3A_652 : i32
        %shift_right_arithmetic3A_655 = arith.constant 3 : i32
        %shift_right_arithmetic3A_656 = arith.shrsi %add3A_654, %shift_right_arithmetic3A_655 : i32
        %and3A_657 = arith.constant 7 : i32
        %and3A_658 = arith.andi %add3A_654, %and3A_657 : i32
        %mul3A_659 = arith.constant 16 : i32
        %mul3A_660 = arith.muli %add3A_654, %mul3A_659 : i32
        %broadcast_in_dim3A_661 = vector.broadcast %mul3A_660 : i32 to vector<16xi32>
        %add3A_662 = arith.addi %broadcast_in_dim3A_661, %iota3A : vector<16xi32>
        %mul3A_663 = arith.constant 1024 : i32
        %mul3A_664 = arith.muli %shift_right_arithmetic3A_656, %mul3A_663 : i32
        %mul3A_665 = arith.constant 16 : i32
        %mul3A_666 = arith.muli %and3A_658, %mul3A_665 : i32
        %add3A_667 = arith.addi %mul3A_664, %mul3A_666 : i32
        %broadcast_in_dim3A_668 = vector.broadcast %add3A_667 : i32 to vector<16xi32>
        %add3A_669 = arith.addi %broadcast_in_dim3A_668, %add3A_177 : vector<16xi32>
        %gather3A_670 = tpu.vector_load_idx %arg6[%add3A_662, %and3A_163] : memref<1280x32xf32, #tpu.memory_space<vmem>>[vector<16xi32>, vector<16xi32>], vector<16xf32>,
        tpu.vector_store_idx %arg7[%add3A_669], %gather3A_670 : memref<40960xf32, #tpu.memory_space<vmem>>[vector<16xi32>], vector<16xf32>,
        %gather3A_671 = tpu.vector_load_idx %arg6[%add3A_662, %add3A_180] : memref<1280x32xf32, #tpu.memory_space<vmem>>[vector<16xi32>, vector<16xi32>], vector<16xf32>,
        %add3A_672 = arith.constant 20480 : i32
        %add3A_673 = vector.broadcast %add3A_672 : i32 to vector<16xi32>
        %add3A_674 = arith.addi %add3A_669, %add3A_673 : vector<16xi32>
        tpu.vector_store_idx %arg7[%add3A_674], %gather3A_671 : memref<40960xf32, #tpu.memory_space<vmem>>[vector<16xi32>], vector<16xf32>,
      }
      %scan3A_185 = arith.constant 80 : i32
      %add3A_186 = arith.constant 4 : i32
      %add3A_187 = vector.broadcast %add3A_186 : i32 to vector<16xi32>
      %add3A_188 = arith.addi %add3A_187, %iota3A : vector<16xi32>
      %and3A_189 = arith.constant 15 : i32
      %and3A_190 = vector.broadcast %and3A_189 : i32 to vector<16xi32>
      %and3A_191 = arith.andi %add3A_188, %and3A_190 : vector<16xi32>
      %shift_right_arithmetic3A_192 = arith.constant 3 : i32
      %shift_right_arithmetic3A_193 = vector.broadcast %shift_right_arithmetic3A_192 : i32 to vector<16xi32>
      %shift_right_arithmetic3A_194 = arith.shrsi %and3A_191, %shift_right_arithmetic3A_193 : vector<16xi32>
      %mul3A_195 = arith.constant 10240 : i32
      %mul3A_196 = vector.broadcast %mul3A_195 : i32 to vector<16xi32>
      %mul3A_197 = arith.muli %shift_right_arithmetic3A_194, %mul3A_196 : vector<16xi32>
      %and3A_198 = arith.constant 7 : i32
      %and3A_199 = vector.broadcast %and3A_198 : i32 to vector<16xi32>
      %and3A_200 = arith.andi %and3A_191, %and3A_199 : vector<16xi32>
      %mul3A_201 = arith.constant 128 : i32
      %mul3A_202 = vector.broadcast %mul3A_201 : i32 to vector<16xi32>
      %mul3A_203 = arith.muli %and3A_200, %mul3A_202 : vector<16xi32>
      %add3A_204 = arith.addi %mul3A_197, %mul3A_203 : vector<16xi32>
      %add3A_205 = arith.addi %add3A_204, %iota3A : vector<16xi32>
      %add3A_206 = arith.constant 16 : i32
      %add3A_207 = vector.broadcast %add3A_206 : i32 to vector<16xi32>
      %add3A_208 = arith.addi %and3A_191, %add3A_207 : vector<16xi32>
      %scan3A_209 = arith.constant 0 : i32
      %scan3A_210 = arith.constant 80 : i32
      %scan3A_211 = arith.addi %scan3A_209, %scan3A_210 : i32
      %scan3A_212 = arith.constant 4 : i32
      scf.for %scan3A_574 = %scan3A_209 to %scan3A_211 step %scan3A_212  : i32 {
        %mul3A_575 = arith.constant 1 : i32
        %mul3A_576 = arith.muli %scan3A_574, %mul3A_575 : i32
        %add3A_577 = arith.constant 0 : i32
        %add3A_578 = arith.addi %add3A_577, %mul3A_576 : i32
        %shift_right_arithmetic3A_579 = arith.constant 3 : i32
        %shift_right_arithmetic3A_580 = arith.shrsi %add3A_578, %shift_right_arithmetic3A_579 : i32
        %and3A_581 = arith.constant 7 : i32
        %and3A_582 = arith.andi %add3A_578, %and3A_581 : i32
        %mul3A_583 = arith.constant 16 : i32
        %mul3A_584 = arith.muli %add3A_578, %mul3A_583 : i32
        %broadcast_in_dim3A = vector.broadcast %mul3A_584 : i32 to vector<16xi32>
        %add3A_585 = arith.addi %broadcast_in_dim3A, %iota3A : vector<16xi32>
        %mul3A_586 = arith.constant 1024 : i32
        %mul3A_587 = arith.muli %shift_right_arithmetic3A_580, %mul3A_586 : i32
        %mul3A_588 = arith.constant 16 : i32
        %mul3A_589 = arith.muli %and3A_582, %mul3A_588 : i32
        %add3A_590 = arith.addi %mul3A_587, %mul3A_589 : i32
        %broadcast_in_dim3A_591 = vector.broadcast %add3A_590 : i32 to vector<16xi32>
        %add3A_592 = arith.addi %broadcast_in_dim3A_591, %add3A_205 : vector<16xi32>
        %gather3A = tpu.vector_load_idx %arg6[%add3A_585, %and3A_191] : memref<1280x32xf32, #tpu.memory_space<vmem>>[vector<16xi32>, vector<16xi32>], vector<16xf32>,
        tpu.vector_store_idx %arg7[%add3A_592], %gather3A : memref<40960xf32, #tpu.memory_space<vmem>>[vector<16xi32>], vector<16xf32>,
        %gather3A_593 = tpu.vector_load_idx %arg6[%add3A_585, %add3A_208] : memref<1280x32xf32, #tpu.memory_space<vmem>>[vector<16xi32>, vector<16xi32>], vector<16xf32>,
        %add3A_594 = arith.constant 20480 : i32
        %add3A_595 = vector.broadcast %add3A_594 : i32 to vector<16xi32>
        %add3A_596 = arith.addi %add3A_592, %add3A_595 : vector<16xi32>
        tpu.vector_store_idx %arg7[%add3A_596], %gather3A_593 : memref<40960xf32, #tpu.memory_space<vmem>>[vector<16xi32>], vector<16xf32>,
        %scan3A_597 = arith.constant 1 : i32
        %scan3A_598 = arith.addi %scan3A_574, %scan3A_597 : i32
        %mul3A_599 = arith.constant 1 : i32
        %mul3A_600 = arith.muli %scan3A_598, %mul3A_599 : i32
        %add3A_601 = arith.constant 0 : i32
        %add3A_602 = arith.addi %add3A_601, %mul3A_600 : i32
        %shift_right_arithmetic3A_603 = arith.constant 3 : i32
        %shift_right_arithmetic3A_604 = arith.shrsi %add3A_602, %shift_right_arithmetic3A_603 : i32
        %and3A_605 = arith.constant 7 : i32
        %and3A_606 = arith.andi %add3A_602, %and3A_605 : i32
        %mul3A_607 = arith.constant 16 : i32
        %mul3A_608 = arith.muli %add3A_602, %mul3A_607 : i32
        %broadcast_in_dim3A_609 = vector.broadcast %mul3A_608 : i32 to vector<16xi32>
        %add3A_610 = arith.addi %broadcast_in_dim3A_609, %iota3A : vector<16xi32>
        %mul3A_611 = arith.constant 1024 : i32
        %mul3A_612 = arith.muli %shift_right_arithmetic3A_604, %mul3A_611 : i32
        %mul3A_613 = arith.constant 16 : i32
        %mul3A_614 = arith.muli %and3A_606, %mul3A_613 : i32
        %add3A_615 = arith.addi %mul3A_612, %mul3A_614 : i32
        %broadcast_in_dim3A_616 = vector.broadcast %add3A_615 : i32 to vector<16xi32>
        %add3A_617 = arith.addi %broadcast_in_dim3A_616, %add3A_205 : vector<16xi32>
        %gather3A_618 = tpu.vector_load_idx %arg6[%add3A_610, %and3A_191] : memref<1280x32xf32, #tpu.memory_space<vmem>>[vector<16xi32>, vector<16xi32>], vector<16xf32>,
        tpu.vector_store_idx %arg7[%add3A_617], %gather3A_618 : memref<40960xf32, #tpu.memory_space<vmem>>[vector<16xi32>], vector<16xf32>,
        %gather3A_619 = tpu.vector_load_idx %arg6[%add3A_610, %add3A_208] : memref<1280x32xf32, #tpu.memory_space<vmem>>[vector<16xi32>, vector<16xi32>], vector<16xf32>,
        %add3A_620 = arith.constant 20480 : i32
        %add3A_621 = vector.broadcast %add3A_620 : i32 to vector<16xi32>
        %add3A_622 = arith.addi %add3A_617, %add3A_621 : vector<16xi32>
        tpu.vector_store_idx %arg7[%add3A_622], %gather3A_619 : memref<40960xf32, #tpu.memory_space<vmem>>[vector<16xi32>], vector<16xf32>,
        %scan3A_623 = arith.constant 2 : i32
        %scan3A_624 = arith.addi %scan3A_574, %scan3A_623 : i32
        %mul3A_625 = arith.constant 1 : i32
        %mul3A_626 = arith.muli %scan3A_624, %mul3A_625 : i32
        %add3A_627 = arith.constant 0 : i32
        %add3A_628 = arith.addi %add3A_627, %mul3A_626 : i32
        %shift_right_arithmetic3A_629 = arith.constant 3 : i32
        %shift_right_arithmetic3A_630 = arith.shrsi %add3A_628, %shift_right_arithmetic3A_629 : i32
        %and3A_631 = arith.constant 7 : i32
        %and3A_632 = arith.andi %add3A_628, %and3A_631 : i32
        %mul3A_633 = arith.constant 16 : i32
        %mul3A_634 = arith.muli %add3A_628, %mul3A_633 : i32
        %broadcast_in_dim3A_635 = vector.broadcast %mul3A_634 : i32 to vector<16xi32>
        %add3A_636 = arith.addi %broadcast_in_dim3A_635, %iota3A : vector<16xi32>
        %mul3A_637 = arith.constant 1024 : i32
        %mul3A_638 = arith.muli %shift_right_arithmetic3A_630, %mul3A_637 : i32
        %mul3A_639 = arith.constant 16 : i32
        %mul3A_640 = arith.muli %and3A_632, %mul3A_639 : i32
        %add3A_641 = arith.addi %mul3A_638, %mul3A_640 : i32
        %broadcast_in_dim3A_642 = vector.broadcast %add3A_641 : i32 to vector<16xi32>
        %add3A_643 = arith.addi %broadcast_in_dim3A_642, %add3A_205 : vector<16xi32>
        %gather3A_644 = tpu.vector_load_idx %arg6[%add3A_636, %and3A_191] : memref<1280x32xf32, #tpu.memory_space<vmem>>[vector<16xi32>, vector<16xi32>], vector<16xf32>,
        tpu.vector_store_idx %arg7[%add3A_643], %gather3A_644 : memref<40960xf32, #tpu.memory_space<vmem>>[vector<16xi32>], vector<16xf32>,
        %gather3A_645 = tpu.vector_load_idx %arg6[%add3A_636, %add3A_208] : memref<1280x32xf32, #tpu.memory_space<vmem>>[vector<16xi32>, vector<16xi32>], vector<16xf32>,
        %add3A_646 = arith.constant 20480 : i32
        %add3A_647 = vector.broadcast %add3A_646 : i32 to vector<16xi32>
        %add3A_648 = arith.addi %add3A_643, %add3A_647 : vector<16xi32>
        tpu.vector_store_idx %arg7[%add3A_648], %gather3A_645 : memref<40960xf32, #tpu.memory_space<vmem>>[vector<16xi32>], vector<16xf32>,
        %scan3A_649 = arith.constant 3 : i32
        %scan3A_650 = arith.addi %scan3A_574, %scan3A_649 : i32
        %mul3A_651 = arith.constant 1 : i32
        %mul3A_652 = arith.muli %scan3A_650, %mul3A_651 : i32
        %add3A_653 = arith.constant 0 : i32
        %add3A_654 = arith.addi %add3A_653, %mul3A_652 : i32
        %shift_right_arithmetic3A_655 = arith.constant 3 : i32
        %shift_right_arithmetic3A_656 = arith.shrsi %add3A_654, %shift_right_arithmetic3A_655 : i32
        %and3A_657 = arith.constant 7 : i32
        %and3A_658 = arith.andi %add3A_654, %and3A_657 : i32
        %mul3A_659 = arith.constant 16 : i32
        %mul3A_660 = arith.muli %add3A_654, %mul3A_659 : i32
        %broadcast_in_dim3A_661 = vector.broadcast %mul3A_660 : i32 to vector<16xi32>
        %add3A_662 = arith.addi %broadcast_in_dim3A_661, %iota3A : vector<16xi32>
        %mul3A_663 = arith.constant 1024 : i32
        %mul3A_664 = arith.muli %shift_right_arithmetic3A_656, %mul3A_663 : i32
        %mul3A_665 = arith.constant 16 : i32
        %mul3A_666 = arith.muli %and3A_658, %mul3A_665 : i32
        %add3A_667 = arith.addi %mul3A_664, %mul3A_666 : i32
        %broadcast_in_dim3A_668 = vector.broadcast %add3A_667 : i32 to vector<16xi32>
        %add3A_669 = arith.addi %broadcast_in_dim3A_668, %add3A_205 : vector<16xi32>
        %gather3A_670 = tpu.vector_load_idx %arg6[%add3A_662, %and3A_191] : memref<1280x32xf32, #tpu.memory_space<vmem>>[vector<16xi32>, vector<16xi32>], vector<16xf32>,
        tpu.vector_store_idx %arg7[%add3A_669], %gather3A_670 : memref<40960xf32, #tpu.memory_space<vmem>>[vector<16xi32>], vector<16xf32>,
        %gather3A_671 = tpu.vector_load_idx %arg6[%add3A_662, %add3A_208] : memref<1280x32xf32, #tpu.memory_space<vmem>>[vector<16xi32>, vector<16xi32>], vector<16xf32>,
        %add3A_672 = arith.constant 20480 : i32
        %add3A_673 = vector.broadcast %add3A_672 : i32 to vector<16xi32>
        %add3A_674 = arith.addi %add3A_669, %add3A_673 : vector<16xi32>
        tpu.vector_store_idx %arg7[%add3A_674], %gather3A_671 : memref<40960xf32, #tpu.memory_space<vmem>>[vector<16xi32>], vector<16xf32>,
      }
      %scan3A_213 = arith.constant 80 : i32
      %add3A_214 = arith.constant 5 : i32
      %add3A_215 = vector.broadcast %add3A_214 : i32 to vector<16xi32>
      %add3A_216 = arith.addi %add3A_215, %iota3A : vector<16xi32>
      %and3A_217 = arith.constant 15 : i32
      %and3A_218 = vector.broadcast %and3A_217 : i32 to vector<16xi32>
      %and3A_219 = arith.andi %add3A_216, %and3A_218 : vector<16xi32>
      %shift_right_arithmetic3A_220 = arith.constant 3 : i32
      %shift_right_arithmetic3A_221 = vector.broadcast %shift_right_arithmetic3A_220 : i32 to vector<16xi32>
      %shift_right_arithmetic3A_222 = arith.shrsi %and3A_219, %shift_right_arithmetic3A_221 : vector<16xi32>
      %mul3A_223 = arith.constant 10240 : i32
      %mul3A_224 = vector.broadcast %mul3A_223 : i32 to vector<16xi32>
      %mul3A_225 = arith.muli %shift_right_arithmetic3A_222, %mul3A_224 : vector<16xi32>
      %and3A_226 = arith.constant 7 : i32
      %and3A_227 = vector.broadcast %and3A_226 : i32 to vector<16xi32>
      %and3A_228 = arith.andi %and3A_219, %and3A_227 : vector<16xi32>
      %mul3A_229 = arith.constant 128 : i32
      %mul3A_230 = vector.broadcast %mul3A_229 : i32 to vector<16xi32>
      %mul3A_231 = arith.muli %and3A_228, %mul3A_230 : vector<16xi32>
      %add3A_232 = arith.addi %mul3A_225, %mul3A_231 : vector<16xi32>
      %add3A_233 = arith.addi %add3A_232, %iota3A : vector<16xi32>
      %add3A_234 = arith.constant 16 : i32
      %add3A_235 = vector.broadcast %add3A_234 : i32 to vector<16xi32>
      %add3A_236 = arith.addi %and3A_219, %add3A_235 : vector<16xi32>
      %scan3A_237 = arith.constant 0 : i32
      %scan3A_238 = arith.constant 80 : i32
      %scan3A_239 = arith.addi %scan3A_237, %scan3A_238 : i32
      %scan3A_240 = arith.constant 4 : i32
      scf.for %scan3A_574 = %scan3A_237 to %scan3A_239 step %scan3A_240  : i32 {
        %mul3A_575 = arith.constant 1 : i32
        %mul3A_576 = arith.muli %scan3A_574, %mul3A_575 : i32
        %add3A_577 = arith.constant 0 : i32
        %add3A_578 = arith.addi %add3A_577, %mul3A_576 : i32
        %shift_right_arithmetic3A_579 = arith.constant 3 : i32
        %shift_right_arithmetic3A_580 = arith.shrsi %add3A_578, %shift_right_arithmetic3A_579 : i32
        %and3A_581 = arith.constant 7 : i32
        %and3A_582 = arith.andi %add3A_578, %and3A_581 : i32
        %mul3A_583 = arith.constant 16 : i32
        %mul3A_584 = arith.muli %add3A_578, %mul3A_583 : i32
        %broadcast_in_dim3A = vector.broadcast %mul3A_584 : i32 to vector<16xi32>
        %add3A_585 = arith.addi %broadcast_in_dim3A, %iota3A : vector<16xi32>
        %mul3A_586 = arith.constant 1024 : i32
        %mul3A_587 = arith.muli %shift_right_arithmetic3A_580, %mul3A_586 : i32
        %mul3A_588 = arith.constant 16 : i32
        %mul3A_589 = arith.muli %and3A_582, %mul3A_588 : i32
        %add3A_590 = arith.addi %mul3A_587, %mul3A_589 : i32
        %broadcast_in_dim3A_591 = vector.broadcast %add3A_590 : i32 to vector<16xi32>
        %add3A_592 = arith.addi %broadcast_in_dim3A_591, %add3A_233 : vector<16xi32>
        %gather3A = tpu.vector_load_idx %arg6[%add3A_585, %and3A_219] : memref<1280x32xf32, #tpu.memory_space<vmem>>[vector<16xi32>, vector<16xi32>], vector<16xf32>,
        tpu.vector_store_idx %arg7[%add3A_592], %gather3A : memref<40960xf32, #tpu.memory_space<vmem>>[vector<16xi32>], vector<16xf32>,
        %gather3A_593 = tpu.vector_load_idx %arg6[%add3A_585, %add3A_236] : memref<1280x32xf32, #tpu.memory_space<vmem>>[vector<16xi32>, vector<16xi32>], vector<16xf32>,
        %add3A_594 = arith.constant 20480 : i32
        %add3A_595 = vector.broadcast %add3A_594 : i32 to vector<16xi32>
        %add3A_596 = arith.addi %add3A_592, %add3A_595 : vector<16xi32>
        tpu.vector_store_idx %arg7[%add3A_596], %gather3A_593 : memref<40960xf32, #tpu.memory_space<vmem>>[vector<16xi32>], vector<16xf32>,
        %scan3A_597 = arith.constant 1 : i32
        %scan3A_598 = arith.addi %scan3A_574, %scan3A_597 : i32
        %mul3A_599 = arith.constant 1 : i32
        %mul3A_600 = arith.muli %scan3A_598, %mul3A_599 : i32
        %add3A_601 = arith.constant 0 : i32
        %add3A_602 = arith.addi %add3A_601, %mul3A_600 : i32
        %shift_right_arithmetic3A_603 = arith.constant 3 : i32
        %shift_right_arithmetic3A_604 = arith.shrsi %add3A_602, %shift_right_arithmetic3A_603 : i32
        %and3A_605 = arith.constant 7 : i32
        %and3A_606 = arith.andi %add3A_602, %and3A_605 : i32
        %mul3A_607 = arith.constant 16 : i32
        %mul3A_608 = arith.muli %add3A_602, %mul3A_607 : i32
        %broadcast_in_dim3A_609 = vector.broadcast %mul3A_608 : i32 to vector<16xi32>
        %add3A_610 = arith.addi %broadcast_in_dim3A_609, %iota3A : vector<16xi32>
        %mul3A_611 = arith.constant 1024 : i32
        %mul3A_612 = arith.muli %shift_right_arithmetic3A_604, %mul3A_611 : i32
        %mul3A_613 = arith.constant 16 : i32
        %mul3A_614 = arith.muli %and3A_606, %mul3A_613 : i32
        %add3A_615 = arith.addi %mul3A_612, %mul3A_614 : i32
        %broadcast_in_dim3A_616 = vector.broadcast %add3A_615 : i32 to vector<16xi32>
        %add3A_617 = arith.addi %broadcast_in_dim3A_616, %add3A_233 : vector<16xi32>
        %gather3A_618 = tpu.vector_load_idx %arg6[%add3A_610, %and3A_219] : memref<1280x32xf32, #tpu.memory_space<vmem>>[vector<16xi32>, vector<16xi32>], vector<16xf32>,
        tpu.vector_store_idx %arg7[%add3A_617], %gather3A_618 : memref<40960xf32, #tpu.memory_space<vmem>>[vector<16xi32>], vector<16xf32>,
        %gather3A_619 = tpu.vector_load_idx %arg6[%add3A_610, %add3A_236] : memref<1280x32xf32, #tpu.memory_space<vmem>>[vector<16xi32>, vector<16xi32>], vector<16xf32>,
        %add3A_620 = arith.constant 20480 : i32
        %add3A_621 = vector.broadcast %add3A_620 : i32 to vector<16xi32>
        %add3A_622 = arith.addi %add3A_617, %add3A_621 : vector<16xi32>
        tpu.vector_store_idx %arg7[%add3A_622], %gather3A_619 : memref<40960xf32, #tpu.memory_space<vmem>>[vector<16xi32>], vector<16xf32>,
        %scan3A_623 = arith.constant 2 : i32
        %scan3A_624 = arith.addi %scan3A_574, %scan3A_623 : i32
        %mul3A_625 = arith.constant 1 : i32
        %mul3A_626 = arith.muli %scan3A_624, %mul3A_625 : i32
        %add3A_627 = arith.constant 0 : i32
        %add3A_628 = arith.addi %add3A_627, %mul3A_626 : i32
        %shift_right_arithmetic3A_629 = arith.constant 3 : i32
        %shift_right_arithmetic3A_630 = arith.shrsi %add3A_628, %shift_right_arithmetic3A_629 : i32
        %and3A_631 = arith.constant 7 : i32
        %and3A_632 = arith.andi %add3A_628, %and3A_631 : i32
        %mul3A_633 = arith.constant 16 : i32
        %mul3A_634 = arith.muli %add3A_628, %mul3A_633 : i32
        %broadcast_in_dim3A_635 = vector.broadcast %mul3A_634 : i32 to vector<16xi32>
        %add3A_636 = arith.addi %broadcast_in_dim3A_635, %iota3A : vector<16xi32>
        %mul3A_637 = arith.constant 1024 : i32
        %mul3A_638 = arith.muli %shift_right_arithmetic3A_630, %mul3A_637 : i32
        %mul3A_639 = arith.constant 16 : i32
        %mul3A_640 = arith.muli %and3A_632, %mul3A_639 : i32
        %add3A_641 = arith.addi %mul3A_638, %mul3A_640 : i32
        %broadcast_in_dim3A_642 = vector.broadcast %add3A_641 : i32 to vector<16xi32>
        %add3A_643 = arith.addi %broadcast_in_dim3A_642, %add3A_233 : vector<16xi32>
        %gather3A_644 = tpu.vector_load_idx %arg6[%add3A_636, %and3A_219] : memref<1280x32xf32, #tpu.memory_space<vmem>>[vector<16xi32>, vector<16xi32>], vector<16xf32>,
        tpu.vector_store_idx %arg7[%add3A_643], %gather3A_644 : memref<40960xf32, #tpu.memory_space<vmem>>[vector<16xi32>], vector<16xf32>,
        %gather3A_645 = tpu.vector_load_idx %arg6[%add3A_636, %add3A_236] : memref<1280x32xf32, #tpu.memory_space<vmem>>[vector<16xi32>, vector<16xi32>], vector<16xf32>,
        %add3A_646 = arith.constant 20480 : i32
        %add3A_647 = vector.broadcast %add3A_646 : i32 to vector<16xi32>
        %add3A_648 = arith.addi %add3A_643, %add3A_647 : vector<16xi32>
        tpu.vector_store_idx %arg7[%add3A_648], %gather3A_645 : memref<40960xf32, #tpu.memory_space<vmem>>[vector<16xi32>], vector<16xf32>,
        %scan3A_649 = arith.constant 3 : i32
        %scan3A_650 = arith.addi %scan3A_574, %scan3A_649 : i32
        %mul3A_651 = arith.constant 1 : i32
        %mul3A_652 = arith.muli %scan3A_650, %mul3A_651 : i32
        %add3A_653 = arith.constant 0 : i32
        %add3A_654 = arith.addi %add3A_653, %mul3A_652 : i32
        %shift_right_arithmetic3A_655 = arith.constant 3 : i32
        %shift_right_arithmetic3A_656 = arith.shrsi %add3A_654, %shift_right_arithmetic3A_655 : i32
        %and3A_657 = arith.constant 7 : i32
        %and3A_658 = arith.andi %add3A_654, %and3A_657 : i32
        %mul3A_659 = arith.constant 16 : i32
        %mul3A_660 = arith.muli %add3A_654, %mul3A_659 : i32
        %broadcast_in_dim3A_661 = vector.broadcast %mul3A_660 : i32 to vector<16xi32>
        %add3A_662 = arith.addi %broadcast_in_dim3A_661, %iota3A : vector<16xi32>
        %mul3A_663 = arith.constant 1024 : i32
        %mul3A_664 = arith.muli %shift_right_arithmetic3A_656, %mul3A_663 : i32
        %mul3A_665 = arith.constant 16 : i32
        %mul3A_666 = arith.muli %and3A_658, %mul3A_665 : i32
        %add3A_667 = arith.addi %mul3A_664, %mul3A_666 : i32
        %broadcast_in_dim3A_668 = vector.broadcast %add3A_667 : i32 to vector<16xi32>
        %add3A_669 = arith.addi %broadcast_in_dim3A_668, %add3A_233 : vector<16xi32>
        %gather3A_670 = tpu.vector_load_idx %arg6[%add3A_662, %and3A_219] : memref<1280x32xf32, #tpu.memory_space<vmem>>[vector<16xi32>, vector<16xi32>], vector<16xf32>,
        tpu.vector_store_idx %arg7[%add3A_669], %gather3A_670 : memref<40960xf32, #tpu.memory_space<vmem>>[vector<16xi32>], vector<16xf32>,
        %gather3A_671 = tpu.vector_load_idx %arg6[%add3A_662, %add3A_236] : memref<1280x32xf32, #tpu.memory_space<vmem>>[vector<16xi32>, vector<16xi32>], vector<16xf32>,
        %add3A_672 = arith.constant 20480 : i32
        %add3A_673 = vector.broadcast %add3A_672 : i32 to vector<16xi32>
        %add3A_674 = arith.addi %add3A_669, %add3A_673 : vector<16xi32>
        tpu.vector_store_idx %arg7[%add3A_674], %gather3A_671 : memref<40960xf32, #tpu.memory_space<vmem>>[vector<16xi32>], vector<16xf32>,
      }
      %scan3A_241 = arith.constant 80 : i32
      %add3A_242 = arith.constant 6 : i32
      %add3A_243 = vector.broadcast %add3A_242 : i32 to vector<16xi32>
      %add3A_244 = arith.addi %add3A_243, %iota3A : vector<16xi32>
      %and3A_245 = arith.constant 15 : i32
      %and3A_246 = vector.broadcast %and3A_245 : i32 to vector<16xi32>
      %and3A_247 = arith.andi %add3A_244, %and3A_246 : vector<16xi32>
      %shift_right_arithmetic3A_248 = arith.constant 3 : i32
      %shift_right_arithmetic3A_249 = vector.broadcast %shift_right_arithmetic3A_248 : i32 to vector<16xi32>
      %shift_right_arithmetic3A_250 = arith.shrsi %and3A_247, %shift_right_arithmetic3A_249 : vector<16xi32>
      %mul3A_251 = arith.constant 10240 : i32
      %mul3A_252 = vector.broadcast %mul3A_251 : i32 to vector<16xi32>
      %mul3A_253 = arith.muli %shift_right_arithmetic3A_250, %mul3A_252 : vector<16xi32>
      %and3A_254 = arith.constant 7 : i32
      %and3A_255 = vector.broadcast %and3A_254 : i32 to vector<16xi32>
      %and3A_256 = arith.andi %and3A_247, %and3A_255 : vector<16xi32>
      %mul3A_257 = arith.constant 128 : i32
      %mul3A_258 = vector.broadcast %mul3A_257 : i32 to vector<16xi32>
      %mul3A_259 = arith.muli %and3A_256, %mul3A_258 : vector<16xi32>
      %add3A_260 = arith.addi %mul3A_253, %mul3A_259 : vector<16xi32>
      %add3A_261 = arith.addi %add3A_260, %iota3A : vector<16xi32>
      %add3A_262 = arith.constant 16 : i32
      %add3A_263 = vector.broadcast %add3A_262 : i32 to vector<16xi32>
      %add3A_264 = arith.addi %and3A_247, %add3A_263 : vector<16xi32>
      %scan3A_265 = arith.constant 0 : i32
      %scan3A_266 = arith.constant 80 : i32
      %scan3A_267 = arith.addi %scan3A_265, %scan3A_266 : i32
      %scan3A_268 = arith.constant 4 : i32
      scf.for %scan3A_574 = %scan3A_265 to %scan3A_267 step %scan3A_268  : i32 {
        %mul3A_575 = arith.constant 1 : i32
        %mul3A_576 = arith.muli %scan3A_574, %mul3A_575 : i32
        %add3A_577 = arith.constant 0 : i32
        %add3A_578 = arith.addi %add3A_577, %mul3A_576 : i32
        %shift_right_arithmetic3A_579 = arith.constant 3 : i32
        %shift_right_arithmetic3A_580 = arith.shrsi %add3A_578, %shift_right_arithmetic3A_579 : i32
        %and3A_581 = arith.constant 7 : i32
        %and3A_582 = arith.andi %add3A_578, %and3A_581 : i32
        %mul3A_583 = arith.constant 16 : i32
        %mul3A_584 = arith.muli %add3A_578, %mul3A_583 : i32
        %broadcast_in_dim3A = vector.broadcast %mul3A_584 : i32 to vector<16xi32>
        %add3A_585 = arith.addi %broadcast_in_dim3A, %iota3A : vector<16xi32>
        %mul3A_586 = arith.constant 1024 : i32
        %mul3A_587 = arith.muli %shift_right_arithmetic3A_580, %mul3A_586 : i32
        %mul3A_588 = arith.constant 16 : i32
        %mul3A_589 = arith.muli %and3A_582, %mul3A_588 : i32
        %add3A_590 = arith.addi %mul3A_587, %mul3A_589 : i32
        %broadcast_in_dim3A_591 = vector.broadcast %add3A_590 : i32 to vector<16xi32>
        %add3A_592 = arith.addi %broadcast_in_dim3A_591, %add3A_261 : vector<16xi32>
        %gather3A = tpu.vector_load_idx %arg6[%add3A_585, %and3A_247] : memref<1280x32xf32, #tpu.memory_space<vmem>>[vector<16xi32>, vector<16xi32>], vector<16xf32>,
        tpu.vector_store_idx %arg7[%add3A_592], %gather3A : memref<40960xf32, #tpu.memory_space<vmem>>[vector<16xi32>], vector<16xf32>,
        %gather3A_593 = tpu.vector_load_idx %arg6[%add3A_585, %add3A_264] : memref<1280x32xf32, #tpu.memory_space<vmem>>[vector<16xi32>, vector<16xi32>], vector<16xf32>,
        %add3A_594 = arith.constant 20480 : i32
        %add3A_595 = vector.broadcast %add3A_594 : i32 to vector<16xi32>
        %add3A_596 = arith.addi %add3A_592, %add3A_595 : vector<16xi32>
        tpu.vector_store_idx %arg7[%add3A_596], %gather3A_593 : memref<40960xf32, #tpu.memory_space<vmem>>[vector<16xi32>], vector<16xf32>,
        %scan3A_597 = arith.constant 1 : i32
        %scan3A_598 = arith.addi %scan3A_574, %scan3A_597 : i32
        %mul3A_599 = arith.constant 1 : i32
        %mul3A_600 = arith.muli %scan3A_598, %mul3A_599 : i32
        %add3A_601 = arith.constant 0 : i32
        %add3A_602 = arith.addi %add3A_601, %mul3A_600 : i32
        %shift_right_arithmetic3A_603 = arith.constant 3 : i32
        %shift_right_arithmetic3A_604 = arith.shrsi %add3A_602, %shift_right_arithmetic3A_603 : i32
        %and3A_605 = arith.constant 7 : i32
        %and3A_606 = arith.andi %add3A_602, %and3A_605 : i32
        %mul3A_607 = arith.constant 16 : i32
        %mul3A_608 = arith.muli %add3A_602, %mul3A_607 : i32
        %broadcast_in_dim3A_609 = vector.broadcast %mul3A_608 : i32 to vector<16xi32>
        %add3A_610 = arith.addi %broadcast_in_dim3A_609, %iota3A : vector<16xi32>
        %mul3A_611 = arith.constant 1024 : i32
        %mul3A_612 = arith.muli %shift_right_arithmetic3A_604, %mul3A_611 : i32
        %mul3A_613 = arith.constant 16 : i32
        %mul3A_614 = arith.muli %and3A_606, %mul3A_613 : i32
        %add3A_615 = arith.addi %mul3A_612, %mul3A_614 : i32
        %broadcast_in_dim3A_616 = vector.broadcast %add3A_615 : i32 to vector<16xi32>
        %add3A_617 = arith.addi %broadcast_in_dim3A_616, %add3A_261 : vector<16xi32>
        %gather3A_618 = tpu.vector_load_idx %arg6[%add3A_610, %and3A_247] : memref<1280x32xf32, #tpu.memory_space<vmem>>[vector<16xi32>, vector<16xi32>], vector<16xf32>,
        tpu.vector_store_idx %arg7[%add3A_617], %gather3A_618 : memref<40960xf32, #tpu.memory_space<vmem>>[vector<16xi32>], vector<16xf32>,
        %gather3A_619 = tpu.vector_load_idx %arg6[%add3A_610, %add3A_264] : memref<1280x32xf32, #tpu.memory_space<vmem>>[vector<16xi32>, vector<16xi32>], vector<16xf32>,
        %add3A_620 = arith.constant 20480 : i32
        %add3A_621 = vector.broadcast %add3A_620 : i32 to vector<16xi32>
        %add3A_622 = arith.addi %add3A_617, %add3A_621 : vector<16xi32>
        tpu.vector_store_idx %arg7[%add3A_622], %gather3A_619 : memref<40960xf32, #tpu.memory_space<vmem>>[vector<16xi32>], vector<16xf32>,
        %scan3A_623 = arith.constant 2 : i32
        %scan3A_624 = arith.addi %scan3A_574, %scan3A_623 : i32
        %mul3A_625 = arith.constant 1 : i32
        %mul3A_626 = arith.muli %scan3A_624, %mul3A_625 : i32
        %add3A_627 = arith.constant 0 : i32
        %add3A_628 = arith.addi %add3A_627, %mul3A_626 : i32
        %shift_right_arithmetic3A_629 = arith.constant 3 : i32
        %shift_right_arithmetic3A_630 = arith.shrsi %add3A_628, %shift_right_arithmetic3A_629 : i32
        %and3A_631 = arith.constant 7 : i32
        %and3A_632 = arith.andi %add3A_628, %and3A_631 : i32
        %mul3A_633 = arith.constant 16 : i32
        %mul3A_634 = arith.muli %add3A_628, %mul3A_633 : i32
        %broadcast_in_dim3A_635 = vector.broadcast %mul3A_634 : i32 to vector<16xi32>
        %add3A_636 = arith.addi %broadcast_in_dim3A_635, %iota3A : vector<16xi32>
        %mul3A_637 = arith.constant 1024 : i32
        %mul3A_638 = arith.muli %shift_right_arithmetic3A_630, %mul3A_637 : i32
        %mul3A_639 = arith.constant 16 : i32
        %mul3A_640 = arith.muli %and3A_632, %mul3A_639 : i32
        %add3A_641 = arith.addi %mul3A_638, %mul3A_640 : i32
        %broadcast_in_dim3A_642 = vector.broadcast %add3A_641 : i32 to vector<16xi32>
        %add3A_643 = arith.addi %broadcast_in_dim3A_642, %add3A_261 : vector<16xi32>
        %gather3A_644 = tpu.vector_load_idx %arg6[%add3A_636, %and3A_247] : memref<1280x32xf32, #tpu.memory_space<vmem>>[vector<16xi32>, vector<16xi32>], vector<16xf32>,
        tpu.vector_store_idx %arg7[%add3A_643], %gather3A_644 : memref<40960xf32, #tpu.memory_space<vmem>>[vector<16xi32>], vector<16xf32>,
        %gather3A_645 = tpu.vector_load_idx %arg6[%add3A_636, %add3A_264] : memref<1280x32xf32, #tpu.memory_space<vmem>>[vector<16xi32>, vector<16xi32>], vector<16xf32>,
        %add3A_646 = arith.constant 20480 : i32
        %add3A_647 = vector.broadcast %add3A_646 : i32 to vector<16xi32>
        %add3A_648 = arith.addi %add3A_643, %add3A_647 : vector<16xi32>
        tpu.vector_store_idx %arg7[%add3A_648], %gather3A_645 : memref<40960xf32, #tpu.memory_space<vmem>>[vector<16xi32>], vector<16xf32>,
        %scan3A_649 = arith.constant 3 : i32
        %scan3A_650 = arith.addi %scan3A_574, %scan3A_649 : i32
        %mul3A_651 = arith.constant 1 : i32
        %mul3A_652 = arith.muli %scan3A_650, %mul3A_651 : i32
        %add3A_653 = arith.constant 0 : i32
        %add3A_654 = arith.addi %add3A_653, %mul3A_652 : i32
        %shift_right_arithmetic3A_655 = arith.constant 3 : i32
        %shift_right_arithmetic3A_656 = arith.shrsi %add3A_654, %shift_right_arithmetic3A_655 : i32
        %and3A_657 = arith.constant 7 : i32
        %and3A_658 = arith.andi %add3A_654, %and3A_657 : i32
        %mul3A_659 = arith.constant 16 : i32
        %mul3A_660 = arith.muli %add3A_654, %mul3A_659 : i32
        %broadcast_in_dim3A_661 = vector.broadcast %mul3A_660 : i32 to vector<16xi32>
        %add3A_662 = arith.addi %broadcast_in_dim3A_661, %iota3A : vector<16xi32>
        %mul3A_663 = arith.constant 1024 : i32
        %mul3A_664 = arith.muli %shift_right_arithmetic3A_656, %mul3A_663 : i32
        %mul3A_665 = arith.constant 16 : i32
        %mul3A_666 = arith.muli %and3A_658, %mul3A_665 : i32
        %add3A_667 = arith.addi %mul3A_664, %mul3A_666 : i32
        %broadcast_in_dim3A_668 = vector.broadcast %add3A_667 : i32 to vector<16xi32>
        %add3A_669 = arith.addi %broadcast_in_dim3A_668, %add3A_261 : vector<16xi32>
        %gather3A_670 = tpu.vector_load_idx %arg6[%add3A_662, %and3A_247] : memref<1280x32xf32, #tpu.memory_space<vmem>>[vector<16xi32>, vector<16xi32>], vector<16xf32>,
        tpu.vector_store_idx %arg7[%add3A_669], %gather3A_670 : memref<40960xf32, #tpu.memory_space<vmem>>[vector<16xi32>], vector<16xf32>,
        %gather3A_671 = tpu.vector_load_idx %arg6[%add3A_662, %add3A_264] : memref<1280x32xf32, #tpu.memory_space<vmem>>[vector<16xi32>, vector<16xi32>], vector<16xf32>,
        %add3A_672 = arith.constant 20480 : i32
        %add3A_673 = vector.broadcast %add3A_672 : i32 to vector<16xi32>
        %add3A_674 = arith.addi %add3A_669, %add3A_673 : vector<16xi32>
        tpu.vector_store_idx %arg7[%add3A_674], %gather3A_671 : memref<40960xf32, #tpu.memory_space<vmem>>[vector<16xi32>], vector<16xf32>,
      }
      %scan3A_269 = arith.constant 80 : i32
      %add3A_270 = arith.constant 7 : i32
      %add3A_271 = vector.broadcast %add3A_270 : i32 to vector<16xi32>
      %add3A_272 = arith.addi %add3A_271, %iota3A : vector<16xi32>
      %and3A_273 = arith.constant 15 : i32
      %and3A_274 = vector.broadcast %and3A_273 : i32 to vector<16xi32>
      %and3A_275 = arith.andi %add3A_272, %and3A_274 : vector<16xi32>
      %shift_right_arithmetic3A_276 = arith.constant 3 : i32
      %shift_right_arithmetic3A_277 = vector.broadcast %shift_right_arithmetic3A_276 : i32 to vector<16xi32>
      %shift_right_arithmetic3A_278 = arith.shrsi %and3A_275, %shift_right_arithmetic3A_277 : vector<16xi32>
      %mul3A_279 = arith.constant 10240 : i32
      %mul3A_280 = vector.broadcast %mul3A_279 : i32 to vector<16xi32>
      %mul3A_281 = arith.muli %shift_right_arithmetic3A_278, %mul3A_280 : vector<16xi32>
      %and3A_282 = arith.constant 7 : i32
      %and3A_283 = vector.broadcast %and3A_282 : i32 to vector<16xi32>
      %and3A_284 = arith.andi %and3A_275, %and3A_283 : vector<16xi32>
      %mul3A_285 = arith.constant 128 : i32
      %mul3A_286 = vector.broadcast %mul3A_285 : i32 to vector<16xi32>
      %mul3A_287 = arith.muli %and3A_284, %mul3A_286 : vector<16xi32>
      %add3A_288 = arith.addi %mul3A_281, %mul3A_287 : vector<16xi32>
      %add3A_289 = arith.addi %add3A_288, %iota3A : vector<16xi32>
      %add3A_290 = arith.constant 16 : i32
      %add3A_291 = vector.broadcast %add3A_290 : i32 to vector<16xi32>
      %add3A_292 = arith.addi %and3A_275, %add3A_291 : vector<16xi32>
      %scan3A_293 = arith.constant 0 : i32
      %scan3A_294 = arith.constant 80 : i32
      %scan3A_295 = arith.addi %scan3A_293, %scan3A_294 : i32
      %scan3A_296 = arith.constant 4 : i32
      scf.for %scan3A_574 = %scan3A_293 to %scan3A_295 step %scan3A_296  : i32 {
        %mul3A_575 = arith.constant 1 : i32
        %mul3A_576 = arith.muli %scan3A_574, %mul3A_575 : i32
        %add3A_577 = arith.constant 0 : i32
        %add3A_578 = arith.addi %add3A_577, %mul3A_576 : i32
        %shift_right_arithmetic3A_579 = arith.constant 3 : i32
        %shift_right_arithmetic3A_580 = arith.shrsi %add3A_578, %shift_right_arithmetic3A_579 : i32
        %and3A_581 = arith.constant 7 : i32
        %and3A_582 = arith.andi %add3A_578, %and3A_581 : i32
        %mul3A_583 = arith.constant 16 : i32
        %mul3A_584 = arith.muli %add3A_578, %mul3A_583 : i32
        %broadcast_in_dim3A = vector.broadcast %mul3A_584 : i32 to vector<16xi32>
        %add3A_585 = arith.addi %broadcast_in_dim3A, %iota3A : vector<16xi32>
        %mul3A_586 = arith.constant 1024 : i32
        %mul3A_587 = arith.muli %shift_right_arithmetic3A_580, %mul3A_586 : i32
        %mul3A_588 = arith.constant 16 : i32
        %mul3A_589 = arith.muli %and3A_582, %mul3A_588 : i32
        %add3A_590 = arith.addi %mul3A_587, %mul3A_589 : i32
        %broadcast_in_dim3A_591 = vector.broadcast %add3A_590 : i32 to vector<16xi32>
        %add3A_592 = arith.addi %broadcast_in_dim3A_591, %add3A_289 : vector<16xi32>
        %gather3A = tpu.vector_load_idx %arg6[%add3A_585, %and3A_275] : memref<1280x32xf32, #tpu.memory_space<vmem>>[vector<16xi32>, vector<16xi32>], vector<16xf32>,
        tpu.vector_store_idx %arg7[%add3A_592], %gather3A : memref<40960xf32, #tpu.memory_space<vmem>>[vector<16xi32>], vector<16xf32>,
        %gather3A_593 = tpu.vector_load_idx %arg6[%add3A_585, %add3A_292] : memref<1280x32xf32, #tpu.memory_space<vmem>>[vector<16xi32>, vector<16xi32>], vector<16xf32>,
        %add3A_594 = arith.constant 20480 : i32
        %add3A_595 = vector.broadcast %add3A_594 : i32 to vector<16xi32>
        %add3A_596 = arith.addi %add3A_592, %add3A_595 : vector<16xi32>
        tpu.vector_store_idx %arg7[%add3A_596], %gather3A_593 : memref<40960xf32, #tpu.memory_space<vmem>>[vector<16xi32>], vector<16xf32>,
        %scan3A_597 = arith.constant 1 : i32
        %scan3A_598 = arith.addi %scan3A_574, %scan3A_597 : i32
        %mul3A_599 = arith.constant 1 : i32
        %mul3A_600 = arith.muli %scan3A_598, %mul3A_599 : i32
        %add3A_601 = arith.constant 0 : i32
        %add3A_602 = arith.addi %add3A_601, %mul3A_600 : i32
        %shift_right_arithmetic3A_603 = arith.constant 3 : i32
        %shift_right_arithmetic3A_604 = arith.shrsi %add3A_602, %shift_right_arithmetic3A_603 : i32
        %and3A_605 = arith.constant 7 : i32
        %and3A_606 = arith.andi %add3A_602, %and3A_605 : i32
        %mul3A_607 = arith.constant 16 : i32
        %mul3A_608 = arith.muli %add3A_602, %mul3A_607 : i32
        %broadcast_in_dim3A_609 = vector.broadcast %mul3A_608 : i32 to vector<16xi32>
        %add3A_610 = arith.addi %broadcast_in_dim3A_609, %iota3A : vector<16xi32>
        %mul3A_611 = arith.constant 1024 : i32
        %mul3A_612 = arith.muli %shift_right_arithmetic3A_604, %mul3A_611 : i32
        %mul3A_613 = arith.constant 16 : i32
        %mul3A_614 = arith.muli %and3A_606, %mul3A_613 : i32
        %add3A_615 = arith.addi %mul3A_612, %mul3A_614 : i32
        %broadcast_in_dim3A_616 = vector.broadcast %add3A_615 : i32 to vector<16xi32>
        %add3A_617 = arith.addi %broadcast_in_dim3A_616, %add3A_289 : vector<16xi32>
        %gather3A_618 = tpu.vector_load_idx %arg6[%add3A_610, %and3A_275] : memref<1280x32xf32, #tpu.memory_space<vmem>>[vector<16xi32>, vector<16xi32>], vector<16xf32>,
        tpu.vector_store_idx %arg7[%add3A_617], %gather3A_618 : memref<40960xf32, #tpu.memory_space<vmem>>[vector<16xi32>], vector<16xf32>,
        %gather3A_619 = tpu.vector_load_idx %arg6[%add3A_610, %add3A_292] : memref<1280x32xf32, #tpu.memory_space<vmem>>[vector<16xi32>, vector<16xi32>], vector<16xf32>,
        %add3A_620 = arith.constant 20480 : i32
        %add3A_621 = vector.broadcast %add3A_620 : i32 to vector<16xi32>
        %add3A_622 = arith.addi %add3A_617, %add3A_621 : vector<16xi32>
        tpu.vector_store_idx %arg7[%add3A_622], %gather3A_619 : memref<40960xf32, #tpu.memory_space<vmem>>[vector<16xi32>], vector<16xf32>,
        %scan3A_623 = arith.constant 2 : i32
        %scan3A_624 = arith.addi %scan3A_574, %scan3A_623 : i32
        %mul3A_625 = arith.constant 1 : i32
        %mul3A_626 = arith.muli %scan3A_624, %mul3A_625 : i32
        %add3A_627 = arith.constant 0 : i32
        %add3A_628 = arith.addi %add3A_627, %mul3A_626 : i32
        %shift_right_arithmetic3A_629 = arith.constant 3 : i32
        %shift_right_arithmetic3A_630 = arith.shrsi %add3A_628, %shift_right_arithmetic3A_629 : i32
        %and3A_631 = arith.constant 7 : i32
        %and3A_632 = arith.andi %add3A_628, %and3A_631 : i32
        %mul3A_633 = arith.constant 16 : i32
        %mul3A_634 = arith.muli %add3A_628, %mul3A_633 : i32
        %broadcast_in_dim3A_635 = vector.broadcast %mul3A_634 : i32 to vector<16xi32>
        %add3A_636 = arith.addi %broadcast_in_dim3A_635, %iota3A : vector<16xi32>
        %mul3A_637 = arith.constant 1024 : i32
        %mul3A_638 = arith.muli %shift_right_arithmetic3A_630, %mul3A_637 : i32
        %mul3A_639 = arith.constant 16 : i32
        %mul3A_640 = arith.muli %and3A_632, %mul3A_639 : i32
        %add3A_641 = arith.addi %mul3A_638, %mul3A_640 : i32
        %broadcast_in_dim3A_642 = vector.broadcast %add3A_641 : i32 to vector<16xi32>
        %add3A_643 = arith.addi %broadcast_in_dim3A_642, %add3A_289 : vector<16xi32>
        %gather3A_644 = tpu.vector_load_idx %arg6[%add3A_636, %and3A_275] : memref<1280x32xf32, #tpu.memory_space<vmem>>[vector<16xi32>, vector<16xi32>], vector<16xf32>,
        tpu.vector_store_idx %arg7[%add3A_643], %gather3A_644 : memref<40960xf32, #tpu.memory_space<vmem>>[vector<16xi32>], vector<16xf32>,
        %gather3A_645 = tpu.vector_load_idx %arg6[%add3A_636, %add3A_292] : memref<1280x32xf32, #tpu.memory_space<vmem>>[vector<16xi32>, vector<16xi32>], vector<16xf32>,
        %add3A_646 = arith.constant 20480 : i32
        %add3A_647 = vector.broadcast %add3A_646 : i32 to vector<16xi32>
        %add3A_648 = arith.addi %add3A_643, %add3A_647 : vector<16xi32>
        tpu.vector_store_idx %arg7[%add3A_648], %gather3A_645 : memref<40960xf32, #tpu.memory_space<vmem>>[vector<16xi32>], vector<16xf32>,
        %scan3A_649 = arith.constant 3 : i32
        %scan3A_650 = arith.addi %scan3A_574, %scan3A_649 : i32
        %mul3A_651 = arith.constant 1 : i32
        %mul3A_652 = arith.muli %scan3A_650, %mul3A_651 : i32
        %add3A_653 = arith.constant 0 : i32
        %add3A_654 = arith.addi %add3A_653, %mul3A_652 : i32
        %shift_right_arithmetic3A_655 = arith.constant 3 : i32
        %shift_right_arithmetic3A_656 = arith.shrsi %add3A_654, %shift_right_arithmetic3A_655 : i32
        %and3A_657 = arith.constant 7 : i32
        %and3A_658 = arith.andi %add3A_654, %and3A_657 : i32
        %mul3A_659 = arith.constant 16 : i32
        %mul3A_660 = arith.muli %add3A_654, %mul3A_659 : i32
        %broadcast_in_dim3A_661 = vector.broadcast %mul3A_660 : i32 to vector<16xi32>
        %add3A_662 = arith.addi %broadcast_in_dim3A_661, %iota3A : vector<16xi32>
        %mul3A_663 = arith.constant 1024 : i32
        %mul3A_664 = arith.muli %shift_right_arithmetic3A_656, %mul3A_663 : i32
        %mul3A_665 = arith.constant 16 : i32
        %mul3A_666 = arith.muli %and3A_658, %mul3A_665 : i32
        %add3A_667 = arith.addi %mul3A_664, %mul3A_666 : i32
        %broadcast_in_dim3A_668 = vector.broadcast %add3A_667 : i32 to vector<16xi32>
        %add3A_669 = arith.addi %broadcast_in_dim3A_668, %add3A_289 : vector<16xi32>
        %gather3A_670 = tpu.vector_load_idx %arg6[%add3A_662, %and3A_275] : memref<1280x32xf32, #tpu.memory_space<vmem>>[vector<16xi32>, vector<16xi32>], vector<16xf32>,
        tpu.vector_store_idx %arg7[%add3A_669], %gather3A_670 : memref<40960xf32, #tpu.memory_space<vmem>>[vector<16xi32>], vector<16xf32>,
        %gather3A_671 = tpu.vector_load_idx %arg6[%add3A_662, %add3A_292] : memref<1280x32xf32, #tpu.memory_space<vmem>>[vector<16xi32>, vector<16xi32>], vector<16xf32>,
        %add3A_672 = arith.constant 20480 : i32
        %add3A_673 = vector.broadcast %add3A_672 : i32 to vector<16xi32>
        %add3A_674 = arith.addi %add3A_669, %add3A_673 : vector<16xi32>
        tpu.vector_store_idx %arg7[%add3A_674], %gather3A_671 : memref<40960xf32, #tpu.memory_space<vmem>>[vector<16xi32>], vector<16xf32>,
      }
      %scan3A_297 = arith.constant 80 : i32
      %add3A_298 = arith.constant 8 : i32
      %add3A_299 = vector.broadcast %add3A_298 : i32 to vector<16xi32>
      %add3A_300 = arith.addi %add3A_299, %iota3A : vector<16xi32>
      %and3A_301 = arith.constant 15 : i32
      %and3A_302 = vector.broadcast %and3A_301 : i32 to vector<16xi32>
      %and3A_303 = arith.andi %add3A_300, %and3A_302 : vector<16xi32>
      %shift_right_arithmetic3A_304 = arith.constant 3 : i32
      %shift_right_arithmetic3A_305 = vector.broadcast %shift_right_arithmetic3A_304 : i32 to vector<16xi32>
      %shift_right_arithmetic3A_306 = arith.shrsi %and3A_303, %shift_right_arithmetic3A_305 : vector<16xi32>
      %mul3A_307 = arith.constant 10240 : i32
      %mul3A_308 = vector.broadcast %mul3A_307 : i32 to vector<16xi32>
      %mul3A_309 = arith.muli %shift_right_arithmetic3A_306, %mul3A_308 : vector<16xi32>
      %and3A_310 = arith.constant 7 : i32
      %and3A_311 = vector.broadcast %and3A_310 : i32 to vector<16xi32>
      %and3A_312 = arith.andi %and3A_303, %and3A_311 : vector<16xi32>
      %mul3A_313 = arith.constant 128 : i32
      %mul3A_314 = vector.broadcast %mul3A_313 : i32 to vector<16xi32>
      %mul3A_315 = arith.muli %and3A_312, %mul3A_314 : vector<16xi32>
      %add3A_316 = arith.addi %mul3A_309, %mul3A_315 : vector<16xi32>
      %add3A_317 = arith.addi %add3A_316, %iota3A : vector<16xi32>
      %add3A_318 = arith.constant 16 : i32
      %add3A_319 = vector.broadcast %add3A_318 : i32 to vector<16xi32>
      %add3A_320 = arith.addi %and3A_303, %add3A_319 : vector<16xi32>
      %scan3A_321 = arith.constant 0 : i32
      %scan3A_322 = arith.constant 80 : i32
      %scan3A_323 = arith.addi %scan3A_321, %scan3A_322 : i32
      %scan3A_324 = arith.constant 4 : i32
      scf.for %scan3A_574 = %scan3A_321 to %scan3A_323 step %scan3A_324  : i32 {
        %mul3A_575 = arith.constant 1 : i32
        %mul3A_576 = arith.muli %scan3A_574, %mul3A_575 : i32
        %add3A_577 = arith.constant 0 : i32
        %add3A_578 = arith.addi %add3A_577, %mul3A_576 : i32
        %shift_right_arithmetic3A_579 = arith.constant 3 : i32
        %shift_right_arithmetic3A_580 = arith.shrsi %add3A_578, %shift_right_arithmetic3A_579 : i32
        %and3A_581 = arith.constant 7 : i32
        %and3A_582 = arith.andi %add3A_578, %and3A_581 : i32
        %mul3A_583 = arith.constant 16 : i32
        %mul3A_584 = arith.muli %add3A_578, %mul3A_583 : i32
        %broadcast_in_dim3A = vector.broadcast %mul3A_584 : i32 to vector<16xi32>
        %add3A_585 = arith.addi %broadcast_in_dim3A, %iota3A : vector<16xi32>
        %mul3A_586 = arith.constant 1024 : i32
        %mul3A_587 = arith.muli %shift_right_arithmetic3A_580, %mul3A_586 : i32
        %mul3A_588 = arith.constant 16 : i32
        %mul3A_589 = arith.muli %and3A_582, %mul3A_588 : i32
        %add3A_590 = arith.addi %mul3A_587, %mul3A_589 : i32
        %broadcast_in_dim3A_591 = vector.broadcast %add3A_590 : i32 to vector<16xi32>
        %add3A_592 = arith.addi %broadcast_in_dim3A_591, %add3A_317 : vector<16xi32>
        %gather3A = tpu.vector_load_idx %arg6[%add3A_585, %and3A_303] : memref<1280x32xf32, #tpu.memory_space<vmem>>[vector<16xi32>, vector<16xi32>], vector<16xf32>,
        tpu.vector_store_idx %arg7[%add3A_592], %gather3A : memref<40960xf32, #tpu.memory_space<vmem>>[vector<16xi32>], vector<16xf32>,
        %gather3A_593 = tpu.vector_load_idx %arg6[%add3A_585, %add3A_320] : memref<1280x32xf32, #tpu.memory_space<vmem>>[vector<16xi32>, vector<16xi32>], vector<16xf32>,
        %add3A_594 = arith.constant 20480 : i32
        %add3A_595 = vector.broadcast %add3A_594 : i32 to vector<16xi32>
        %add3A_596 = arith.addi %add3A_592, %add3A_595 : vector<16xi32>
        tpu.vector_store_idx %arg7[%add3A_596], %gather3A_593 : memref<40960xf32, #tpu.memory_space<vmem>>[vector<16xi32>], vector<16xf32>,
        %scan3A_597 = arith.constant 1 : i32
        %scan3A_598 = arith.addi %scan3A_574, %scan3A_597 : i32
        %mul3A_599 = arith.constant 1 : i32
        %mul3A_600 = arith.muli %scan3A_598, %mul3A_599 : i32
        %add3A_601 = arith.constant 0 : i32
        %add3A_602 = arith.addi %add3A_601, %mul3A_600 : i32
        %shift_right_arithmetic3A_603 = arith.constant 3 : i32
        %shift_right_arithmetic3A_604 = arith.shrsi %add3A_602, %shift_right_arithmetic3A_603 : i32
        %and3A_605 = arith.constant 7 : i32
        %and3A_606 = arith.andi %add3A_602, %and3A_605 : i32
        %mul3A_607 = arith.constant 16 : i32
        %mul3A_608 = arith.muli %add3A_602, %mul3A_607 : i32
        %broadcast_in_dim3A_609 = vector.broadcast %mul3A_608 : i32 to vector<16xi32>
        %add3A_610 = arith.addi %broadcast_in_dim3A_609, %iota3A : vector<16xi32>
        %mul3A_611 = arith.constant 1024 : i32
        %mul3A_612 = arith.muli %shift_right_arithmetic3A_604, %mul3A_611 : i32
        %mul3A_613 = arith.constant 16 : i32
        %mul3A_614 = arith.muli %and3A_606, %mul3A_613 : i32
        %add3A_615 = arith.addi %mul3A_612, %mul3A_614 : i32
        %broadcast_in_dim3A_616 = vector.broadcast %add3A_615 : i32 to vector<16xi32>
        %add3A_617 = arith.addi %broadcast_in_dim3A_616, %add3A_317 : vector<16xi32>
        %gather3A_618 = tpu.vector_load_idx %arg6[%add3A_610, %and3A_303] : memref<1280x32xf32, #tpu.memory_space<vmem>>[vector<16xi32>, vector<16xi32>], vector<16xf32>,
        tpu.vector_store_idx %arg7[%add3A_617], %gather3A_618 : memref<40960xf32, #tpu.memory_space<vmem>>[vector<16xi32>], vector<16xf32>,
        %gather3A_619 = tpu.vector_load_idx %arg6[%add3A_610, %add3A_320] : memref<1280x32xf32, #tpu.memory_space<vmem>>[vector<16xi32>, vector<16xi32>], vector<16xf32>,
        %add3A_620 = arith.constant 20480 : i32
        %add3A_621 = vector.broadcast %add3A_620 : i32 to vector<16xi32>
        %add3A_622 = arith.addi %add3A_617, %add3A_621 : vector<16xi32>
        tpu.vector_store_idx %arg7[%add3A_622], %gather3A_619 : memref<40960xf32, #tpu.memory_space<vmem>>[vector<16xi32>], vector<16xf32>,
        %scan3A_623 = arith.constant 2 : i32
        %scan3A_624 = arith.addi %scan3A_574, %scan3A_623 : i32
        %mul3A_625 = arith.constant 1 : i32
        %mul3A_626 = arith.muli %scan3A_624, %mul3A_625 : i32
        %add3A_627 = arith.constant 0 : i32
        %add3A_628 = arith.addi %add3A_627, %mul3A_626 : i32
        %shift_right_arithmetic3A_629 = arith.constant 3 : i32
        %shift_right_arithmetic3A_630 = arith.shrsi %add3A_628, %shift_right_arithmetic3A_629 : i32
        %and3A_631 = arith.constant 7 : i32
        %and3A_632 = arith.andi %add3A_628, %and3A_631 : i32
        %mul3A_633 = arith.constant 16 : i32
        %mul3A_634 = arith.muli %add3A_628, %mul3A_633 : i32
        %broadcast_in_dim3A_635 = vector.broadcast %mul3A_634 : i32 to vector<16xi32>
        %add3A_636 = arith.addi %broadcast_in_dim3A_635, %iota3A : vector<16xi32>
        %mul3A_637 = arith.constant 1024 : i32
        %mul3A_638 = arith.muli %shift_right_arithmetic3A_630, %mul3A_637 : i32
        %mul3A_639 = arith.constant 16 : i32
        %mul3A_640 = arith.muli %and3A_632, %mul3A_639 : i32
        %add3A_641 = arith.addi %mul3A_638, %mul3A_640 : i32
        %broadcast_in_dim3A_642 = vector.broadcast %add3A_641 : i32 to vector<16xi32>
        %add3A_643 = arith.addi %broadcast_in_dim3A_642, %add3A_317 : vector<16xi32>
        %gather3A_644 = tpu.vector_load_idx %arg6[%add3A_636, %and3A_303] : memref<1280x32xf32, #tpu.memory_space<vmem>>[vector<16xi32>, vector<16xi32>], vector<16xf32>,
        tpu.vector_store_idx %arg7[%add3A_643], %gather3A_644 : memref<40960xf32, #tpu.memory_space<vmem>>[vector<16xi32>], vector<16xf32>,
        %gather3A_645 = tpu.vector_load_idx %arg6[%add3A_636, %add3A_320] : memref<1280x32xf32, #tpu.memory_space<vmem>>[vector<16xi32>, vector<16xi32>], vector<16xf32>,
        %add3A_646 = arith.constant 20480 : i32
        %add3A_647 = vector.broadcast %add3A_646 : i32 to vector<16xi32>
        %add3A_648 = arith.addi %add3A_643, %add3A_647 : vector<16xi32>
        tpu.vector_store_idx %arg7[%add3A_648], %gather3A_645 : memref<40960xf32, #tpu.memory_space<vmem>>[vector<16xi32>], vector<16xf32>,
        %scan3A_649 = arith.constant 3 : i32
        %scan3A_650 = arith.addi %scan3A_574, %scan3A_649 : i32
        %mul3A_651 = arith.constant 1 : i32
        %mul3A_652 = arith.muli %scan3A_650, %mul3A_651 : i32
        %add3A_653 = arith.constant 0 : i32
        %add3A_654 = arith.addi %add3A_653, %mul3A_652 : i32
        %shift_right_arithmetic3A_655 = arith.constant 3 : i32
        %shift_right_arithmetic3A_656 = arith.shrsi %add3A_654, %shift_right_arithmetic3A_655 : i32
        %and3A_657 = arith.constant 7 : i32
        %and3A_658 = arith.andi %add3A_654, %and3A_657 : i32
        %mul3A_659 = arith.constant 16 : i32
        %mul3A_660 = arith.muli %add3A_654, %mul3A_659 : i32
        %broadcast_in_dim3A_661 = vector.broadcast %mul3A_660 : i32 to vector<16xi32>
        %add3A_662 = arith.addi %broadcast_in_dim3A_661, %iota3A : vector<16xi32>
        %mul3A_663 = arith.constant 1024 : i32
        %mul3A_664 = arith.muli %shift_right_arithmetic3A_656, %mul3A_663 : i32
        %mul3A_665 = arith.constant 16 : i32
        %mul3A_666 = arith.muli %and3A_658, %mul3A_665 : i32
        %add3A_667 = arith.addi %mul3A_664, %mul3A_666 : i32
        %broadcast_in_dim3A_668 = vector.broadcast %add3A_667 : i32 to vector<16xi32>
        %add3A_669 = arith.addi %broadcast_in_dim3A_668, %add3A_317 : vector<16xi32>
        %gather3A_670 = tpu.vector_load_idx %arg6[%add3A_662, %and3A_303] : memref<1280x32xf32, #tpu.memory_space<vmem>>[vector<16xi32>, vector<16xi32>], vector<16xf32>,
        tpu.vector_store_idx %arg7[%add3A_669], %gather3A_670 : memref<40960xf32, #tpu.memory_space<vmem>>[vector<16xi32>], vector<16xf32>,
        %gather3A_671 = tpu.vector_load_idx %arg6[%add3A_662, %add3A_320] : memref<1280x32xf32, #tpu.memory_space<vmem>>[vector<16xi32>, vector<16xi32>], vector<16xf32>,
        %add3A_672 = arith.constant 20480 : i32
        %add3A_673 = vector.broadcast %add3A_672 : i32 to vector<16xi32>
        %add3A_674 = arith.addi %add3A_669, %add3A_673 : vector<16xi32>
        tpu.vector_store_idx %arg7[%add3A_674], %gather3A_671 : memref<40960xf32, #tpu.memory_space<vmem>>[vector<16xi32>], vector<16xf32>,
      }
      %scan3A_325 = arith.constant 80 : i32
      %add3A_326 = arith.constant 9 : i32
      %add3A_327 = vector.broadcast %add3A_326 : i32 to vector<16xi32>
      %add3A_328 = arith.addi %add3A_327, %iota3A : vector<16xi32>
      %and3A_329 = arith.constant 15 : i32
      %and3A_330 = vector.broadcast %and3A_329 : i32 to vector<16xi32>
      %and3A_331 = arith.andi %add3A_328, %and3A_330 : vector<16xi32>
      %shift_right_arithmetic3A_332 = arith.constant 3 : i32
      %shift_right_arithmetic3A_333 = vector.broadcast %shift_right_arithmetic3A_332 : i32 to vector<16xi32>
      %shift_right_arithmetic3A_334 = arith.shrsi %and3A_331, %shift_right_arithmetic3A_333 : vector<16xi32>
      %mul3A_335 = arith.constant 10240 : i32
      %mul3A_336 = vector.broadcast %mul3A_335 : i32 to vector<16xi32>
      %mul3A_337 = arith.muli %shift_right_arithmetic3A_334, %mul3A_336 : vector<16xi32>
      %and3A_338 = arith.constant 7 : i32
      %and3A_339 = vector.broadcast %and3A_338 : i32 to vector<16xi32>
      %and3A_340 = arith.andi %and3A_331, %and3A_339 : vector<16xi32>
      %mul3A_341 = arith.constant 128 : i32
      %mul3A_342 = vector.broadcast %mul3A_341 : i32 to vector<16xi32>
      %mul3A_343 = arith.muli %and3A_340, %mul3A_342 : vector<16xi32>
      %add3A_344 = arith.addi %mul3A_337, %mul3A_343 : vector<16xi32>
      %add3A_345 = arith.addi %add3A_344, %iota3A : vector<16xi32>
      %add3A_346 = arith.constant 16 : i32
      %add3A_347 = vector.broadcast %add3A_346 : i32 to vector<16xi32>
      %add3A_348 = arith.addi %and3A_331, %add3A_347 : vector<16xi32>
      %scan3A_349 = arith.constant 0 : i32
      %scan3A_350 = arith.constant 80 : i32
      %scan3A_351 = arith.addi %scan3A_349, %scan3A_350 : i32
      %scan3A_352 = arith.constant 4 : i32
      scf.for %scan3A_574 = %scan3A_349 to %scan3A_351 step %scan3A_352  : i32 {
        %mul3A_575 = arith.constant 1 : i32
        %mul3A_576 = arith.muli %scan3A_574, %mul3A_575 : i32
        %add3A_577 = arith.constant 0 : i32
        %add3A_578 = arith.addi %add3A_577, %mul3A_576 : i32
        %shift_right_arithmetic3A_579 = arith.constant 3 : i32
        %shift_right_arithmetic3A_580 = arith.shrsi %add3A_578, %shift_right_arithmetic3A_579 : i32
        %and3A_581 = arith.constant 7 : i32
        %and3A_582 = arith.andi %add3A_578, %and3A_581 : i32
        %mul3A_583 = arith.constant 16 : i32
        %mul3A_584 = arith.muli %add3A_578, %mul3A_583 : i32
        %broadcast_in_dim3A = vector.broadcast %mul3A_584 : i32 to vector<16xi32>
        %add3A_585 = arith.addi %broadcast_in_dim3A, %iota3A : vector<16xi32>
        %mul3A_586 = arith.constant 1024 : i32
        %mul3A_587 = arith.muli %shift_right_arithmetic3A_580, %mul3A_586 : i32
        %mul3A_588 = arith.constant 16 : i32
        %mul3A_589 = arith.muli %and3A_582, %mul3A_588 : i32
        %add3A_590 = arith.addi %mul3A_587, %mul3A_589 : i32
        %broadcast_in_dim3A_591 = vector.broadcast %add3A_590 : i32 to vector<16xi32>
        %add3A_592 = arith.addi %broadcast_in_dim3A_591, %add3A_345 : vector<16xi32>
        %gather3A = tpu.vector_load_idx %arg6[%add3A_585, %and3A_331] : memref<1280x32xf32, #tpu.memory_space<vmem>>[vector<16xi32>, vector<16xi32>], vector<16xf32>,
        tpu.vector_store_idx %arg7[%add3A_592], %gather3A : memref<40960xf32, #tpu.memory_space<vmem>>[vector<16xi32>], vector<16xf32>,
        %gather3A_593 = tpu.vector_load_idx %arg6[%add3A_585, %add3A_348] : memref<1280x32xf32, #tpu.memory_space<vmem>>[vector<16xi32>, vector<16xi32>], vector<16xf32>,
        %add3A_594 = arith.constant 20480 : i32
        %add3A_595 = vector.broadcast %add3A_594 : i32 to vector<16xi32>
        %add3A_596 = arith.addi %add3A_592, %add3A_595 : vector<16xi32>
        tpu.vector_store_idx %arg7[%add3A_596], %gather3A_593 : memref<40960xf32, #tpu.memory_space<vmem>>[vector<16xi32>], vector<16xf32>,
        %scan3A_597 = arith.constant 1 : i32
        %scan3A_598 = arith.addi %scan3A_574, %scan3A_597 : i32
        %mul3A_599 = arith.constant 1 : i32
        %mul3A_600 = arith.muli %scan3A_598, %mul3A_599 : i32
        %add3A_601 = arith.constant 0 : i32
        %add3A_602 = arith.addi %add3A_601, %mul3A_600 : i32
        %shift_right_arithmetic3A_603 = arith.constant 3 : i32
        %shift_right_arithmetic3A_604 = arith.shrsi %add3A_602, %shift_right_arithmetic3A_603 : i32
        %and3A_605 = arith.constant 7 : i32
        %and3A_606 = arith.andi %add3A_602, %and3A_605 : i32
        %mul3A_607 = arith.constant 16 : i32
        %mul3A_608 = arith.muli %add3A_602, %mul3A_607 : i32
        %broadcast_in_dim3A_609 = vector.broadcast %mul3A_608 : i32 to vector<16xi32>
        %add3A_610 = arith.addi %broadcast_in_dim3A_609, %iota3A : vector<16xi32>
        %mul3A_611 = arith.constant 1024 : i32
        %mul3A_612 = arith.muli %shift_right_arithmetic3A_604, %mul3A_611 : i32
        %mul3A_613 = arith.constant 16 : i32
        %mul3A_614 = arith.muli %and3A_606, %mul3A_613 : i32
        %add3A_615 = arith.addi %mul3A_612, %mul3A_614 : i32
        %broadcast_in_dim3A_616 = vector.broadcast %add3A_615 : i32 to vector<16xi32>
        %add3A_617 = arith.addi %broadcast_in_dim3A_616, %add3A_345 : vector<16xi32>
        %gather3A_618 = tpu.vector_load_idx %arg6[%add3A_610, %and3A_331] : memref<1280x32xf32, #tpu.memory_space<vmem>>[vector<16xi32>, vector<16xi32>], vector<16xf32>,
        tpu.vector_store_idx %arg7[%add3A_617], %gather3A_618 : memref<40960xf32, #tpu.memory_space<vmem>>[vector<16xi32>], vector<16xf32>,
        %gather3A_619 = tpu.vector_load_idx %arg6[%add3A_610, %add3A_348] : memref<1280x32xf32, #tpu.memory_space<vmem>>[vector<16xi32>, vector<16xi32>], vector<16xf32>,
        %add3A_620 = arith.constant 20480 : i32
        %add3A_621 = vector.broadcast %add3A_620 : i32 to vector<16xi32>
        %add3A_622 = arith.addi %add3A_617, %add3A_621 : vector<16xi32>
        tpu.vector_store_idx %arg7[%add3A_622], %gather3A_619 : memref<40960xf32, #tpu.memory_space<vmem>>[vector<16xi32>], vector<16xf32>,
        %scan3A_623 = arith.constant 2 : i32
        %scan3A_624 = arith.addi %scan3A_574, %scan3A_623 : i32
        %mul3A_625 = arith.constant 1 : i32
        %mul3A_626 = arith.muli %scan3A_624, %mul3A_625 : i32
        %add3A_627 = arith.constant 0 : i32
        %add3A_628 = arith.addi %add3A_627, %mul3A_626 : i32
        %shift_right_arithmetic3A_629 = arith.constant 3 : i32
        %shift_right_arithmetic3A_630 = arith.shrsi %add3A_628, %shift_right_arithmetic3A_629 : i32
        %and3A_631 = arith.constant 7 : i32
        %and3A_632 = arith.andi %add3A_628, %and3A_631 : i32
        %mul3A_633 = arith.constant 16 : i32
        %mul3A_634 = arith.muli %add3A_628, %mul3A_633 : i32
        %broadcast_in_dim3A_635 = vector.broadcast %mul3A_634 : i32 to vector<16xi32>
        %add3A_636 = arith.addi %broadcast_in_dim3A_635, %iota3A : vector<16xi32>
        %mul3A_637 = arith.constant 1024 : i32
        %mul3A_638 = arith.muli %shift_right_arithmetic3A_630, %mul3A_637 : i32
        %mul3A_639 = arith.constant 16 : i32
        %mul3A_640 = arith.muli %and3A_632, %mul3A_639 : i32
        %add3A_641 = arith.addi %mul3A_638, %mul3A_640 : i32
        %broadcast_in_dim3A_642 = vector.broadcast %add3A_641 : i32 to vector<16xi32>
        %add3A_643 = arith.addi %broadcast_in_dim3A_642, %add3A_345 : vector<16xi32>
        %gather3A_644 = tpu.vector_load_idx %arg6[%add3A_636, %and3A_331] : memref<1280x32xf32, #tpu.memory_space<vmem>>[vector<16xi32>, vector<16xi32>], vector<16xf32>,
        tpu.vector_store_idx %arg7[%add3A_643], %gather3A_644 : memref<40960xf32, #tpu.memory_space<vmem>>[vector<16xi32>], vector<16xf32>,
        %gather3A_645 = tpu.vector_load_idx %arg6[%add3A_636, %add3A_348] : memref<1280x32xf32, #tpu.memory_space<vmem>>[vector<16xi32>, vector<16xi32>], vector<16xf32>,
        %add3A_646 = arith.constant 20480 : i32
        %add3A_647 = vector.broadcast %add3A_646 : i32 to vector<16xi32>
        %add3A_648 = arith.addi %add3A_643, %add3A_647 : vector<16xi32>
        tpu.vector_store_idx %arg7[%add3A_648], %gather3A_645 : memref<40960xf32, #tpu.memory_space<vmem>>[vector<16xi32>], vector<16xf32>,
        %scan3A_649 = arith.constant 3 : i32
        %scan3A_650 = arith.addi %scan3A_574, %scan3A_649 : i32
        %mul3A_651 = arith.constant 1 : i32
        %mul3A_652 = arith.muli %scan3A_650, %mul3A_651 : i32
        %add3A_653 = arith.constant 0 : i32
        %add3A_654 = arith.addi %add3A_653, %mul3A_652 : i32
        %shift_right_arithmetic3A_655 = arith.constant 3 : i32
        %shift_right_arithmetic3A_656 = arith.shrsi %add3A_654, %shift_right_arithmetic3A_655 : i32
        %and3A_657 = arith.constant 7 : i32
        %and3A_658 = arith.andi %add3A_654, %and3A_657 : i32
        %mul3A_659 = arith.constant 16 : i32
        %mul3A_660 = arith.muli %add3A_654, %mul3A_659 : i32
        %broadcast_in_dim3A_661 = vector.broadcast %mul3A_660 : i32 to vector<16xi32>
        %add3A_662 = arith.addi %broadcast_in_dim3A_661, %iota3A : vector<16xi32>
        %mul3A_663 = arith.constant 1024 : i32
        %mul3A_664 = arith.muli %shift_right_arithmetic3A_656, %mul3A_663 : i32
        %mul3A_665 = arith.constant 16 : i32
        %mul3A_666 = arith.muli %and3A_658, %mul3A_665 : i32
        %add3A_667 = arith.addi %mul3A_664, %mul3A_666 : i32
        %broadcast_in_dim3A_668 = vector.broadcast %add3A_667 : i32 to vector<16xi32>
        %add3A_669 = arith.addi %broadcast_in_dim3A_668, %add3A_345 : vector<16xi32>
        %gather3A_670 = tpu.vector_load_idx %arg6[%add3A_662, %and3A_331] : memref<1280x32xf32, #tpu.memory_space<vmem>>[vector<16xi32>, vector<16xi32>], vector<16xf32>,
        tpu.vector_store_idx %arg7[%add3A_669], %gather3A_670 : memref<40960xf32, #tpu.memory_space<vmem>>[vector<16xi32>], vector<16xf32>,
        %gather3A_671 = tpu.vector_load_idx %arg6[%add3A_662, %add3A_348] : memref<1280x32xf32, #tpu.memory_space<vmem>>[vector<16xi32>, vector<16xi32>], vector<16xf32>,
        %add3A_672 = arith.constant 20480 : i32
        %add3A_673 = vector.broadcast %add3A_672 : i32 to vector<16xi32>
        %add3A_674 = arith.addi %add3A_669, %add3A_673 : vector<16xi32>
        tpu.vector_store_idx %arg7[%add3A_674], %gather3A_671 : memref<40960xf32, #tpu.memory_space<vmem>>[vector<16xi32>], vector<16xf32>,
      }
      %scan3A_353 = arith.constant 80 : i32
      %add3A_354 = arith.constant 10 : i32
      %add3A_355 = vector.broadcast %add3A_354 : i32 to vector<16xi32>
      %add3A_356 = arith.addi %add3A_355, %iota3A : vector<16xi32>
      %and3A_357 = arith.constant 15 : i32
      %and3A_358 = vector.broadcast %and3A_357 : i32 to vector<16xi32>
      %and3A_359 = arith.andi %add3A_356, %and3A_358 : vector<16xi32>
      %shift_right_arithmetic3A_360 = arith.constant 3 : i32
      %shift_right_arithmetic3A_361 = vector.broadcast %shift_right_arithmetic3A_360 : i32 to vector<16xi32>
      %shift_right_arithmetic3A_362 = arith.shrsi %and3A_359, %shift_right_arithmetic3A_361 : vector<16xi32>
      %mul3A_363 = arith.constant 10240 : i32
      %mul3A_364 = vector.broadcast %mul3A_363 : i32 to vector<16xi32>
      %mul3A_365 = arith.muli %shift_right_arithmetic3A_362, %mul3A_364 : vector<16xi32>
      %and3A_366 = arith.constant 7 : i32
      %and3A_367 = vector.broadcast %and3A_366 : i32 to vector<16xi32>
      %and3A_368 = arith.andi %and3A_359, %and3A_367 : vector<16xi32>
      %mul3A_369 = arith.constant 128 : i32
      %mul3A_370 = vector.broadcast %mul3A_369 : i32 to vector<16xi32>
      %mul3A_371 = arith.muli %and3A_368, %mul3A_370 : vector<16xi32>
      %add3A_372 = arith.addi %mul3A_365, %mul3A_371 : vector<16xi32>
      %add3A_373 = arith.addi %add3A_372, %iota3A : vector<16xi32>
      %add3A_374 = arith.constant 16 : i32
      %add3A_375 = vector.broadcast %add3A_374 : i32 to vector<16xi32>
      %add3A_376 = arith.addi %and3A_359, %add3A_375 : vector<16xi32>
      %scan3A_377 = arith.constant 0 : i32
      %scan3A_378 = arith.constant 80 : i32
      %scan3A_379 = arith.addi %scan3A_377, %scan3A_378 : i32
      %scan3A_380 = arith.constant 4 : i32
      scf.for %scan3A_574 = %scan3A_377 to %scan3A_379 step %scan3A_380  : i32 {
        %mul3A_575 = arith.constant 1 : i32
        %mul3A_576 = arith.muli %scan3A_574, %mul3A_575 : i32
        %add3A_577 = arith.constant 0 : i32
        %add3A_578 = arith.addi %add3A_577, %mul3A_576 : i32
        %shift_right_arithmetic3A_579 = arith.constant 3 : i32
        %shift_right_arithmetic3A_580 = arith.shrsi %add3A_578, %shift_right_arithmetic3A_579 : i32
        %and3A_581 = arith.constant 7 : i32
        %and3A_582 = arith.andi %add3A_578, %and3A_581 : i32
        %mul3A_583 = arith.constant 16 : i32
        %mul3A_584 = arith.muli %add3A_578, %mul3A_583 : i32
        %broadcast_in_dim3A = vector.broadcast %mul3A_584 : i32 to vector<16xi32>
        %add3A_585 = arith.addi %broadcast_in_dim3A, %iota3A : vector<16xi32>
        %mul3A_586 = arith.constant 1024 : i32
        %mul3A_587 = arith.muli %shift_right_arithmetic3A_580, %mul3A_586 : i32
        %mul3A_588 = arith.constant 16 : i32
        %mul3A_589 = arith.muli %and3A_582, %mul3A_588 : i32
        %add3A_590 = arith.addi %mul3A_587, %mul3A_589 : i32
        %broadcast_in_dim3A_591 = vector.broadcast %add3A_590 : i32 to vector<16xi32>
        %add3A_592 = arith.addi %broadcast_in_dim3A_591, %add3A_373 : vector<16xi32>
        %gather3A = tpu.vector_load_idx %arg6[%add3A_585, %and3A_359] : memref<1280x32xf32, #tpu.memory_space<vmem>>[vector<16xi32>, vector<16xi32>], vector<16xf32>,
        tpu.vector_store_idx %arg7[%add3A_592], %gather3A : memref<40960xf32, #tpu.memory_space<vmem>>[vector<16xi32>], vector<16xf32>,
        %gather3A_593 = tpu.vector_load_idx %arg6[%add3A_585, %add3A_376] : memref<1280x32xf32, #tpu.memory_space<vmem>>[vector<16xi32>, vector<16xi32>], vector<16xf32>,
        %add3A_594 = arith.constant 20480 : i32
        %add3A_595 = vector.broadcast %add3A_594 : i32 to vector<16xi32>
        %add3A_596 = arith.addi %add3A_592, %add3A_595 : vector<16xi32>
        tpu.vector_store_idx %arg7[%add3A_596], %gather3A_593 : memref<40960xf32, #tpu.memory_space<vmem>>[vector<16xi32>], vector<16xf32>,
        %scan3A_597 = arith.constant 1 : i32
        %scan3A_598 = arith.addi %scan3A_574, %scan3A_597 : i32
        %mul3A_599 = arith.constant 1 : i32
        %mul3A_600 = arith.muli %scan3A_598, %mul3A_599 : i32
        %add3A_601 = arith.constant 0 : i32
        %add3A_602 = arith.addi %add3A_601, %mul3A_600 : i32
        %shift_right_arithmetic3A_603 = arith.constant 3 : i32
        %shift_right_arithmetic3A_604 = arith.shrsi %add3A_602, %shift_right_arithmetic3A_603 : i32
        %and3A_605 = arith.constant 7 : i32
        %and3A_606 = arith.andi %add3A_602, %and3A_605 : i32
        %mul3A_607 = arith.constant 16 : i32
        %mul3A_608 = arith.muli %add3A_602, %mul3A_607 : i32
        %broadcast_in_dim3A_609 = vector.broadcast %mul3A_608 : i32 to vector<16xi32>
        %add3A_610 = arith.addi %broadcast_in_dim3A_609, %iota3A : vector<16xi32>
        %mul3A_611 = arith.constant 1024 : i32
        %mul3A_612 = arith.muli %shift_right_arithmetic3A_604, %mul3A_611 : i32
        %mul3A_613 = arith.constant 16 : i32
        %mul3A_614 = arith.muli %and3A_606, %mul3A_613 : i32
        %add3A_615 = arith.addi %mul3A_612, %mul3A_614 : i32
        %broadcast_in_dim3A_616 = vector.broadcast %add3A_615 : i32 to vector<16xi32>
        %add3A_617 = arith.addi %broadcast_in_dim3A_616, %add3A_373 : vector<16xi32>
        %gather3A_618 = tpu.vector_load_idx %arg6[%add3A_610, %and3A_359] : memref<1280x32xf32, #tpu.memory_space<vmem>>[vector<16xi32>, vector<16xi32>], vector<16xf32>,
        tpu.vector_store_idx %arg7[%add3A_617], %gather3A_618 : memref<40960xf32, #tpu.memory_space<vmem>>[vector<16xi32>], vector<16xf32>,
        %gather3A_619 = tpu.vector_load_idx %arg6[%add3A_610, %add3A_376] : memref<1280x32xf32, #tpu.memory_space<vmem>>[vector<16xi32>, vector<16xi32>], vector<16xf32>,
        %add3A_620 = arith.constant 20480 : i32
        %add3A_621 = vector.broadcast %add3A_620 : i32 to vector<16xi32>
        %add3A_622 = arith.addi %add3A_617, %add3A_621 : vector<16xi32>
        tpu.vector_store_idx %arg7[%add3A_622], %gather3A_619 : memref<40960xf32, #tpu.memory_space<vmem>>[vector<16xi32>], vector<16xf32>,
        %scan3A_623 = arith.constant 2 : i32
        %scan3A_624 = arith.addi %scan3A_574, %scan3A_623 : i32
        %mul3A_625 = arith.constant 1 : i32
        %mul3A_626 = arith.muli %scan3A_624, %mul3A_625 : i32
        %add3A_627 = arith.constant 0 : i32
        %add3A_628 = arith.addi %add3A_627, %mul3A_626 : i32
        %shift_right_arithmetic3A_629 = arith.constant 3 : i32
        %shift_right_arithmetic3A_630 = arith.shrsi %add3A_628, %shift_right_arithmetic3A_629 : i32
        %and3A_631 = arith.constant 7 : i32
        %and3A_632 = arith.andi %add3A_628, %and3A_631 : i32
        %mul3A_633 = arith.constant 16 : i32
        %mul3A_634 = arith.muli %add3A_628, %mul3A_633 : i32
        %broadcast_in_dim3A_635 = vector.broadcast %mul3A_634 : i32 to vector<16xi32>
        %add3A_636 = arith.addi %broadcast_in_dim3A_635, %iota3A : vector<16xi32>
        %mul3A_637 = arith.constant 1024 : i32
        %mul3A_638 = arith.muli %shift_right_arithmetic3A_630, %mul3A_637 : i32
        %mul3A_639 = arith.constant 16 : i32
        %mul3A_640 = arith.muli %and3A_632, %mul3A_639 : i32
        %add3A_641 = arith.addi %mul3A_638, %mul3A_640 : i32
        %broadcast_in_dim3A_642 = vector.broadcast %add3A_641 : i32 to vector<16xi32>
        %add3A_643 = arith.addi %broadcast_in_dim3A_642, %add3A_373 : vector<16xi32>
        %gather3A_644 = tpu.vector_load_idx %arg6[%add3A_636, %and3A_359] : memref<1280x32xf32, #tpu.memory_space<vmem>>[vector<16xi32>, vector<16xi32>], vector<16xf32>,
        tpu.vector_store_idx %arg7[%add3A_643], %gather3A_644 : memref<40960xf32, #tpu.memory_space<vmem>>[vector<16xi32>], vector<16xf32>,
        %gather3A_645 = tpu.vector_load_idx %arg6[%add3A_636, %add3A_376] : memref<1280x32xf32, #tpu.memory_space<vmem>>[vector<16xi32>, vector<16xi32>], vector<16xf32>,
        %add3A_646 = arith.constant 20480 : i32
        %add3A_647 = vector.broadcast %add3A_646 : i32 to vector<16xi32>
        %add3A_648 = arith.addi %add3A_643, %add3A_647 : vector<16xi32>
        tpu.vector_store_idx %arg7[%add3A_648], %gather3A_645 : memref<40960xf32, #tpu.memory_space<vmem>>[vector<16xi32>], vector<16xf32>,
        %scan3A_649 = arith.constant 3 : i32
        %scan3A_650 = arith.addi %scan3A_574, %scan3A_649 : i32
        %mul3A_651 = arith.constant 1 : i32
        %mul3A_652 = arith.muli %scan3A_650, %mul3A_651 : i32
        %add3A_653 = arith.constant 0 : i32
        %add3A_654 = arith.addi %add3A_653, %mul3A_652 : i32
        %shift_right_arithmetic3A_655 = arith.constant 3 : i32
        %shift_right_arithmetic3A_656 = arith.shrsi %add3A_654, %shift_right_arithmetic3A_655 : i32
        %and3A_657 = arith.constant 7 : i32
        %and3A_658 = arith.andi %add3A_654, %and3A_657 : i32
        %mul3A_659 = arith.constant 16 : i32
        %mul3A_660 = arith.muli %add3A_654, %mul3A_659 : i32
        %broadcast_in_dim3A_661 = vector.broadcast %mul3A_660 : i32 to vector<16xi32>
        %add3A_662 = arith.addi %broadcast_in_dim3A_661, %iota3A : vector<16xi32>
        %mul3A_663 = arith.constant 1024 : i32
        %mul3A_664 = arith.muli %shift_right_arithmetic3A_656, %mul3A_663 : i32
        %mul3A_665 = arith.constant 16 : i32
        %mul3A_666 = arith.muli %and3A_658, %mul3A_665 : i32
        %add3A_667 = arith.addi %mul3A_664, %mul3A_666 : i32
        %broadcast_in_dim3A_668 = vector.broadcast %add3A_667 : i32 to vector<16xi32>
        %add3A_669 = arith.addi %broadcast_in_dim3A_668, %add3A_373 : vector<16xi32>
        %gather3A_670 = tpu.vector_load_idx %arg6[%add3A_662, %and3A_359] : memref<1280x32xf32, #tpu.memory_space<vmem>>[vector<16xi32>, vector<16xi32>], vector<16xf32>,
        tpu.vector_store_idx %arg7[%add3A_669], %gather3A_670 : memref<40960xf32, #tpu.memory_space<vmem>>[vector<16xi32>], vector<16xf32>,
        %gather3A_671 = tpu.vector_load_idx %arg6[%add3A_662, %add3A_376] : memref<1280x32xf32, #tpu.memory_space<vmem>>[vector<16xi32>, vector<16xi32>], vector<16xf32>,
        %add3A_672 = arith.constant 20480 : i32
        %add3A_673 = vector.broadcast %add3A_672 : i32 to vector<16xi32>
        %add3A_674 = arith.addi %add3A_669, %add3A_673 : vector<16xi32>
        tpu.vector_store_idx %arg7[%add3A_674], %gather3A_671 : memref<40960xf32, #tpu.memory_space<vmem>>[vector<16xi32>], vector<16xf32>,
      }
      %scan3A_381 = arith.constant 80 : i32
      %add3A_382 = arith.constant 11 : i32
      %add3A_383 = vector.broadcast %add3A_382 : i32 to vector<16xi32>
      %add3A_384 = arith.addi %add3A_383, %iota3A : vector<16xi32>
      %and3A_385 = arith.constant 15 : i32
      %and3A_386 = vector.broadcast %and3A_385 : i32 to vector<16xi32>
      %and3A_387 = arith.andi %add3A_384, %and3A_386 : vector<16xi32>
      %shift_right_arithmetic3A_388 = arith.constant 3 : i32
      %shift_right_arithmetic3A_389 = vector.broadcast %shift_right_arithmetic3A_388 : i32 to vector<16xi32>
      %shift_right_arithmetic3A_390 = arith.shrsi %and3A_387, %shift_right_arithmetic3A_389 : vector<16xi32>
      %mul3A_391 = arith.constant 10240 : i32
      %mul3A_392 = vector.broadcast %mul3A_391 : i32 to vector<16xi32>
      %mul3A_393 = arith.muli %shift_right_arithmetic3A_390, %mul3A_392 : vector<16xi32>
      %and3A_394 = arith.constant 7 : i32
      %and3A_395 = vector.broadcast %and3A_394 : i32 to vector<16xi32>
      %and3A_396 = arith.andi %and3A_387, %and3A_395 : vector<16xi32>
      %mul3A_397 = arith.constant 128 : i32
      %mul3A_398 = vector.broadcast %mul3A_397 : i32 to vector<16xi32>
      %mul3A_399 = arith.muli %and3A_396, %mul3A_398 : vector<16xi32>
      %add3A_400 = arith.addi %mul3A_393, %mul3A_399 : vector<16xi32>
      %add3A_401 = arith.addi %add3A_400, %iota3A : vector<16xi32>
      %add3A_402 = arith.constant 16 : i32
      %add3A_403 = vector.broadcast %add3A_402 : i32 to vector<16xi32>
      %add3A_404 = arith.addi %and3A_387, %add3A_403 : vector<16xi32>
      %scan3A_405 = arith.constant 0 : i32
      %scan3A_406 = arith.constant 80 : i32
      %scan3A_407 = arith.addi %scan3A_405, %scan3A_406 : i32
      %scan3A_408 = arith.constant 4 : i32
      scf.for %scan3A_574 = %scan3A_405 to %scan3A_407 step %scan3A_408  : i32 {
        %mul3A_575 = arith.constant 1 : i32
        %mul3A_576 = arith.muli %scan3A_574, %mul3A_575 : i32
        %add3A_577 = arith.constant 0 : i32
        %add3A_578 = arith.addi %add3A_577, %mul3A_576 : i32
        %shift_right_arithmetic3A_579 = arith.constant 3 : i32
        %shift_right_arithmetic3A_580 = arith.shrsi %add3A_578, %shift_right_arithmetic3A_579 : i32
        %and3A_581 = arith.constant 7 : i32
        %and3A_582 = arith.andi %add3A_578, %and3A_581 : i32
        %mul3A_583 = arith.constant 16 : i32
        %mul3A_584 = arith.muli %add3A_578, %mul3A_583 : i32
        %broadcast_in_dim3A = vector.broadcast %mul3A_584 : i32 to vector<16xi32>
        %add3A_585 = arith.addi %broadcast_in_dim3A, %iota3A : vector<16xi32>
        %mul3A_586 = arith.constant 1024 : i32
        %mul3A_587 = arith.muli %shift_right_arithmetic3A_580, %mul3A_586 : i32
        %mul3A_588 = arith.constant 16 : i32
        %mul3A_589 = arith.muli %and3A_582, %mul3A_588 : i32
        %add3A_590 = arith.addi %mul3A_587, %mul3A_589 : i32
        %broadcast_in_dim3A_591 = vector.broadcast %add3A_590 : i32 to vector<16xi32>
        %add3A_592 = arith.addi %broadcast_in_dim3A_591, %add3A_401 : vector<16xi32>
        %gather3A = tpu.vector_load_idx %arg6[%add3A_585, %and3A_387] : memref<1280x32xf32, #tpu.memory_space<vmem>>[vector<16xi32>, vector<16xi32>], vector<16xf32>,
        tpu.vector_store_idx %arg7[%add3A_592], %gather3A : memref<40960xf32, #tpu.memory_space<vmem>>[vector<16xi32>], vector<16xf32>,
        %gather3A_593 = tpu.vector_load_idx %arg6[%add3A_585, %add3A_404] : memref<1280x32xf32, #tpu.memory_space<vmem>>[vector<16xi32>, vector<16xi32>], vector<16xf32>,
        %add3A_594 = arith.constant 20480 : i32
        %add3A_595 = vector.broadcast %add3A_594 : i32 to vector<16xi32>
        %add3A_596 = arith.addi %add3A_592, %add3A_595 : vector<16xi32>
        tpu.vector_store_idx %arg7[%add3A_596], %gather3A_593 : memref<40960xf32, #tpu.memory_space<vmem>>[vector<16xi32>], vector<16xf32>,
        %scan3A_597 = arith.constant 1 : i32
        %scan3A_598 = arith.addi %scan3A_574, %scan3A_597 : i32
        %mul3A_599 = arith.constant 1 : i32
        %mul3A_600 = arith.muli %scan3A_598, %mul3A_599 : i32
        %add3A_601 = arith.constant 0 : i32
        %add3A_602 = arith.addi %add3A_601, %mul3A_600 : i32
        %shift_right_arithmetic3A_603 = arith.constant 3 : i32
        %shift_right_arithmetic3A_604 = arith.shrsi %add3A_602, %shift_right_arithmetic3A_603 : i32
        %and3A_605 = arith.constant 7 : i32
        %and3A_606 = arith.andi %add3A_602, %and3A_605 : i32
        %mul3A_607 = arith.constant 16 : i32
        %mul3A_608 = arith.muli %add3A_602, %mul3A_607 : i32
        %broadcast_in_dim3A_609 = vector.broadcast %mul3A_608 : i32 to vector<16xi32>
        %add3A_610 = arith.addi %broadcast_in_dim3A_609, %iota3A : vector<16xi32>
        %mul3A_611 = arith.constant 1024 : i32
        %mul3A_612 = arith.muli %shift_right_arithmetic3A_604, %mul3A_611 : i32
        %mul3A_613 = arith.constant 16 : i32
        %mul3A_614 = arith.muli %and3A_606, %mul3A_613 : i32
        %add3A_615 = arith.addi %mul3A_612, %mul3A_614 : i32
        %broadcast_in_dim3A_616 = vector.broadcast %add3A_615 : i32 to vector<16xi32>
        %add3A_617 = arith.addi %broadcast_in_dim3A_616, %add3A_401 : vector<16xi32>
        %gather3A_618 = tpu.vector_load_idx %arg6[%add3A_610, %and3A_387] : memref<1280x32xf32, #tpu.memory_space<vmem>>[vector<16xi32>, vector<16xi32>], vector<16xf32>,
        tpu.vector_store_idx %arg7[%add3A_617], %gather3A_618 : memref<40960xf32, #tpu.memory_space<vmem>>[vector<16xi32>], vector<16xf32>,
        %gather3A_619 = tpu.vector_load_idx %arg6[%add3A_610, %add3A_404] : memref<1280x32xf32, #tpu.memory_space<vmem>>[vector<16xi32>, vector<16xi32>], vector<16xf32>,
        %add3A_620 = arith.constant 20480 : i32
        %add3A_621 = vector.broadcast %add3A_620 : i32 to vector<16xi32>
        %add3A_622 = arith.addi %add3A_617, %add3A_621 : vector<16xi32>
        tpu.vector_store_idx %arg7[%add3A_622], %gather3A_619 : memref<40960xf32, #tpu.memory_space<vmem>>[vector<16xi32>], vector<16xf32>,
        %scan3A_623 = arith.constant 2 : i32
        %scan3A_624 = arith.addi %scan3A_574, %scan3A_623 : i32
        %mul3A_625 = arith.constant 1 : i32
        %mul3A_626 = arith.muli %scan3A_624, %mul3A_625 : i32
        %add3A_627 = arith.constant 0 : i32
        %add3A_628 = arith.addi %add3A_627, %mul3A_626 : i32
        %shift_right_arithmetic3A_629 = arith.constant 3 : i32
        %shift_right_arithmetic3A_630 = arith.shrsi %add3A_628, %shift_right_arithmetic3A_629 : i32
        %and3A_631 = arith.constant 7 : i32
        %and3A_632 = arith.andi %add3A_628, %and3A_631 : i32
        %mul3A_633 = arith.constant 16 : i32
        %mul3A_634 = arith.muli %add3A_628, %mul3A_633 : i32
        %broadcast_in_dim3A_635 = vector.broadcast %mul3A_634 : i32 to vector<16xi32>
        %add3A_636 = arith.addi %broadcast_in_dim3A_635, %iota3A : vector<16xi32>
        %mul3A_637 = arith.constant 1024 : i32
        %mul3A_638 = arith.muli %shift_right_arithmetic3A_630, %mul3A_637 : i32
        %mul3A_639 = arith.constant 16 : i32
        %mul3A_640 = arith.muli %and3A_632, %mul3A_639 : i32
        %add3A_641 = arith.addi %mul3A_638, %mul3A_640 : i32
        %broadcast_in_dim3A_642 = vector.broadcast %add3A_641 : i32 to vector<16xi32>
        %add3A_643 = arith.addi %broadcast_in_dim3A_642, %add3A_401 : vector<16xi32>
        %gather3A_644 = tpu.vector_load_idx %arg6[%add3A_636, %and3A_387] : memref<1280x32xf32, #tpu.memory_space<vmem>>[vector<16xi32>, vector<16xi32>], vector<16xf32>,
        tpu.vector_store_idx %arg7[%add3A_643], %gather3A_644 : memref<40960xf32, #tpu.memory_space<vmem>>[vector<16xi32>], vector<16xf32>,
        %gather3A_645 = tpu.vector_load_idx %arg6[%add3A_636, %add3A_404] : memref<1280x32xf32, #tpu.memory_space<vmem>>[vector<16xi32>, vector<16xi32>], vector<16xf32>,
        %add3A_646 = arith.constant 20480 : i32
        %add3A_647 = vector.broadcast %add3A_646 : i32 to vector<16xi32>
        %add3A_648 = arith.addi %add3A_643, %add3A_647 : vector<16xi32>
        tpu.vector_store_idx %arg7[%add3A_648], %gather3A_645 : memref<40960xf32, #tpu.memory_space<vmem>>[vector<16xi32>], vector<16xf32>,
        %scan3A_649 = arith.constant 3 : i32
        %scan3A_650 = arith.addi %scan3A_574, %scan3A_649 : i32
        %mul3A_651 = arith.constant 1 : i32
        %mul3A_652 = arith.muli %scan3A_650, %mul3A_651 : i32
        %add3A_653 = arith.constant 0 : i32
        %add3A_654 = arith.addi %add3A_653, %mul3A_652 : i32
        %shift_right_arithmetic3A_655 = arith.constant 3 : i32
        %shift_right_arithmetic3A_656 = arith.shrsi %add3A_654, %shift_right_arithmetic3A_655 : i32
        %and3A_657 = arith.constant 7 : i32
        %and3A_658 = arith.andi %add3A_654, %and3A_657 : i32
        %mul3A_659 = arith.constant 16 : i32
        %mul3A_660 = arith.muli %add3A_654, %mul3A_659 : i32
        %broadcast_in_dim3A_661 = vector.broadcast %mul3A_660 : i32 to vector<16xi32>
        %add3A_662 = arith.addi %broadcast_in_dim3A_661, %iota3A : vector<16xi32>
        %mul3A_663 = arith.constant 1024 : i32
        %mul3A_664 = arith.muli %shift_right_arithmetic3A_656, %mul3A_663 : i32
        %mul3A_665 = arith.constant 16 : i32
        %mul3A_666 = arith.muli %and3A_658, %mul3A_665 : i32
        %add3A_667 = arith.addi %mul3A_664, %mul3A_666 : i32
        %broadcast_in_dim3A_668 = vector.broadcast %add3A_667 : i32 to vector<16xi32>
        %add3A_669 = arith.addi %broadcast_in_dim3A_668, %add3A_401 : vector<16xi32>
        %gather3A_670 = tpu.vector_load_idx %arg6[%add3A_662, %and3A_387] : memref<1280x32xf32, #tpu.memory_space<vmem>>[vector<16xi32>, vector<16xi32>], vector<16xf32>,
        tpu.vector_store_idx %arg7[%add3A_669], %gather3A_670 : memref<40960xf32, #tpu.memory_space<vmem>>[vector<16xi32>], vector<16xf32>,
        %gather3A_671 = tpu.vector_load_idx %arg6[%add3A_662, %add3A_404] : memref<1280x32xf32, #tpu.memory_space<vmem>>[vector<16xi32>, vector<16xi32>], vector<16xf32>,
        %add3A_672 = arith.constant 20480 : i32
        %add3A_673 = vector.broadcast %add3A_672 : i32 to vector<16xi32>
        %add3A_674 = arith.addi %add3A_669, %add3A_673 : vector<16xi32>
        tpu.vector_store_idx %arg7[%add3A_674], %gather3A_671 : memref<40960xf32, #tpu.memory_space<vmem>>[vector<16xi32>], vector<16xf32>,
      }
      %scan3A_409 = arith.constant 80 : i32
      %add3A_410 = arith.constant 12 : i32
      %add3A_411 = vector.broadcast %add3A_410 : i32 to vector<16xi32>
      %add3A_412 = arith.addi %add3A_411, %iota3A : vector<16xi32>
      %and3A_413 = arith.constant 15 : i32
      %and3A_414 = vector.broadcast %and3A_413 : i32 to vector<16xi32>
      %and3A_415 = arith.andi %add3A_412, %and3A_414 : vector<16xi32>
      %shift_right_arithmetic3A_416 = arith.constant 3 : i32
      %shift_right_arithmetic3A_417 = vector.broadcast %shift_right_arithmetic3A_416 : i32 to vector<16xi32>
      %shift_right_arithmetic3A_418 = arith.shrsi %and3A_415, %shift_right_arithmetic3A_417 : vector<16xi32>
      %mul3A_419 = arith.constant 10240 : i32
      %mul3A_420 = vector.broadcast %mul3A_419 : i32 to vector<16xi32>
      %mul3A_421 = arith.muli %shift_right_arithmetic3A_418, %mul3A_420 : vector<16xi32>
      %and3A_422 = arith.constant 7 : i32
      %and3A_423 = vector.broadcast %and3A_422 : i32 to vector<16xi32>
      %and3A_424 = arith.andi %and3A_415, %and3A_423 : vector<16xi32>
      %mul3A_425 = arith.constant 128 : i32
      %mul3A_426 = vector.broadcast %mul3A_425 : i32 to vector<16xi32>
      %mul3A_427 = arith.muli %and3A_424, %mul3A_426 : vector<16xi32>
      %add3A_428 = arith.addi %mul3A_421, %mul3A_427 : vector<16xi32>
      %add3A_429 = arith.addi %add3A_428, %iota3A : vector<16xi32>
      %add3A_430 = arith.constant 16 : i32
      %add3A_431 = vector.broadcast %add3A_430 : i32 to vector<16xi32>
      %add3A_432 = arith.addi %and3A_415, %add3A_431 : vector<16xi32>
      %scan3A_433 = arith.constant 0 : i32
      %scan3A_434 = arith.constant 80 : i32
      %scan3A_435 = arith.addi %scan3A_433, %scan3A_434 : i32
      %scan3A_436 = arith.constant 4 : i32
      scf.for %scan3A_574 = %scan3A_433 to %scan3A_435 step %scan3A_436  : i32 {
        %mul3A_575 = arith.constant 1 : i32
        %mul3A_576 = arith.muli %scan3A_574, %mul3A_575 : i32
        %add3A_577 = arith.constant 0 : i32
        %add3A_578 = arith.addi %add3A_577, %mul3A_576 : i32
        %shift_right_arithmetic3A_579 = arith.constant 3 : i32
        %shift_right_arithmetic3A_580 = arith.shrsi %add3A_578, %shift_right_arithmetic3A_579 : i32
        %and3A_581 = arith.constant 7 : i32
        %and3A_582 = arith.andi %add3A_578, %and3A_581 : i32
        %mul3A_583 = arith.constant 16 : i32
        %mul3A_584 = arith.muli %add3A_578, %mul3A_583 : i32
        %broadcast_in_dim3A = vector.broadcast %mul3A_584 : i32 to vector<16xi32>
        %add3A_585 = arith.addi %broadcast_in_dim3A, %iota3A : vector<16xi32>
        %mul3A_586 = arith.constant 1024 : i32
        %mul3A_587 = arith.muli %shift_right_arithmetic3A_580, %mul3A_586 : i32
        %mul3A_588 = arith.constant 16 : i32
        %mul3A_589 = arith.muli %and3A_582, %mul3A_588 : i32
        %add3A_590 = arith.addi %mul3A_587, %mul3A_589 : i32
        %broadcast_in_dim3A_591 = vector.broadcast %add3A_590 : i32 to vector<16xi32>
        %add3A_592 = arith.addi %broadcast_in_dim3A_591, %add3A_429 : vector<16xi32>
        %gather3A = tpu.vector_load_idx %arg6[%add3A_585, %and3A_415] : memref<1280x32xf32, #tpu.memory_space<vmem>>[vector<16xi32>, vector<16xi32>], vector<16xf32>,
        tpu.vector_store_idx %arg7[%add3A_592], %gather3A : memref<40960xf32, #tpu.memory_space<vmem>>[vector<16xi32>], vector<16xf32>,
        %gather3A_593 = tpu.vector_load_idx %arg6[%add3A_585, %add3A_432] : memref<1280x32xf32, #tpu.memory_space<vmem>>[vector<16xi32>, vector<16xi32>], vector<16xf32>,
        %add3A_594 = arith.constant 20480 : i32
        %add3A_595 = vector.broadcast %add3A_594 : i32 to vector<16xi32>
        %add3A_596 = arith.addi %add3A_592, %add3A_595 : vector<16xi32>
        tpu.vector_store_idx %arg7[%add3A_596], %gather3A_593 : memref<40960xf32, #tpu.memory_space<vmem>>[vector<16xi32>], vector<16xf32>,
        %scan3A_597 = arith.constant 1 : i32
        %scan3A_598 = arith.addi %scan3A_574, %scan3A_597 : i32
        %mul3A_599 = arith.constant 1 : i32
        %mul3A_600 = arith.muli %scan3A_598, %mul3A_599 : i32
        %add3A_601 = arith.constant 0 : i32
        %add3A_602 = arith.addi %add3A_601, %mul3A_600 : i32
        %shift_right_arithmetic3A_603 = arith.constant 3 : i32
        %shift_right_arithmetic3A_604 = arith.shrsi %add3A_602, %shift_right_arithmetic3A_603 : i32
        %and3A_605 = arith.constant 7 : i32
        %and3A_606 = arith.andi %add3A_602, %and3A_605 : i32
        %mul3A_607 = arith.constant 16 : i32
        %mul3A_608 = arith.muli %add3A_602, %mul3A_607 : i32
        %broadcast_in_dim3A_609 = vector.broadcast %mul3A_608 : i32 to vector<16xi32>
        %add3A_610 = arith.addi %broadcast_in_dim3A_609, %iota3A : vector<16xi32>
        %mul3A_611 = arith.constant 1024 : i32
        %mul3A_612 = arith.muli %shift_right_arithmetic3A_604, %mul3A_611 : i32
        %mul3A_613 = arith.constant 16 : i32
        %mul3A_614 = arith.muli %and3A_606, %mul3A_613 : i32
        %add3A_615 = arith.addi %mul3A_612, %mul3A_614 : i32
        %broadcast_in_dim3A_616 = vector.broadcast %add3A_615 : i32 to vector<16xi32>
        %add3A_617 = arith.addi %broadcast_in_dim3A_616, %add3A_429 : vector<16xi32>
        %gather3A_618 = tpu.vector_load_idx %arg6[%add3A_610, %and3A_415] : memref<1280x32xf32, #tpu.memory_space<vmem>>[vector<16xi32>, vector<16xi32>], vector<16xf32>,
        tpu.vector_store_idx %arg7[%add3A_617], %gather3A_618 : memref<40960xf32, #tpu.memory_space<vmem>>[vector<16xi32>], vector<16xf32>,
        %gather3A_619 = tpu.vector_load_idx %arg6[%add3A_610, %add3A_432] : memref<1280x32xf32, #tpu.memory_space<vmem>>[vector<16xi32>, vector<16xi32>], vector<16xf32>,
        %add3A_620 = arith.constant 20480 : i32
        %add3A_621 = vector.broadcast %add3A_620 : i32 to vector<16xi32>
        %add3A_622 = arith.addi %add3A_617, %add3A_621 : vector<16xi32>
        tpu.vector_store_idx %arg7[%add3A_622], %gather3A_619 : memref<40960xf32, #tpu.memory_space<vmem>>[vector<16xi32>], vector<16xf32>,
        %scan3A_623 = arith.constant 2 : i32
        %scan3A_624 = arith.addi %scan3A_574, %scan3A_623 : i32
        %mul3A_625 = arith.constant 1 : i32
        %mul3A_626 = arith.muli %scan3A_624, %mul3A_625 : i32
        %add3A_627 = arith.constant 0 : i32
        %add3A_628 = arith.addi %add3A_627, %mul3A_626 : i32
        %shift_right_arithmetic3A_629 = arith.constant 3 : i32
        %shift_right_arithmetic3A_630 = arith.shrsi %add3A_628, %shift_right_arithmetic3A_629 : i32
        %and3A_631 = arith.constant 7 : i32
        %and3A_632 = arith.andi %add3A_628, %and3A_631 : i32
        %mul3A_633 = arith.constant 16 : i32
        %mul3A_634 = arith.muli %add3A_628, %mul3A_633 : i32
        %broadcast_in_dim3A_635 = vector.broadcast %mul3A_634 : i32 to vector<16xi32>
        %add3A_636 = arith.addi %broadcast_in_dim3A_635, %iota3A : vector<16xi32>
        %mul3A_637 = arith.constant 1024 : i32
        %mul3A_638 = arith.muli %shift_right_arithmetic3A_630, %mul3A_637 : i32
        %mul3A_639 = arith.constant 16 : i32
        %mul3A_640 = arith.muli %and3A_632, %mul3A_639 : i32
        %add3A_641 = arith.addi %mul3A_638, %mul3A_640 : i32
        %broadcast_in_dim3A_642 = vector.broadcast %add3A_641 : i32 to vector<16xi32>
        %add3A_643 = arith.addi %broadcast_in_dim3A_642, %add3A_429 : vector<16xi32>
        %gather3A_644 = tpu.vector_load_idx %arg6[%add3A_636, %and3A_415] : memref<1280x32xf32, #tpu.memory_space<vmem>>[vector<16xi32>, vector<16xi32>], vector<16xf32>,
        tpu.vector_store_idx %arg7[%add3A_643], %gather3A_644 : memref<40960xf32, #tpu.memory_space<vmem>>[vector<16xi32>], vector<16xf32>,
        %gather3A_645 = tpu.vector_load_idx %arg6[%add3A_636, %add3A_432] : memref<1280x32xf32, #tpu.memory_space<vmem>>[vector<16xi32>, vector<16xi32>], vector<16xf32>,
        %add3A_646 = arith.constant 20480 : i32
        %add3A_647 = vector.broadcast %add3A_646 : i32 to vector<16xi32>
        %add3A_648 = arith.addi %add3A_643, %add3A_647 : vector<16xi32>
        tpu.vector_store_idx %arg7[%add3A_648], %gather3A_645 : memref<40960xf32, #tpu.memory_space<vmem>>[vector<16xi32>], vector<16xf32>,
        %scan3A_649 = arith.constant 3 : i32
        %scan3A_650 = arith.addi %scan3A_574, %scan3A_649 : i32
        %mul3A_651 = arith.constant 1 : i32
        %mul3A_652 = arith.muli %scan3A_650, %mul3A_651 : i32
        %add3A_653 = arith.constant 0 : i32
        %add3A_654 = arith.addi %add3A_653, %mul3A_652 : i32
        %shift_right_arithmetic3A_655 = arith.constant 3 : i32
        %shift_right_arithmetic3A_656 = arith.shrsi %add3A_654, %shift_right_arithmetic3A_655 : i32
        %and3A_657 = arith.constant 7 : i32
        %and3A_658 = arith.andi %add3A_654, %and3A_657 : i32
        %mul3A_659 = arith.constant 16 : i32
        %mul3A_660 = arith.muli %add3A_654, %mul3A_659 : i32
        %broadcast_in_dim3A_661 = vector.broadcast %mul3A_660 : i32 to vector<16xi32>
        %add3A_662 = arith.addi %broadcast_in_dim3A_661, %iota3A : vector<16xi32>
        %mul3A_663 = arith.constant 1024 : i32
        %mul3A_664 = arith.muli %shift_right_arithmetic3A_656, %mul3A_663 : i32
        %mul3A_665 = arith.constant 16 : i32
        %mul3A_666 = arith.muli %and3A_658, %mul3A_665 : i32
        %add3A_667 = arith.addi %mul3A_664, %mul3A_666 : i32
        %broadcast_in_dim3A_668 = vector.broadcast %add3A_667 : i32 to vector<16xi32>
        %add3A_669 = arith.addi %broadcast_in_dim3A_668, %add3A_429 : vector<16xi32>
        %gather3A_670 = tpu.vector_load_idx %arg6[%add3A_662, %and3A_415] : memref<1280x32xf32, #tpu.memory_space<vmem>>[vector<16xi32>, vector<16xi32>], vector<16xf32>,
        tpu.vector_store_idx %arg7[%add3A_669], %gather3A_670 : memref<40960xf32, #tpu.memory_space<vmem>>[vector<16xi32>], vector<16xf32>,
        %gather3A_671 = tpu.vector_load_idx %arg6[%add3A_662, %add3A_432] : memref<1280x32xf32, #tpu.memory_space<vmem>>[vector<16xi32>, vector<16xi32>], vector<16xf32>,
        %add3A_672 = arith.constant 20480 : i32
        %add3A_673 = vector.broadcast %add3A_672 : i32 to vector<16xi32>
        %add3A_674 = arith.addi %add3A_669, %add3A_673 : vector<16xi32>
        tpu.vector_store_idx %arg7[%add3A_674], %gather3A_671 : memref<40960xf32, #tpu.memory_space<vmem>>[vector<16xi32>], vector<16xf32>,
      }
      %scan3A_437 = arith.constant 80 : i32
      %add3A_438 = arith.constant 13 : i32
      %add3A_439 = vector.broadcast %add3A_438 : i32 to vector<16xi32>
      %add3A_440 = arith.addi %add3A_439, %iota3A : vector<16xi32>
      %and3A_441 = arith.constant 15 : i32
      %and3A_442 = vector.broadcast %and3A_441 : i32 to vector<16xi32>
      %and3A_443 = arith.andi %add3A_440, %and3A_442 : vector<16xi32>
      %shift_right_arithmetic3A_444 = arith.constant 3 : i32
      %shift_right_arithmetic3A_445 = vector.broadcast %shift_right_arithmetic3A_444 : i32 to vector<16xi32>
      %shift_right_arithmetic3A_446 = arith.shrsi %and3A_443, %shift_right_arithmetic3A_445 : vector<16xi32>
      %mul3A_447 = arith.constant 10240 : i32
      %mul3A_448 = vector.broadcast %mul3A_447 : i32 to vector<16xi32>
      %mul3A_449 = arith.muli %shift_right_arithmetic3A_446, %mul3A_448 : vector<16xi32>
      %and3A_450 = arith.constant 7 : i32
      %and3A_451 = vector.broadcast %and3A_450 : i32 to vector<16xi32>
      %and3A_452 = arith.andi %and3A_443, %and3A_451 : vector<16xi32>
      %mul3A_453 = arith.constant 128 : i32
      %mul3A_454 = vector.broadcast %mul3A_453 : i32 to vector<16xi32>
      %mul3A_455 = arith.muli %and3A_452, %mul3A_454 : vector<16xi32>
      %add3A_456 = arith.addi %mul3A_449, %mul3A_455 : vector<16xi32>
      %add3A_457 = arith.addi %add3A_456, %iota3A : vector<16xi32>
      %add3A_458 = arith.constant 16 : i32
      %add3A_459 = vector.broadcast %add3A_458 : i32 to vector<16xi32>
      %add3A_460 = arith.addi %and3A_443, %add3A_459 : vector<16xi32>
      %scan3A_461 = arith.constant 0 : i32
      %scan3A_462 = arith.constant 80 : i32
      %scan3A_463 = arith.addi %scan3A_461, %scan3A_462 : i32
      %scan3A_464 = arith.constant 4 : i32
      scf.for %scan3A_574 = %scan3A_461 to %scan3A_463 step %scan3A_464  : i32 {
        %mul3A_575 = arith.constant 1 : i32
        %mul3A_576 = arith.muli %scan3A_574, %mul3A_575 : i32
        %add3A_577 = arith.constant 0 : i32
        %add3A_578 = arith.addi %add3A_577, %mul3A_576 : i32
        %shift_right_arithmetic3A_579 = arith.constant 3 : i32
        %shift_right_arithmetic3A_580 = arith.shrsi %add3A_578, %shift_right_arithmetic3A_579 : i32
        %and3A_581 = arith.constant 7 : i32
        %and3A_582 = arith.andi %add3A_578, %and3A_581 : i32
        %mul3A_583 = arith.constant 16 : i32
        %mul3A_584 = arith.muli %add3A_578, %mul3A_583 : i32
        %broadcast_in_dim3A = vector.broadcast %mul3A_584 : i32 to vector<16xi32>
        %add3A_585 = arith.addi %broadcast_in_dim3A, %iota3A : vector<16xi32>
        %mul3A_586 = arith.constant 1024 : i32
        %mul3A_587 = arith.muli %shift_right_arithmetic3A_580, %mul3A_586 : i32
        %mul3A_588 = arith.constant 16 : i32
        %mul3A_589 = arith.muli %and3A_582, %mul3A_588 : i32
        %add3A_590 = arith.addi %mul3A_587, %mul3A_589 : i32
        %broadcast_in_dim3A_591 = vector.broadcast %add3A_590 : i32 to vector<16xi32>
        %add3A_592 = arith.addi %broadcast_in_dim3A_591, %add3A_457 : vector<16xi32>
        %gather3A = tpu.vector_load_idx %arg6[%add3A_585, %and3A_443] : memref<1280x32xf32, #tpu.memory_space<vmem>>[vector<16xi32>, vector<16xi32>], vector<16xf32>,
        tpu.vector_store_idx %arg7[%add3A_592], %gather3A : memref<40960xf32, #tpu.memory_space<vmem>>[vector<16xi32>], vector<16xf32>,
        %gather3A_593 = tpu.vector_load_idx %arg6[%add3A_585, %add3A_460] : memref<1280x32xf32, #tpu.memory_space<vmem>>[vector<16xi32>, vector<16xi32>], vector<16xf32>,
        %add3A_594 = arith.constant 20480 : i32
        %add3A_595 = vector.broadcast %add3A_594 : i32 to vector<16xi32>
        %add3A_596 = arith.addi %add3A_592, %add3A_595 : vector<16xi32>
        tpu.vector_store_idx %arg7[%add3A_596], %gather3A_593 : memref<40960xf32, #tpu.memory_space<vmem>>[vector<16xi32>], vector<16xf32>,
        %scan3A_597 = arith.constant 1 : i32
        %scan3A_598 = arith.addi %scan3A_574, %scan3A_597 : i32
        %mul3A_599 = arith.constant 1 : i32
        %mul3A_600 = arith.muli %scan3A_598, %mul3A_599 : i32
        %add3A_601 = arith.constant 0 : i32
        %add3A_602 = arith.addi %add3A_601, %mul3A_600 : i32
        %shift_right_arithmetic3A_603 = arith.constant 3 : i32
        %shift_right_arithmetic3A_604 = arith.shrsi %add3A_602, %shift_right_arithmetic3A_603 : i32
        %and3A_605 = arith.constant 7 : i32
        %and3A_606 = arith.andi %add3A_602, %and3A_605 : i32
        %mul3A_607 = arith.constant 16 : i32
        %mul3A_608 = arith.muli %add3A_602, %mul3A_607 : i32
        %broadcast_in_dim3A_609 = vector.broadcast %mul3A_608 : i32 to vector<16xi32>
        %add3A_610 = arith.addi %broadcast_in_dim3A_609, %iota3A : vector<16xi32>
        %mul3A_611 = arith.constant 1024 : i32
        %mul3A_612 = arith.muli %shift_right_arithmetic3A_604, %mul3A_611 : i32
        %mul3A_613 = arith.constant 16 : i32
        %mul3A_614 = arith.muli %and3A_606, %mul3A_613 : i32
        %add3A_615 = arith.addi %mul3A_612, %mul3A_614 : i32
        %broadcast_in_dim3A_616 = vector.broadcast %add3A_615 : i32 to vector<16xi32>
        %add3A_617 = arith.addi %broadcast_in_dim3A_616, %add3A_457 : vector<16xi32>
        %gather3A_618 = tpu.vector_load_idx %arg6[%add3A_610, %and3A_443] : memref<1280x32xf32, #tpu.memory_space<vmem>>[vector<16xi32>, vector<16xi32>], vector<16xf32>,
        tpu.vector_store_idx %arg7[%add3A_617], %gather3A_618 : memref<40960xf32, #tpu.memory_space<vmem>>[vector<16xi32>], vector<16xf32>,
        %gather3A_619 = tpu.vector_load_idx %arg6[%add3A_610, %add3A_460] : memref<1280x32xf32, #tpu.memory_space<vmem>>[vector<16xi32>, vector<16xi32>], vector<16xf32>,
        %add3A_620 = arith.constant 20480 : i32
        %add3A_621 = vector.broadcast %add3A_620 : i32 to vector<16xi32>
        %add3A_622 = arith.addi %add3A_617, %add3A_621 : vector<16xi32>
        tpu.vector_store_idx %arg7[%add3A_622], %gather3A_619 : memref<40960xf32, #tpu.memory_space<vmem>>[vector<16xi32>], vector<16xf32>,
        %scan3A_623 = arith.constant 2 : i32
        %scan3A_624 = arith.addi %scan3A_574, %scan3A_623 : i32
        %mul3A_625 = arith.constant 1 : i32
        %mul3A_626 = arith.muli %scan3A_624, %mul3A_625 : i32
        %add3A_627 = arith.constant 0 : i32
        %add3A_628 = arith.addi %add3A_627, %mul3A_626 : i32
        %shift_right_arithmetic3A_629 = arith.constant 3 : i32
        %shift_right_arithmetic3A_630 = arith.shrsi %add3A_628, %shift_right_arithmetic3A_629 : i32
        %and3A_631 = arith.constant 7 : i32
        %and3A_632 = arith.andi %add3A_628, %and3A_631 : i32
        %mul3A_633 = arith.constant 16 : i32
        %mul3A_634 = arith.muli %add3A_628, %mul3A_633 : i32
        %broadcast_in_dim3A_635 = vector.broadcast %mul3A_634 : i32 to vector<16xi32>
        %add3A_636 = arith.addi %broadcast_in_dim3A_635, %iota3A : vector<16xi32>
        %mul3A_637 = arith.constant 1024 : i32
        %mul3A_638 = arith.muli %shift_right_arithmetic3A_630, %mul3A_637 : i32
        %mul3A_639 = arith.constant 16 : i32
        %mul3A_640 = arith.muli %and3A_632, %mul3A_639 : i32
        %add3A_641 = arith.addi %mul3A_638, %mul3A_640 : i32
        %broadcast_in_dim3A_642 = vector.broadcast %add3A_641 : i32 to vector<16xi32>
        %add3A_643 = arith.addi %broadcast_in_dim3A_642, %add3A_457 : vector<16xi32>
        %gather3A_644 = tpu.vector_load_idx %arg6[%add3A_636, %and3A_443] : memref<1280x32xf32, #tpu.memory_space<vmem>>[vector<16xi32>, vector<16xi32>], vector<16xf32>,
        tpu.vector_store_idx %arg7[%add3A_643], %gather3A_644 : memref<40960xf32, #tpu.memory_space<vmem>>[vector<16xi32>], vector<16xf32>,
        %gather3A_645 = tpu.vector_load_idx %arg6[%add3A_636, %add3A_460] : memref<1280x32xf32, #tpu.memory_space<vmem>>[vector<16xi32>, vector<16xi32>], vector<16xf32>,
        %add3A_646 = arith.constant 20480 : i32
        %add3A_647 = vector.broadcast %add3A_646 : i32 to vector<16xi32>
        %add3A_648 = arith.addi %add3A_643, %add3A_647 : vector<16xi32>
        tpu.vector_store_idx %arg7[%add3A_648], %gather3A_645 : memref<40960xf32, #tpu.memory_space<vmem>>[vector<16xi32>], vector<16xf32>,
        %scan3A_649 = arith.constant 3 : i32
        %scan3A_650 = arith.addi %scan3A_574, %scan3A_649 : i32
        %mul3A_651 = arith.constant 1 : i32
        %mul3A_652 = arith.muli %scan3A_650, %mul3A_651 : i32
        %add3A_653 = arith.constant 0 : i32
        %add3A_654 = arith.addi %add3A_653, %mul3A_652 : i32
        %shift_right_arithmetic3A_655 = arith.constant 3 : i32
        %shift_right_arithmetic3A_656 = arith.shrsi %add3A_654, %shift_right_arithmetic3A_655 : i32
        %and3A_657 = arith.constant 7 : i32
        %and3A_658 = arith.andi %add3A_654, %and3A_657 : i32
        %mul3A_659 = arith.constant 16 : i32
        %mul3A_660 = arith.muli %add3A_654, %mul3A_659 : i32
        %broadcast_in_dim3A_661 = vector.broadcast %mul3A_660 : i32 to vector<16xi32>
        %add3A_662 = arith.addi %broadcast_in_dim3A_661, %iota3A : vector<16xi32>
        %mul3A_663 = arith.constant 1024 : i32
        %mul3A_664 = arith.muli %shift_right_arithmetic3A_656, %mul3A_663 : i32
        %mul3A_665 = arith.constant 16 : i32
        %mul3A_666 = arith.muli %and3A_658, %mul3A_665 : i32
        %add3A_667 = arith.addi %mul3A_664, %mul3A_666 : i32
        %broadcast_in_dim3A_668 = vector.broadcast %add3A_667 : i32 to vector<16xi32>
        %add3A_669 = arith.addi %broadcast_in_dim3A_668, %add3A_457 : vector<16xi32>
        %gather3A_670 = tpu.vector_load_idx %arg6[%add3A_662, %and3A_443] : memref<1280x32xf32, #tpu.memory_space<vmem>>[vector<16xi32>, vector<16xi32>], vector<16xf32>,
        tpu.vector_store_idx %arg7[%add3A_669], %gather3A_670 : memref<40960xf32, #tpu.memory_space<vmem>>[vector<16xi32>], vector<16xf32>,
        %gather3A_671 = tpu.vector_load_idx %arg6[%add3A_662, %add3A_460] : memref<1280x32xf32, #tpu.memory_space<vmem>>[vector<16xi32>, vector<16xi32>], vector<16xf32>,
        %add3A_672 = arith.constant 20480 : i32
        %add3A_673 = vector.broadcast %add3A_672 : i32 to vector<16xi32>
        %add3A_674 = arith.addi %add3A_669, %add3A_673 : vector<16xi32>
        tpu.vector_store_idx %arg7[%add3A_674], %gather3A_671 : memref<40960xf32, #tpu.memory_space<vmem>>[vector<16xi32>], vector<16xf32>,
      }
      %scan3A_465 = arith.constant 80 : i32
      %add3A_466 = arith.constant 14 : i32
      %add3A_467 = vector.broadcast %add3A_466 : i32 to vector<16xi32>
      %add3A_468 = arith.addi %add3A_467, %iota3A : vector<16xi32>
      %and3A_469 = arith.constant 15 : i32
      %and3A_470 = vector.broadcast %and3A_469 : i32 to vector<16xi32>
      %and3A_471 = arith.andi %add3A_468, %and3A_470 : vector<16xi32>
      %shift_right_arithmetic3A_472 = arith.constant 3 : i32
      %shift_right_arithmetic3A_473 = vector.broadcast %shift_right_arithmetic3A_472 : i32 to vector<16xi32>
      %shift_right_arithmetic3A_474 = arith.shrsi %and3A_471, %shift_right_arithmetic3A_473 : vector<16xi32>
      %mul3A_475 = arith.constant 10240 : i32
      %mul3A_476 = vector.broadcast %mul3A_475 : i32 to vector<16xi32>
      %mul3A_477 = arith.muli %shift_right_arithmetic3A_474, %mul3A_476 : vector<16xi32>
      %and3A_478 = arith.constant 7 : i32
      %and3A_479 = vector.broadcast %and3A_478 : i32 to vector<16xi32>
      %and3A_480 = arith.andi %and3A_471, %and3A_479 : vector<16xi32>
      %mul3A_481 = arith.constant 128 : i32
      %mul3A_482 = vector.broadcast %mul3A_481 : i32 to vector<16xi32>
      %mul3A_483 = arith.muli %and3A_480, %mul3A_482 : vector<16xi32>
      %add3A_484 = arith.addi %mul3A_477, %mul3A_483 : vector<16xi32>
      %add3A_485 = arith.addi %add3A_484, %iota3A : vector<16xi32>
      %add3A_486 = arith.constant 16 : i32
      %add3A_487 = vector.broadcast %add3A_486 : i32 to vector<16xi32>
      %add3A_488 = arith.addi %and3A_471, %add3A_487 : vector<16xi32>
      %scan3A_489 = arith.constant 0 : i32
      %scan3A_490 = arith.constant 80 : i32
      %scan3A_491 = arith.addi %scan3A_489, %scan3A_490 : i32
      %scan3A_492 = arith.constant 4 : i32
      scf.for %scan3A_574 = %scan3A_489 to %scan3A_491 step %scan3A_492  : i32 {
        %mul3A_575 = arith.constant 1 : i32
        %mul3A_576 = arith.muli %scan3A_574, %mul3A_575 : i32
        %add3A_577 = arith.constant 0 : i32
        %add3A_578 = arith.addi %add3A_577, %mul3A_576 : i32
        %shift_right_arithmetic3A_579 = arith.constant 3 : i32
        %shift_right_arithmetic3A_580 = arith.shrsi %add3A_578, %shift_right_arithmetic3A_579 : i32
        %and3A_581 = arith.constant 7 : i32
        %and3A_582 = arith.andi %add3A_578, %and3A_581 : i32
        %mul3A_583 = arith.constant 16 : i32
        %mul3A_584 = arith.muli %add3A_578, %mul3A_583 : i32
        %broadcast_in_dim3A = vector.broadcast %mul3A_584 : i32 to vector<16xi32>
        %add3A_585 = arith.addi %broadcast_in_dim3A, %iota3A : vector<16xi32>
        %mul3A_586 = arith.constant 1024 : i32
        %mul3A_587 = arith.muli %shift_right_arithmetic3A_580, %mul3A_586 : i32
        %mul3A_588 = arith.constant 16 : i32
        %mul3A_589 = arith.muli %and3A_582, %mul3A_588 : i32
        %add3A_590 = arith.addi %mul3A_587, %mul3A_589 : i32
        %broadcast_in_dim3A_591 = vector.broadcast %add3A_590 : i32 to vector<16xi32>
        %add3A_592 = arith.addi %broadcast_in_dim3A_591, %add3A_485 : vector<16xi32>
        %gather3A = tpu.vector_load_idx %arg6[%add3A_585, %and3A_471] : memref<1280x32xf32, #tpu.memory_space<vmem>>[vector<16xi32>, vector<16xi32>], vector<16xf32>,
        tpu.vector_store_idx %arg7[%add3A_592], %gather3A : memref<40960xf32, #tpu.memory_space<vmem>>[vector<16xi32>], vector<16xf32>,
        %gather3A_593 = tpu.vector_load_idx %arg6[%add3A_585, %add3A_488] : memref<1280x32xf32, #tpu.memory_space<vmem>>[vector<16xi32>, vector<16xi32>], vector<16xf32>,
        %add3A_594 = arith.constant 20480 : i32
        %add3A_595 = vector.broadcast %add3A_594 : i32 to vector<16xi32>
        %add3A_596 = arith.addi %add3A_592, %add3A_595 : vector<16xi32>
        tpu.vector_store_idx %arg7[%add3A_596], %gather3A_593 : memref<40960xf32, #tpu.memory_space<vmem>>[vector<16xi32>], vector<16xf32>,
        %scan3A_597 = arith.constant 1 : i32
        %scan3A_598 = arith.addi %scan3A_574, %scan3A_597 : i32
        %mul3A_599 = arith.constant 1 : i32
        %mul3A_600 = arith.muli %scan3A_598, %mul3A_599 : i32
        %add3A_601 = arith.constant 0 : i32
        %add3A_602 = arith.addi %add3A_601, %mul3A_600 : i32
        %shift_right_arithmetic3A_603 = arith.constant 3 : i32
        %shift_right_arithmetic3A_604 = arith.shrsi %add3A_602, %shift_right_arithmetic3A_603 : i32
        %and3A_605 = arith.constant 7 : i32
        %and3A_606 = arith.andi %add3A_602, %and3A_605 : i32
        %mul3A_607 = arith.constant 16 : i32
        %mul3A_608 = arith.muli %add3A_602, %mul3A_607 : i32
        %broadcast_in_dim3A_609 = vector.broadcast %mul3A_608 : i32 to vector<16xi32>
        %add3A_610 = arith.addi %broadcast_in_dim3A_609, %iota3A : vector<16xi32>
        %mul3A_611 = arith.constant 1024 : i32
        %mul3A_612 = arith.muli %shift_right_arithmetic3A_604, %mul3A_611 : i32
        %mul3A_613 = arith.constant 16 : i32
        %mul3A_614 = arith.muli %and3A_606, %mul3A_613 : i32
        %add3A_615 = arith.addi %mul3A_612, %mul3A_614 : i32
        %broadcast_in_dim3A_616 = vector.broadcast %add3A_615 : i32 to vector<16xi32>
        %add3A_617 = arith.addi %broadcast_in_dim3A_616, %add3A_485 : vector<16xi32>
        %gather3A_618 = tpu.vector_load_idx %arg6[%add3A_610, %and3A_471] : memref<1280x32xf32, #tpu.memory_space<vmem>>[vector<16xi32>, vector<16xi32>], vector<16xf32>,
        tpu.vector_store_idx %arg7[%add3A_617], %gather3A_618 : memref<40960xf32, #tpu.memory_space<vmem>>[vector<16xi32>], vector<16xf32>,
        %gather3A_619 = tpu.vector_load_idx %arg6[%add3A_610, %add3A_488] : memref<1280x32xf32, #tpu.memory_space<vmem>>[vector<16xi32>, vector<16xi32>], vector<16xf32>,
        %add3A_620 = arith.constant 20480 : i32
        %add3A_621 = vector.broadcast %add3A_620 : i32 to vector<16xi32>
        %add3A_622 = arith.addi %add3A_617, %add3A_621 : vector<16xi32>
        tpu.vector_store_idx %arg7[%add3A_622], %gather3A_619 : memref<40960xf32, #tpu.memory_space<vmem>>[vector<16xi32>], vector<16xf32>,
        %scan3A_623 = arith.constant 2 : i32
        %scan3A_624 = arith.addi %scan3A_574, %scan3A_623 : i32
        %mul3A_625 = arith.constant 1 : i32
        %mul3A_626 = arith.muli %scan3A_624, %mul3A_625 : i32
        %add3A_627 = arith.constant 0 : i32
        %add3A_628 = arith.addi %add3A_627, %mul3A_626 : i32
        %shift_right_arithmetic3A_629 = arith.constant 3 : i32
        %shift_right_arithmetic3A_630 = arith.shrsi %add3A_628, %shift_right_arithmetic3A_629 : i32
        %and3A_631 = arith.constant 7 : i32
        %and3A_632 = arith.andi %add3A_628, %and3A_631 : i32
        %mul3A_633 = arith.constant 16 : i32
        %mul3A_634 = arith.muli %add3A_628, %mul3A_633 : i32
        %broadcast_in_dim3A_635 = vector.broadcast %mul3A_634 : i32 to vector<16xi32>
        %add3A_636 = arith.addi %broadcast_in_dim3A_635, %iota3A : vector<16xi32>
        %mul3A_637 = arith.constant 1024 : i32
        %mul3A_638 = arith.muli %shift_right_arithmetic3A_630, %mul3A_637 : i32
        %mul3A_639 = arith.constant 16 : i32
        %mul3A_640 = arith.muli %and3A_632, %mul3A_639 : i32
        %add3A_641 = arith.addi %mul3A_638, %mul3A_640 : i32
        %broadcast_in_dim3A_642 = vector.broadcast %add3A_641 : i32 to vector<16xi32>
        %add3A_643 = arith.addi %broadcast_in_dim3A_642, %add3A_485 : vector<16xi32>
        %gather3A_644 = tpu.vector_load_idx %arg6[%add3A_636, %and3A_471] : memref<1280x32xf32, #tpu.memory_space<vmem>>[vector<16xi32>, vector<16xi32>], vector<16xf32>,
        tpu.vector_store_idx %arg7[%add3A_643], %gather3A_644 : memref<40960xf32, #tpu.memory_space<vmem>>[vector<16xi32>], vector<16xf32>,
        %gather3A_645 = tpu.vector_load_idx %arg6[%add3A_636, %add3A_488] : memref<1280x32xf32, #tpu.memory_space<vmem>>[vector<16xi32>, vector<16xi32>], vector<16xf32>,
        %add3A_646 = arith.constant 20480 : i32
        %add3A_647 = vector.broadcast %add3A_646 : i32 to vector<16xi32>
        %add3A_648 = arith.addi %add3A_643, %add3A_647 : vector<16xi32>
        tpu.vector_store_idx %arg7[%add3A_648], %gather3A_645 : memref<40960xf32, #tpu.memory_space<vmem>>[vector<16xi32>], vector<16xf32>,
        %scan3A_649 = arith.constant 3 : i32
        %scan3A_650 = arith.addi %scan3A_574, %scan3A_649 : i32
        %mul3A_651 = arith.constant 1 : i32
        %mul3A_652 = arith.muli %scan3A_650, %mul3A_651 : i32
        %add3A_653 = arith.constant 0 : i32
        %add3A_654 = arith.addi %add3A_653, %mul3A_652 : i32
        %shift_right_arithmetic3A_655 = arith.constant 3 : i32
        %shift_right_arithmetic3A_656 = arith.shrsi %add3A_654, %shift_right_arithmetic3A_655 : i32
        %and3A_657 = arith.constant 7 : i32
        %and3A_658 = arith.andi %add3A_654, %and3A_657 : i32
        %mul3A_659 = arith.constant 16 : i32
        %mul3A_660 = arith.muli %add3A_654, %mul3A_659 : i32
        %broadcast_in_dim3A_661 = vector.broadcast %mul3A_660 : i32 to vector<16xi32>
        %add3A_662 = arith.addi %broadcast_in_dim3A_661, %iota3A : vector<16xi32>
        %mul3A_663 = arith.constant 1024 : i32
        %mul3A_664 = arith.muli %shift_right_arithmetic3A_656, %mul3A_663 : i32
        %mul3A_665 = arith.constant 16 : i32
        %mul3A_666 = arith.muli %and3A_658, %mul3A_665 : i32
        %add3A_667 = arith.addi %mul3A_664, %mul3A_666 : i32
        %broadcast_in_dim3A_668 = vector.broadcast %add3A_667 : i32 to vector<16xi32>
        %add3A_669 = arith.addi %broadcast_in_dim3A_668, %add3A_485 : vector<16xi32>
        %gather3A_670 = tpu.vector_load_idx %arg6[%add3A_662, %and3A_471] : memref<1280x32xf32, #tpu.memory_space<vmem>>[vector<16xi32>, vector<16xi32>], vector<16xf32>,
        tpu.vector_store_idx %arg7[%add3A_669], %gather3A_670 : memref<40960xf32, #tpu.memory_space<vmem>>[vector<16xi32>], vector<16xf32>,
        %gather3A_671 = tpu.vector_load_idx %arg6[%add3A_662, %add3A_488] : memref<1280x32xf32, #tpu.memory_space<vmem>>[vector<16xi32>, vector<16xi32>], vector<16xf32>,
        %add3A_672 = arith.constant 20480 : i32
        %add3A_673 = vector.broadcast %add3A_672 : i32 to vector<16xi32>
        %add3A_674 = arith.addi %add3A_669, %add3A_673 : vector<16xi32>
        tpu.vector_store_idx %arg7[%add3A_674], %gather3A_671 : memref<40960xf32, #tpu.memory_space<vmem>>[vector<16xi32>], vector<16xf32>,
      }
      %scan3A_493 = arith.constant 80 : i32
      %add3A_494 = arith.constant 15 : i32
      %add3A_495 = vector.broadcast %add3A_494 : i32 to vector<16xi32>
      %add3A_496 = arith.addi %add3A_495, %iota3A : vector<16xi32>
      %and3A_497 = arith.constant 15 : i32
      %and3A_498 = vector.broadcast %and3A_497 : i32 to vector<16xi32>
      %and3A_499 = arith.andi %add3A_496, %and3A_498 : vector<16xi32>
      %shift_right_arithmetic3A_500 = arith.constant 3 : i32
      %shift_right_arithmetic3A_501 = vector.broadcast %shift_right_arithmetic3A_500 : i32 to vector<16xi32>
      %shift_right_arithmetic3A_502 = arith.shrsi %and3A_499, %shift_right_arithmetic3A_501 : vector<16xi32>
      %mul3A_503 = arith.constant 10240 : i32
      %mul3A_504 = vector.broadcast %mul3A_503 : i32 to vector<16xi32>
      %mul3A_505 = arith.muli %shift_right_arithmetic3A_502, %mul3A_504 : vector<16xi32>
      %and3A_506 = arith.constant 7 : i32
      %and3A_507 = vector.broadcast %and3A_506 : i32 to vector<16xi32>
      %and3A_508 = arith.andi %and3A_499, %and3A_507 : vector<16xi32>
      %mul3A_509 = arith.constant 128 : i32
      %mul3A_510 = vector.broadcast %mul3A_509 : i32 to vector<16xi32>
      %mul3A_511 = arith.muli %and3A_508, %mul3A_510 : vector<16xi32>
      %add3A_512 = arith.addi %mul3A_505, %mul3A_511 : vector<16xi32>
      %add3A_513 = arith.addi %add3A_512, %iota3A : vector<16xi32>
      %add3A_514 = arith.constant 16 : i32
      %add3A_515 = vector.broadcast %add3A_514 : i32 to vector<16xi32>
      %add3A_516 = arith.addi %and3A_499, %add3A_515 : vector<16xi32>
      %scan3A_517 = arith.constant 0 : i32
      %scan3A_518 = arith.constant 80 : i32
      %scan3A_519 = arith.addi %scan3A_517, %scan3A_518 : i32
      %scan3A_520 = arith.constant 4 : i32
      scf.for %scan3A_574 = %scan3A_517 to %scan3A_519 step %scan3A_520  : i32 {
        %mul3A_575 = arith.constant 1 : i32
        %mul3A_576 = arith.muli %scan3A_574, %mul3A_575 : i32
        %add3A_577 = arith.constant 0 : i32
        %add3A_578 = arith.addi %add3A_577, %mul3A_576 : i32
        %shift_right_arithmetic3A_579 = arith.constant 3 : i32
        %shift_right_arithmetic3A_580 = arith.shrsi %add3A_578, %shift_right_arithmetic3A_579 : i32
        %and3A_581 = arith.constant 7 : i32
        %and3A_582 = arith.andi %add3A_578, %and3A_581 : i32
        %mul3A_583 = arith.constant 16 : i32
        %mul3A_584 = arith.muli %add3A_578, %mul3A_583 : i32
        %broadcast_in_dim3A = vector.broadcast %mul3A_584 : i32 to vector<16xi32>
        %add3A_585 = arith.addi %broadcast_in_dim3A, %iota3A : vector<16xi32>
        %mul3A_586 = arith.constant 1024 : i32
        %mul3A_587 = arith.muli %shift_right_arithmetic3A_580, %mul3A_586 : i32
        %mul3A_588 = arith.constant 16 : i32
        %mul3A_589 = arith.muli %and3A_582, %mul3A_588 : i32
        %add3A_590 = arith.addi %mul3A_587, %mul3A_589 : i32
        %broadcast_in_dim3A_591 = vector.broadcast %add3A_590 : i32 to vector<16xi32>
        %add3A_592 = arith.addi %broadcast_in_dim3A_591, %add3A_513 : vector<16xi32>
        %gather3A = tpu.vector_load_idx %arg6[%add3A_585, %and3A_499] : memref<1280x32xf32, #tpu.memory_space<vmem>>[vector<16xi32>, vector<16xi32>], vector<16xf32>,
        tpu.vector_store_idx %arg7[%add3A_592], %gather3A : memref<40960xf32, #tpu.memory_space<vmem>>[vector<16xi32>], vector<16xf32>,
        %gather3A_593 = tpu.vector_load_idx %arg6[%add3A_585, %add3A_516] : memref<1280x32xf32, #tpu.memory_space<vmem>>[vector<16xi32>, vector<16xi32>], vector<16xf32>,
        %add3A_594 = arith.constant 20480 : i32
        %add3A_595 = vector.broadcast %add3A_594 : i32 to vector<16xi32>
        %add3A_596 = arith.addi %add3A_592, %add3A_595 : vector<16xi32>
        tpu.vector_store_idx %arg7[%add3A_596], %gather3A_593 : memref<40960xf32, #tpu.memory_space<vmem>>[vector<16xi32>], vector<16xf32>,
        %scan3A_597 = arith.constant 1 : i32
        %scan3A_598 = arith.addi %scan3A_574, %scan3A_597 : i32
        %mul3A_599 = arith.constant 1 : i32
        %mul3A_600 = arith.muli %scan3A_598, %mul3A_599 : i32
        %add3A_601 = arith.constant 0 : i32
        %add3A_602 = arith.addi %add3A_601, %mul3A_600 : i32
        %shift_right_arithmetic3A_603 = arith.constant 3 : i32
        %shift_right_arithmetic3A_604 = arith.shrsi %add3A_602, %shift_right_arithmetic3A_603 : i32
        %and3A_605 = arith.constant 7 : i32
        %and3A_606 = arith.andi %add3A_602, %and3A_605 : i32
        %mul3A_607 = arith.constant 16 : i32
        %mul3A_608 = arith.muli %add3A_602, %mul3A_607 : i32
        %broadcast_in_dim3A_609 = vector.broadcast %mul3A_608 : i32 to vector<16xi32>
        %add3A_610 = arith.addi %broadcast_in_dim3A_609, %iota3A : vector<16xi32>
        %mul3A_611 = arith.constant 1024 : i32
        %mul3A_612 = arith.muli %shift_right_arithmetic3A_604, %mul3A_611 : i32
        %mul3A_613 = arith.constant 16 : i32
        %mul3A_614 = arith.muli %and3A_606, %mul3A_613 : i32
        %add3A_615 = arith.addi %mul3A_612, %mul3A_614 : i32
        %broadcast_in_dim3A_616 = vector.broadcast %add3A_615 : i32 to vector<16xi32>
        %add3A_617 = arith.addi %broadcast_in_dim3A_616, %add3A_513 : vector<16xi32>
        %gather3A_618 = tpu.vector_load_idx %arg6[%add3A_610, %and3A_499] : memref<1280x32xf32, #tpu.memory_space<vmem>>[vector<16xi32>, vector<16xi32>], vector<16xf32>,
        tpu.vector_store_idx %arg7[%add3A_617], %gather3A_618 : memref<40960xf32, #tpu.memory_space<vmem>>[vector<16xi32>], vector<16xf32>,
        %gather3A_619 = tpu.vector_load_idx %arg6[%add3A_610, %add3A_516] : memref<1280x32xf32, #tpu.memory_space<vmem>>[vector<16xi32>, vector<16xi32>], vector<16xf32>,
        %add3A_620 = arith.constant 20480 : i32
        %add3A_621 = vector.broadcast %add3A_620 : i32 to vector<16xi32>
        %add3A_622 = arith.addi %add3A_617, %add3A_621 : vector<16xi32>
        tpu.vector_store_idx %arg7[%add3A_622], %gather3A_619 : memref<40960xf32, #tpu.memory_space<vmem>>[vector<16xi32>], vector<16xf32>,
        %scan3A_623 = arith.constant 2 : i32
        %scan3A_624 = arith.addi %scan3A_574, %scan3A_623 : i32
        %mul3A_625 = arith.constant 1 : i32
        %mul3A_626 = arith.muli %scan3A_624, %mul3A_625 : i32
        %add3A_627 = arith.constant 0 : i32
        %add3A_628 = arith.addi %add3A_627, %mul3A_626 : i32
        %shift_right_arithmetic3A_629 = arith.constant 3 : i32
        %shift_right_arithmetic3A_630 = arith.shrsi %add3A_628, %shift_right_arithmetic3A_629 : i32
        %and3A_631 = arith.constant 7 : i32
        %and3A_632 = arith.andi %add3A_628, %and3A_631 : i32
        %mul3A_633 = arith.constant 16 : i32
        %mul3A_634 = arith.muli %add3A_628, %mul3A_633 : i32
        %broadcast_in_dim3A_635 = vector.broadcast %mul3A_634 : i32 to vector<16xi32>
        %add3A_636 = arith.addi %broadcast_in_dim3A_635, %iota3A : vector<16xi32>
        %mul3A_637 = arith.constant 1024 : i32
        %mul3A_638 = arith.muli %shift_right_arithmetic3A_630, %mul3A_637 : i32
        %mul3A_639 = arith.constant 16 : i32
        %mul3A_640 = arith.muli %and3A_632, %mul3A_639 : i32
        %add3A_641 = arith.addi %mul3A_638, %mul3A_640 : i32
        %broadcast_in_dim3A_642 = vector.broadcast %add3A_641 : i32 to vector<16xi32>
        %add3A_643 = arith.addi %broadcast_in_dim3A_642, %add3A_513 : vector<16xi32>
        %gather3A_644 = tpu.vector_load_idx %arg6[%add3A_636, %and3A_499] : memref<1280x32xf32, #tpu.memory_space<vmem>>[vector<16xi32>, vector<16xi32>], vector<16xf32>,
        tpu.vector_store_idx %arg7[%add3A_643], %gather3A_644 : memref<40960xf32, #tpu.memory_space<vmem>>[vector<16xi32>], vector<16xf32>,
        %gather3A_645 = tpu.vector_load_idx %arg6[%add3A_636, %add3A_516] : memref<1280x32xf32, #tpu.memory_space<vmem>>[vector<16xi32>, vector<16xi32>], vector<16xf32>,
        %add3A_646 = arith.constant 20480 : i32
        %add3A_647 = vector.broadcast %add3A_646 : i32 to vector<16xi32>
        %add3A_648 = arith.addi %add3A_643, %add3A_647 : vector<16xi32>
        tpu.vector_store_idx %arg7[%add3A_648], %gather3A_645 : memref<40960xf32, #tpu.memory_space<vmem>>[vector<16xi32>], vector<16xf32>,
        %scan3A_649 = arith.constant 3 : i32
        %scan3A_650 = arith.addi %scan3A_574, %scan3A_649 : i32
        %mul3A_651 = arith.constant 1 : i32
        %mul3A_652 = arith.muli %scan3A_650, %mul3A_651 : i32
        %add3A_653 = arith.constant 0 : i32
        %add3A_654 = arith.addi %add3A_653, %mul3A_652 : i32
        %shift_right_arithmetic3A_655 = arith.constant 3 : i32
        %shift_right_arithmetic3A_656 = arith.shrsi %add3A_654, %shift_right_arithmetic3A_655 : i32
        %and3A_657 = arith.constant 7 : i32
        %and3A_658 = arith.andi %add3A_654, %and3A_657 : i32
        %mul3A_659 = arith.constant 16 : i32
        %mul3A_660 = arith.muli %add3A_654, %mul3A_659 : i32
        %broadcast_in_dim3A_661 = vector.broadcast %mul3A_660 : i32 to vector<16xi32>
        %add3A_662 = arith.addi %broadcast_in_dim3A_661, %iota3A : vector<16xi32>
        %mul3A_663 = arith.constant 1024 : i32
        %mul3A_664 = arith.muli %shift_right_arithmetic3A_656, %mul3A_663 : i32
        %mul3A_665 = arith.constant 16 : i32
        %mul3A_666 = arith.muli %and3A_658, %mul3A_665 : i32
        %add3A_667 = arith.addi %mul3A_664, %mul3A_666 : i32
        %broadcast_in_dim3A_668 = vector.broadcast %add3A_667 : i32 to vector<16xi32>
        %add3A_669 = arith.addi %broadcast_in_dim3A_668, %add3A_513 : vector<16xi32>
        %gather3A_670 = tpu.vector_load_idx %arg6[%add3A_662, %and3A_499] : memref<1280x32xf32, #tpu.memory_space<vmem>>[vector<16xi32>, vector<16xi32>], vector<16xf32>,
        tpu.vector_store_idx %arg7[%add3A_669], %gather3A_670 : memref<40960xf32, #tpu.memory_space<vmem>>[vector<16xi32>], vector<16xf32>,
        %gather3A_671 = tpu.vector_load_idx %arg6[%add3A_662, %add3A_516] : memref<1280x32xf32, #tpu.memory_space<vmem>>[vector<16xi32>, vector<16xi32>], vector<16xf32>,
        %add3A_672 = arith.constant 20480 : i32
        %add3A_673 = vector.broadcast %add3A_672 : i32 to vector<16xi32>
        %add3A_674 = arith.addi %add3A_669, %add3A_673 : vector<16xi32>
        tpu.vector_store_idx %arg7[%add3A_674], %gather3A_671 : memref<40960xf32, #tpu.memory_space<vmem>>[vector<16xi32>], vector<16xf32>,
      }
      %scan3A_521 = arith.constant 80 : i32
      %mul3A_522 = arith.constant 10 : i32
      %mul3A_523 = arith.muli %add3A_63, %mul3A_522 : i32
      %add3A_524 = arith.addi %mul3A_4, %mul3A_523 : i32
      %mul3A_525 = arith.constant 1024 : i32
      %mul3A_526 = arith.muli %add3A_524, %mul3A_525 : i32
      %add3A_527 = arith.constant 0 : i32
      %add3A_528 = arith.addi %add3A_527, %mul3A_526 : i32
      %dma_start3A_529 = arith.constant 0 : i32
      %dma_start3A_530 = tpu.memref_slice %arg7[%dma_start3A_529] : memref<40960xf32, #tpu.memory_space<vmem>> -> memref<10240xf32, #tpu.memory_space<vmem>>
      %dma_start3A_531 = tpu.memref_slice %arg4[%add3A_528] : memref<26214400xf32, #tpu.memory_space<hbm>> -> memref<10240xf32, #tpu.memory_space<hbm>>
      %dma_start3A_532 = tpu.memref_slice %arg4[%add3A_528] : memref<26214400xf32, #tpu.memory_space<hbm>> -> memref<10240xf32, #tpu.memory_space<hbm>>
      %dma_start3A_533 = arith.constant 0 : i32
      %dma_start3A_534 = tpu.memref_slice %arg7[%dma_start3A_533] : memref<40960xf32, #tpu.memory_space<vmem>> -> memref<10240xf32, #tpu.memory_space<vmem>>
      tpu.enqueue_dma source(%dma_start3A_534 : memref<10240xf32, #tpu.memory_space<vmem>>) target(%dma_start3A_532 : memref<10240xf32, #tpu.memory_space<hbm>>) target_semaphore(%arg10 : memref<!tpu.dma_semaphore, #tpu.memory_space<semaphore_mem>>)
      %mul3A_535 = arith.constant 10 : i32
      %mul3A_536 = arith.muli %add3A_63, %mul3A_535 : i32
      %add3A_537 = arith.addi %mul3A_4, %mul3A_536 : i32
      %mul3A_538 = arith.constant 1024 : i32
      %mul3A_539 = arith.muli %add3A_537, %mul3A_538 : i32
      %add3A_540 = arith.constant 6553600 : i32
      %add3A_541 = arith.addi %add3A_540, %mul3A_539 : i32
      %dma_start3A_542 = arith.constant 10240 : i32
      %dma_start3A_543 = tpu.memref_slice %arg7[%dma_start3A_542] : memref<40960xf32, #tpu.memory_space<vmem>> -> memref<10240xf32, #tpu.memory_space<vmem>>
      %dma_start3A_544 = tpu.memref_slice %arg4[%add3A_541] : memref<26214400xf32, #tpu.memory_space<hbm>> -> memref<10240xf32, #tpu.memory_space<hbm>>
      %dma_start3A_545 = tpu.memref_slice %arg4[%add3A_541] : memref<26214400xf32, #tpu.memory_space<hbm>> -> memref<10240xf32, #tpu.memory_space<hbm>>
      %dma_start3A_546 = arith.constant 10240 : i32
      %dma_start3A_547 = tpu.memref_slice %arg7[%dma_start3A_546] : memref<40960xf32, #tpu.memory_space<vmem>> -> memref<10240xf32, #tpu.memory_space<vmem>>
      tpu.enqueue_dma source(%dma_start3A_547 : memref<10240xf32, #tpu.memory_space<vmem>>) target(%dma_start3A_545 : memref<10240xf32, #tpu.memory_space<hbm>>) target_semaphore(%arg10 : memref<!tpu.dma_semaphore, #tpu.memory_space<semaphore_mem>>)
      %mul3A_548 = arith.constant 10 : i32
      %mul3A_549 = arith.muli %add3A_63, %mul3A_548 : i32
      %add3A_550 = arith.addi %mul3A_4, %mul3A_549 : i32
      %mul3A_551 = arith.constant 1024 : i32
      %mul3A_552 = arith.muli %add3A_550, %mul3A_551 : i32
      %add3A_553 = arith.constant 13107200 : i32
      %add3A_554 = arith.addi %add3A_553, %mul3A_552 : i32
      %dma_start3A_555 = arith.constant 20480 : i32
      %dma_start3A_556 = tpu.memref_slice %arg7[%dma_start3A_555] : memref<40960xf32, #tpu.memory_space<vmem>> -> memref<10240xf32, #tpu.memory_space<vmem>>
      %dma_start3A_557 = tpu.memref_slice %arg4[%add3A_554] : memref<26214400xf32, #tpu.memory_space<hbm>> -> memref<10240xf32, #tpu.memory_space<hbm>>
      %dma_start3A_558 = tpu.memref_slice %arg4[%add3A_554] : memref<26214400xf32, #tpu.memory_space<hbm>> -> memref<10240xf32, #tpu.memory_space<hbm>>
      %dma_start3A_559 = arith.constant 20480 : i32
      %dma_start3A_560 = tpu.memref_slice %arg7[%dma_start3A_559] : memref<40960xf32, #tpu.memory_space<vmem>> -> memref<10240xf32, #tpu.memory_space<vmem>>
      tpu.enqueue_dma source(%dma_start3A_560 : memref<10240xf32, #tpu.memory_space<vmem>>) target(%dma_start3A_558 : memref<10240xf32, #tpu.memory_space<hbm>>) target_semaphore(%arg10 : memref<!tpu.dma_semaphore, #tpu.memory_space<semaphore_mem>>)
      %mul3A_561 = arith.constant 10 : i32
      %mul3A_562 = arith.muli %add3A_63, %mul3A_561 : i32
      %add3A_563 = arith.addi %mul3A_4, %mul3A_562 : i32
      %mul3A_564 = arith.constant 1024 : i32
      %mul3A_565 = arith.muli %add3A_563, %mul3A_564 : i32
      %add3A_566 = arith.constant 19660800 : i32
      %add3A_567 = arith.addi %add3A_566, %mul3A_565 : i32
      %dma_start3A_568 = arith.constant 30720 : i32
      %dma_start3A_569 = tpu.memref_slice %arg7[%dma_start3A_568] : memref<40960xf32, #tpu.memory_space<vmem>> -> memref<10240xf32, #tpu.memory_space<vmem>>
      %dma_start3A_570 = tpu.memref_slice %arg4[%add3A_567] : memref<26214400xf32, #tpu.memory_space<hbm>> -> memref<10240xf32, #tpu.memory_space<hbm>>
      %dma_start3A_571 = tpu.memref_slice %arg4[%add3A_567] : memref<26214400xf32, #tpu.memory_space<hbm>> -> memref<10240xf32, #tpu.memory_space<hbm>>
      %dma_start3A_572 = arith.constant 30720 : i32
      %dma_start3A_573 = tpu.memref_slice %arg7[%dma_start3A_572] : memref<40960xf32, #tpu.memory_space<vmem>> -> memref<10240xf32, #tpu.memory_space<vmem>>
      tpu.enqueue_dma source(%dma_start3A_573 : memref<10240xf32, #tpu.memory_space<vmem>>) target(%dma_start3A_571 : memref<10240xf32, #tpu.memory_space<hbm>>) target_semaphore(%arg10 : memref<!tpu.dma_semaphore, #tpu.memory_space<semaphore_mem>>)
    }
    %scan3A_10 = arith.constant 20 : i32
    %add3A_11 = arith.constant 0 : i32
    %add3A_12 = arith.addi %mul3A_4, %add3A_11 : i32
    %mul3A_13 = arith.constant 1024 : i32
    %mul3A_14 = arith.muli %add3A_12, %mul3A_13 : i32
    %add3A_15 = arith.constant 0 : i32
    %add3A_16 = arith.addi %add3A_15, %mul3A_14 : i32
    %dma_wait3A_17 = arith.constant 0 : i32
    %dma_wait3A_18 = tpu.memref_slice %arg7[%dma_wait3A_17] : memref<40960xf32, #tpu.memory_space<vmem>> -> memref<10240xf32, #tpu.memory_space<vmem>>
    %dma_wait3A_19 = tpu.memref_slice %arg4[%add3A_16] : memref<26214400xf32, #tpu.memory_space<hbm>> -> memref<10240xf32, #tpu.memory_space<hbm>>
    %dma_wait3A_20 = tpu.memref_slice %arg4[%add3A_16] : memref<26214400xf32, #tpu.memory_space<hbm>> -> memref<10240xf32, #tpu.memory_space<hbm>>
    %dma_wait3A_21 = arith.constant 0 : i32
    %dma_wait3A_22 = tpu.memref_slice %arg7[%dma_wait3A_21] : memref<40960xf32, #tpu.memory_space<vmem>> -> memref<10240xf32, #tpu.memory_space<vmem>>
    tpu.wait_dma2 semaphore(%arg10 : memref<!tpu.dma_semaphore, #tpu.memory_space<semaphore_mem>>) src(%dma_wait3A_22 : memref<10240xf32, #tpu.memory_space<vmem>>) dst(%dma_wait3A_20 : memref<10240xf32, #tpu.memory_space<hbm>>)
    %add3A_23 = arith.constant 0 : i32
    %add3A_24 = arith.addi %mul3A_4, %add3A_23 : i32
    %mul3A_25 = arith.constant 1024 : i32
    %mul3A_26 = arith.muli %add3A_24, %mul3A_25 : i32
    %add3A_27 = arith.constant 6553600 : i32
    %add3A_28 = arith.addi %add3A_27, %mul3A_26 : i32
    %dma_wait3A_29 = arith.constant 10240 : i32
    %dma_wait3A_30 = tpu.memref_slice %arg7[%dma_wait3A_29] : memref<40960xf32, #tpu.memory_space<vmem>> -> memref<10240xf32, #tpu.memory_space<vmem>>
    %dma_wait3A_31 = tpu.memref_slice %arg4[%add3A_28] : memref<26214400xf32, #tpu.memory_space<hbm>> -> memref<10240xf32, #tpu.memory_space<hbm>>
    %dma_wait3A_32 = tpu.memref_slice %arg4[%add3A_28] : memref<26214400xf32, #tpu.memory_space<hbm>> -> memref<10240xf32, #tpu.memory_space<hbm>>
    %dma_wait3A_33 = arith.constant 10240 : i32
    %dma_wait3A_34 = tpu.memref_slice %arg7[%dma_wait3A_33] : memref<40960xf32, #tpu.memory_space<vmem>> -> memref<10240xf32, #tpu.memory_space<vmem>>
    tpu.wait_dma2 semaphore(%arg10 : memref<!tpu.dma_semaphore, #tpu.memory_space<semaphore_mem>>) src(%dma_wait3A_34 : memref<10240xf32, #tpu.memory_space<vmem>>) dst(%dma_wait3A_32 : memref<10240xf32, #tpu.memory_space<hbm>>)
    %add3A_35 = arith.constant 0 : i32
    %add3A_36 = arith.addi %mul3A_4, %add3A_35 : i32
    %mul3A_37 = arith.constant 1024 : i32
    %mul3A_38 = arith.muli %add3A_36, %mul3A_37 : i32
    %add3A_39 = arith.constant 13107200 : i32
    %add3A_40 = arith.addi %add3A_39, %mul3A_38 : i32
    %dma_wait3A_41 = arith.constant 20480 : i32
    %dma_wait3A_42 = tpu.memref_slice %arg7[%dma_wait3A_41] : memref<40960xf32, #tpu.memory_space<vmem>> -> memref<10240xf32, #tpu.memory_space<vmem>>
    %dma_wait3A_43 = tpu.memref_slice %arg4[%add3A_40] : memref<26214400xf32, #tpu.memory_space<hbm>> -> memref<10240xf32, #tpu.memory_space<hbm>>
    %dma_wait3A_44 = tpu.memref_slice %arg4[%add3A_40] : memref<26214400xf32, #tpu.memory_space<hbm>> -> memref<10240xf32, #tpu.memory_space<hbm>>
    %dma_wait3A_45 = arith.constant 20480 : i32
    %dma_wait3A_46 = tpu.memref_slice %arg7[%dma_wait3A_45] : memref<40960xf32, #tpu.memory_space<vmem>> -> memref<10240xf32, #tpu.memory_space<vmem>>
    tpu.wait_dma2 semaphore(%arg10 : memref<!tpu.dma_semaphore, #tpu.memory_space<semaphore_mem>>) src(%dma_wait3A_46 : memref<10240xf32, #tpu.memory_space<vmem>>) dst(%dma_wait3A_44 : memref<10240xf32, #tpu.memory_space<hbm>>)
    %add3A_47 = arith.constant 0 : i32
    %add3A_48 = arith.addi %mul3A_4, %add3A_47 : i32
    %mul3A_49 = arith.constant 1024 : i32
    %mul3A_50 = arith.muli %add3A_48, %mul3A_49 : i32
    %add3A_51 = arith.constant 19660800 : i32
    %add3A_52 = arith.addi %add3A_51, %mul3A_50 : i32
    %dma_wait3A_53 = arith.constant 30720 : i32
    %dma_wait3A_54 = tpu.memref_slice %arg7[%dma_wait3A_53] : memref<40960xf32, #tpu.memory_space<vmem>> -> memref<10240xf32, #tpu.memory_space<vmem>>
    %dma_wait3A_55 = tpu.memref_slice %arg4[%add3A_52] : memref<26214400xf32, #tpu.memory_space<hbm>> -> memref<10240xf32, #tpu.memory_space<hbm>>
    %dma_wait3A_56 = tpu.memref_slice %arg4[%add3A_52] : memref<26214400xf32, #tpu.memory_space<hbm>> -> memref<10240xf32, #tpu.memory_space<hbm>>
    %dma_wait3A_57 = arith.constant 30720 : i32
    %dma_wait3A_58 = tpu.memref_slice %arg7[%dma_wait3A_57] : memref<40960xf32, #tpu.memory_space<vmem>> -> memref<10240xf32, #tpu.memory_space<vmem>>
    tpu.wait_dma2 semaphore(%arg10 : memref<!tpu.dma_semaphore, #tpu.memory_space<semaphore_mem>>) src(%dma_wait3A_58 : memref<10240xf32, #tpu.memory_space<vmem>>) dst(%dma_wait3A_56 : memref<10240xf32, #tpu.memory_space<hbm>>)
    return
  }
}

</mosaic_0001>

<sc_bundles>
// kernel: kernel.3.cloned.1.call-start
scs
__scs_entry_jumppad:
0x0: {  	(pc) =	sbr.rel $0x88, $3  }
0x1: {  	(tag) =	ssettag $0x0;
	lr =	simm.s32 $0x1  }
0x2: {  	[smem:$0x3F9F] =	sst lr;
	_ =	strace $0xD0000000  }
0x3: {  	_ = 	snop  }
0x4: {  	_ = 	snop  }
0x5: {  	_ = 	snop  }
0x6: {  	_ = 	snop  }
0x7: {  	_ = 	snop  }
__scs_overlays_trampoline_lowered:
0x8: {  	[smem:$0x3FAE] =	sst s0  }
0x9: {  	[smem:$0x3FAF] =	sst s1  }
0xa: {  	[smem:$0x3FB0] =	sst s2  }
0xb: {  	[smem:$0x3FB1] =	sst s3  }
0xc: {  	[smem:$0x3FB2] =	sst s4  }
0xd: {  	[smem:$0x3FB3] =	sst s5  }
0xe: {  	[smem:$0x3FB4] =	sst s6  }
0xf: {  	[smem:$0x3FB5] =	sst s7  }
0x10: {  	[smem:$0x3FB6] =	sst s8  }
0x11: {  	[smem:$0x3FB7] =	sst s9;
	s0 =	simm.s32 @!p0 $0x0  }
0x12: {  	s1 =	sld [smem:$0x3F9D];
	s0 =	simm.s32 @p0 $0x1  }
0x13: {  	[smem:$0x3FB8] =	sst s0;
	s0 =	simm.s32 @!p1 $0x0  }
0x14: {  	s2 =	sld [smem:$0x3F9C];
	s0 =	simm.s32 @p1 $0x1  }
0x15: {  	[smem:$0x3FB9] =	sst s0;
	s0 =	simm.s32 @!p2 $0x0  }
0x16: {  	s3 =	sld [smem:$0x3FDB];
	s0 =	simm.s32 @p2 $0x1  }
0x17: {  	s4 =	simm.s32 $0x1BF5;
	[smem:$0x3FBB] =	sst s0  }
0x18: {  	s0 =	sld [smem:$0x3F9E];
	_ =	swait.ge [sflag:s4], $0x0  }
0x19: {  	s7 =	sld [smem:$0x3F9F]  }
0x1a: {  	s8 =	sadd.s32 $0xFFFFE003, lr  }
0x1b: {  	s9 =	sadd.s32 $0xFFFFFEF7, lr;
	s5 =	simm.s32 $0xFFFFFFFF;
	p2 =	slt.u32 s8, $0xFFFFF086  }
0x1c: {  	p1 =	slt.u32 s9, $0xF7A;
	s5 =	simm.s32 @!p2 $0x0  }
0x1d: {  	s5 =	simm.s32 @p1 $0x1;
	p0 =	seq.s32 s7, s2  }
0x1e: {  	s7 =	smul.u32 @!p0 $0xF7A, s2;
	p2 =	seq.s32 @!p0 s5, $0x0  }
0x1f: {  	s9 =	smul.u32 $0xF7A, s1;
	s8 =	simm.s32 @!p0 $0x1BF5;
	p2 =	por !p2, p0  }
0x20: {  	[sflag:s8] =	ssyncset.s32 @!p0 $0xFFFFF086;
	s6 =	sadd.s32 @!p0 s3, s7;
	s7 =	simm.s32 @!p0 $0x108  }
0x21: {  	s3 =	sadd.s32 s3, s9;
	s6 =	sadd.s32 @!p0 $0x88, s6;
	s7 =	simm.s32 @p2 $0x1082  }
0x22: {  	[simem:s7], [sflag:s8] =	dma.local @!p0 [hbm:s6], $0xF7A  }
0x23: {  	s9 =	sor.u32 $0xD0000000, s2;
	s6 =	simm.s32 $0x108;
	_ =	swait.ge @!p0 [sflag:s8], $0x0  }
0x24: {  	s3 =	sadd.s32 $0x88, s3;
	s6 =	simm.s32 @!p1 $0x1082;
	[sflag:s4] =	ssyncset.s32 $0xFFFFF086  }
0x25: {  	[simem:s6], [sflag:s4] =	dma.local [hbm:s3], $0xF7A  }
0x26: {  	[smem:$0x3F9F] =	sst s1;
	(tag) =	ssettag s2;
	_ =	strace s9  }
0x27: {  	s1 =	sld [smem:$0x3FAF]  }
0x28: {  	s2 =	sld [smem:$0x3FB0]  }
0x29: {  	s4 =	sld [smem:$0x3FB2]  }
0x2a: {  	p0 =	seq.s32 s5, $0x0;
	s5 =	sld [smem:$0x3FB3]  }
0x2b: {  	s6 =	sld [smem:$0x3FB4]  }
0x2c: {  	s7 =	sld [smem:$0x3FB5]  }
0x2d: {  	s3 =	simm.s32 $0x108;
	s8 =	sld [smem:$0x3FB6]  }
0x2e: {  	s3 =	simm.s32 @!p0 $0x1082;
	s9 =	sld [smem:$0x3FB7]  }
0x2f: {  	lr =	sadd.s32 s0, s3;
	s0 =	sld [smem:$0x3FAE]  }
0x30: {  	s3 =	sld [smem:$0x3FB1]  }
0x31: {  	[smem:$0x3FBA] =	sst s10  }
0x32: {  	s10 =	sld [smem:$0x3FB8];
	_ =	sdelay $0x3  }
0x33: {  	p0 =	seq.s32 s10, $0x1;
	s10 =	sld [smem:$0x3FBA];
	_ =	sdelay $0x3  }
0x34: {  	[smem:$0x3FBA] =	sst s10  }
0x35: {  	s10 =	sld [smem:$0x3FB9];
	_ =	sdelay $0x3  }
0x36: {  	p1 =	seq.s32 s10, $0x1;
	s10 =	sld [smem:$0x3FBA];
	_ =	sdelay $0x3  }
0x37: {  	[smem:$0x3FBA] =	sst s10  }
0x38: {  	s10 =	sld [smem:$0x3FBB]  }
0x39: {  	_ = 	snop;
	(pc) =	sbr.ind lr, $3  }
0x3a: {  	_ = 	snop  }
0x3b: {  	_ = 	snop  }
0x3c: {  	p2 =	seq.s32 s10, $0x1;
	s10 =	sld [smem:$0x3FBA]  }
0x3d: {  	_ =	shalt  }
0x3e: {  	_ =	shalt  }
0x3f: {  	_ =	shalt  }
0x40: {  	_ =	shalt  }
0x41: {  	_ =	shalt  }
0x42: {  	_ =	shalt  }
0x43: {  	_ =	shalt  }
0x44: {  	_ =	shalt  }
0x45: {  	_ =	shalt  }
0x46: {  	_ =	shalt  }
0x47: {  	_ =	shalt  }
0x48: {  	_ =	shalt  }
0x49: {  	_ =	shalt  }
0x4a: {  	_ =	shalt  }
0x4b: {  	_ =	shalt  }
0x4c: {  	_ =	shalt  }
0x4d: {  	_ =	shalt  }
0x4e: {  	_ =	shalt  }
0x4f: {  	_ =	shalt  }
0x50: {  	_ =	shalt  }
0x51: {  	_ =	shalt  }
0x52: {  	_ =	shalt  }
0x53: {  	_ =	shalt  }
0x54: {  	_ =	shalt  }
0x55: {  	_ =	shalt  }
0x56: {  	_ =	shalt  }
0x57: {  	_ =	shalt  }
0x58: {  	_ =	shalt  }
0x59: {  	_ =	shalt  }
0x5a: {  	_ =	shalt  }
0x5b: {  	_ =	shalt  }
0x5c: {  	_ =	shalt  }
0x5d: {  	_ =	shalt  }
0x5e: {  	_ =	shalt  }
0x5f: {  	_ =	shalt  }
0x60: {  	_ =	shalt  }
0x61: {  	_ =	shalt  }
0x62: {  	_ =	shalt  }
0x63: {  	_ =	shalt  }
0x64: {  	_ =	shalt  }
0x65: {  	_ =	shalt  }
0x66: {  	_ =	shalt  }
0x67: {  	_ =	shalt  }
0x68: {  	_ =	shalt  }
0x69: {  	_ =	shalt  }
0x6a: {  	_ =	shalt  }
0x6b: {  	_ =	shalt  }
0x6c: {  	_ =	shalt  }
0x6d: {  	_ =	shalt  }
0x6e: {  	_ =	shalt  }
0x6f: {  	_ =	shalt  }
0x70: {  	_ =	shalt  }
0x71: {  	_ =	shalt  }
0x72: {  	_ =	shalt  }
0x73: {  	_ =	shalt  }
0x74: {  	_ =	shalt  }
0x75: {  	_ =	shalt  }
0x76: {  	_ =	shalt  }
0x77: {  	_ =	shalt  }
0x78: {  	_ =	shalt  }
0x79: {  	_ =	shalt  }
0x7a: {  	_ =	shalt  }
0x7b: {  	_ =	shalt  }
0x7c: {  	_ =	shalt  }
0x7d: {  	_ =	shalt  }
0x7e: {  	_ =	shalt  }
0x7f: {  	_ =	shalt  }
0x80: {  	_ =	shalt  }
0x81: {  	_ =	shalt  }
0x82: {  	_ =	shalt  }
0x83: {  	_ =	shalt  }
0x84: {  	_ =	shalt  }
0x85: {  	_ =	shalt  }
0x86: {  	_ =	shalt  }
0x87: {  	_ =	shalt  }
.Lfunc_end0:
.L_simem_size_0:
called_computation_lowered:
.L_overlay_start_0:
0x88: {  	s2 =	sld [smem:$0x3FD9]  }
0x89: {  	s3 =	sld [smem:$0x3FFE];
	_ =	sdelay $0x1  }
0x8a: {  	s1 =	srdreg.scid  }
0x8b: {  	s0 =	sand.u32 $0x1, s1  }
0x8c: {  	s17 =	sshll.u32 s0, $0xA;
	s2 =	sadd.s32 s3, s2  }
0x8d: {  	s2 =	sadd.s32 s2, s17  }
0x8e: {  	[smem:$0x3FC6] =	sst s2  }
0x8f: {  	_ = 	snop  }
0x90: {  	s2 =	sld [smem:$0x3FD0];
	(tm) =	ssettm $0x1  }
0x91: {  	s18 =	sld [smem:$0x3FFB];
	_ =	sdelay $0x3  }
0x92: {  	_ =	strace s18  }
0x93: {  	s3 =	sld [smem:$0x3FFC];
	_ =	sdelay $0x3  }
0x94: {  	_ =	strace s3  }
0x95: {  	s3 =	sld [smem:$0x3FFD];
	_ =	sdelay $0x3  }
0x96: {  	_ =	strace s3  }
0x97: {  	_ =	strace $0x8FFFFFFF  }
0x98: {  	s19 =	sld [smem:$0x3FDB];
	_ =	sdelay $0x1  }
0x99: {  	s4 =	simm.s32 $_scs_section_size  }
0x9a: {  	s5 =	simm.s32 $_size__tile_overlayer_lowered;
	s6 =	simm.s32 $_tile_overlayer_lowered  }
0x9b: {  	s22 =	simm.s32 $0x1BFF;
	s21 =	sshll.u32 s6, $0x1;
	s3 =	sadd.s32 s4, s19  }
0x9c: {  	s7 =	simm.s32 $0x0;
	s20 =	sshll.u32 s5, $0x1;
	s5 =	sadd.s32 s21, s3  }
0x9d: {  	[timem:s7], [sflag:s22] =	dma.local [hbm:s5], s20  }
0x9e: {  	_ =	swait.ge [sflag:s22], s20  }
0x9f: {  	s4 =	ssub.s32 $0x0, s20;
	[sflag:s22] =	ssyncset.done $0x0  }
0xa0: {  	[sflag:s22] =	ssyncadd.s32 s4;
	_ =	sdelay $0x1  }
0xa1: {  	s23 =	simm.s32 $0x1B8B  }
0xa2: {  	_ =	swait.ge [sflag:s23], $0x1  }
0xa3: {  	[sflag:s23] =	ssyncset.done $0x0  }
0xa4: {  	s25 =	simm.s32 $0x1B8E;
	s24 =	sld [smem:$0x3FFE];
	[sflag:s23] =	ssyncadd.s32 $0xFFFFFFFF  }
0xa5: {  	s26 =	simm.s32 $execute0_lowered;
	[smem:$0x3FD2] =	sst s25  }
0xa6: {  	s5 =	sshll.u32 s26, $0x1;
	_ =	strace $0x80000046;
	[dreg:$0x1] =	wrdreg $0xFFFFFFFF  }
0xa7: {  	s28 =	simm.s32 $_size_execute0_lowered;
	s3 =	sadd.s32 s3, s5;
	[dreg:$0x0] =	wrdreg $0x0  }
0xa8: {  	s5 =	sshll.u32 s28, $0x1;
	[dreg:$0x2] =	wrdreg s3  }
0xa9: {  	[dreg:$0x3] =	wrdreg s5  }
0xaa: {  	[dreg:$0x4] =	wrdreg $0xC0  }
0xab: {  	_ =	task [dreg:s7], $0x5FFFF  }
0xac: {  	[dreg:$0x1] =	wrdreg $0xFFFFFFFF  }
0xad: {  	[dreg:$0x0] =	wrdreg $0x60  }
0xae: {  	[dreg:$0x2] =	wrdreg s24  }
0xaf: {  	[dreg:$0x3] =	wrdreg s2  }
0xb0: {  	[dreg:$0x4] =	wrdreg $0x9  }
0xb1: {  	_ =	task.clear_ibuf [dreg:s7], $0x5FFFF;
	_ =	strace $0x90000046  }
0xb2: {  	s29 =	simm.s32 $0x9;
	_ =	strace $0x80000048  }
0xb3: {  	_ =	swait.ge [sflag:s29], $0x1  }
0xb4: {  	[sflag:s29] =	ssyncadd.s32 $0xFFFFFFFF  }
0xb5: {  	_ =	strace $0x90000048  }
0xb6: {  	_ =	sfence  }
0xb7: {  	s30 =	sld [smem:$0x0];
	_ =	sdelay $0x2  }
0xb8: {  	s31 =	sshll.u32 s1, $0xD;
	s1 =	sshrl.u32 s1, $0x2  }
0xb9: {  	s3 =	sand.u32 $0x4000, s31;
	s1 =	sadd.s32 s1, s30  }
0xba: {  	s0 =	sor.u32 s3, s0;
	s1 =	sshll.u32 s1, $0x11  }
0xbb: {  	s0 =	sor.u32 s1, s0  }
0xbc: {  	s0 =	sadd.s32 $0x8F2B, s0  }
0xbd: {  	[sflag:s0] =	ssyncadd.remote.s32 $0x1  }
0xbe: {  	_ =	sfence.sel $0xFFFF  }
0xbf: {  	[dreg:$0x0] =	wrdreg $0xFFFFFFFF;
	(pc) =	sbr.abs _section_cstart, $3  }
0xc0: {  	[dreg:$0x1] =	wrdreg $0xFFFFFFFF  }
0xc1: {  	_ =	task.clear_ibuf [dreg:s7], $0x2FFFF;
	_ =	strace $0x9FFFFFFF  }
0xc2: {  	(tm) =	ssettm $0x7FFFFFFF  }
0xc3: {  	_ =	shalt  }
tec
execute0_lowered:
.L_overlay_start_1:
0x0: {  	(tag) =	ssettag $0x1  }
0x1: {  	v0 =	vimm.s32 $0x2B8F  }
0x2: {  	vm15 =	vcmask $0x300;
	vm14 =	vcmask $0x704;
	vm12 =	vcmask $0xB08  }
0x3: {  	vm11 =	vcmask $0xF0C;
	vm10 =	vcmask $0x1310;
	vm7 =	vcmask $0x1714  }
0x4: {  	v1 =	vimm.s32 $0x7B8F;
	vm8 =	vcmask $0x1B18;
	vm9 =	vcmask $0x1F1C  }
0x5: {  	vm6 =	vcmask $0x2320;
	vm1 =	vcmask $0x2724;
	v2 =	vimm.s32 $0xF  }
0x6: {  	vm2 =	vcmask $0x2B28;
	vm3 =	vcmask $0x2F2C;
	vm4 =	vcmask $0x3330  }
0x7: {  	vm5 =	vcmask $0x3734;
	v3 =	vimm.s32 $0xFEDCBA9;
	v4 =	vimm.s32 $0x87654321  }
0x8: {  	vm13 =	vcmask $0x3B38;
	vm0 =	vcmask $0x1F10;
	v9 =	vimm.s32 $0x18171615  }
0x9: {  	v11 =	vimm.s32 $0x98765432;
	v12 =	vimm.s32 $0x508F;
	v18 =	vimm.s32 $0xA9876543  }
0xa: {  	v20 =	vimm.s32 $0x1E1D1C1B;
	v25 =	vimm.s32 $0xBA987654;
	v26 =	vimm.s32 $0x518F  }
0xb: {  	v29 =	vimm.s32 $0x28F;
	v32 =	vimm.s32 $0x7B0F;
	v33 =	vimm.s32 $0xEDCBA987  }
0xc: {  	v0 =	vsel vm15, $0x0, v0;
	v1 =	vsel vm15, $0x5000, v1;
	v2 =	vsel vm15, $0x80, v2  }
0xd: {  	v3 =	vunpack.c.l.s4.s8 v3;
	v4 =	vunpack.c.l.s4.s8 v4;
	v9 =	vunpack.c.0.s8.s32 v9  }
0xe: {  	v11 =	vunpack.c.l.s4.s8 v11;
	v12 =	vsel vm15, $0x5100, v12;
	v18 =	vunpack.c.l.s4.s8 v18  }
0xf: {  	v25 =	vunpack.c.l.s4.s8 v25;
	v26 =	vsel vm15, $0x5200, v26;
	v29 =	vsel vm15, $0x300, v29  }
0x10: {  	v32 =	vsel vm15, $0x7B80, v32;
	v33 =	vunpack.c.l.s4.s8 v33;
	v0 =	vsel vm14, $0x81, v0  }
0x11: {  	v1 =	vsel vm14, $0x5081, v1;
	v2 =	vsel vm14, $0x101, v2;
	v12 =	vsel vm14, $0x5181, v12  }
0x12: {  	v0 =	vsel vm12, $0x102, v0;
	v1 =	vsel vm12, $0x5102, v1;
	v2 =	vsel vm12, $0x182, v2  }
0x13: {  	v6 =	vunpack.c.0.s8.s32 v3;
	v4 =	vunpack.c.0.s8.s32 v4;
	v14 =	vunpack.c.0.s8.s32 v11  }
0x14: {  	v18 =	vunpack.c.0.s8.s32 v18;
	v28 =	vunpack.c.0.s8.s32 v25;
	v0 =	vsel vm11, $0x183, v0  }
0x15: {  	v25 =	vsel vm14, $0x5281, v26;
	v1 =	vsel vm11, $0x5183, v1;
	v0 =	vsel vm10, $0x204, v0  }
0x16: {  	v52 =	vunpack.c.0.s8.s32 v33;
	v1 =	vsel vm10, $0x5204, v1;
	v0 =	vsel vm7, $0x285, v0  }
0x17: {  	v2 =	vsel vm11, $0x203, v2;
	v1 =	vsel vm7, $0x5285, v1;
	v0 =	vsel vm8, $0x306, v0  }
0x18: {  	v2 =	vsel vm10, $0x284, v2;
	v1 =	vsel vm8, $0x5306, v1;
	v0 =	vsel vm9, $0x387, v0  }
0x19: {  	v2 =	vsel vm7, $0x305, v2;
	v1 =	vsel vm9, $0x5387, v1;
	v0 =	vsel vm6, $0x2808, v0  }
0x1a: {  	v2 =	vsel vm8, $0x386, v2;
	v1 =	vsel vm6, $0x7808, v1;
	v0 =	vsel vm1, $0x2889, v0  }
0x1b: {  	v2 =	vsel vm9, $0x2807, v2;
	v1 =	vsel vm1, $0x7889, v1;
	v0 =	vsel vm2, $0x290A, v0  }
0x1c: {  	v2 =	vsel vm6, $0x2888, v2;
	v1 =	vsel vm2, $0x790A, v1;
	v0 =	vsel vm3, $0x298B, v0  }
0x1d: {  	v2 =	vsel vm1, $0x2909, v2;
	v1 =	vsel vm3, $0x798B, v1;
	v0 =	vsel vm4, $0x2A0C, v0  }
0x1e: {  	v2 =	vsel vm2, $0x298A, v2;
	v1 =	vsel vm4, $0x7A0C, v1;
	v0 =	vsel vm5, $0x2A8D, v0  }
0x1f: {  	v5 =	vsel vm3, $0x2A0B, v2;
	v1 =	vsel vm5, $0x7A8D, v1;
	v2 =	vsel vm13, $0x2B0E, v0  }
0x20: {  	v3 =	vsel vm13, $0x7B0E, v1;
	v0 =	vsel vm4, $0x2A8C, v5;
	v1 =	vcombine.low v4, v6  }
0x21: {  	[tilespmem:$0x1FE20] =	vst v6;
	v5 =	vimm.s32 $0x500F;
	v6 =	vimm.s32 $0x8F;
	v0 =	vsel vm5, $0x2B0D, v0  }
0x22: {  	[tilespmem:$0x1FE30] =	vst v4;
	v4 =	vsel vm13, $0x2B8E, v0;
	v0 =	vsel vm15, $0x5080, v5;
	v5 =	vand.u32 $0xF, v1  }
0x23: {  	v1 =	vsel vm15, $0x100, v6;
	v6 =	vimm.s32 $0x1C1B1A19;
	v0 =	vsel vm14, $0x5101, v0  }
0x24: {  	v1 =	vsel vm14, $0x181, v1;
	v7 =	vsel vm12, $0x5182, v0;
	v0 =	vunpack.c.0.s8.s32 v6  }
0x25: {  	v1 =	vsel vm12, $0x202, v1;
	v6 =	vsel vm11, $0x5203, v7;
	v7 =	vimm.s32 $0x101F1E1D  }
0x26: {  	v1 =	vsel vm11, $0x283, v1;
	v8 =	vsel vm10, $0x5284, v6;
	v6 =	vunpack.c.0.s8.s32 v7  }
0x27: {  	v1 =	vsel vm10, $0x304, v1;
	v49 =	vsel vm0, v0, v9;
	v7 =	vsel vm7, $0x5305, v8  }
0x28: {  	v1 =	vsel vm7, $0x385, v1;
	v8 =	vimm.s32 $0x14131211;
	v7 =	vsel vm8, $0x5386, v7  }
0x29: {  	v1 =	vsel vm8, $0x2806, v1;
	v8 =	vunpack.c.0.s8.s32 v8;
	v7 =	vsel vm9, $0x7807, v7  }
0x2a: {  	v10 =	vsel vm0, v6, v0;
	v1 =	vsel vm9, $0x2887, v1;
	v7 =	vsel vm6, $0x7888, v7  }
0x2b: {  	[tilespmem:$0x1FF00] =	vst v10;
	v1 =	vsel vm6, $0x2908, v1;
	v10 =	vsel vm0, v9, v8;
	v50 =	vsel vm0, v8, v6  }
0x2c: {  	v9 =	vimm.s32 $0x543210FE;
	v7 =	vsel vm1, $0x7909, v7;
	v1 =	vsel vm1, $0x2989, v1  }
0x2d: {  	[tilespmem:$0x1FF10] =	vst v10;
	v10 =	vimm.s32 $0x10FEDCBA;
	v7 =	vsel vm2, $0x798A, v7;
	v1 =	vsel vm2, $0x2A0A, v1  }
0x2e: {  	v10 =	vunpack.c.l.s4.s8 v10;
	v7 =	vsel vm3, $0x7A0B, v7;
	v1 =	vsel vm3, $0x2A8B, v1  }
0x2f: {  	v9 =	vunpack.c.l.s4.s8 v9;
	v7 =	vsel vm4, $0x7A8C, v7;
	v1 =	vsel vm4, $0x2B0C, v1  }
0x30: {  	v13 =	vunpack.c.0.s8.s32 v10;
	v7 =	vsel vm5, $0x7B0D, v7;
	v1 =	vsel vm5, $0x2B8D, v1  }
0x31: {  	v10 =	vsel vm13, $0x7B8E, v7;
	v11 =	vsel vm13, $0xE, v1;
	v1 =	vsel vm12, $0x5202, v12  }
0x32: {  	[tilespmem:$0x1FE40] =	vst v13;
	v12 =	vcombine.low v14, v13;
	v7 =	vimm.s32 $0x1D1C1B1A;
	v13 =	vsel vm11, $0x5283, v1  }
0x33: {  	v9 =	vunpack.c.0.s8.s32 v9;
	v1 =	vunpack.c.0.s8.s32 v7;
	v7 =	vsel vm10, $0x5304, v13  }
0x34: {  	[tilespmem:$0x1FE50] =	vst v14;
	v14 =	vimm.s32 $0x11101F1E;
	v13 =	vimm.s32 $0x10F;
	v15 =	vsel vm7, $0x5385, v7  }
0x35: {  	v13 =	vsel vm15, $0x180, v13;
	v7 =	vunpack.c.0.s8.s32 v14;
	v14 =	vsel vm8, $0x7806, v15  }
0x36: {  	v12 =	vand.u32 $0xF, v12;
	v13 =	vsel vm14, $0x201, v13;
	v14 =	vsel vm9, $0x7887, v14  }
0x37: {  	v13 =	vsel vm12, $0x282, v13;
	v15 =	vsel vm0, v7, v1;
	v14 =	vsel vm6, $0x7908, v14  }
0x38: {  	[tilespmem:$0x1FF20] =	vst v15;
	v13 =	vsel vm11, $0x303, v13;
	v15 =	vimm.s32 $0x15141312;
	v14 =	vsel vm1, $0x7989, v14  }
0x39: {  	v16 =	vsel vm10, $0x384, v13;
	v13 =	vunpack.c.0.s8.s32 v15;
	v14 =	vsel vm2, $0x7A0A, v14  }
0x3a: {  	v15 =	vsel vm7, $0x2805, v16;
	v16 =	vimm.s32 $0x19181716;
	v17 =	vsel vm3, $0x7A8B, v14  }
0x3b: {  	v15 =	vsel vm8, $0x2886, v15;
	v14 =	vunpack.c.0.s8.s32 v16;
	v47 =	vsel vm0, v13, v7  }
0x3c: {  	v7 =	vimm.s32 $0xFEDCBA98;
	v16 =	vsel vm4, $0x7B0C, v17;
	v15 =	vsel vm9, $0x2907, v15  }
0x3d: {  	v17 =	vimm.s32 $0x210FEDCB;
	v7 =	vunpack.c.l.s4.s8 v7;
	v15 =	vsel vm6, $0x2988, v15  }
0x3e: {  	v17 =	vunpack.c.l.s4.s8 v17;
	v19 =	vsel vm0, v14, v13;
	v16 =	vsel vm5, $0x7B8D, v16  }
0x3f: {  	v46 =	vsel vm0, v1, v14;
	v1 =	vimm.s32 $0x6543210F;
	v15 =	vsel vm1, $0x2A09, v15  }
0x40: {  	v14 =	vimm.s32 $0x288F;
	v7 =	vunpack.c.0.s8.s32 v7;
	v15 =	vsel vm2, $0x2A8A, v15  }
0x41: {  	[tilespmem:$0x1FF30] =	vst v19;
	v14 =	vsel vm15, $0x2900, v14;
	v19 =	vunpack.c.0.s8.s32 v17;
	v15 =	vsel vm3, $0x2B0B, v15  }
0x42: {  	v17 =	vsel vm13, $0x500E, v16;
	v16 =	vimm.s32 $0x510F;
	v15 =	vsel vm4, $0x2B8C, v15  }
0x43: {  	[tilespmem:$0x1FE70] =	vst v18;
	v14 =	vsel vm14, $0x2981, v14;
	v16 =	vsel vm15, $0x5180, v16;
	v15 =	vsel vm5, $0xD, v15  }
0x44: {  	[tilespmem:$0x1FE60] =	vst v19;
	v19 =	vcombine.low v18, v19;
	v18 =	vsel vm13, $0x8E, v15;
	v15 =	vsel vm14, $0x5201, v16  }
0x45: {  	v7 =	vand.u32 $0xF, v7;
	v16 =	vimm.s32 $0x18F;
	v15 =	vsel vm12, $0x5282, v15  }
0x46: {  	v19 =	vand.u32 $0xF, v19;
	v16 =	vsel vm15, $0x200, v16;
	v21 =	vsel vm11, $0x5303, v15  }
0x47: {  	v16 =	vsel vm14, $0x281, v16;
	v15 =	vunpack.c.0.s8.s32 v20;
	v20 =	vsel vm10, $0x5384, v21  }
0x48: {  	v16 =	vsel vm12, $0x302, v16;
	v21 =	vimm.s32 $0x1211101F;
	v20 =	vsel vm7, $0x7805, v20  }
0x49: {  	v22 =	vsel vm11, $0x383, v16;
	v16 =	vunpack.c.0.s8.s32 v21;
	v20 =	vsel vm8, $0x7886, v20  }
0x4a: {  	v21 =	vsel vm10, $0x2804, v22;
	v22 =	vimm.s32 $0x16151413;
	v23 =	vsel vm9, $0x7907, v20  }
0x4b: {  	v21 =	vsel vm7, $0x2885, v21;
	v20 =	vunpack.c.0.s8.s32 v22;
	v22 =	vsel vm6, $0x7988, v23  }
0x4c: {  	v21 =	vsel vm8, $0x2906, v21;
	v23 =	vimm.s32 $0x1A191817;
	v22 =	vsel vm1, $0x7A09, v22  }
0x4d: {  	v24 =	vsel vm9, $0x2987, v21;
	v21 =	vunpack.c.0.s8.s32 v23;
	v44 =	vsel vm0, v20, v16  }
0x4e: {  	v22 =	vsel vm2, $0x7A8A, v22;
	v23 =	vsel vm6, $0x2A08, v24;
	v24 =	vsel vm0, v16, v15  }
0x4f: {  	v16 =	vimm.s32 $0x290F;
	v22 =	vsel vm3, $0x7B0B, v22;
	v23 =	vsel vm1, $0x2A89, v23  }
0x50: {  	[tilespmem:$0x1FF40] =	vst v24;
	v24 =	vsel vm0, v21, v20;
	v43 =	vsel vm0, v15, v21;
	v15 =	vimm.s32 $0x788F  }
0x51: {  	v16 =	vsel vm15, $0x2980, v16;
	v20 =	vimm.s32 $0x790F;
	v21 =	vimm.s32 $0x298F  }
0x52: {  	[tilespmem:$0x1FF50] =	vst v24;
	v22 =	vsel vm4, $0x7B8C, v22;
	v23 =	vsel vm2, $0x2B0A, v23;
	v24 =	vimm.s32 $0x3210FEDC  }
0x53: {  	v15 =	vsel vm15, $0x7900, v15;
	v20 =	vsel vm15, $0x7980, v20;
	v24 =	vunpack.c.l.s4.s8 v24  }
0x54: {  	v21 =	vsel vm15, $0x2A00, v21;
	v16 =	vsel vm14, $0x2A01, v16;
	v23 =	vsel vm3, $0x2B8B, v23  }
0x55: {  	v22 =	vsel vm5, $0x500D, v22;
	v23 =	vsel vm4, $0xC, v23;
	v27 =	vunpack.c.0.s8.s32 v24  }
0x56: {  	v24 =	vsel vm13, $0x508E, v22;
	v22 =	vsel vm5, $0x8D, v23;
	v23 =	vsel vm12, $0x5302, v25  }
0x57: {  	v15 =	vsel vm14, $0x7981, v15;
	v23 =	vsel vm11, $0x5383, v23;
	v25 =	vsel vm13, $0x10E, v22  }
0x58: {  	[tilespmem:$0x1FE80] =	vst v27;
	v26 =	vcombine.low v28, v27;
	v27 =	vimm.s32 $0x20F;
	v22 =	vsel vm10, $0x7804, v23  }
0x59: {  	v23 =	vsel vm15, $0x280, v27;
	v22 =	vsel vm7, $0x7885, v22;
	v27 =	vimm.s32 $0x1F1E1D1C  }
0x5a: {  	v23 =	vsel vm14, $0x301, v23;
	v22 =	vsel vm8, $0x7906, v22;
	v27 =	vunpack.c.0.s8.s32 v27  }
0x5b: {  	v20 =	vsel vm14, $0x7A01, v20;
	v23 =	vsel vm12, $0x382, v23;
	v22 =	vsel vm9, $0x7987, v22  }
0x5c: {  	[tilespmem:$0x1FF60] =	vst v27;
	v23 =	vsel vm11, $0x2803, v23;
	v27 =	vimm.s32 $0x13121110;
	v22 =	vsel vm6, $0x7A08, v22  }
0x5d: {  	v23 =	vsel vm10, $0x2884, v23;
	v27 =	vunpack.c.0.s8.s32 v27;
	v22 =	vsel vm1, $0x7A89, v22  }
0x5e: {  	v21 =	vsel vm14, $0x2A81, v21;
	v23 =	vsel vm7, $0x2905, v23;
	v22 =	vsel vm2, $0x7B0A, v22  }
0x5f: {  	[tilespmem:$0x1FF70] =	vst v27;
	v27 =	vimm.s32 $0x17161514;
	v23 =	vsel vm8, $0x2986, v23;
	v22 =	vsel vm3, $0x7B8B, v22  }
0x60: {  	v27 =	vunpack.c.0.s8.s32 v27;
	v23 =	vsel vm9, $0x2A07, v23;
	v22 =	vsel vm4, $0x500C, v22  }
0x61: {  	[tilespmem:$0x1FE90] =	vst v28;
	v28 =	vimm.s32 $0xCBA98765;
	v23 =	vsel vm6, $0x2A88, v23;
	v22 =	vsel vm5, $0x508D, v22  }
0x62: {  	[tilespmem:$0x1FF80] =	vst v27;
	v27 =	vimm.s32 $0x1B1A1918;
	v23 =	vsel vm1, $0x2B09, v23;
	v31 =	vsel vm13, $0x510E, v22  }
0x63: {  	v27 =	vunpack.c.0.s8.s32 v27;
	v22 =	vsel vm2, $0x2B8A, v23;
	v23 =	vimm.s32 $0x520F  }
0x64: {  	v28 =	vunpack.c.l.s4.s8 v28;
	v26 =	vand.u32 $0xF, v26;
	v23 =	vsel vm15, $0x5280, v23  }
0x65: {  	v22 =	vsel vm3, $0xB, v22;
	[tilespmem:$0x1FF90] =	vst v27;
	v27 =	vimm.s32 $0x43210FED;
	v23 =	vsel vm14, $0x5301, v23  }
0x66: {  	v22 =	vsel vm4, $0x8C, v22;
	v27 =	vunpack.c.l.s4.s8 v27;
	v23 =	vsel vm12, $0x5382, v23  }
0x67: {  	v28 =	vunpack.c.0.s8.s32 v28;
	v22 =	vsel vm5, $0x10D, v22;
	v23 =	vsel vm11, $0x7803, v23  }
0x68: {  	v34 =	vsel vm13, $0x18E, v22;
	v30 =	vunpack.c.0.s8.s32 v27;
	v23 =	vsel vm10, $0x7884, v23  }
0x69: {  	v27 =	vsel vm14, $0x381, v29;
	v29 =	vimm.s32 $0x7A8F;
	v23 =	vsel vm7, $0x7905, v23  }
0x6a: {  	[tilespmem:$0x1FEB0] =	vst v28;
	v27 =	vsel vm12, $0x2802, v27;
	v29 =	vsel vm15, $0x7B00, v29;
	v23 =	vsel vm8, $0x7986, v23  }
0x6b: {  	v27 =	vsel vm11, $0x2883, v27;
	[tilespmem:$0x1FEA0] =	vst v30;
	v28 =	vcombine.low v28, v30;
	v30 =	vimm.s32 $0x2B0F  }
0x6c: {  	v23 =	vsel vm9, $0x7A07, v23;
	v27 =	vsel vm10, $0x2904, v27;
	v30 =	vsel vm15, $0x2B80, v30  }
0x6d: {  	v22 =	vsel vm6, $0x7A88, v23;
	v23 =	vsel vm7, $0x2985, v27;
	v35 =	vand.u32 $0xF, v28  }
0x6e: {  	v27 =	vimm.s32 $0x7A0F;
	v28 =	vimm.s32 $0x2A8F;
	v22 =	vsel vm1, $0x7B09, v22  }
0x6f: {  	v23 =	vsel vm8, $0x2A06, v23;
	v27 =	vsel vm15, $0x7A80, v27;
	v28 =	vsel vm15, $0x2B00, v28  }
0x70: {  	v6 =	vsel vm2, $0x7B8A, v22;
	v8 =	vsel vm9, $0x2A87, v23;
	v22 =	vimm.s32 $0xDCBA9876  }
0x71: {  	v23 =	vimm.s32 $0x2A0F;
	v0 =	vsel vm3, $0x500B, v6;
	v6 =	vsel vm6, $0x2B08, v8  }
0x72: {  	v8 =	vimm.s32 $0x528F;
	v22 =	vunpack.c.l.s4.s8 v22;
	v23 =	vsel vm15, $0x2A80, v23  }
0x73: {  	v0 =	vsel vm4, $0x508C, v0;
	v6 =	vsel vm1, $0x2B89, v6;
	v8 =	vsel vm15, $0x5300, v8  }
0x74: {  	v0 =	vsel vm5, $0x510D, v0;
	v6 =	vsel vm2, $0xA, v6;
	v22 =	vunpack.c.0.s8.s32 v22  }
0x75: {  	v38 =	vsel vm13, $0x518E, v0;
	v0 =	vsel vm3, $0x8B, v6;
	v6 =	vsel vm14, $0x5381, v8  }
0x76: {  	[tilespmem:$0x1FEC0] =	vst v9;
	v8 =	vimm.s32 $0x30F;
	v0 =	vsel vm4, $0x10C, v0;
	v6 =	vsel vm12, $0x7802, v6  }
0x77: {  	v8 =	vsel vm15, $0x380, v8;
	[tilespmem:$0x1FED0] =	vst v22;
	v9 =	vcombine.low v22, v9;
	v22 =	vimm.s32 $0x798F  }
0x78: {  	v6 =	vsel vm11, $0x7883, v6;
	v8 =	vsel vm14, $0x2801, v8;
	v0 =	vsel vm5, $0x18D, v0  }
0x79: {  	v22 =	vsel vm15, $0x7A00, v22;
	v6 =	vsel vm10, $0x7904, v6;
	v8 =	vsel vm12, $0x2882, v8  }
0x7a: {  	v41 =	vsel vm13, $0x20E, v0;
	v42 =	vand.u32 $0xF, v9;
	v9 =	vimm.s32 $0x780F  }
0x7b: {  	v22 =	vsel vm14, $0x7A81, v22;
	v6 =	vsel vm7, $0x7985, v6;
	v8 =	vsel vm11, $0x2903, v8  }
0x7c: {  	v9 =	vsel vm15, $0x7880, v9;
	v6 =	vsel vm8, $0x7A06, v6;
	v8 =	vsel vm10, $0x2984, v8  }
0x7d: {  	v40 =	vsel vm14, $0x7901, v9;
	v9 =	vsel vm14, $0x7B81, v29;
	v6 =	vsel vm9, $0x7A87, v6  }
0x7e: {  	v8 =	vsel vm7, $0x2A05, v8;
	v9 =	vsel vm12, $0x5002, v9;
	v6 =	vsel vm6, $0x7B08, v6  }
0x7f: {  	v8 =	vsel vm8, $0x2A86, v8;
	v9 =	vsel vm11, $0x5083, v9;
	v6 =	vsel vm1, $0x7B89, v6  }
0x80: {  	v8 =	vsel vm9, $0x2B07, v8;
	v9 =	vsel vm10, $0x5104, v9;
	v6 =	vsel vm2, $0x500A, v6  }
0x81: {  	v9 =	vsel vm7, $0x5185, v9;
	v0 =	vsel vm3, $0x508B, v6;
	v6 =	vsel vm6, $0x2B88, v8  }
0x82: {  	v8 =	vimm.s32 $0x76543210;
	v9 =	vsel vm8, $0x5206, v9;
	v0 =	vsel vm4, $0x510C, v0  }
0x83: {  	v6 =	vsel vm1, $0x9, v6;
	v8 =	vunpack.c.l.s4.s8 v8;
	v9 =	vsel vm9, $0x5287, v9  }
0x84: {  	v0 =	vsel vm5, $0x518D, v0;
	v6 =	vsel vm2, $0x8A, v6;
	v9 =	vsel vm6, $0x5308, v9  }
0x85: {  	v45 =	vsel vm13, $0x520E, v0;
	v0 =	vsel vm3, $0x10B, v6;
	v6 =	vimm.s32 $0x530F  }
0x86: {  	v8 =	vunpack.c.0.s8.s32 v8;
	v9 =	vsel vm1, $0x5389, v9;
	v0 =	vsel vm4, $0x18C, v0  }
0x87: {  	v9 =	vsel vm2, $0x780A, v9;
	v13 =	vsel vm5, $0x20D, v0;
	v0 =	vunpack.c.l.s4.s8 v1  }
0x88: {  	v1 =	vsel vm15, $0x5380, v6;
	v6 =	vimm.s32 $0x38F;
	v48 =	vcombine.low v7, v8  }
0x89: {  	v7 =	vimm.s32 $0x538F;
	v8 =	vimm.s32 $0x280F;
	v6 =	vsel vm15, $0x2800, v6  }
0x8a: {  	v9 =	vsel vm3, $0x788B, v9;
	v1 =	vsel vm14, $0x7801, v1;
	v6 =	vsel vm14, $0x2881, v6  }
0x8b: {  	v7 =	vsel vm15, $0x7800, v7;
	v1 =	vsel vm12, $0x7882, v1;
	v6 =	vsel vm12, $0x2902, v6  }
0x8c: {  	v8 =	vsel vm15, $0x2880, v8;
	v1 =	vsel vm11, $0x7903, v1;
	v6 =	vsel vm11, $0x2983, v6  }
0x8d: {  	v9 =	vsel vm4, $0x790C, v9;
	v1 =	vsel vm10, $0x7984, v1;
	v6 =	vsel vm10, $0x2A04, v6  }
0x8e: {  	v51 =	vunpack.c.0.s8.s32 v0;
	v1 =	vsel vm7, $0x7A05, v1;
	v6 =	vsel vm7, $0x2A85, v6  }
0x8f: {  	v37 =	vsel vm14, $0x7881, v7;
	v1 =	vsel vm8, $0x7A86, v1;
	v6 =	vsel vm8, $0x2B06, v6  }
0x90: {  	v39 =	vsel vm14, $0x2901, v8;
	v1 =	vsel vm9, $0x7B07, v1;
	v6 =	vsel vm9, $0x2B87, v6  }
0x91: {  	v7 =	vsel vm14, $0x1, v30;
	v1 =	vsel vm6, $0x7B88, v1;
	v6 =	vsel vm6, $0x8, v6  }
0x92: {  	v8 =	vsel vm14, $0x5001, v32;
	v0 =	vsel vm1, $0x5009, v1;
	v1 =	vsel vm1, $0x89, v6  }
0x93: {  	v0 =	vsel vm2, $0x508A, v0;
	v6 =	vsel vm14, $0x2B01, v23;
	v23 =	vcombine.low v52, v51  }
0x94: {  	[tilespmem:$0x1FEE0] =	vst v51;
	v51 =	vsel vm13, $0x28E, v13;
	v1 =	vsel vm2, $0x10A, v1;
	v63 =	vsel vm3, $0x510B, v0  }
0x95: {  	v0 =	vsel vm14, $0x7B01, v27;
	v36 =	vsel vm3, $0x18B, v1;
	v13 =	vsel vm4, $0x518C, v63  }
0x96: {  	[tilespmem:$0x1FEF0] =	vst v52;
	v52 =	vand.u32 $0xF, v23;
	v27 =	vsel vm4, $0x20C, v36;
	v13 =	vsel vm5, $0x520D, v13  }
0x97: {  	v23 =	vsel vm5, $0x28D, v27;
	v53 =	vsel vm13, $0x528E, v13;
	v13 =	vsel vm12, $0x7902, v37  }
0x98: {  	v54 =	vsel vm13, $0x30E, v23;
	v13 =	vsel vm11, $0x7983, v13;
	v23 =	vsel vm12, $0x2982, v39  }
0x99: {  	v9 =	vsel vm5, $0x798D, v9;
	v13 =	vsel vm10, $0x7A04, v13;
	v23 =	vsel vm11, $0x2A03, v23  }
0x9a: {  	v7 =	vsel vm12, $0x82, v7;
	v13 =	vsel vm7, $0x7A85, v13;
	v23 =	vsel vm10, $0x2A84, v23  }
0x9b: {  	v8 =	vsel vm12, $0x5082, v8;
	v13 =	vsel vm8, $0x7B06, v13;
	v23 =	vsel vm7, $0x2B05, v23  }
0x9c: {  	v7 =	vsel vm11, $0x103, v7;
	v13 =	vsel vm9, $0x7B87, v13;
	v23 =	vsel vm8, $0x2B86, v23  }
0x9d: {  	v8 =	vsel vm11, $0x5103, v8;
	v13 =	vsel vm6, $0x5008, v13;
	v23 =	vsel vm9, $0x7, v23  }
0x9e: {  	v7 =	vsel vm10, $0x184, v7;
	v13 =	vsel vm1, $0x5089, v13;
	v23 =	vsel vm6, $0x88, v23  }
0x9f: {  	v8 =	vsel vm10, $0x5184, v8;
	v13 =	vsel vm2, $0x510A, v13;
	v23 =	vsel vm1, $0x109, v23  }
0xa0: {  	v7 =	vsel vm7, $0x205, v7;
	v13 =	vsel vm3, $0x518B, v13;
	v23 =	vsel vm2, $0x18A, v23  }
0xa1: {  	v8 =	vsel vm7, $0x5205, v8;
	v13 =	vsel vm4, $0x520C, v13;
	v23 =	vsel vm3, $0x20B, v23  }
0xa2: {  	v7 =	vsel vm8, $0x286, v7;
	v13 =	vsel vm5, $0x528D, v13;
	v23 =	vsel vm4, $0x28C, v23  }
0xa3: {  	v8 =	vsel vm8, $0x5286, v8;
	v55 =	vsel vm13, $0x530E, v13;
	v13 =	vsel vm5, $0x30D, v23  }
0xa4: {  	v7 =	vsel vm9, $0x307, v7;
	v56 =	vsel vm13, $0x38E, v13;
	v13 =	vsel vm12, $0x2A02, v14  }
0xa5: {  	v14 =	vsel vm12, $0x7A02, v15;
	v15 =	vsel vm12, $0x2A82, v16;
	v13 =	vsel vm11, $0x2A83, v13  }
0xa6: {  	v14 =	vsel vm11, $0x7A83, v14;
	v15 =	vsel vm11, $0x2B03, v15;
	v13 =	vsel vm10, $0x2B04, v13  }
0xa7: {  	v14 =	vsel vm10, $0x7B04, v14;
	v15 =	vsel vm10, $0x2B84, v15;
	v13 =	vsel vm7, $0x2B85, v13  }
0xa8: {  	v14 =	vsel vm7, $0x7B85, v14;
	v15 =	vsel vm7, $0x5, v15;
	v13 =	vsel vm8, $0x6, v13  }
0xa9: {  	v14 =	vsel vm8, $0x5006, v14;
	v15 =	vsel vm8, $0x86, v15;
	v13 =	vsel vm9, $0x87, v13  }
0xaa: {  	v14 =	vsel vm9, $0x5087, v14;
	v15 =	vsel vm9, $0x107, v15;
	v13 =	vsel vm6, $0x108, v13  }
0xab: {  	v14 =	vsel vm6, $0x5108, v14;
	v15 =	vsel vm6, $0x188, v15;
	v13 =	vsel vm1, $0x189, v13  }
0xac: {  	v14 =	vsel vm1, $0x5189, v14;
	v15 =	vsel vm1, $0x209, v15;
	v13 =	vsel vm2, $0x20A, v13  }
0xad: {  	v14 =	vsel vm2, $0x520A, v14;
	v15 =	vsel vm2, $0x28A, v15;
	v13 =	vsel vm3, $0x28B, v13  }
0xae: {  	v14 =	vsel vm3, $0x528B, v14;
	v15 =	vsel vm3, $0x30B, v15;
	v13 =	vsel vm4, $0x30C, v13  }
0xaf: {  	v14 =	vsel vm4, $0x530C, v14;
	v15 =	vsel vm4, $0x38C, v15;
	v13 =	vsel vm5, $0x38D, v13  }
0xb0: {  	v58 =	vsel vm13, $0x280E, v13;
	v13 =	vsel vm5, $0x538D, v14;
	v14 =	vsel vm5, $0x280D, v15  }
0xb1: {  	v15 =	vsel vm12, $0x7B02, v22;
	v59 =	vsel vm13, $0x780E, v13;
	v13 =	vsel vm12, $0x7A82, v20  }
0xb2: {  	v60 =	vsel vm13, $0x288E, v14;
	v14 =	vsel vm12, $0x2B02, v21;
	v13 =	vsel vm11, $0x7B03, v13  }
0xb3: {  	v15 =	vsel vm11, $0x7B83, v15;
	v14 =	vsel vm11, $0x2B83, v14;
	v13 =	vsel vm10, $0x7B84, v13  }
0xb4: {  	v15 =	vsel vm10, $0x5004, v15;
	v14 =	vsel vm10, $0x4, v14;
	v13 =	vsel vm7, $0x5005, v13  }
0xb5: {  	v15 =	vsel vm7, $0x5085, v15;
	v14 =	vsel vm7, $0x85, v14;
	v13 =	vsel vm8, $0x5086, v13  }
0xb6: {  	v15 =	vsel vm8, $0x5106, v15;
	v14 =	vsel vm8, $0x106, v14;
	v13 =	vsel vm9, $0x5107, v13  }
0xb7: {  	v15 =	vsel vm9, $0x5187, v15;
	v14 =	vsel vm9, $0x187, v14;
	v13 =	vsel vm6, $0x5188, v13  }
0xb8: {  	s4 =	rddreg [dreg:$0x0];
	v15 =	vsel vm6, $0x5208, v15;
	v14 =	vsel vm6, $0x208, v14;
	v13 =	vsel vm1, $0x5209, v13  }
0xb9: {  	s2 =	rddreg [dreg:$0x1];
	s3 =	simm.s32 $0x0;
	v15 =	vsel vm1, $0x5289, v15;
	v14 =	vsel vm1, $0x289, v14;
	v13 =	vsel vm2, $0x528A, v13  }
0xba: {  	s1 =	srdreg.scid;
	[smem:$0x7FF] =	sst s3;
	v15 =	vsel vm2, $0x530A, v15;
	v14 =	vsel vm2, $0x30A, v14;
	v13 =	vsel vm3, $0x530B, v13  }
0xbb: {  	s5 =	sand.u32 $0x1, s1;
	s1 =	rddreg [dreg:$0x2];
	_ =	strace $0x80000047;
	v15 =	vsel vm3, $0x538B, v15;
	v14 =	vsel vm3, $0x38B, v14;
	v13 =	vsel vm4, $0x538C, v13  }
0xbc: {  	v16 =	vld [tilespmem:$0x1FF10];
	v15 =	vsel vm4, $0x780C, v15;
	v14 =	vsel vm4, $0x280C, v14;
	v13 =	vsel vm5, $0x780D, v13  }
0xbd: {  	v61 =	vsel vm13, $0x788E, v13;
	v13 =	vsel vm5, $0x288D, v14;
	v14 =	vsel vm5, $0x788D, v15;
	v15 =	vld [tilespmem:$0x1FF00]  }
0xbe: {  	v30 =	vcombine.low v46, v47;
	v8 =	vsel vm9, $0x5307, v8;
	v7 =	vsel vm6, $0x388, v7  }
0xbf: {  	v32 =	vcombine.low v43, v44;
	v8 =	vsel vm6, $0x5388, v8;
	v7 =	vsel vm1, $0x2809, v7  }
0xc0: {  	v8 =	vsel vm1, $0x7809, v8;
	v6 =	vsel vm12, $0x2B82, v6;
	v7 =	vsel vm2, $0x288A, v7  }
0xc1: {  	v8 =	vsel vm2, $0x788A, v8;
	v1 =	vsel vm14, $0x2B81, v28;
	v6 =	vsel vm11, $0x3, v6;
	v20 =	vld [tilespmem:$0x1FF30]  }
0xc2: {  	v0 =	vsel vm12, $0x7B82, v0;
	v7 =	vsel vm3, $0x290B, v7;
	v15 =	vcombine.low v16, v15;
	v16 =	vld [tilespmem:$0x1FF20]  }
0xc3: {  	v8 =	vsel vm3, $0x790B, v8;
	v1 =	vsel vm12, $0x2, v1;
	v6 =	vsel vm10, $0x84, v6  }
0xc4: {  	v0 =	vsel vm11, $0x5003, v0;
	v27 =	vsel vm12, $0x7982, v40;
	v1 =	vsel vm11, $0x83, v1  }
0xc5: {  	v6 =	vsel vm7, $0x105, v6;
	v0 =	vsel vm10, $0x5084, v0;
	v27 =	vsel vm11, $0x7A03, v27  }
0xc6: {  	v1 =	vsel vm10, $0x104, v1;
	v6 =	vsel vm8, $0x186, v6;
	v27 =	vsel vm10, $0x7A84, v27;
	v21 =	vld [tilespmem:$0x1FF50]  }
0xc7: {  	v0 =	vsel vm7, $0x5105, v0;
	v27 =	vsel vm7, $0x7B05, v27;
	v16 =	vcombine.low v20, v16;
	v20 =	vld [tilespmem:$0x1FF40]  }
0xc8: {  	v1 =	vsel vm7, $0x185, v1;
	v6 =	vsel vm9, $0x207, v6;
	v27 =	vsel vm8, $0x7B86, v27  }
0xc9: {  	v0 =	vsel vm8, $0x5186, v0;
	v1 =	vsel vm8, $0x206, v1;
	v27 =	vsel vm9, $0x5007, v27  }
0xca: {  	v6 =	vsel vm6, $0x288, v6;
	v0 =	vsel vm9, $0x5207, v0;
	v27 =	vsel vm6, $0x5088, v27  }
0xcb: {  	v1 =	vsel vm9, $0x287, v1;
	v6 =	vsel vm1, $0x309, v6;
	v27 =	vsel vm1, $0x5109, v27;
	v22 =	vld [tilespmem:$0x1FF70]  }
0xcc: {  	v0 =	vsel vm6, $0x5288, v0;
	v27 =	vsel vm2, $0x518A, v27;
	v20 =	vcombine.low v21, v20;
	v21 =	vld [tilespmem:$0x1FF60]  }
0xcd: {  	v1 =	vsel vm6, $0x308, v1;
	v6 =	vsel vm2, $0x38A, v6;
	v27 =	vsel vm3, $0x520B, v27  }
0xce: {  	v0 =	vsel vm1, $0x5309, v0;
	v1 =	vsel vm1, $0x389, v1;
	v27 =	vsel vm4, $0x528C, v27  }
0xcf: {  	v6 =	vsel vm3, $0x280B, v6;
	v0 =	vsel vm2, $0x538A, v0;
	v23 =	vsel vm5, $0x530D, v27  }
0xd0: {  	v1 =	vsel vm2, $0x280A, v1;
	v6 =	vsel vm4, $0x288C, v6;
	v57 =	vsel vm13, $0x538E, v23;
	v23 =	vld [tilespmem:$0x1FF90]  }
0xd1: {  	v0 =	vsel vm3, $0x780B, v0;
	v1 =	vsel vm3, $0x288B, v1;
	v21 =	vsel vm0, v22, v21;
	v22 =	vld [tilespmem:$0x1FF80]  }
0xd2: {  	s0 =	stileid.u32;
	v6 =	vsel vm5, $0x290D, v6;
	v62 =	vsel vm13, $0x290E, v13;
	v13 =	vsel vm4, $0x788C, v0  }
0xd3: {  	s9 =	simm.s32 $0x500;
	s10 =	simm.s32 $0x6400;
	s11 =	simm.s32 $0x2;
	v1 =	vsel vm4, $0x290C, v1;
	v0 =	vsel vm13, $0x298E, v6;
	v6 =	vsel vm5, $0x790D, v13  }
0xd4: {  	s12 =	simm.s32 $0x10400;
	s13 =	simm.s32 $0x12C00;
	s31 =	sshll.u32 s0, $0x1;
	[tilespmem:$0x1FFC0] =	vst v50;
	v8 =	vsel vm4, $0x798C, v8;
	v13 =	vsel vm5, $0x298D, v1;
	v1 =	vsel vm13, $0x798E, v6  }
0xd5: {  	s14 =	simm.s32 $0x15400;
	s6 =	sor.u32 s5, s31;
	s5 =	ssub.s32 $0x2, s5;
	[tilespmem:$0x1FFD0] =	vst v49;
	v6 =	vsel vm13, $0x2A0E, v13;
	v13 =	vsel vm4, $0x298C, v7;
	v7 =	vsel vm13, $0x7A0E, v9  }
0xd6: {  	s15 =	simm.s32 $0x17C00;
	s7 =	smul.u32 $0xC80, s6;
	s8 =	sshrl.u32 s5, $0x1;
	[tilespmem:$0x1FFE0] =	vst v47;
	v9 =	vsel vm5, $0x2A0D, v13;
	v13 =	vsel vm5, $0x7A0D, v8;
	v22 =	vsel vm0, v23, v22  }
0xd7: {  	s16 =	simm.s32 $0x3;
	s17 =	simm.s32 $0x0;
	s8 =	ssub.s32 s5, s8;
	[tilespmem:$0x1FFF0] =	vst v46;
	v8 =	vsel vm13, $0x2A8E, v9;
	v9 =	vsel vm13, $0x7A8E, v13;
	v13 =	vlaneseq.u32  }
0xd8: {  	s5 =	smul.u32 $0xC8, s6;
	s7 =	sadd.s32 s7, s4;
	s4 =	sadd.s32 $0xF42A00, s4;
	v28 =	vcombine.low v49, v50;
	v63 =	vsel vm13, $0x790E, v14;
	v14 =	vmul.u32 $0x20, v13;
	[tilespmem:$0x1FFA0] =	vst v21  }
0xd9: {  	s6 =	sadd.s32 $0x600, s7;
	s7 =	smax.u32 s8, $0x1;
	s8 =	simm.s32 $0x1;
	v29 =	vor.u32 $0x10, v13;
	v23 =	vand.u32 $0x7, v13;
	[tilespmem:$0x1FFB0] =	vst v22;
	v27 =	vcombine.low v22, v21;
	v21 =	vmovc v44;
	v22 =	vmovc v43  }
.LBB2_1:
0xda: {  	[tilespmem:s3], [sflag:$0x1] =	stream.linear.gather [hbm4b:s6+s3], $0x6400, $0x38;
	[tilespmem:$0x1A400] =	vst v63  }
0xdb: {  	_ =	swait.ge [sflag:s8], $0x6400  }
0xdc: {  	[sflag:s8] =	ssyncset.done $0x0  }
0xdd: {  	s18 =	simm.s32 $0x0;
	[sflag:s8] =	ssyncadd.s32 $0xFFFF9C00  }
.LBB2_2:
0xde: {  	s19 =	smul.u32 $0x1400, s18;
	_ =	sdelay $0x1  }
0xdf: {  	s19 =	sshra.s32 s19, $0x2  }
0xe0: {  	[tilespmem:s10], [sflag:$0x2] =	stream.indirect.gather [hbm4b:s4+s9], $0x20, s19, s9, $0xb8;
	[tilespmem:$0x1A400] =	vst v63  }
0xe1: {  	_ =	swait.ge [sflag:s11], $0xA000  }
0xe2: {  	p0 =	seq.s32 s18, $0x0;
	[sflag:s11] =	ssyncset.done $0x0  }
0xe3: {  	s22 =	simm.s32 @!p0 $0x3;
	[sflag:s11] =	ssyncadd.s32 $0xFFFF6000  }
0xe4: {  	_ =	swait.ge @!p0 [sflag:s22], $0x2800  }
0xe5: {  	[sflag:s22] =	ssyncset.done @!p0 $0x0  }
0xe6: {  	[sflag:s22] =	ssyncadd.s32 @!p0 $0xFFFFD800  }
0xe7: {  	s21 =	simm.s32 $0x0;
	_ =	swait.ge @!p0 [sflag:s22], $0x2800  }
0xe8: {  	v33 =	vmov s21;
	[sflag:s22] =	ssyncset.done @!p0 $0x0  }
0xe9: {  	v33 =	vshll.u32 v33, $0x5;
	[sflag:s22] =	ssyncadd.s32 @!p0 $0xFFFFD800  }
0xea: {  	v33 =	vor.u32 v14, v33;
	_ =	swait.ge @!p0 [sflag:s22], $0x2800  }
0xeb: {  	s19 =	simm.s32 $0x0;
	v36 =	vor.u32 v13, v33;
	[sflag:s22] =	ssyncset.done @!p0 $0x0  }
0xec: {  	s21 =	sand.u32 $0x40, s21;
	s20 =	sand.u32 $0x3C00, s19;
	[sflag:s22] =	ssyncadd.s32 @!p0 $0xFFFFD800  }
0xed: {  	s21 =	sor.u32 s21, s20;
	_ =	swait.ge @!p0 [sflag:s22], $0x2800  }
0xee: {  	v37 =	vadd.s32 s21, v2;
	[sflag:s22] =	ssyncset.done @!p0 $0x0  }
0xef: {  	v37 =	vand.u32 $0x7FC8, v37;
	[sflag:s22] =	ssyncadd.s32 @!p0 $0xFFFFD800  }
0xf0: {  	v37 =	vor.u32 v23, v37;
	v36 =	vld.idx.msk [tilespmem:v36+s10+$0x0], $0xffff  }
0xf1: {  	v39 =	vor.u32 v29, v33;
	_ =	sdelay $0x1  }
0xf2: {  	s31 =	simm.s32 $0x10  }
0xf3: {  	v43 =	vmov s31;
	v40 =	vadd.s32 s21, v3  }
0xf4: {  	v46 =	vshll.u32 v43, $0x5;
	v44 =	vand.u32 $0xFFC8, v40;
	[tilespmem:v37+s12+$0x0] =	vst.idx.msk $0xffff, v36  }
0xf5: {  	v40 =	vor.u32 v23, v44;
	v36 =	vor.u32 v14, v46;
	v39 =	vld.idx.msk [tilespmem:v39+s10+$0x0], $0xffff  }
0xf6: {  	v37 =	vor.u32 v13, v36  }
0xf7: {  	s22 =	sand.u32 $0x50, s31  }
0xf8: {  	s22 =	sor.u32 s20, s22  }
0xf9: {  	v47 =	vadd.s32 s22, v2  }
0xfa: {  	v49 =	vand.u32 $0x7FD8, v47;
	[tilespmem:v40+s12+$0x0] =	vst.idx.msk $0xffff, v39  }
0xfb: {  	v39 =	vor.u32 v23, v49;
	v37 =	vld.idx.msk [tilespmem:v37+s10+$0x0], $0xffff  }
0xfc: {  	v40 =	vor.u32 v29, v36;
	_ =	sdelay $0x1  }
0xfd: {  	s23 =	simm.s32 $0x20  }
0xfe: {  	v44 =	vmov s23;
	v50 =	vadd.s32 s22, v3  }
0xff: {  	v47 =	vand.u32 $0xFFD8, v50;
	v49 =	vshll.u32 v44, $0x5;
	[tilespmem:v39+s12+$0x0] =	vst.idx.msk $0xffff, v37  }
0x100: {  	v43 =	vor.u32 v23, v47;
	v37 =	vor.u32 v14, v49;
	v40 =	vld.idx.msk [tilespmem:v40+s10+$0x0], $0xffff  }
0x101: {  	v39 =	vor.u32 v13, v37  }
0x102: {  	s23 =	sand.u32 $0x60, s23  }
0x103: {  	s23 =	sor.u32 s20, s23  }
0x104: {  	v50 =	vadd.s32 s23, v2  }
0x105: {  	v49 =	vand.u32 $0x7FE8, v50;
	[tilespmem:v43+s12+$0x0] =	vst.idx.msk $0xffff, v40  }
0x106: {  	v40 =	vor.u32 v23, v49;
	v39 =	vld.idx.msk [tilespmem:v39+s10+$0x0], $0xffff  }
0x107: {  	v43 =	vor.u32 v29, v37;
	_ =	sdelay $0x1  }
0x108: {  	s24 =	simm.s32 $0x30  }
0x109: {  	v46 =	vmov s24;
	v50 =	vadd.s32 s23, v3  }
0x10a: {  	v49 =	vand.u32 $0xFFE8, v50;
	v50 =	vshll.u32 v46, $0x5;
	[tilespmem:v40+s12+$0x0] =	vst.idx.msk $0xffff, v39  }
0x10b: {  	v44 =	vor.u32 v23, v49;
	v39 =	vor.u32 v14, v50;
	v43 =	vld.idx.msk [tilespmem:v43+s10+$0x0], $0xffff  }
0x10c: {  	v40 =	vor.u32 v13, v39  }
0x10d: {  	s24 =	sand.u32 $0x70, s24  }
0x10e: {  	s29 =	sor.u32 s20, s24  }
0x10f: {  	v49 =	vadd.s32 s29, v2  }
0x110: {  	v50 =	vand.u32 $0x7FF8, v49;
	[tilespmem:v44+s12+$0x0] =	vst.idx.msk $0xffff, v43  }
0x111: {  	v44 =	vor.u32 v23, v50;
	v40 =	vld.idx.msk [tilespmem:v40+s10+$0x0], $0xffff  }
0x112: {  	v43 =	vor.u32 v29, v39;
	_ =	sdelay $0x1  }
0x113: {  	s25 =	simm.s32 $0x0;
	s26 =	simm.s32 $0x70;
	s28 =	simm.s32 $0x0  }
.LBB2_3:
0x114: {  	s30 =	sadd.s32 $0xFFFFFFD0, s26;
	s25 =	sadd.s32 $0x4, s25  }
0x115: {  	v46 =	vmov s30;
	p0 =	slt.u32 s25, $0x4C;
	[tilespmem:v44+s12+$0x0] =	vst.idx.msk $0xffff, v40;
	v40 =	vadd.s32 s29, v3  }
0x116: {  	v44 =	vshll.u32 v46, $0x5;
	v43 =	vld.idx.msk [tilespmem:v43+s10+$0x0], $0xffff;
	v40 =	vand.u32 $0xFFF8, v40  }
0x117: {  	v44 =	vor.u32 v14, v44;
	v40 =	vor.u32 v23, v40  }
0x118: {  	v46 =	vor.u32 v13, v44  }
0x119: {  	s28 =	sadd.s32 $0x200, s28  }
0x11a: {  	s29 =	sand.u32 $0x3C00, s28;
	s30 =	sand.u32 $0x40, s30  }
0x11b: {  	s30 =	sor.u32 s30, s29  }
0x11c: {  	v47 =	vadd.s32 s30, v2;
	[tilespmem:v40+s12+$0x0] =	vst.idx.msk $0xffff, v43  }
0x11d: {  	v43 =	vand.u32 $0x7FC8, v47;
	v40 =	vld.idx.msk [tilespmem:v46+s10+$0x0], $0xffff  }
0x11e: {  	v43 =	vor.u32 v23, v43  }
0x11f: {  	v44 =	vor.u32 v29, v44;
	_ =	sdelay $0x2  }
0x120: {  	s31 =	sadd.s32 $0xFFFFFFE0, s26  }
0x121: {  	[tilespmem:v43+s12+$0x0] =	vst.idx.msk $0xffff, v40;
	v40 =	vadd.s32 s30, v3;
	v43 =	vmov s31  }
0x122: {  	v44 =	vld.idx.msk [tilespmem:v44+s10+$0x0], $0xffff;
	v40 =	vand.u32 $0xFFC8, v40;
	v43 =	vshll.u32 v43, $0x5  }
0x123: {  	v40 =	vor.u32 v23, v40;
	v43 =	vor.u32 v14, v43  }
0x124: {  	v46 =	vor.u32 v13, v43;
	_ =	sdelay $0x1  }
0x125: {  	s30 =	sand.u32 $0x50, s31  }
0x126: {  	s30 =	sor.u32 s29, s30  }
0x127: {  	[tilespmem:v40+s12+$0x0] =	vst.idx.msk $0xffff, v44;
	v40 =	vadd.s32 s30, v2  }
0x128: {  	v44 =	vld.idx.msk [tilespmem:v46+s10+$0x0], $0xffff;
	v40 =	vand.u32 $0x7FD8, v40  }
0x129: {  	v40 =	vor.u32 v23, v40  }
0x12a: {  	v43 =	vor.u32 v29, v43;
	_ =	sdelay $0x2  }
0x12b: {  	s31 =	sadd.s32 $0xFFFFFFF0, s26  }
0x12c: {  	[tilespmem:v40+s12+$0x0] =	vst.idx.msk $0xffff, v44;
	v40 =	vadd.s32 s30, v3;
	v44 =	vmov s31  }
0x12d: {  	v43 =	vld.idx.msk [tilespmem:v43+s10+$0x0], $0xffff;
	v40 =	vand.u32 $0xFFD8, v40;
	v44 =	vshll.u32 v44, $0x5  }
0x12e: {  	v40 =	vor.u32 v23, v40;
	v44 =	vor.u32 v14, v44  }
0x12f: {  	v46 =	vor.u32 v13, v44;
	_ =	sdelay $0x1  }
0x130: {  	s30 =	sand.u32 $0x60, s31  }
0x131: {  	s30 =	sor.u32 s29, s30  }
0x132: {  	[tilespmem:v40+s12+$0x0] =	vst.idx.msk $0xffff, v43;
	v40 =	vadd.s32 s30, v2  }
0x133: {  	v43 =	vld.idx.msk [tilespmem:v46+s10+$0x0], $0xffff;
	v40 =	vand.u32 $0x7FE8, v40  }
0x134: {  	v40 =	vor.u32 v23, v40  }
0x135: {  	v44 =	vor.u32 v29, v44;
	_ =	sdelay $0x3  }
0x136: {  	[tilespmem:v40+s12+$0x0] =	vst.idx.msk $0xffff, v43;
	v40 =	vadd.s32 s30, v3;
	v43 =	vmov s26  }
0x137: {  	v44 =	vld.idx.msk [tilespmem:v44+s10+$0x0], $0xffff;
	v40 =	vand.u32 $0xFFE8, v40;
	v43 =	vshll.u32 v43, $0x5  }
0x138: {  	v40 =	vor.u32 v23, v40;
	v43 =	vor.u32 v14, v43  }
0x139: {  	v46 =	vor.u32 v13, v43;
	_ =	sdelay $0x1  }
0x13a: {  	s30 =	sand.u32 $0x70, s26  }
0x13b: {  	s29 =	sor.u32 s29, s30  }
0x13c: {  	[tilespmem:v40+s12+$0x0] =	vst.idx.msk $0xffff, v44;
	v44 =	vadd.s32 s29, v2  }
.Ltmp0:
0x13d: {  	v40 =	vld.idx.msk [tilespmem:v46+s10+$0x0], $0xffff;
	v44 =	vand.u32 $0x7FF8, v44;
	(pc) =	sbr.rel @p0 .LBB2_3-.Ltmp0, $3  }
0x13e: {  	v44 =	vor.u32 v23, v44  }
0x13f: {  	v43 =	vor.u32 v29, v43;
	_ =	sdelay $0x1  }
0x140: {  	s26 =	sadd.s32 $0x40, s26  }
0x141: {  	_ =	sdelay $0x2  }
0x142: {  	v46 =	vadd.s32 s29, v3  }
0x143: {  	[tilespmem:v44+s12+$0x0] =	vst.idx.msk $0xffff, v40;
	v47 =	vand.u32 $0xFFF8, v46  }
0x144: {  	v43 =	vld.idx.msk [tilespmem:v43+s10+$0x0], $0xffff;
	v40 =	vor.u32 v23, v47  }
0x145: {  	v49 =	vor.u32 v5, v33;
	_ =	sdelay $0x2  }
0x146: {  	v50 =	vadd.s32 s21, v4  }
0x147: {  	v47 =	vand.u32 $0x7FC8, v50;
	[tilespmem:v40+s12+$0x0] =	vst.idx.msk $0xffff, v43  }
0x148: {  	v40 =	vor.u32 v23, v47;
	v43 =	vld.idx.msk [tilespmem:v49+s10+$0x0], $0xffff  }
0x149: {  	v49 =	vor.u32 v15, v33;
	_ =	sdelay $0x2  }
0x14a: {  	v50 =	vadd.s32 s21, v10  }
0x14b: {  	v47 =	vand.u32 $0xFFC8, v50;
	[tilespmem:v40+s12+$0x0] =	vst.idx.msk $0xffff, v43  }
0x14c: {  	v40 =	vor.u32 v23, v47;
	v33 =	vld.idx.msk [tilespmem:v49+s10+$0x0], $0xffff  }
0x14d: {  	v49 =	vor.u32 v5, v36;
	_ =	sdelay $0x2  }
0x14e: {  	v50 =	vadd.s32 s22, v4  }
0x14f: {  	v47 =	vand.u32 $0x7FD8, v50;
	[tilespmem:v40+s12+$0x0] =	vst.idx.msk $0xffff, v33  }
0x150: {  	v33 =	vor.u32 v23, v47;
	v40 =	vld.idx.msk [tilespmem:v49+s10+$0x0], $0xffff  }
0x151: {  	v49 =	vor.u32 v15, v36;
	_ =	sdelay $0x2  }
0x152: {  	v50 =	vadd.s32 s22, v10  }
0x153: {  	v44 =	vand.u32 $0xFFD8, v50;
	[tilespmem:v33+s12+$0x0] =	vst.idx.msk $0xffff, v40  }
0x154: {  	v33 =	vor.u32 v23, v44;
	v36 =	vld.idx.msk [tilespmem:v49+s10+$0x0], $0xffff  }
0x155: {  	v46 =	vor.u32 v5, v37;
	_ =	sdelay $0x2  }
0x156: {  	v47 =	vadd.s32 s23, v4  }
0x157: {  	v49 =	vand.u32 $0x7FE8, v47;
	[tilespmem:v33+s12+$0x0] =	vst.idx.msk $0xffff, v36  }
0x158: {  	v33 =	vor.u32 v23, v49;
	v36 =	vld.idx.msk [tilespmem:v46+s10+$0x0], $0xffff  }
0x159: {  	v50 =	vor.u32 v15, v37;
	_ =	sdelay $0x2  }
0x15a: {  	v44 =	vadd.s32 s23, v10  }
0x15b: {  	v46 =	vand.u32 $0xFFE8, v44;
	[tilespmem:v33+s12+$0x0] =	vst.idx.msk $0xffff, v36  }
0x15c: {  	v33 =	vor.u32 v23, v46;
	v36 =	vld.idx.msk [tilespmem:v50+s10+$0x0], $0xffff  }
0x15d: {  	v47 =	vor.u32 v5, v39;
	_ =	sdelay $0x1  }
0x15e: {  	s22 =	sor.u32 s20, s24  }
0x15f: {  	v49 =	vadd.s32 s22, v4  }
0x160: {  	v50 =	vand.u32 $0x7FF8, v49;
	[tilespmem:v33+s12+$0x0] =	vst.idx.msk $0xffff, v36  }
0x161: {  	v37 =	vor.u32 v23, v50;
	v33 =	vld.idx.msk [tilespmem:v47+s10+$0x0], $0xffff  }
0x162: {  	v36 =	vor.u32 v15, v39;
	_ =	sdelay $0x1  }
0x163: {  	s21 =	simm.s32 $0x70;
	s20 =	simm.s32 $0x0  }
.LBB2_5:
0x164: {  	s23 =	sadd.s32 $0xFFFFFFD0, s21;
	s20 =	sadd.s32 $0x4, s20  }
0x165: {  	v39 =	vmov s23;
	p0 =	slt.u32 s20, $0x4C;
	[tilespmem:v37+s12+$0x0] =	vst.idx.msk $0xffff, v33;
	v33 =	vadd.s32 s22, v10  }
0x166: {  	v37 =	vshll.u32 v39, $0x5;
	v36 =	vld.idx.msk [tilespmem:v36+s10+$0x0], $0xffff;
	v33 =	vand.u32 $0xFFF8, v33  }
0x167: {  	v37 =	vor.u32 v14, v37;
	v33 =	vor.u32 v23, v33  }
0x168: {  	v39 =	vor.u32 v5, v37  }
0x169: {  	s19 =	sadd.s32 $0x200, s19  }
0x16a: {  	s22 =	sand.u32 $0x3C00, s19;
	s23 =	sand.u32 $0x40, s23  }
0x16b: {  	s23 =	sor.u32 s23, s22  }
0x16c: {  	v40 =	vadd.s32 s23, v4;
	[tilespmem:v33+s12+$0x0] =	vst.idx.msk $0xffff, v36  }
0x16d: {  	v36 =	vand.u32 $0x7FC8, v40;
	v33 =	vld.idx.msk [tilespmem:v39+s10+$0x0], $0xffff  }
0x16e: {  	v36 =	vor.u32 v23, v36  }
0x16f: {  	v37 =	vor.u32 v15, v37;
	_ =	sdelay $0x2  }
0x170: {  	s24 =	sadd.s32 $0xFFFFFFE0, s21  }
0x171: {  	[tilespmem:v36+s12+$0x0] =	vst.idx.msk $0xffff, v33;
	v33 =	vadd.s32 s23, v10;
	v36 =	vmov s24  }
0x172: {  	v37 =	vld.idx.msk [tilespmem:v37+s10+$0x0], $0xffff;
	v33 =	vand.u32 $0xFFC8, v33;
	v36 =	vshll.u32 v36, $0x5  }
0x173: {  	v33 =	vor.u32 v23, v33;
	v36 =	vor.u32 v14, v36  }
0x174: {  	v39 =	vor.u32 v5, v36;
	_ =	sdelay $0x1  }
0x175: {  	s23 =	sand.u32 $0x50, s24  }
0x176: {  	s23 =	sor.u32 s22, s23  }
0x177: {  	[tilespmem:v33+s12+$0x0] =	vst.idx.msk $0xffff, v37;
	v33 =	vadd.s32 s23, v4  }
0x178: {  	v37 =	vld.idx.msk [tilespmem:v39+s10+$0x0], $0xffff;
	v33 =	vand.u32 $0x7FD8, v33  }
0x179: {  	v33 =	vor.u32 v23, v33  }
0x17a: {  	v36 =	vor.u32 v15, v36;
	_ =	sdelay $0x2  }
0x17b: {  	s24 =	sadd.s32 $0xFFFFFFF0, s21  }
0x17c: {  	[tilespmem:v33+s12+$0x0] =	vst.idx.msk $0xffff, v37;
	v33 =	vadd.s32 s23, v10;
	v37 =	vmov s24  }
0x17d: {  	v36 =	vld.idx.msk [tilespmem:v36+s10+$0x0], $0xffff;
	v33 =	vand.u32 $0xFFD8, v33;
	v37 =	vshll.u32 v37, $0x5  }
0x17e: {  	v33 =	vor.u32 v23, v33;
	v37 =	vor.u32 v14, v37  }
0x17f: {  	v39 =	vor.u32 v5, v37;
	_ =	sdelay $0x1  }
0x180: {  	s23 =	sand.u32 $0x60, s24  }
0x181: {  	s23 =	sor.u32 s22, s23  }
0x182: {  	[tilespmem:v33+s12+$0x0] =	vst.idx.msk $0xffff, v36;
	v33 =	vadd.s32 s23, v4  }
0x183: {  	v36 =	vld.idx.msk [tilespmem:v39+s10+$0x0], $0xffff;
	v33 =	vand.u32 $0x7FE8, v33  }
0x184: {  	v33 =	vor.u32 v23, v33  }
0x185: {  	v37 =	vor.u32 v15, v37;
	_ =	sdelay $0x3  }
0x186: {  	[tilespmem:v33+s12+$0x0] =	vst.idx.msk $0xffff, v36;
	v33 =	vadd.s32 s23, v10;
	v36 =	vmov s21  }
0x187: {  	v37 =	vld.idx.msk [tilespmem:v37+s10+$0x0], $0xffff;
	v33 =	vand.u32 $0xFFE8, v33;
	v36 =	vshll.u32 v36, $0x5  }
0x188: {  	v33 =	vor.u32 v23, v33;
	v36 =	vor.u32 v14, v36  }
0x189: {  	v39 =	vor.u32 v5, v36;
	_ =	sdelay $0x1  }
0x18a: {  	s23 =	sand.u32 $0x70, s21  }
0x18b: {  	s22 =	sor.u32 s22, s23  }
0x18c: {  	[tilespmem:v33+s12+$0x0] =	vst.idx.msk $0xffff, v37;
	v37 =	vadd.s32 s22, v4  }
.Ltmp1:
0x18d: {  	v33 =	vld.idx.msk [tilespmem:v39+s10+$0x0], $0xffff;
	v37 =	vand.u32 $0x7FF8, v37;
	(pc) =	sbr.rel @p0 .LBB2_5-.Ltmp1, $3  }
0x18e: {  	v37 =	vor.u32 v23, v37  }
0x18f: {  	v36 =	vor.u32 v15, v36;
	_ =	sdelay $0x1  }
0x190: {  	s21 =	sadd.s32 $0x40, s21  }
0x191: {  	_ =	sdelay $0x1  }
0x192: {  	s21 =	simm.s32 $0x0  }
0x193: {  	v39 =	vadd.s32 s22, v10;
	v40 =	vmov s21  }
0x194: {  	[tilespmem:v37+s12+$0x0] =	vst.idx.msk $0xffff, v33;
	v43 =	vand.u32 $0xFFF8, v39;
	v44 =	vshll.u32 v40, $0x5  }
0x195: {  	v36 =	vld.idx.msk [tilespmem:v36+s10+$0x0], $0xffff;
	v39 =	vor.u32 v23, v43;
	v33 =	vor.u32 v14, v44  }
0x196: {  	s19 =	simm.s32 $0x0;
	v37 =	vor.u32 v12, v33  }
0x197: {  	s20 =	sand.u32 $0x3C00, s19;
	s21 =	sand.u32 $0x40, s21  }
0x198: {  	s21 =	sor.u32 s21, s20  }
0x199: {  	v46 =	vadd.s32 s21, v11  }
0x19a: {  	v47 =	vand.u32 $0x7FC8, v46;
	[tilespmem:v39+s12+$0x0] =	vst.idx.msk $0xffff, v36  }
0x19b: {  	v36 =	vor.u32 v23, v47;
	v37 =	vld.idx.msk [tilespmem:v37+s10+$0x0], $0xffff  }
0x19c: {  	v49 =	vor.u32 v16, v33;
	_ =	sdelay $0x1  }
0x19d: {  	s31 =	simm.s32 $0x10  }
0x19e: {  	v43 =	vmov s31;
	v50 =	vadd.s32 s21, v17  }
0x19f: {  	v44 =	vand.u32 $0xFFC8, v50;
	v46 =	vshll.u32 v43, $0x5;
	[tilespmem:v36+s12+$0x0] =	vst.idx.msk $0xffff, v37  }
0x1a0: {  	v40 =	vor.u32 v23, v44;
	v36 =	vor.u32 v14, v46;
	v39 =	vld.idx.msk [tilespmem:v49+s10+$0x0], $0xffff  }
0x1a1: {  	v37 =	vor.u32 v12, v36  }
0x1a2: {  	s22 =	sand.u32 $0x50, s31  }
0x1a3: {  	s22 =	sor.u32 s20, s22  }
0x1a4: {  	v47 =	vadd.s32 s22, v11  }
0x1a5: {  	v49 =	vand.u32 $0x7FD8, v47;
	[tilespmem:v40+s12+$0x0] =	vst.idx.msk $0xffff, v39  }
0x1a6: {  	v39 =	vor.u32 v23, v49;
	v37 =	vld.idx.msk [tilespmem:v37+s10+$0x0], $0xffff  }
0x1a7: {  	v40 =	vor.u32 v16, v36;
	_ =	sdelay $0x1  }
0x1a8: {  	s23 =	simm.s32 $0x20  }
0x1a9: {  	v50 =	vadd.s32 s22, v17;
	v44 =	vmov s23  }
0x1aa: {  	v47 =	vand.u32 $0xFFD8, v50;
	v49 =	vshll.u32 v44, $0x5;
	[tilespmem:v39+s12+$0x0] =	vst.idx.msk $0xffff, v37  }
0x1ab: {  	v43 =	vor.u32 v23, v47;
	v37 =	vor.u32 v14, v49;
	v40 =	vld.idx.msk [tilespmem:v40+s10+$0x0], $0xffff  }
0x1ac: {  	v39 =	vor.u32 v12, v37  }
0x1ad: {  	s23 =	sand.u32 $0x60, s23  }
0x1ae: {  	s23 =	sor.u32 s20, s23  }
0x1af: {  	v50 =	vadd.s32 s23, v11  }
0x1b0: {  	v49 =	vand.u32 $0x7FE8, v50;
	[tilespmem:v43+s12+$0x0] =	vst.idx.msk $0xffff, v40  }
0x1b1: {  	v40 =	vor.u32 v23, v49;
	v39 =	vld.idx.msk [tilespmem:v39+s10+$0x0], $0xffff  }
0x1b2: {  	v43 =	vor.u32 v16, v37;
	_ =	sdelay $0x1  }
0x1b3: {  	s24 =	simm.s32 $0x30  }
0x1b4: {  	v46 =	vmov s24;
	v50 =	vadd.s32 s23, v17  }
0x1b5: {  	v49 =	vand.u32 $0xFFE8, v50;
	v50 =	vshll.u32 v46, $0x5;
	[tilespmem:v40+s12+$0x0] =	vst.idx.msk $0xffff, v39  }
0x1b6: {  	v44 =	vor.u32 v23, v49;
	v39 =	vor.u32 v14, v50;
	v43 =	vld.idx.msk [tilespmem:v43+s10+$0x0], $0xffff  }
0x1b7: {  	v40 =	vor.u32 v12, v39  }
0x1b8: {  	s24 =	sand.u32 $0x70, s24  }
0x1b9: {  	s29 =	sor.u32 s20, s24  }
0x1ba: {  	v49 =	vadd.s32 s29, v11  }
0x1bb: {  	v50 =	vand.u32 $0x7FF8, v49;
	[tilespmem:v44+s12+$0x0] =	vst.idx.msk $0xffff, v43  }
0x1bc: {  	v44 =	vor.u32 v23, v50;
	v40 =	vld.idx.msk [tilespmem:v40+s10+$0x0], $0xffff  }
0x1bd: {  	v43 =	vor.u32 v16, v39;
	_ =	sdelay $0x1  }
0x1be: {  	s25 =	simm.s32 $0x0;
	s26 =	simm.s32 $0x70;
	s28 =	simm.s32 $0x0  }
.LBB2_7:
0x1bf: {  	s30 =	sadd.s32 $0xFFFFFFD0, s26;
	s25 =	sadd.s32 $0x4, s25  }
0x1c0: {  	v46 =	vmov s30;
	p0 =	slt.u32 s25, $0x4C;
	[tilespmem:v44+s12+$0x0] =	vst.idx.msk $0xffff, v40;
	v40 =	vadd.s32 s29, v17  }
0x1c1: {  	v44 =	vshll.u32 v46, $0x5;
	v43 =	vld.idx.msk [tilespmem:v43+s10+$0x0], $0xffff;
	v40 =	vand.u32 $0xFFF8, v40  }
0x1c2: {  	v44 =	vor.u32 v14, v44;
	v40 =	vor.u32 v23, v40  }
0x1c3: {  	v46 =	vor.u32 v12, v44  }
0x1c4: {  	s28 =	sadd.s32 $0x200, s28  }
0x1c5: {  	s29 =	sand.u32 $0x3C00, s28;
	s30 =	sand.u32 $0x40, s30  }
0x1c6: {  	s30 =	sor.u32 s30, s29  }
0x1c7: {  	v47 =	vadd.s32 s30, v11;
	[tilespmem:v40+s12+$0x0] =	vst.idx.msk $0xffff, v43  }
0x1c8: {  	v43 =	vand.u32 $0x7FC8, v47;
	v40 =	vld.idx.msk [tilespmem:v46+s10+$0x0], $0xffff  }
0x1c9: {  	v43 =	vor.u32 v23, v43  }
0x1ca: {  	v44 =	vor.u32 v16, v44;
	_ =	sdelay $0x2  }
0x1cb: {  	s31 =	sadd.s32 $0xFFFFFFE0, s26  }
0x1cc: {  	[tilespmem:v43+s12+$0x0] =	vst.idx.msk $0xffff, v40;
	v40 =	vadd.s32 s30, v17;
	v43 =	vmov s31  }
0x1cd: {  	v44 =	vld.idx.msk [tilespmem:v44+s10+$0x0], $0xffff;
	v40 =	vand.u32 $0xFFC8, v40;
	v43 =	vshll.u32 v43, $0x5  }
0x1ce: {  	v40 =	vor.u32 v23, v40;
	v43 =	vor.u32 v14, v43  }
0x1cf: {  	v46 =	vor.u32 v12, v43;
	_ =	sdelay $0x1  }
0x1d0: {  	s30 =	sand.u32 $0x50, s31  }
0x1d1: {  	s30 =	sor.u32 s29, s30  }
0x1d2: {  	[tilespmem:v40+s12+$0x0] =	vst.idx.msk $0xffff, v44;
	v40 =	vadd.s32 s30, v11  }
0x1d3: {  	v44 =	vld.idx.msk [tilespmem:v46+s10+$0x0], $0xffff;
	v40 =	vand.u32 $0x7FD8, v40  }
0x1d4: {  	v40 =	vor.u32 v23, v40  }
0x1d5: {  	v43 =	vor.u32 v16, v43;
	_ =	sdelay $0x2  }
0x1d6: {  	s31 =	sadd.s32 $0xFFFFFFF0, s26  }
0x1d7: {  	[tilespmem:v40+s12+$0x0] =	vst.idx.msk $0xffff, v44;
	v40 =	vadd.s32 s30, v17;
	v44 =	vmov s31  }
0x1d8: {  	v43 =	vld.idx.msk [tilespmem:v43+s10+$0x0], $0xffff;
	v40 =	vand.u32 $0xFFD8, v40;
	v44 =	vshll.u32 v44, $0x5  }
0x1d9: {  	v40 =	vor.u32 v23, v40;
	v44 =	vor.u32 v14, v44  }
0x1da: {  	v46 =	vor.u32 v12, v44;
	_ =	sdelay $0x1  }
0x1db: {  	s30 =	sand.u32 $0x60, s31  }
0x1dc: {  	s30 =	sor.u32 s29, s30  }
0x1dd: {  	[tilespmem:v40+s12+$0x0] =	vst.idx.msk $0xffff, v43;
	v40 =	vadd.s32 s30, v11  }
0x1de: {  	v43 =	vld.idx.msk [tilespmem:v46+s10+$0x0], $0xffff;
	v40 =	vand.u32 $0x7FE8, v40  }
0x1df: {  	v40 =	vor.u32 v23, v40  }
0x1e0: {  	v44 =	vor.u32 v16, v44;
	_ =	sdelay $0x3  }
0x1e1: {  	[tilespmem:v40+s12+$0x0] =	vst.idx.msk $0xffff, v43;
	v40 =	vadd.s32 s30, v17;
	v43 =	vmov s26  }
0x1e2: {  	v44 =	vld.idx.msk [tilespmem:v44+s10+$0x0], $0xffff;
	v40 =	vand.u32 $0xFFE8, v40;
	v43 =	vshll.u32 v43, $0x5  }
0x1e3: {  	v40 =	vor.u32 v23, v40;
	v43 =	vor.u32 v14, v43  }
0x1e4: {  	v46 =	vor.u32 v12, v43;
	_ =	sdelay $0x1  }
0x1e5: {  	s30 =	sand.u32 $0x70, s26  }
0x1e6: {  	s29 =	sor.u32 s29, s30  }
0x1e7: {  	[tilespmem:v40+s12+$0x0] =	vst.idx.msk $0xffff, v44;
	v44 =	vadd.s32 s29, v11  }
.Ltmp2:
0x1e8: {  	v40 =	vld.idx.msk [tilespmem:v46+s10+$0x0], $0xffff;
	v44 =	vand.u32 $0x7FF8, v44;
	(pc) =	sbr.rel @p0 .LBB2_7-.Ltmp2, $3  }
0x1e9: {  	v44 =	vor.u32 v23, v44  }
0x1ea: {  	v43 =	vor.u32 v16, v43;
	_ =	sdelay $0x1  }
0x1eb: {  	s26 =	sadd.s32 $0x40, s26  }
0x1ec: {  	_ =	sdelay $0x2  }
0x1ed: {  	v46 =	vadd.s32 s29, v17  }
0x1ee: {  	[tilespmem:v44+s12+$0x0] =	vst.idx.msk $0xffff, v40;
	v47 =	vand.u32 $0xFFF8, v46  }
0x1ef: {  	v43 =	vld.idx.msk [tilespmem:v43+s10+$0x0], $0xffff;
	v40 =	vor.u32 v23, v47  }
0x1f0: {  	v49 =	vor.u32 v19, v33;
	_ =	sdelay $0x2  }
0x1f1: {  	v50 =	vadd.s32 s21, v18  }
0x1f2: {  	v47 =	vand.u32 $0x7FC8, v50;
	[tilespmem:v40+s12+$0x0] =	vst.idx.msk $0xffff, v43  }
0x1f3: {  	v40 =	vor.u32 v23, v47;
	v43 =	vld.idx.msk [tilespmem:v49+s10+$0x0], $0xffff  }
0x1f4: {  	v49 =	vor.u32 v20, v33;
	_ =	sdelay $0x2  }
0x1f5: {  	v50 =	vadd.s32 s21, v24  }
0x1f6: {  	v47 =	vand.u32 $0xFFC8, v50;
	[tilespmem:v40+s12+$0x0] =	vst.idx.msk $0xffff, v43  }
0x1f7: {  	v40 =	vor.u32 v23, v47;
	v33 =	vld.idx.msk [tilespmem:v49+s10+$0x0], $0xffff  }
0x1f8: {  	v49 =	vor.u32 v19, v36;
	_ =	sdelay $0x2  }
0x1f9: {  	v50 =	vadd.s32 s22, v18  }
0x1fa: {  	v47 =	vand.u32 $0x7FD8, v50;
	[tilespmem:v40+s12+$0x0] =	vst.idx.msk $0xffff, v33  }
0x1fb: {  	v33 =	vor.u32 v23, v47;
	v40 =	vld.idx.msk [tilespmem:v49+s10+$0x0], $0xffff  }
0x1fc: {  	v49 =	vor.u32 v20, v36;
	_ =	sdelay $0x2  }
0x1fd: {  	v50 =	vadd.s32 s22, v24  }
0x1fe: {  	v44 =	vand.u32 $0xFFD8, v50;
	[tilespmem:v33+s12+$0x0] =	vst.idx.msk $0xffff, v40  }
0x1ff: {  	v33 =	vor.u32 v23, v44;
	v36 =	vld.idx.msk [tilespmem:v49+s10+$0x0], $0xffff  }
0x200: {  	v46 =	vor.u32 v19, v37;
	_ =	sdelay $0x2  }
0x201: {  	v47 =	vadd.s32 s23, v18  }
0x202: {  	v49 =	vand.u32 $0x7FE8, v47;
	[tilespmem:v33+s12+$0x0] =	vst.idx.msk $0xffff, v36  }
0x203: {  	v33 =	vor.u32 v23, v49;
	v36 =	vld.idx.msk [tilespmem:v46+s10+$0x0], $0xffff  }
0x204: {  	v50 =	vor.u32 v20, v37;
	_ =	sdelay $0x2  }
0x205: {  	v44 =	vadd.s32 s23, v24  }
0x206: {  	v46 =	vand.u32 $0xFFE8, v44;
	[tilespmem:v33+s12+$0x0] =	vst.idx.msk $0xffff, v36  }
0x207: {  	v33 =	vor.u32 v23, v46;
	v36 =	vld.idx.msk [tilespmem:v50+s10+$0x0], $0xffff  }
0x208: {  	v47 =	vor.u32 v19, v39;
	_ =	sdelay $0x1  }
0x209: {  	s22 =	sor.u32 s20, s24  }
0x20a: {  	v49 =	vadd.s32 s22, v18  }
0x20b: {  	v50 =	vand.u32 $0x7FF8, v49;
	[tilespmem:v33+s12+$0x0] =	vst.idx.msk $0xffff, v36  }
0x20c: {  	v37 =	vor.u32 v23, v50;
	v33 =	vld.idx.msk [tilespmem:v47+s10+$0x0], $0xffff  }
0x20d: {  	v36 =	vor.u32 v20, v39;
	_ =	sdelay $0x1  }
0x20e: {  	s21 =	simm.s32 $0x70;
	s20 =	simm.s32 $0x0  }
.LBB2_9:
0x20f: {  	s23 =	sadd.s32 $0xFFFFFFD0, s21;
	s20 =	sadd.s32 $0x4, s20  }
0x210: {  	v39 =	vmov s23;
	p0 =	slt.u32 s20, $0x4C;
	[tilespmem:v37+s12+$0x0] =	vst.idx.msk $0xffff, v33;
	v33 =	vadd.s32 s22, v24  }
0x211: {  	v37 =	vshll.u32 v39, $0x5;
	v36 =	vld.idx.msk [tilespmem:v36+s10+$0x0], $0xffff;
	v33 =	vand.u32 $0xFFF8, v33  }
0x212: {  	v37 =	vor.u32 v14, v37;
	v33 =	vor.u32 v23, v33  }
0x213: {  	v39 =	vor.u32 v19, v37  }
0x214: {  	s19 =	sadd.s32 $0x200, s19  }
0x215: {  	s22 =	sand.u32 $0x3C00, s19;
	s23 =	sand.u32 $0x40, s23  }
0x216: {  	s23 =	sor.u32 s23, s22  }
0x217: {  	v40 =	vadd.s32 s23, v18;
	[tilespmem:v33+s12+$0x0] =	vst.idx.msk $0xffff, v36  }
0x218: {  	v36 =	vand.u32 $0x7FC8, v40;
	v33 =	vld.idx.msk [tilespmem:v39+s10+$0x0], $0xffff  }
0x219: {  	v36 =	vor.u32 v23, v36  }
0x21a: {  	v37 =	vor.u32 v20, v37;
	_ =	sdelay $0x2  }
0x21b: {  	s24 =	sadd.s32 $0xFFFFFFE0, s21  }
0x21c: {  	[tilespmem:v36+s12+$0x0] =	vst.idx.msk $0xffff, v33;
	v33 =	vadd.s32 s23, v24;
	v36 =	vmov s24  }
0x21d: {  	v37 =	vld.idx.msk [tilespmem:v37+s10+$0x0], $0xffff;
	v33 =	vand.u32 $0xFFC8, v33;
	v36 =	vshll.u32 v36, $0x5  }
0x21e: {  	v33 =	vor.u32 v23, v33;
	v36 =	vor.u32 v14, v36  }
0x21f: {  	v39 =	vor.u32 v19, v36;
	_ =	sdelay $0x1  }
0x220: {  	s23 =	sand.u32 $0x50, s24  }
0x221: {  	s23 =	sor.u32 s22, s23  }
0x222: {  	[tilespmem:v33+s12+$0x0] =	vst.idx.msk $0xffff, v37;
	v33 =	vadd.s32 s23, v18  }
0x223: {  	v37 =	vld.idx.msk [tilespmem:v39+s10+$0x0], $0xffff;
	v33 =	vand.u32 $0x7FD8, v33  }
0x224: {  	v33 =	vor.u32 v23, v33  }
0x225: {  	v36 =	vor.u32 v20, v36;
	_ =	sdelay $0x2  }
0x226: {  	s24 =	sadd.s32 $0xFFFFFFF0, s21  }
0x227: {  	[tilespmem:v33+s12+$0x0] =	vst.idx.msk $0xffff, v37;
	v33 =	vadd.s32 s23, v24;
	v37 =	vmov s24  }
0x228: {  	v36 =	vld.idx.msk [tilespmem:v36+s10+$0x0], $0xffff;
	v33 =	vand.u32 $0xFFD8, v33;
	v37 =	vshll.u32 v37, $0x5  }
0x229: {  	v33 =	vor.u32 v23, v33;
	v37 =	vor.u32 v14, v37  }
0x22a: {  	v39 =	vor.u32 v19, v37;
	_ =	sdelay $0x1  }
0x22b: {  	s23 =	sand.u32 $0x60, s24  }
0x22c: {  	s23 =	sor.u32 s22, s23  }
0x22d: {  	[tilespmem:v33+s12+$0x0] =	vst.idx.msk $0xffff, v36;
	v33 =	vadd.s32 s23, v18  }
0x22e: {  	v36 =	vld.idx.msk [tilespmem:v39+s10+$0x0], $0xffff;
	v33 =	vand.u32 $0x7FE8, v33  }
0x22f: {  	v33 =	vor.u32 v23, v33  }
0x230: {  	v37 =	vor.u32 v20, v37;
	_ =	sdelay $0x3  }
0x231: {  	[tilespmem:v33+s12+$0x0] =	vst.idx.msk $0xffff, v36;
	v33 =	vadd.s32 s23, v24;
	v36 =	vmov s21  }
0x232: {  	v37 =	vld.idx.msk [tilespmem:v37+s10+$0x0], $0xffff;
	v33 =	vand.u32 $0xFFE8, v33;
	v36 =	vshll.u32 v36, $0x5  }
0x233: {  	v33 =	vor.u32 v23, v33;
	v36 =	vor.u32 v14, v36  }
0x234: {  	v39 =	vor.u32 v19, v36;
	_ =	sdelay $0x1  }
0x235: {  	s23 =	sand.u32 $0x70, s21  }
0x236: {  	s22 =	sor.u32 s22, s23  }
0x237: {  	[tilespmem:v33+s12+$0x0] =	vst.idx.msk $0xffff, v37;
	v37 =	vadd.s32 s22, v18  }
.Ltmp3:
0x238: {  	v33 =	vld.idx.msk [tilespmem:v39+s10+$0x0], $0xffff;
	v37 =	vand.u32 $0x7FF8, v37;
	(pc) =	sbr.rel @p0 .LBB2_9-.Ltmp3, $3  }
0x239: {  	v37 =	vor.u32 v23, v37  }
0x23a: {  	v36 =	vor.u32 v20, v36;
	_ =	sdelay $0x1  }
0x23b: {  	s21 =	sadd.s32 $0x40, s21  }
0x23c: {  	_ =	sdelay $0x1  }
0x23d: {  	s21 =	simm.s32 $0x0  }
0x23e: {  	v39 =	vadd.s32 s22, v24;
	v40 =	vmov s21  }
0x23f: {  	[tilespmem:v37+s12+$0x0] =	vst.idx.msk $0xffff, v33;
	v43 =	vand.u32 $0xFFF8, v39;
	v44 =	vshll.u32 v40, $0x5  }
0x240: {  	v36 =	vld.idx.msk [tilespmem:v36+s10+$0x0], $0xffff;
	v39 =	vor.u32 v23, v43;
	v33 =	vor.u32 v14, v44  }
0x241: {  	s19 =	simm.s32 $0x0;
	v37 =	vor.u32 v26, v33  }
0x242: {  	s20 =	sand.u32 $0x3C00, s19;
	s21 =	sand.u32 $0x40, s21  }
0x243: {  	s21 =	sor.u32 s21, s20  }
0x244: {  	v46 =	vadd.s32 s21, v25  }
0x245: {  	v47 =	vand.u32 $0x7FC8, v46;
	[tilespmem:v39+s12+$0x0] =	vst.idx.msk $0xffff, v36  }
0x246: {  	v36 =	vor.u32 v23, v47;
	v37 =	vld.idx.msk [tilespmem:v37+s10+$0x0], $0xffff  }
0x247: {  	v49 =	vor.u32 v27, v33;
	_ =	sdelay $0x1  }
0x248: {  	s31 =	simm.s32 $0x10  }
0x249: {  	v43 =	vmov s31;
	v50 =	vadd.s32 s21, v31  }
0x24a: {  	v44 =	vand.u32 $0xFFC8, v50;
	v46 =	vshll.u32 v43, $0x5;
	[tilespmem:v36+s12+$0x0] =	vst.idx.msk $0xffff, v37  }
0x24b: {  	v40 =	vor.u32 v23, v44;
	v36 =	vor.u32 v14, v46;
	v39 =	vld.idx.msk [tilespmem:v49+s10+$0x0], $0xffff  }
0x24c: {  	v37 =	vor.u32 v26, v36  }
0x24d: {  	s22 =	sand.u32 $0x50, s31  }
0x24e: {  	s22 =	sor.u32 s20, s22  }
0x24f: {  	v47 =	vadd.s32 s22, v25  }
0x250: {  	v49 =	vand.u32 $0x7FD8, v47;
	[tilespmem:v40+s12+$0x0] =	vst.idx.msk $0xffff, v39  }
0x251: {  	v39 =	vor.u32 v23, v49;
	v37 =	vld.idx.msk [tilespmem:v37+s10+$0x0], $0xffff  }
0x252: {  	v40 =	vor.u32 v27, v36;
	_ =	sdelay $0x1  }
0x253: {  	s23 =	simm.s32 $0x20  }
0x254: {  	v50 =	vadd.s32 s22, v31;
	v44 =	vmov s23  }
0x255: {  	v47 =	vand.u32 $0xFFD8, v50;
	v49 =	vshll.u32 v44, $0x5;
	[tilespmem:v39+s12+$0x0] =	vst.idx.msk $0xffff, v37  }
0x256: {  	v43 =	vor.u32 v23, v47;
	v37 =	vor.u32 v14, v49;
	v40 =	vld.idx.msk [tilespmem:v40+s10+$0x0], $0xffff  }
0x257: {  	v39 =	vor.u32 v26, v37  }
0x258: {  	s23 =	sand.u32 $0x60, s23  }
0x259: {  	s23 =	sor.u32 s20, s23  }
0x25a: {  	v50 =	vadd.s32 s23, v25  }
0x25b: {  	v49 =	vand.u32 $0x7FE8, v50;
	[tilespmem:v43+s12+$0x0] =	vst.idx.msk $0xffff, v40  }
0x25c: {  	v40 =	vor.u32 v23, v49;
	v39 =	vld.idx.msk [tilespmem:v39+s10+$0x0], $0xffff  }
0x25d: {  	v43 =	vor.u32 v27, v37;
	_ =	sdelay $0x1  }
0x25e: {  	s24 =	simm.s32 $0x30  }
0x25f: {  	v46 =	vmov s24;
	v50 =	vadd.s32 s23, v31  }
0x260: {  	v49 =	vand.u32 $0xFFE8, v50;
	v50 =	vshll.u32 v46, $0x5;
	[tilespmem:v40+s12+$0x0] =	vst.idx.msk $0xffff, v39  }
0x261: {  	v44 =	vor.u32 v23, v49;
	v39 =	vor.u32 v14, v50;
	v43 =	vld.idx.msk [tilespmem:v43+s10+$0x0], $0xffff  }
0x262: {  	v40 =	vor.u32 v26, v39  }
0x263: {  	s24 =	sand.u32 $0x70, s24  }
0x264: {  	s29 =	sor.u32 s20, s24  }
0x265: {  	v49 =	vadd.s32 s29, v25  }
0x266: {  	v50 =	vand.u32 $0x7FF8, v49;
	[tilespmem:v44+s12+$0x0] =	vst.idx.msk $0xffff, v43  }
0x267: {  	v44 =	vor.u32 v23, v50;
	v40 =	vld.idx.msk [tilespmem:v40+s10+$0x0], $0xffff  }
0x268: {  	v43 =	vor.u32 v27, v39;
	_ =	sdelay $0x1  }
0x269: {  	s25 =	simm.s32 $0x0;
	s26 =	simm.s32 $0x70;
	s28 =	simm.s32 $0x0  }
.LBB2_11:
0x26a: {  	s30 =	sadd.s32 $0xFFFFFFD0, s26;
	s25 =	sadd.s32 $0x4, s25  }
0x26b: {  	v46 =	vmov s30;
	p0 =	slt.u32 s25, $0x4C;
	[tilespmem:v44+s12+$0x0] =	vst.idx.msk $0xffff, v40;
	v40 =	vadd.s32 s29, v31  }
0x26c: {  	v44 =	vshll.u32 v46, $0x5;
	v43 =	vld.idx.msk [tilespmem:v43+s10+$0x0], $0xffff;
	v40 =	vand.u32 $0xFFF8, v40  }
0x26d: {  	v44 =	vor.u32 v14, v44;
	v40 =	vor.u32 v23, v40  }
0x26e: {  	v46 =	vor.u32 v26, v44  }
0x26f: {  	s28 =	sadd.s32 $0x200, s28  }
0x270: {  	s29 =	sand.u32 $0x3C00, s28;
	s30 =	sand.u32 $0x40, s30  }
0x271: {  	s30 =	sor.u32 s30, s29  }
0x272: {  	v47 =	vadd.s32 s30, v25;
	[tilespmem:v40+s12+$0x0] =	vst.idx.msk $0xffff, v43  }
0x273: {  	v43 =	vand.u32 $0x7FC8, v47;
	v40 =	vld.idx.msk [tilespmem:v46+s10+$0x0], $0xffff  }
0x274: {  	v43 =	vor.u32 v23, v43  }
0x275: {  	v44 =	vor.u32 v27, v44;
	_ =	sdelay $0x2  }
0x276: {  	s31 =	sadd.s32 $0xFFFFFFE0, s26  }
0x277: {  	[tilespmem:v43+s12+$0x0] =	vst.idx.msk $0xffff, v40;
	v40 =	vadd.s32 s30, v31;
	v43 =	vmov s31  }
0x278: {  	v44 =	vld.idx.msk [tilespmem:v44+s10+$0x0], $0xffff;
	v40 =	vand.u32 $0xFFC8, v40;
	v43 =	vshll.u32 v43, $0x5  }
0x279: {  	v40 =	vor.u32 v23, v40;
	v43 =	vor.u32 v14, v43  }
0x27a: {  	v46 =	vor.u32 v26, v43;
	_ =	sdelay $0x1  }
0x27b: {  	s30 =	sand.u32 $0x50, s31  }
0x27c: {  	s30 =	sor.u32 s29, s30  }
0x27d: {  	[tilespmem:v40+s12+$0x0] =	vst.idx.msk $0xffff, v44;
	v40 =	vadd.s32 s30, v25  }
0x27e: {  	v44 =	vld.idx.msk [tilespmem:v46+s10+$0x0], $0xffff;
	v40 =	vand.u32 $0x7FD8, v40  }
0x27f: {  	v40 =	vor.u32 v23, v40  }
0x280: {  	v43 =	vor.u32 v27, v43;
	_ =	sdelay $0x2  }
0x281: {  	s31 =	sadd.s32 $0xFFFFFFF0, s26  }
0x282: {  	[tilespmem:v40+s12+$0x0] =	vst.idx.msk $0xffff, v44;
	v40 =	vadd.s32 s30, v31;
	v44 =	vmov s31  }
0x283: {  	v43 =	vld.idx.msk [tilespmem:v43+s10+$0x0], $0xffff;
	v40 =	vand.u32 $0xFFD8, v40;
	v44 =	vshll.u32 v44, $0x5  }
0x284: {  	v40 =	vor.u32 v23, v40;
	v44 =	vor.u32 v14, v44  }
0x285: {  	v46 =	vor.u32 v26, v44;
	_ =	sdelay $0x1  }
0x286: {  	s30 =	sand.u32 $0x60, s31  }
0x287: {  	s30 =	sor.u32 s29, s30  }
0x288: {  	[tilespmem:v40+s12+$0x0] =	vst.idx.msk $0xffff, v43;
	v40 =	vadd.s32 s30, v25  }
0x289: {  	v43 =	vld.idx.msk [tilespmem:v46+s10+$0x0], $0xffff;
	v40 =	vand.u32 $0x7FE8, v40  }
0x28a: {  	v40 =	vor.u32 v23, v40  }
0x28b: {  	v44 =	vor.u32 v27, v44;
	_ =	sdelay $0x3  }
0x28c: {  	[tilespmem:v40+s12+$0x0] =	vst.idx.msk $0xffff, v43;
	v40 =	vadd.s32 s30, v31;
	v43 =	vmov s26  }
0x28d: {  	v44 =	vld.idx.msk [tilespmem:v44+s10+$0x0], $0xffff;
	v40 =	vand.u32 $0xFFE8, v40;
	v43 =	vshll.u32 v43, $0x5  }
0x28e: {  	v40 =	vor.u32 v23, v40;
	v43 =	vor.u32 v14, v43  }
0x28f: {  	v46 =	vor.u32 v26, v43;
	_ =	sdelay $0x1  }
0x290: {  	s30 =	sand.u32 $0x70, s26  }
0x291: {  	s29 =	sor.u32 s29, s30  }
0x292: {  	[tilespmem:v40+s12+$0x0] =	vst.idx.msk $0xffff, v44;
	v44 =	vadd.s32 s29, v25  }
.Ltmp4:
0x293: {  	v40 =	vld.idx.msk [tilespmem:v46+s10+$0x0], $0xffff;
	v44 =	vand.u32 $0x7FF8, v44;
	(pc) =	sbr.rel @p0 .LBB2_11-.Ltmp4, $3  }
0x294: {  	v44 =	vor.u32 v23, v44  }
0x295: {  	v43 =	vor.u32 v27, v43;
	_ =	sdelay $0x1  }
0x296: {  	s26 =	sadd.s32 $0x40, s26  }
0x297: {  	_ =	sdelay $0x2  }
0x298: {  	v46 =	vadd.s32 s29, v31  }
0x299: {  	[tilespmem:v44+s12+$0x0] =	vst.idx.msk $0xffff, v40;
	v47 =	vand.u32 $0xFFF8, v46  }
0x29a: {  	v43 =	vld.idx.msk [tilespmem:v43+s10+$0x0], $0xffff;
	v40 =	vor.u32 v23, v47  }
0x29b: {  	v49 =	vor.u32 v35, v33;
	_ =	sdelay $0x2  }
0x29c: {  	v50 =	vadd.s32 s21, v34  }
0x29d: {  	v47 =	vand.u32 $0x7FC8, v50;
	[tilespmem:v40+s12+$0x0] =	vst.idx.msk $0xffff, v43  }
0x29e: {  	v40 =	vor.u32 v23, v47;
	v43 =	vld.idx.msk [tilespmem:v49+s10+$0x0], $0xffff  }
0x29f: {  	v49 =	vor.u32 v28, v33;
	_ =	sdelay $0x2  }
0x2a0: {  	v50 =	vadd.s32 s21, v38  }
0x2a1: {  	v47 =	vand.u32 $0xFFC8, v50;
	[tilespmem:v40+s12+$0x0] =	vst.idx.msk $0xffff, v43  }
0x2a2: {  	v40 =	vor.u32 v23, v47;
	v33 =	vld.idx.msk [tilespmem:v49+s10+$0x0], $0xffff  }
0x2a3: {  	v49 =	vor.u32 v35, v36;
	_ =	sdelay $0x2  }
0x2a4: {  	v50 =	vadd.s32 s22, v34  }
0x2a5: {  	v47 =	vand.u32 $0x7FD8, v50;
	[tilespmem:v40+s12+$0x0] =	vst.idx.msk $0xffff, v33  }
0x2a6: {  	v33 =	vor.u32 v23, v47;
	v40 =	vld.idx.msk [tilespmem:v49+s10+$0x0], $0xffff  }
0x2a7: {  	v49 =	vor.u32 v28, v36;
	_ =	sdelay $0x2  }
0x2a8: {  	v50 =	vadd.s32 s22, v38  }
0x2a9: {  	v44 =	vand.u32 $0xFFD8, v50;
	[tilespmem:v33+s12+$0x0] =	vst.idx.msk $0xffff, v40  }
0x2aa: {  	v33 =	vor.u32 v23, v44;
	v36 =	vld.idx.msk [tilespmem:v49+s10+$0x0], $0xffff  }
0x2ab: {  	v46 =	vor.u32 v35, v37;
	_ =	sdelay $0x2  }
0x2ac: {  	v47 =	vadd.s32 s23, v34  }
0x2ad: {  	v49 =	vand.u32 $0x7FE8, v47;
	[tilespmem:v33+s12+$0x0] =	vst.idx.msk $0xffff, v36  }
0x2ae: {  	v33 =	vor.u32 v23, v49;
	v36 =	vld.idx.msk [tilespmem:v46+s10+$0x0], $0xffff  }
0x2af: {  	v50 =	vor.u32 v28, v37;
	_ =	sdelay $0x2  }
0x2b0: {  	v44 =	vadd.s32 s23, v38  }
0x2b1: {  	v46 =	vand.u32 $0xFFE8, v44;
	[tilespmem:v33+s12+$0x0] =	vst.idx.msk $0xffff, v36  }
0x2b2: {  	v33 =	vor.u32 v23, v46;
	v36 =	vld.idx.msk [tilespmem:v50+s10+$0x0], $0xffff  }
0x2b3: {  	v47 =	vor.u32 v35, v39;
	_ =	sdelay $0x1  }
0x2b4: {  	s22 =	sor.u32 s20, s24  }
0x2b5: {  	v49 =	vadd.s32 s22, v34  }
0x2b6: {  	v50 =	vand.u32 $0x7FF8, v49;
	[tilespmem:v33+s12+$0x0] =	vst.idx.msk $0xffff, v36  }
0x2b7: {  	v37 =	vor.u32 v23, v50;
	v33 =	vld.idx.msk [tilespmem:v47+s10+$0x0], $0xffff  }
0x2b8: {  	v36 =	vor.u32 v28, v39;
	_ =	sdelay $0x1  }
0x2b9: {  	s21 =	simm.s32 $0x70;
	s20 =	simm.s32 $0x0  }
.LBB2_13:
0x2ba: {  	s23 =	sadd.s32 $0xFFFFFFD0, s21;
	s20 =	sadd.s32 $0x4, s20  }
0x2bb: {  	v39 =	vmov s23;
	p0 =	slt.u32 s20, $0x4C;
	[tilespmem:v37+s12+$0x0] =	vst.idx.msk $0xffff, v33;
	v33 =	vadd.s32 s22, v38  }
0x2bc: {  	v37 =	vshll.u32 v39, $0x5;
	v36 =	vld.idx.msk [tilespmem:v36+s10+$0x0], $0xffff;
	v33 =	vand.u32 $0xFFF8, v33  }
0x2bd: {  	v37 =	vor.u32 v14, v37;
	v33 =	vor.u32 v23, v33  }
0x2be: {  	v39 =	vor.u32 v35, v37  }
0x2bf: {  	s19 =	sadd.s32 $0x200, s19  }
0x2c0: {  	s22 =	sand.u32 $0x3C00, s19;
	s23 =	sand.u32 $0x40, s23  }
0x2c1: {  	s23 =	sor.u32 s23, s22  }
0x2c2: {  	v40 =	vadd.s32 s23, v34;
	[tilespmem:v33+s12+$0x0] =	vst.idx.msk $0xffff, v36  }
0x2c3: {  	v36 =	vand.u32 $0x7FC8, v40;
	v33 =	vld.idx.msk [tilespmem:v39+s10+$0x0], $0xffff  }
0x2c4: {  	v36 =	vor.u32 v23, v36  }
0x2c5: {  	v37 =	vor.u32 v28, v37;
	_ =	sdelay $0x2  }
0x2c6: {  	s24 =	sadd.s32 $0xFFFFFFE0, s21  }
0x2c7: {  	[tilespmem:v36+s12+$0x0] =	vst.idx.msk $0xffff, v33;
	v33 =	vadd.s32 s23, v38;
	v36 =	vmov s24  }
0x2c8: {  	v37 =	vld.idx.msk [tilespmem:v37+s10+$0x0], $0xffff;
	v33 =	vand.u32 $0xFFC8, v33;
	v36 =	vshll.u32 v36, $0x5  }
0x2c9: {  	v33 =	vor.u32 v23, v33;
	v36 =	vor.u32 v14, v36  }
0x2ca: {  	v39 =	vor.u32 v35, v36;
	_ =	sdelay $0x1  }
0x2cb: {  	s23 =	sand.u32 $0x50, s24  }
0x2cc: {  	s23 =	sor.u32 s22, s23  }
0x2cd: {  	[tilespmem:v33+s12+$0x0] =	vst.idx.msk $0xffff, v37;
	v33 =	vadd.s32 s23, v34  }
0x2ce: {  	v37 =	vld.idx.msk [tilespmem:v39+s10+$0x0], $0xffff;
	v33 =	vand.u32 $0x7FD8, v33  }
0x2cf: {  	v33 =	vor.u32 v23, v33  }
0x2d0: {  	v36 =	vor.u32 v28, v36;
	_ =	sdelay $0x2  }
0x2d1: {  	s24 =	sadd.s32 $0xFFFFFFF0, s21  }
0x2d2: {  	[tilespmem:v33+s12+$0x0] =	vst.idx.msk $0xffff, v37;
	v33 =	vadd.s32 s23, v38;
	v37 =	vmov s24  }
0x2d3: {  	v36 =	vld.idx.msk [tilespmem:v36+s10+$0x0], $0xffff;
	v33 =	vand.u32 $0xFFD8, v33;
	v37 =	vshll.u32 v37, $0x5  }
0x2d4: {  	v33 =	vor.u32 v23, v33;
	v37 =	vor.u32 v14, v37  }
0x2d5: {  	v39 =	vor.u32 v35, v37;
	_ =	sdelay $0x1  }
0x2d6: {  	s23 =	sand.u32 $0x60, s24  }
0x2d7: {  	s23 =	sor.u32 s22, s23  }
0x2d8: {  	[tilespmem:v33+s12+$0x0] =	vst.idx.msk $0xffff, v36;
	v33 =	vadd.s32 s23, v34  }
0x2d9: {  	v36 =	vld.idx.msk [tilespmem:v39+s10+$0x0], $0xffff;
	v33 =	vand.u32 $0x7FE8, v33  }
0x2da: {  	v33 =	vor.u32 v23, v33  }
0x2db: {  	v37 =	vor.u32 v28, v37;
	_ =	sdelay $0x3  }
0x2dc: {  	[tilespmem:v33+s12+$0x0] =	vst.idx.msk $0xffff, v36;
	v33 =	vadd.s32 s23, v38;
	v36 =	vmov s21  }
0x2dd: {  	v37 =	vld.idx.msk [tilespmem:v37+s10+$0x0], $0xffff;
	v33 =	vand.u32 $0xFFE8, v33;
	v36 =	vshll.u32 v36, $0x5  }
0x2de: {  	v33 =	vor.u32 v23, v33;
	v36 =	vor.u32 v14, v36  }
0x2df: {  	v39 =	vor.u32 v35, v36;
	_ =	sdelay $0x1  }
0x2e0: {  	s23 =	sand.u32 $0x70, s21  }
0x2e1: {  	s22 =	sor.u32 s22, s23  }
0x2e2: {  	[tilespmem:v33+s12+$0x0] =	vst.idx.msk $0xffff, v37;
	v37 =	vadd.s32 s22, v34  }
.Ltmp5:
0x2e3: {  	v33 =	vld.idx.msk [tilespmem:v39+s10+$0x0], $0xffff;
	v37 =	vand.u32 $0x7FF8, v37;
	(pc) =	sbr.rel @p0 .LBB2_13-.Ltmp5, $3  }
0x2e4: {  	v37 =	vor.u32 v23, v37  }
0x2e5: {  	v36 =	vor.u32 v28, v36;
	_ =	sdelay $0x1  }
0x2e6: {  	s21 =	sadd.s32 $0x40, s21  }
0x2e7: {  	_ =	sdelay $0x1  }
0x2e8: {  	s21 =	simm.s32 $0x0  }
0x2e9: {  	v39 =	vadd.s32 s22, v38;
	v40 =	vmov s21  }
0x2ea: {  	[tilespmem:v37+s12+$0x0] =	vst.idx.msk $0xffff, v33;
	v43 =	vand.u32 $0xFFF8, v39;
	v44 =	vshll.u32 v40, $0x5  }
0x2eb: {  	v36 =	vld.idx.msk [tilespmem:v36+s10+$0x0], $0xffff;
	v39 =	vor.u32 v23, v43;
	v33 =	vor.u32 v14, v44  }
0x2ec: {  	s19 =	simm.s32 $0x0;
	v37 =	vor.u32 v42, v33  }
0x2ed: {  	s20 =	sand.u32 $0x3C00, s19;
	s21 =	sand.u32 $0x40, s21  }
0x2ee: {  	s21 =	sor.u32 s21, s20  }
0x2ef: {  	v46 =	vadd.s32 s21, v41  }
0x2f0: {  	v47 =	vand.u32 $0x7FC8, v46;
	[tilespmem:v39+s12+$0x0] =	vst.idx.msk $0xffff, v36  }
0x2f1: {  	v36 =	vor.u32 v23, v47;
	v37 =	vld.idx.msk [tilespmem:v37+s10+$0x0], $0xffff  }
0x2f2: {  	v49 =	vor.u32 v30, v33;
	_ =	sdelay $0x1  }
0x2f3: {  	s31 =	simm.s32 $0x10  }
0x2f4: {  	v43 =	vmov s31;
	v50 =	vadd.s32 s21, v45  }
0x2f5: {  	v44 =	vand.u32 $0xFFC8, v50;
	v46 =	vshll.u32 v43, $0x5;
	[tilespmem:v36+s12+$0x0] =	vst.idx.msk $0xffff, v37  }
0x2f6: {  	v40 =	vor.u32 v23, v44;
	v36 =	vor.u32 v14, v46;
	v39 =	vld.idx.msk [tilespmem:v49+s10+$0x0], $0xffff  }
0x2f7: {  	v37 =	vor.u32 v42, v36  }
0x2f8: {  	s22 =	sand.u32 $0x50, s31  }
0x2f9: {  	s22 =	sor.u32 s20, s22  }
0x2fa: {  	v47 =	vadd.s32 s22, v41  }
0x2fb: {  	v49 =	vand.u32 $0x7FD8, v47;
	[tilespmem:v40+s12+$0x0] =	vst.idx.msk $0xffff, v39  }
0x2fc: {  	v39 =	vor.u32 v23, v49;
	v37 =	vld.idx.msk [tilespmem:v37+s10+$0x0], $0xffff  }
0x2fd: {  	v40 =	vor.u32 v30, v36;
	_ =	sdelay $0x1  }
0x2fe: {  	s23 =	simm.s32 $0x20  }
0x2ff: {  	v50 =	vadd.s32 s22, v45;
	v44 =	vmov s23  }
0x300: {  	v47 =	vand.u32 $0xFFD8, v50;
	v49 =	vshll.u32 v44, $0x5;
	[tilespmem:v39+s12+$0x0] =	vst.idx.msk $0xffff, v37  }
0x301: {  	v43 =	vor.u32 v23, v47;
	v37 =	vor.u32 v14, v49;
	v40 =	vld.idx.msk [tilespmem:v40+s10+$0x0], $0xffff  }
0x302: {  	v39 =	vor.u32 v42, v37  }
0x303: {  	s23 =	sand.u32 $0x60, s23  }
0x304: {  	s23 =	sor.u32 s20, s23  }
0x305: {  	v50 =	vadd.s32 s23, v41  }
0x306: {  	v49 =	vand.u32 $0x7FE8, v50;
	[tilespmem:v43+s12+$0x0] =	vst.idx.msk $0xffff, v40  }
0x307: {  	v40 =	vor.u32 v23, v49;
	v39 =	vld.idx.msk [tilespmem:v39+s10+$0x0], $0xffff  }
0x308: {  	v43 =	vor.u32 v30, v37;
	_ =	sdelay $0x1  }
0x309: {  	s24 =	simm.s32 $0x30  }
0x30a: {  	v46 =	vmov s24;
	v50 =	vadd.s32 s23, v45  }
0x30b: {  	v49 =	vand.u32 $0xFFE8, v50;
	v50 =	vshll.u32 v46, $0x5;
	[tilespmem:v40+s12+$0x0] =	vst.idx.msk $0xffff, v39  }
0x30c: {  	v44 =	vor.u32 v23, v49;
	v39 =	vor.u32 v14, v50;
	v43 =	vld.idx.msk [tilespmem:v43+s10+$0x0], $0xffff  }
0x30d: {  	v40 =	vor.u32 v42, v39  }
0x30e: {  	s24 =	sand.u32 $0x70, s24  }
0x30f: {  	s29 =	sor.u32 s20, s24  }
0x310: {  	v49 =	vadd.s32 s29, v41  }
0x311: {  	v50 =	vand.u32 $0x7FF8, v49;
	[tilespmem:v44+s12+$0x0] =	vst.idx.msk $0xffff, v43  }
0x312: {  	v44 =	vor.u32 v23, v50;
	v40 =	vld.idx.msk [tilespmem:v40+s10+$0x0], $0xffff  }
0x313: {  	v43 =	vor.u32 v30, v39;
	_ =	sdelay $0x1  }
0x314: {  	s25 =	simm.s32 $0x0;
	s26 =	simm.s32 $0x70;
	s28 =	simm.s32 $0x0  }
.LBB2_15:
0x315: {  	s30 =	sadd.s32 $0xFFFFFFD0, s26;
	s25 =	sadd.s32 $0x4, s25  }
0x316: {  	v46 =	vmov s30;
	p0 =	slt.u32 s25, $0x4C;
	[tilespmem:v44+s12+$0x0] =	vst.idx.msk $0xffff, v40;
	v40 =	vadd.s32 s29, v45  }
0x317: {  	v44 =	vshll.u32 v46, $0x5;
	v43 =	vld.idx.msk [tilespmem:v43+s10+$0x0], $0xffff;
	v40 =	vand.u32 $0xFFF8, v40  }
0x318: {  	v44 =	vor.u32 v14, v44;
	v40 =	vor.u32 v23, v40  }
0x319: {  	v46 =	vor.u32 v42, v44  }
0x31a: {  	s28 =	sadd.s32 $0x200, s28  }
0x31b: {  	s29 =	sand.u32 $0x3C00, s28;
	s30 =	sand.u32 $0x40, s30  }
0x31c: {  	s30 =	sor.u32 s30, s29  }
0x31d: {  	v47 =	vadd.s32 s30, v41;
	[tilespmem:v40+s12+$0x0] =	vst.idx.msk $0xffff, v43  }
0x31e: {  	v43 =	vand.u32 $0x7FC8, v47;
	v40 =	vld.idx.msk [tilespmem:v46+s10+$0x0], $0xffff  }
0x31f: {  	v43 =	vor.u32 v23, v43  }
0x320: {  	v44 =	vor.u32 v30, v44;
	_ =	sdelay $0x2  }
0x321: {  	s31 =	sadd.s32 $0xFFFFFFE0, s26  }
0x322: {  	[tilespmem:v43+s12+$0x0] =	vst.idx.msk $0xffff, v40;
	v40 =	vadd.s32 s30, v45;
	v43 =	vmov s31  }
0x323: {  	v44 =	vld.idx.msk [tilespmem:v44+s10+$0x0], $0xffff;
	v40 =	vand.u32 $0xFFC8, v40;
	v43 =	vshll.u32 v43, $0x5  }
0x324: {  	v40 =	vor.u32 v23, v40;
	v43 =	vor.u32 v14, v43  }
0x325: {  	v46 =	vor.u32 v42, v43;
	_ =	sdelay $0x1  }
0x326: {  	s30 =	sand.u32 $0x50, s31  }
0x327: {  	s30 =	sor.u32 s29, s30  }
0x328: {  	[tilespmem:v40+s12+$0x0] =	vst.idx.msk $0xffff, v44;
	v40 =	vadd.s32 s30, v41  }
0x329: {  	v44 =	vld.idx.msk [tilespmem:v46+s10+$0x0], $0xffff;
	v40 =	vand.u32 $0x7FD8, v40  }
0x32a: {  	v40 =	vor.u32 v23, v40  }
0x32b: {  	v43 =	vor.u32 v30, v43;
	_ =	sdelay $0x2  }
0x32c: {  	s31 =	sadd.s32 $0xFFFFFFF0, s26  }
0x32d: {  	[tilespmem:v40+s12+$0x0] =	vst.idx.msk $0xffff, v44;
	v40 =	vadd.s32 s30, v45;
	v44 =	vmov s31  }
0x32e: {  	v43 =	vld.idx.msk [tilespmem:v43+s10+$0x0], $0xffff;
	v40 =	vand.u32 $0xFFD8, v40;
	v44 =	vshll.u32 v44, $0x5  }
0x32f: {  	v40 =	vor.u32 v23, v40;
	v44 =	vor.u32 v14, v44  }
0x330: {  	v46 =	vor.u32 v42, v44;
	_ =	sdelay $0x1  }
0x331: {  	s30 =	sand.u32 $0x60, s31  }
0x332: {  	s30 =	sor.u32 s29, s30  }
0x333: {  	[tilespmem:v40+s12+$0x0] =	vst.idx.msk $0xffff, v43;
	v40 =	vadd.s32 s30, v41  }
0x334: {  	v43 =	vld.idx.msk [tilespmem:v46+s10+$0x0], $0xffff;
	v40 =	vand.u32 $0x7FE8, v40  }
0x335: {  	v40 =	vor.u32 v23, v40  }
0x336: {  	v44 =	vor.u32 v30, v44;
	_ =	sdelay $0x3  }
0x337: {  	[tilespmem:v40+s12+$0x0] =	vst.idx.msk $0xffff, v43;
	v40 =	vadd.s32 s30, v45;
	v43 =	vmov s26  }
0x338: {  	v44 =	vld.idx.msk [tilespmem:v44+s10+$0x0], $0xffff;
	v40 =	vand.u32 $0xFFE8, v40;
	v43 =	vshll.u32 v43, $0x5  }
0x339: {  	v40 =	vor.u32 v23, v40;
	v43 =	vor.u32 v14, v43  }
0x33a: {  	v46 =	vor.u32 v42, v43;
	_ =	sdelay $0x1  }
0x33b: {  	s30 =	sand.u32 $0x70, s26  }
0x33c: {  	s29 =	sor.u32 s29, s30  }
0x33d: {  	[tilespmem:v40+s12+$0x0] =	vst.idx.msk $0xffff, v44;
	v44 =	vadd.s32 s29, v41  }
.Ltmp6:
0x33e: {  	v40 =	vld.idx.msk [tilespmem:v46+s10+$0x0], $0xffff;
	v44 =	vand.u32 $0x7FF8, v44;
	(pc) =	sbr.rel @p0 .LBB2_15-.Ltmp6, $3  }
0x33f: {  	v44 =	vor.u32 v23, v44  }
0x340: {  	v43 =	vor.u32 v30, v43;
	_ =	sdelay $0x1  }
0x341: {  	s26 =	sadd.s32 $0x40, s26  }
0x342: {  	_ =	sdelay $0x2  }
0x343: {  	v46 =	vadd.s32 s29, v45  }
0x344: {  	[tilespmem:v44+s12+$0x0] =	vst.idx.msk $0xffff, v40;
	v47 =	vand.u32 $0xFFF8, v46  }
0x345: {  	v43 =	vld.idx.msk [tilespmem:v43+s10+$0x0], $0xffff;
	v40 =	vor.u32 v23, v47  }
0x346: {  	v49 =	vor.u32 v52, v33;
	_ =	sdelay $0x2  }
0x347: {  	v50 =	vadd.s32 s21, v51  }
0x348: {  	v47 =	vand.u32 $0x7FC8, v50;
	[tilespmem:v40+s12+$0x0] =	vst.idx.msk $0xffff, v43  }
0x349: {  	v40 =	vor.u32 v23, v47;
	v43 =	vld.idx.msk [tilespmem:v49+s10+$0x0], $0xffff  }
0x34a: {  	v49 =	vor.u32 v32, v33;
	_ =	sdelay $0x2  }
0x34b: {  	v50 =	vadd.s32 s21, v53  }
0x34c: {  	v47 =	vand.u32 $0xFFC8, v50;
	[tilespmem:v40+s12+$0x0] =	vst.idx.msk $0xffff, v43  }
0x34d: {  	v40 =	vor.u32 v23, v47;
	v33 =	vld.idx.msk [tilespmem:v49+s10+$0x0], $0xffff  }
0x34e: {  	v49 =	vor.u32 v52, v36;
	_ =	sdelay $0x2  }
0x34f: {  	v50 =	vadd.s32 s22, v51  }
0x350: {  	v47 =	vand.u32 $0x7FD8, v50;
	[tilespmem:v40+s12+$0x0] =	vst.idx.msk $0xffff, v33  }
0x351: {  	v33 =	vor.u32 v23, v47;
	v40 =	vld.idx.msk [tilespmem:v49+s10+$0x0], $0xffff  }
0x352: {  	v49 =	vor.u32 v32, v36;
	_ =	sdelay $0x2  }
0x353: {  	v50 =	vadd.s32 s22, v53  }
0x354: {  	v44 =	vand.u32 $0xFFD8, v50;
	[tilespmem:v33+s12+$0x0] =	vst.idx.msk $0xffff, v40  }
0x355: {  	v33 =	vor.u32 v23, v44;
	v36 =	vld.idx.msk [tilespmem:v49+s10+$0x0], $0xffff  }
0x356: {  	v46 =	vor.u32 v52, v37;
	_ =	sdelay $0x2  }
0x357: {  	v47 =	vadd.s32 s23, v51  }
0x358: {  	v49 =	vand.u32 $0x7FE8, v47;
	[tilespmem:v33+s12+$0x0] =	vst.idx.msk $0xffff, v36  }
0x359: {  	v33 =	vor.u32 v23, v49;
	v36 =	vld.idx.msk [tilespmem:v46+s10+$0x0], $0xffff  }
0x35a: {  	v50 =	vor.u32 v32, v37;
	_ =	sdelay $0x2  }
0x35b: {  	v44 =	vadd.s32 s23, v53  }
0x35c: {  	v46 =	vand.u32 $0xFFE8, v44;
	[tilespmem:v33+s12+$0x0] =	vst.idx.msk $0xffff, v36  }
0x35d: {  	v33 =	vor.u32 v23, v46;
	v36 =	vld.idx.msk [tilespmem:v50+s10+$0x0], $0xffff  }
0x35e: {  	v47 =	vor.u32 v52, v39;
	_ =	sdelay $0x1  }
0x35f: {  	s22 =	sor.u32 s20, s24  }
0x360: {  	v49 =	vadd.s32 s22, v51  }
0x361: {  	v50 =	vand.u32 $0x7FF8, v49;
	[tilespmem:v33+s12+$0x0] =	vst.idx.msk $0xffff, v36  }
0x362: {  	v37 =	vor.u32 v23, v50;
	v33 =	vld.idx.msk [tilespmem:v47+s10+$0x0], $0xffff  }
0x363: {  	v36 =	vor.u32 v32, v39;
	_ =	sdelay $0x1  }
0x364: {  	s21 =	simm.s32 $0x70;
	s20 =	simm.s32 $0x0  }
.LBB2_17:
0x365: {  	s23 =	sadd.s32 $0xFFFFFFD0, s21;
	s20 =	sadd.s32 $0x4, s20  }
0x366: {  	v39 =	vmov s23;
	p0 =	slt.u32 s20, $0x4C;
	[tilespmem:v37+s12+$0x0] =	vst.idx.msk $0xffff, v33;
	v33 =	vadd.s32 s22, v53  }
0x367: {  	v37 =	vshll.u32 v39, $0x5;
	v36 =	vld.idx.msk [tilespmem:v36+s10+$0x0], $0xffff;
	v33 =	vand.u32 $0xFFF8, v33  }
0x368: {  	v37 =	vor.u32 v14, v37;
	v33 =	vor.u32 v23, v33  }
0x369: {  	v39 =	vor.u32 v52, v37  }
0x36a: {  	s19 =	sadd.s32 $0x200, s19  }
0x36b: {  	s22 =	sand.u32 $0x3C00, s19;
	s23 =	sand.u32 $0x40, s23  }
0x36c: {  	s23 =	sor.u32 s23, s22  }
0x36d: {  	v40 =	vadd.s32 s23, v51;
	[tilespmem:v33+s12+$0x0] =	vst.idx.msk $0xffff, v36  }
0x36e: {  	v36 =	vand.u32 $0x7FC8, v40;
	v33 =	vld.idx.msk [tilespmem:v39+s10+$0x0], $0xffff  }
0x36f: {  	v36 =	vor.u32 v23, v36  }
0x370: {  	v37 =	vor.u32 v32, v37;
	_ =	sdelay $0x2  }
0x371: {  	s24 =	sadd.s32 $0xFFFFFFE0, s21  }
0x372: {  	[tilespmem:v36+s12+$0x0] =	vst.idx.msk $0xffff, v33;
	v33 =	vadd.s32 s23, v53;
	v36 =	vmov s24  }
0x373: {  	v37 =	vld.idx.msk [tilespmem:v37+s10+$0x0], $0xffff;
	v33 =	vand.u32 $0xFFC8, v33;
	v36 =	vshll.u32 v36, $0x5  }
0x374: {  	v33 =	vor.u32 v23, v33;
	v36 =	vor.u32 v14, v36  }
0x375: {  	v39 =	vor.u32 v52, v36;
	_ =	sdelay $0x1  }
0x376: {  	s23 =	sand.u32 $0x50, s24  }
0x377: {  	s23 =	sor.u32 s22, s23  }
0x378: {  	[tilespmem:v33+s12+$0x0] =	vst.idx.msk $0xffff, v37;
	v33 =	vadd.s32 s23, v51  }
0x379: {  	v37 =	vld.idx.msk [tilespmem:v39+s10+$0x0], $0xffff;
	v33 =	vand.u32 $0x7FD8, v33  }
0x37a: {  	v33 =	vor.u32 v23, v33  }
0x37b: {  	v36 =	vor.u32 v32, v36;
	_ =	sdelay $0x2  }
0x37c: {  	s24 =	sadd.s32 $0xFFFFFFF0, s21  }
0x37d: {  	[tilespmem:v33+s12+$0x0] =	vst.idx.msk $0xffff, v37;
	v33 =	vadd.s32 s23, v53;
	v37 =	vmov s24  }
0x37e: {  	v36 =	vld.idx.msk [tilespmem:v36+s10+$0x0], $0xffff;
	v33 =	vand.u32 $0xFFD8, v33;
	v37 =	vshll.u32 v37, $0x5  }
0x37f: {  	v33 =	vor.u32 v23, v33;
	v37 =	vor.u32 v14, v37  }
0x380: {  	v39 =	vor.u32 v52, v37;
	_ =	sdelay $0x1  }
0x381: {  	s23 =	sand.u32 $0x60, s24  }
0x382: {  	s23 =	sor.u32 s22, s23  }
0x383: {  	[tilespmem:v33+s12+$0x0] =	vst.idx.msk $0xffff, v36;
	v33 =	vadd.s32 s23, v51  }
0x384: {  	v36 =	vld.idx.msk [tilespmem:v39+s10+$0x0], $0xffff;
	v33 =	vand.u32 $0x7FE8, v33  }
0x385: {  	v33 =	vor.u32 v23, v33  }
0x386: {  	v37 =	vor.u32 v32, v37;
	_ =	sdelay $0x3  }
0x387: {  	[tilespmem:v33+s12+$0x0] =	vst.idx.msk $0xffff, v36;
	v33 =	vadd.s32 s23, v53;
	v36 =	vmov s21  }
0x388: {  	v37 =	vld.idx.msk [tilespmem:v37+s10+$0x0], $0xffff;
	v33 =	vand.u32 $0xFFE8, v33;
	v36 =	vshll.u32 v36, $0x5  }
0x389: {  	v33 =	vor.u32 v23, v33;
	v36 =	vor.u32 v14, v36  }
0x38a: {  	v39 =	vor.u32 v52, v36;
	_ =	sdelay $0x1  }
0x38b: {  	s23 =	sand.u32 $0x70, s21  }
0x38c: {  	s22 =	sor.u32 s22, s23  }
0x38d: {  	[tilespmem:v33+s12+$0x0] =	vst.idx.msk $0xffff, v37;
	v37 =	vadd.s32 s22, v51  }
.Ltmp7:
0x38e: {  	v33 =	vld.idx.msk [tilespmem:v39+s10+$0x0], $0xffff;
	v37 =	vand.u32 $0x7FF8, v37;
	(pc) =	sbr.rel @p0 .LBB2_17-.Ltmp7, $3  }
0x38f: {  	v37 =	vor.u32 v23, v37  }
0x390: {  	v36 =	vor.u32 v32, v36;
	_ =	sdelay $0x1  }
0x391: {  	s21 =	sadd.s32 $0x40, s21  }
0x392: {  	_ = 	snop  }
0x393: {  	v43 =	vld [tilespmem:$0x1FF70]  }
0x394: {  	s21 =	simm.s32 $0x0;
	v39 =	vadd.s32 s22, v53;
	v44 =	vld [tilespmem:$0x1FF80]  }
0x395: {  	v50 =	vld [tilespmem:$0x1FF60];
	v40 =	vmov s21;
	v46 =	vand.u32 $0xFFF8, v39  }
0x396: {  	[tilespmem:v37+s12+$0x0] =	vst.idx.msk $0xffff, v33;
	v47 =	vshll.u32 v40, $0x5;
	v39 =	vor.u32 v23, v46;
	v46 =	vld [tilespmem:$0x1FF90]  }
0x397: {  	v36 =	vld.idx.msk [tilespmem:v36+s10+$0x0], $0xffff;
	v33 =	vor.u32 v14, v47  }
0x398: {  	s19 =	simm.s32 $0x0;
	v37 =	vor.u32 v48, v33  }
0x399: {  	s20 =	sand.u32 $0x3C00, s19;
	s21 =	sand.u32 $0x40, s21  }
0x39a: {  	s21 =	sor.u32 s21, s20  }
0x39b: {  	v49 =	vadd.s32 s21, v54;
	v43 =	vsel vm0, v44, v43;
	v44 =	vsel vm0, v50, v46  }
0x39c: {  	v47 =	vand.u32 $0x7FC8, v49;
	[tilespmem:v39+s12+$0x0] =	vst.idx.msk $0xffff, v36;
	v40 =	vcombine.low v44, v43  }
0x39d: {  	v36 =	vor.u32 v23, v47;
	v37 =	vld.idx.msk [tilespmem:v37+s10+$0x0], $0xffff  }
0x39e: {  	v39 =	vor.u32 v40, v33;
	_ =	sdelay $0x1  }
0x39f: {  	s31 =	simm.s32 $0x10  }
0x3a0: {  	v49 =	vadd.s32 s21, v55;
	v50 =	vmov s31  }
0x3a1: {  	v47 =	vand.u32 $0xFFC8, v49;
	v49 =	vshll.u32 v50, $0x5;
	[tilespmem:v36+s12+$0x0] =	vst.idx.msk $0xffff, v37  }
0x3a2: {  	v43 =	vor.u32 v23, v47;
	v36 =	vor.u32 v14, v49;
	v39 =	vld.idx.msk [tilespmem:v39+s10+$0x0], $0xffff  }
0x3a3: {  	v37 =	vor.u32 v48, v36  }
0x3a4: {  	s22 =	sand.u32 $0x50, s31  }
0x3a5: {  	s22 =	sor.u32 s20, s22  }
0x3a6: {  	v50 =	vadd.s32 s22, v54  }
0x3a7: {  	v47 =	vand.u32 $0x7FD8, v50;
	[tilespmem:v43+s12+$0x0] =	vst.idx.msk $0xffff, v39  }
0x3a8: {  	v39 =	vor.u32 v23, v47;
	v37 =	vld.idx.msk [tilespmem:v37+s10+$0x0], $0xffff  }
0x3a9: {  	v43 =	vor.u32 v40, v36;
	_ =	sdelay $0x1  }
0x3aa: {  	s23 =	simm.s32 $0x20  }
0x3ab: {  	v50 =	vmov s23;
	v49 =	vadd.s32 s22, v55  }
0x3ac: {  	v47 =	vand.u32 $0xFFD8, v49;
	v49 =	vshll.u32 v50, $0x5;
	[tilespmem:v39+s12+$0x0] =	vst.idx.msk $0xffff, v37  }
0x3ad: {  	v44 =	vor.u32 v23, v47;
	v37 =	vor.u32 v14, v49;
	v43 =	vld.idx.msk [tilespmem:v43+s10+$0x0], $0xffff  }
0x3ae: {  	v39 =	vor.u32 v48, v37  }
0x3af: {  	s23 =	sand.u32 $0x60, s23  }
0x3b0: {  	s23 =	sor.u32 s20, s23  }
0x3b1: {  	v50 =	vadd.s32 s23, v54  }
0x3b2: {  	v49 =	vand.u32 $0x7FE8, v50;
	[tilespmem:v44+s12+$0x0] =	vst.idx.msk $0xffff, v43  }
0x3b3: {  	v43 =	vor.u32 v23, v49;
	v39 =	vld.idx.msk [tilespmem:v39+s10+$0x0], $0xffff  }
0x3b4: {  	v44 =	vor.u32 v40, v37;
	_ =	sdelay $0x1  }
0x3b5: {  	s24 =	simm.s32 $0x30  }
0x3b6: {  	v47 =	vmov s24;
	v50 =	vadd.s32 s23, v55  }
0x3b7: {  	v49 =	vand.u32 $0xFFE8, v50;
	v50 =	vshll.u32 v47, $0x5;
	[tilespmem:v43+s12+$0x0] =	vst.idx.msk $0xffff, v39  }
0x3b8: {  	v46 =	vor.u32 v23, v49;
	v39 =	vor.u32 v14, v50;
	v44 =	vld.idx.msk [tilespmem:v44+s10+$0x0], $0xffff  }
0x3b9: {  	v43 =	vor.u32 v48, v39  }
0x3ba: {  	s24 =	sand.u32 $0x70, s24  }
0x3bb: {  	s29 =	sor.u32 s20, s24  }
0x3bc: {  	v49 =	vadd.s32 s29, v54  }
0x3bd: {  	v50 =	vand.u32 $0x7FF8, v49;
	[tilespmem:v46+s12+$0x0] =	vst.idx.msk $0xffff, v44  }
0x3be: {  	v46 =	vor.u32 v23, v50;
	v43 =	vld.idx.msk [tilespmem:v43+s10+$0x0], $0xffff  }
0x3bf: {  	v44 =	vor.u32 v40, v39;
	_ =	sdelay $0x1  }
0x3c0: {  	s25 =	simm.s32 $0x0;
	s26 =	simm.s32 $0x70;
	s28 =	simm.s32 $0x0  }
.LBB2_19:
0x3c1: {  	s30 =	sadd.s32 $0xFFFFFFD0, s26;
	s25 =	sadd.s32 $0x4, s25  }
0x3c2: {  	v47 =	vmov s30;
	p0 =	slt.u32 s25, $0x4C;
	[tilespmem:v46+s12+$0x0] =	vst.idx.msk $0xffff, v43;
	v43 =	vadd.s32 s29, v55  }
0x3c3: {  	v46 =	vshll.u32 v47, $0x5;
	v44 =	vld.idx.msk [tilespmem:v44+s10+$0x0], $0xffff;
	v43 =	vand.u32 $0xFFF8, v43  }
0x3c4: {  	v46 =	vor.u32 v14, v46;
	v43 =	vor.u32 v23, v43  }
0x3c5: {  	v47 =	vor.u32 v48, v46  }
0x3c6: {  	s28 =	sadd.s32 $0x200, s28  }
0x3c7: {  	s29 =	sand.u32 $0x3C00, s28;
	s30 =	sand.u32 $0x40, s30  }
0x3c8: {  	s30 =	sor.u32 s30, s29  }
0x3c9: {  	v49 =	vadd.s32 s30, v54;
	[tilespmem:v43+s12+$0x0] =	vst.idx.msk $0xffff, v44  }
0x3ca: {  	v44 =	vand.u32 $0x7FC8, v49;
	v43 =	vld.idx.msk [tilespmem:v47+s10+$0x0], $0xffff  }
0x3cb: {  	v44 =	vor.u32 v23, v44  }
0x3cc: {  	v46 =	vor.u32 v40, v46;
	_ =	sdelay $0x2  }
0x3cd: {  	s31 =	sadd.s32 $0xFFFFFFE0, s26  }
0x3ce: {  	[tilespmem:v44+s12+$0x0] =	vst.idx.msk $0xffff, v43;
	v43 =	vadd.s32 s30, v55;
	v44 =	vmov s31  }
0x3cf: {  	v46 =	vld.idx.msk [tilespmem:v46+s10+$0x0], $0xffff;
	v43 =	vand.u32 $0xFFC8, v43;
	v44 =	vshll.u32 v44, $0x5  }
0x3d0: {  	v43 =	vor.u32 v23, v43;
	v44 =	vor.u32 v14, v44  }
0x3d1: {  	v47 =	vor.u32 v48, v44;
	_ =	sdelay $0x1  }
0x3d2: {  	s30 =	sand.u32 $0x50, s31  }
0x3d3: {  	s30 =	sor.u32 s29, s30  }
0x3d4: {  	[tilespmem:v43+s12+$0x0] =	vst.idx.msk $0xffff, v46;
	v43 =	vadd.s32 s30, v54  }
0x3d5: {  	v46 =	vld.idx.msk [tilespmem:v47+s10+$0x0], $0xffff;
	v43 =	vand.u32 $0x7FD8, v43  }
0x3d6: {  	v43 =	vor.u32 v23, v43  }
0x3d7: {  	v44 =	vor.u32 v40, v44;
	_ =	sdelay $0x2  }
0x3d8: {  	s31 =	sadd.s32 $0xFFFFFFF0, s26  }
0x3d9: {  	[tilespmem:v43+s12+$0x0] =	vst.idx.msk $0xffff, v46;
	v43 =	vadd.s32 s30, v55;
	v46 =	vmov s31  }
0x3da: {  	v44 =	vld.idx.msk [tilespmem:v44+s10+$0x0], $0xffff;
	v43 =	vand.u32 $0xFFD8, v43;
	v46 =	vshll.u32 v46, $0x5  }
0x3db: {  	v43 =	vor.u32 v23, v43;
	v46 =	vor.u32 v14, v46  }
0x3dc: {  	v47 =	vor.u32 v48, v46;
	_ =	sdelay $0x1  }
0x3dd: {  	s30 =	sand.u32 $0x60, s31  }
0x3de: {  	s30 =	sor.u32 s29, s30  }
0x3df: {  	[tilespmem:v43+s12+$0x0] =	vst.idx.msk $0xffff, v44;
	v43 =	vadd.s32 s30, v54  }
0x3e0: {  	v44 =	vld.idx.msk [tilespmem:v47+s10+$0x0], $0xffff;
	v43 =	vand.u32 $0x7FE8, v43  }
0x3e1: {  	v43 =	vor.u32 v23, v43  }
0x3e2: {  	v46 =	vor.u32 v40, v46;
	_ =	sdelay $0x3  }
0x3e3: {  	[tilespmem:v43+s12+$0x0] =	vst.idx.msk $0xffff, v44;
	v43 =	vadd.s32 s30, v55;
	v44 =	vmov s26  }
0x3e4: {  	v46 =	vld.idx.msk [tilespmem:v46+s10+$0x0], $0xffff;
	v43 =	vand.u32 $0xFFE8, v43;
	v44 =	vshll.u32 v44, $0x5  }
0x3e5: {  	v43 =	vor.u32 v23, v43;
	v44 =	vor.u32 v14, v44  }
0x3e6: {  	v47 =	vor.u32 v48, v44;
	_ =	sdelay $0x1  }
0x3e7: {  	s30 =	sand.u32 $0x70, s26  }
0x3e8: {  	s29 =	sor.u32 s29, s30  }
0x3e9: {  	[tilespmem:v43+s12+$0x0] =	vst.idx.msk $0xffff, v46;
	v46 =	vadd.s32 s29, v54  }
.Ltmp8:
0x3ea: {  	v43 =	vld.idx.msk [tilespmem:v47+s10+$0x0], $0xffff;
	v46 =	vand.u32 $0x7FF8, v46;
	(pc) =	sbr.rel @p0 .LBB2_19-.Ltmp8, $3  }
0x3eb: {  	v46 =	vor.u32 v23, v46  }
0x3ec: {  	v44 =	vor.u32 v40, v44;
	_ =	sdelay $0x1  }
0x3ed: {  	s26 =	sadd.s32 $0x40, s26  }
0x3ee: {  	v47 =	vld [tilespmem:$0x1FE20]  }
0x3ef: {  	v49 =	vld [tilespmem:$0x1FE30];
	_ =	sdelay $0x2  }
0x3f0: {  	v40 =	vadd.s32 s29, v55  }
0x3f1: {  	[tilespmem:v46+s12+$0x0] =	vst.idx.msk $0xffff, v43;
	v40 =	vand.u32 $0xFFF8, v40  }
0x3f2: {  	v43 =	vld.idx.msk [tilespmem:v44+s10+$0x0], $0xffff;
	v47 =	vcombine.low v47, v49;
	v49 =	vor.u32 v23, v40;
	_ =	sdelay $0x2  }
0x3f3: {  	v50 =	vadd.s32 s21, v56  }
0x3f4: {  	v44 =	vand.u32 $0x7FC8, v50;
	v50 =	vld [tilespmem:$0x1FF10]  }
0x3f5: {  	v40 =	vand.u32 $0xF, v47;
	[tilespmem:v49+s12+$0x0] =	vst.idx.msk $0xffff, v43;
	v49 =	vld [tilespmem:$0x1FF00]  }
0x3f6: {  	v46 =	vor.u32 v40, v33;
	_ =	sdelay $0x3  }
0x3f7: {  	v43 =	vcombine.low v49, v50  }
0x3f8: {  	v44 =	vor.u32 v23, v44;
	v46 =	vld.idx.msk [tilespmem:v46+s10+$0x0], $0xffff  }
0x3f9: {  	v33 =	vor.u32 v43, v33;
	_ =	sdelay $0x2  }
0x3fa: {  	v49 =	vadd.s32 s21, v57  }
0x3fb: {  	v50 =	vand.u32 $0xFFC8, v49;
	[tilespmem:v44+s12+$0x0] =	vst.idx.msk $0xffff, v46  }
0x3fc: {  	v44 =	vor.u32 v23, v50;
	v33 =	vld.idx.msk [tilespmem:v33+s10+$0x0], $0xffff  }
0x3fd: {  	v46 =	vor.u32 v40, v36;
	_ =	sdelay $0x2  }
0x3fe: {  	v49 =	vadd.s32 s22, v56  }
0x3ff: {  	v50 =	vand.u32 $0x7FD8, v49;
	[tilespmem:v44+s12+$0x0] =	vst.idx.msk $0xffff, v33  }
0x400: {  	v33 =	vor.u32 v23, v50;
	v44 =	vld.idx.msk [tilespmem:v46+s10+$0x0], $0xffff  }
0x401: {  	v49 =	vor.u32 v43, v36;
	_ =	sdelay $0x2  }
0x402: {  	v50 =	vadd.s32 s22, v57  }
0x403: {  	v47 =	vand.u32 $0xFFD8, v50;
	[tilespmem:v33+s12+$0x0] =	vst.idx.msk $0xffff, v44  }
0x404: {  	v33 =	vor.u32 v23, v47;
	v36 =	vld.idx.msk [tilespmem:v49+s10+$0x0], $0xffff  }
0x405: {  	v49 =	vor.u32 v40, v37;
	_ =	sdelay $0x2  }
0x406: {  	v50 =	vadd.s32 s23, v56  }
0x407: {  	v47 =	vand.u32 $0x7FE8, v50;
	[tilespmem:v33+s12+$0x0] =	vst.idx.msk $0xffff, v36  }
0x408: {  	v33 =	vor.u32 v23, v47;
	v36 =	vld.idx.msk [tilespmem:v49+s10+$0x0], $0xffff  }
0x409: {  	v49 =	vor.u32 v43, v37;
	_ =	sdelay $0x2  }
0x40a: {  	v50 =	vadd.s32 s23, v57  }
0x40b: {  	v47 =	vand.u32 $0xFFE8, v50;
	[tilespmem:v33+s12+$0x0] =	vst.idx.msk $0xffff, v36  }
0x40c: {  	v33 =	vor.u32 v23, v47;
	v36 =	vld.idx.msk [tilespmem:v49+s10+$0x0], $0xffff  }
0x40d: {  	v37 =	vor.u32 v40, v39;
	_ =	sdelay $0x1  }
0x40e: {  	s22 =	sor.u32 s20, s24  }
0x40f: {  	v49 =	vadd.s32 s22, v56  }
0x410: {  	v50 =	vand.u32 $0x7FF8, v49;
	[tilespmem:v33+s12+$0x0] =	vst.idx.msk $0xffff, v36  }
0x411: {  	v33 =	vld.idx.msk [tilespmem:v37+s10+$0x0], $0xffff;
	v37 =	vor.u32 v23, v50  }
0x412: {  	v36 =	vor.u32 v43, v39;
	_ =	sdelay $0x1  }
0x413: {  	s21 =	simm.s32 $0x70;
	s20 =	simm.s32 $0x0  }
.LBB2_21:
0x414: {  	s23 =	sadd.s32 $0xFFFFFFD0, s21;
	s20 =	sadd.s32 $0x4, s20  }
0x415: {  	v39 =	vmov s23;
	p0 =	slt.u32 s20, $0x4C;
	[tilespmem:v37+s12+$0x0] =	vst.idx.msk $0xffff, v33;
	v33 =	vadd.s32 s22, v57  }
0x416: {  	v37 =	vshll.u32 v39, $0x5;
	v36 =	vld.idx.msk [tilespmem:v36+s10+$0x0], $0xffff;
	v33 =	vand.u32 $0xFFF8, v33  }
0x417: {  	v37 =	vor.u32 v14, v37;
	v33 =	vor.u32 v23, v33  }
0x418: {  	v39 =	vor.u32 v40, v37  }
0x419: {  	s19 =	sadd.s32 $0x200, s19  }
0x41a: {  	s22 =	sand.u32 $0x3C00, s19;
	s23 =	sand.u32 $0x40, s23  }
0x41b: {  	s23 =	sor.u32 s23, s22  }
0x41c: {  	v44 =	vadd.s32 s23, v56;
	[tilespmem:v33+s12+$0x0] =	vst.idx.msk $0xffff, v36  }
0x41d: {  	v36 =	vand.u32 $0x7FC8, v44;
	v33 =	vld.idx.msk [tilespmem:v39+s10+$0x0], $0xffff  }
0x41e: {  	v36 =	vor.u32 v23, v36  }
0x41f: {  	v37 =	vor.u32 v43, v37;
	_ =	sdelay $0x2  }
0x420: {  	s24 =	sadd.s32 $0xFFFFFFE0, s21  }
0x421: {  	[tilespmem:v36+s12+$0x0] =	vst.idx.msk $0xffff, v33;
	v33 =	vadd.s32 s23, v57;
	v36 =	vmov s24  }
0x422: {  	v37 =	vld.idx.msk [tilespmem:v37+s10+$0x0], $0xffff;
	v33 =	vand.u32 $0xFFC8, v33;
	v36 =	vshll.u32 v36, $0x5  }
0x423: {  	v33 =	vor.u32 v23, v33;
	v36 =	vor.u32 v14, v36  }
0x424: {  	v39 =	vor.u32 v40, v36;
	_ =	sdelay $0x1  }
0x425: {  	s23 =	sand.u32 $0x50, s24  }
0x426: {  	s23 =	sor.u32 s22, s23  }
0x427: {  	[tilespmem:v33+s12+$0x0] =	vst.idx.msk $0xffff, v37;
	v33 =	vadd.s32 s23, v56  }
0x428: {  	v37 =	vld.idx.msk [tilespmem:v39+s10+$0x0], $0xffff;
	v33 =	vand.u32 $0x7FD8, v33  }
0x429: {  	v33 =	vor.u32 v23, v33  }
0x42a: {  	v36 =	vor.u32 v43, v36;
	_ =	sdelay $0x2  }
0x42b: {  	s24 =	sadd.s32 $0xFFFFFFF0, s21  }
0x42c: {  	[tilespmem:v33+s12+$0x0] =	vst.idx.msk $0xffff, v37;
	v33 =	vadd.s32 s23, v57;
	v37 =	vmov s24  }
0x42d: {  	v36 =	vld.idx.msk [tilespmem:v36+s10+$0x0], $0xffff;
	v33 =	vand.u32 $0xFFD8, v33;
	v37 =	vshll.u32 v37, $0x5  }
0x42e: {  	v33 =	vor.u32 v23, v33;
	v37 =	vor.u32 v14, v37  }
0x42f: {  	v39 =	vor.u32 v40, v37;
	_ =	sdelay $0x1  }
0x430: {  	s23 =	sand.u32 $0x60, s24  }
0x431: {  	s23 =	sor.u32 s22, s23  }
0x432: {  	[tilespmem:v33+s12+$0x0] =	vst.idx.msk $0xffff, v36;
	v33 =	vadd.s32 s23, v56  }
0x433: {  	v36 =	vld.idx.msk [tilespmem:v39+s10+$0x0], $0xffff;
	v33 =	vand.u32 $0x7FE8, v33  }
0x434: {  	v33 =	vor.u32 v23, v33  }
0x435: {  	v37 =	vor.u32 v43, v37;
	_ =	sdelay $0x3  }
0x436: {  	[tilespmem:v33+s12+$0x0] =	vst.idx.msk $0xffff, v36;
	v33 =	vadd.s32 s23, v57;
	v36 =	vmov s21  }
0x437: {  	v37 =	vld.idx.msk [tilespmem:v37+s10+$0x0], $0xffff;
	v33 =	vand.u32 $0xFFE8, v33;
	v36 =	vshll.u32 v36, $0x5  }
0x438: {  	v33 =	vor.u32 v23, v33;
	v36 =	vor.u32 v14, v36  }
0x439: {  	v39 =	vor.u32 v40, v36;
	_ =	sdelay $0x1  }
0x43a: {  	s23 =	sand.u32 $0x70, s21  }
0x43b: {  	s22 =	sor.u32 s22, s23  }
0x43c: {  	[tilespmem:v33+s12+$0x0] =	vst.idx.msk $0xffff, v37;
	v37 =	vadd.s32 s22, v56  }
.Ltmp9:
0x43d: {  	v33 =	vld.idx.msk [tilespmem:v39+s10+$0x0], $0xffff;
	v37 =	vand.u32 $0x7FF8, v37;
	(pc) =	sbr.rel @p0 .LBB2_21-.Ltmp9, $3  }
0x43e: {  	v37 =	vor.u32 v23, v37  }
0x43f: {  	v36 =	vor.u32 v43, v36;
	_ =	sdelay $0x1  }
0x440: {  	s21 =	sadd.s32 $0x40, s21  }
0x441: {  	_ =	sdelay $0x1  }
0x442: {  	v43 =	vld [tilespmem:$0x1FE40]  }
0x443: {  	v39 =	vadd.s32 s22, v57;
	v44 =	vld [tilespmem:$0x1FE50]  }
0x444: {  	[tilespmem:v37+s12+$0x0] =	vst.idx.msk $0xffff, v33;
	v46 =	vand.u32 $0xFFF8, v39  }
0x445: {  	v36 =	vld.idx.msk [tilespmem:v36+s10+$0x0], $0xffff;
	v49 =	vor.u32 v23, v46  }
0x446: {  	s21 =	simm.s32 $0x0  }
0x447: {  	v40 =	vmov s21  }
0x448: {  	v47 =	vshll.u32 v40, $0x5;
	v43 =	vcombine.low v43, v44  }
0x449: {  	v33 =	vor.u32 v14, v47;
	v47 =	vld [tilespmem:$0x1FF20]  }
0x44a: {  	v39 =	vand.u32 $0xF, v43;
	[tilespmem:v49+s12+$0x0] =	vst.idx.msk $0xffff, v36;
	v49 =	vld [tilespmem:$0x1FF30]  }
0x44b: {  	s19 =	simm.s32 $0x0;
	v37 =	vor.u32 v39, v33  }
0x44c: {  	s20 =	sand.u32 $0x3C00, s19;
	s21 =	sand.u32 $0x40, s21  }
0x44d: {  	s21 =	sor.u32 s21, s20  }
0x44e: {  	v50 =	vadd.s32 s21, v58  }
0x44f: {  	v46 =	vand.u32 $0x7FC8, v50;
	v43 =	vcombine.low v47, v49  }
0x450: {  	v36 =	vor.u32 v23, v46;
	v37 =	vld.idx.msk [tilespmem:v37+s10+$0x0], $0xffff  }
0x451: {  	v40 =	vor.u32 v43, v33;
	_ =	sdelay $0x1  }
0x452: {  	s31 =	simm.s32 $0x10  }
0x453: {  	v50 =	vadd.s32 s21, v59;
	v46 =	vmov s31  }
0x454: {  	v47 =	vand.u32 $0xFFC8, v50;
	v49 =	vshll.u32 v46, $0x5;
	[tilespmem:v36+s12+$0x0] =	vst.idx.msk $0xffff, v37  }
0x455: {  	v44 =	vor.u32 v23, v47;
	v36 =	vor.u32 v14, v49;
	v40 =	vld.idx.msk [tilespmem:v40+s10+$0x0], $0xffff  }
0x456: {  	v37 =	vor.u32 v39, v36  }
0x457: {  	s22 =	sand.u32 $0x50, s31  }
0x458: {  	s22 =	sor.u32 s20, s22  }
0x459: {  	v50 =	vadd.s32 s22, v58  }
0x45a: {  	v47 =	vand.u32 $0x7FD8, v50;
	[tilespmem:v44+s12+$0x0] =	vst.idx.msk $0xffff, v40  }
0x45b: {  	v40 =	vor.u32 v23, v47;
	v37 =	vld.idx.msk [tilespmem:v37+s10+$0x0], $0xffff  }
0x45c: {  	v44 =	vor.u32 v43, v36;
	_ =	sdelay $0x1  }
0x45d: {  	s23 =	simm.s32 $0x20  }
0x45e: {  	v49 =	vadd.s32 s22, v59;
	v47 =	vmov s23  }
0x45f: {  	v50 =	vand.u32 $0xFFD8, v49;
	v49 =	vshll.u32 v47, $0x5;
	[tilespmem:v40+s12+$0x0] =	vst.idx.msk $0xffff, v37  }
0x460: {  	v46 =	vor.u32 v23, v50;
	v37 =	vor.u32 v14, v49;
	v44 =	vld.idx.msk [tilespmem:v44+s10+$0x0], $0xffff  }
0x461: {  	v40 =	vor.u32 v39, v37  }
0x462: {  	s23 =	sand.u32 $0x60, s23  }
0x463: {  	s23 =	sor.u32 s20, s23  }
0x464: {  	v50 =	vadd.s32 s23, v58  }
0x465: {  	v49 =	vand.u32 $0x7FE8, v50;
	[tilespmem:v46+s12+$0x0] =	vst.idx.msk $0xffff, v44  }
0x466: {  	v44 =	vor.u32 v23, v49;
	v40 =	vld.idx.msk [tilespmem:v40+s10+$0x0], $0xffff  }
0x467: {  	v46 =	vor.u32 v43, v37;
	_ =	sdelay $0x1  }
0x468: {  	s24 =	simm.s32 $0x30  }
0x469: {  	v47 =	vadd.s32 s23, v59;
	v49 =	vmov s24  }
0x46a: {  	v50 =	vand.u32 $0xFFE8, v47;
	v49 =	vshll.u32 v49, $0x5;
	[tilespmem:v44+s12+$0x0] =	vst.idx.msk $0xffff, v40  }
0x46b: {  	v47 =	vor.u32 v23, v50;
	v40 =	vor.u32 v14, v49;
	v46 =	vld.idx.msk [tilespmem:v46+s10+$0x0], $0xffff  }
0x46c: {  	v44 =	vor.u32 v39, v40  }
0x46d: {  	s24 =	sand.u32 $0x70, s24  }
0x46e: {  	s29 =	sor.u32 s20, s24  }
0x46f: {  	v49 =	vadd.s32 s29, v58  }
0x470: {  	v50 =	vand.u32 $0x7FF8, v49;
	[tilespmem:v47+s12+$0x0] =	vst.idx.msk $0xffff, v46  }
0x471: {  	v47 =	vor.u32 v23, v50;
	v44 =	vld.idx.msk [tilespmem:v44+s10+$0x0], $0xffff  }
0x472: {  	v46 =	vor.u32 v43, v40;
	_ =	sdelay $0x1  }
0x473: {  	s25 =	simm.s32 $0x0;
	s26 =	simm.s32 $0x70;
	s28 =	simm.s32 $0x0  }
.LBB2_23:
0x474: {  	s30 =	sadd.s32 $0xFFFFFFD0, s26;
	s25 =	sadd.s32 $0x4, s25  }
0x475: {  	v49 =	vmov s30;
	p0 =	slt.u32 s25, $0x4C;
	[tilespmem:v47+s12+$0x0] =	vst.idx.msk $0xffff, v44;
	v44 =	vadd.s32 s29, v59  }
0x476: {  	v47 =	vshll.u32 v49, $0x5;
	v46 =	vld.idx.msk [tilespmem:v46+s10+$0x0], $0xffff;
	v44 =	vand.u32 $0xFFF8, v44  }
0x477: {  	v47 =	vor.u32 v14, v47;
	v44 =	vor.u32 v23, v44  }
0x478: {  	v49 =	vor.u32 v39, v47  }
0x479: {  	s28 =	sadd.s32 $0x200, s28  }
0x47a: {  	s29 =	sand.u32 $0x3C00, s28;
	s30 =	sand.u32 $0x40, s30  }
0x47b: {  	s30 =	sor.u32 s30, s29  }
0x47c: {  	v50 =	vadd.s32 s30, v58;
	[tilespmem:v44+s12+$0x0] =	vst.idx.msk $0xffff, v46  }
0x47d: {  	v46 =	vand.u32 $0x7FC8, v50;
	v44 =	vld.idx.msk [tilespmem:v49+s10+$0x0], $0xffff  }
0x47e: {  	v46 =	vor.u32 v23, v46  }
0x47f: {  	v47 =	vor.u32 v43, v47;
	_ =	sdelay $0x2  }
0x480: {  	s31 =	sadd.s32 $0xFFFFFFE0, s26  }
0x481: {  	[tilespmem:v46+s12+$0x0] =	vst.idx.msk $0xffff, v44;
	v44 =	vadd.s32 s30, v59;
	v46 =	vmov s31  }
0x482: {  	v47 =	vld.idx.msk [tilespmem:v47+s10+$0x0], $0xffff;
	v44 =	vand.u32 $0xFFC8, v44;
	v46 =	vshll.u32 v46, $0x5  }
0x483: {  	v44 =	vor.u32 v23, v44;
	v46 =	vor.u32 v14, v46  }
0x484: {  	v49 =	vor.u32 v39, v46;
	_ =	sdelay $0x1  }
0x485: {  	s30 =	sand.u32 $0x50, s31  }
0x486: {  	s30 =	sor.u32 s29, s30  }
0x487: {  	[tilespmem:v44+s12+$0x0] =	vst.idx.msk $0xffff, v47;
	v44 =	vadd.s32 s30, v58  }
0x488: {  	v47 =	vld.idx.msk [tilespmem:v49+s10+$0x0], $0xffff;
	v44 =	vand.u32 $0x7FD8, v44  }
0x489: {  	v44 =	vor.u32 v23, v44  }
0x48a: {  	v46 =	vor.u32 v43, v46;
	_ =	sdelay $0x2  }
0x48b: {  	s31 =	sadd.s32 $0xFFFFFFF0, s26  }
0x48c: {  	[tilespmem:v44+s12+$0x0] =	vst.idx.msk $0xffff, v47;
	v44 =	vadd.s32 s30, v59;
	v47 =	vmov s31  }
0x48d: {  	v46 =	vld.idx.msk [tilespmem:v46+s10+$0x0], $0xffff;
	v44 =	vand.u32 $0xFFD8, v44;
	v47 =	vshll.u32 v47, $0x5  }
0x48e: {  	v44 =	vor.u32 v23, v44;
	v47 =	vor.u32 v14, v47  }
0x48f: {  	v49 =	vor.u32 v39, v47;
	_ =	sdelay $0x1  }
0x490: {  	s30 =	sand.u32 $0x60, s31  }
0x491: {  	s30 =	sor.u32 s29, s30  }
0x492: {  	[tilespmem:v44+s12+$0x0] =	vst.idx.msk $0xffff, v46;
	v44 =	vadd.s32 s30, v58  }
0x493: {  	v46 =	vld.idx.msk [tilespmem:v49+s10+$0x0], $0xffff;
	v44 =	vand.u32 $0x7FE8, v44  }
0x494: {  	v44 =	vor.u32 v23, v44  }
0x495: {  	v47 =	vor.u32 v43, v47;
	_ =	sdelay $0x3  }
0x496: {  	[tilespmem:v44+s12+$0x0] =	vst.idx.msk $0xffff, v46;
	v44 =	vadd.s32 s30, v59;
	v46 =	vmov s26  }
0x497: {  	v47 =	vld.idx.msk [tilespmem:v47+s10+$0x0], $0xffff;
	v44 =	vand.u32 $0xFFE8, v44;
	v46 =	vshll.u32 v46, $0x5  }
0x498: {  	v44 =	vor.u32 v23, v44;
	v46 =	vor.u32 v14, v46  }
0x499: {  	v49 =	vor.u32 v39, v46;
	_ =	sdelay $0x1  }
0x49a: {  	s30 =	sand.u32 $0x70, s26  }
0x49b: {  	s29 =	sor.u32 s29, s30  }
0x49c: {  	[tilespmem:v44+s12+$0x0] =	vst.idx.msk $0xffff, v47;
	v47 =	vadd.s32 s29, v58  }
.Ltmp10:
0x49d: {  	v44 =	vld.idx.msk [tilespmem:v49+s10+$0x0], $0xffff;
	v47 =	vand.u32 $0x7FF8, v47;
	(pc) =	sbr.rel @p0 .LBB2_23-.Ltmp10, $3  }
0x49e: {  	v47 =	vor.u32 v23, v47  }
0x49f: {  	v46 =	vor.u32 v43, v46;
	_ =	sdelay $0x1  }
0x4a0: {  	s26 =	sadd.s32 $0x40, s26  }
0x4a1: {  	_ =	sdelay $0x2  }
0x4a2: {  	v39 =	vadd.s32 s29, v59;
	v43 =	vld [tilespmem:$0x1FE60]  }
0x4a3: {  	v49 =	vld [tilespmem:$0x1FE70];
	[tilespmem:v47+s12+$0x0] =	vst.idx.msk $0xffff, v44;
	v39 =	vand.u32 $0xFFF8, v39  }
0x4a4: {  	v44 =	vld.idx.msk [tilespmem:v46+s10+$0x0], $0xffff;
	v50 =	vor.u32 v23, v39;
	_ =	sdelay $0x3  }
0x4a5: {  	v43 =	vcombine.low v43, v49  }
0x4a6: {  	v49 =	vadd.s32 s21, v60;
	[tilespmem:v50+s12+$0x0] =	vst.idx.msk $0xffff, v44;
	v50 =	vld [tilespmem:$0x1FF40]  }
0x4a7: {  	v39 =	vand.u32 $0xF, v43;
	v44 =	vand.u32 $0x7FC8, v49;
	v49 =	vld [tilespmem:$0x1FF50]  }
0x4a8: {  	v47 =	vor.u32 v39, v33;
	_ =	sdelay $0x3  }
0x4a9: {  	v43 =	vcombine.low v50, v49  }
0x4aa: {  	v44 =	vor.u32 v23, v44;
	v50 =	vld.idx.msk [tilespmem:v47+s10+$0x0], $0xffff  }
0x4ab: {  	v33 =	vor.u32 v43, v33;
	_ =	sdelay $0x2  }
0x4ac: {  	v49 =	vadd.s32 s21, v61  }
0x4ad: {  	[tilespmem:v44+s12+$0x0] =	vst.idx.msk $0xffff, v50;
	v50 =	vand.u32 $0xFFC8, v49  }
0x4ae: {  	v33 =	vld.idx.msk [tilespmem:v33+s10+$0x0], $0xffff;
	v44 =	vor.u32 v23, v50  }
0x4af: {  	v46 =	vor.u32 v39, v36;
	_ =	sdelay $0x2  }
0x4b0: {  	v49 =	vadd.s32 s22, v60  }
0x4b1: {  	v50 =	vand.u32 $0x7FD8, v49;
	[tilespmem:v44+s12+$0x0] =	vst.idx.msk $0xffff, v33  }
0x4b2: {  	v33 =	vor.u32 v23, v50;
	v44 =	vld.idx.msk [tilespmem:v46+s10+$0x0], $0xffff  }
0x4b3: {  	v49 =	vor.u32 v43, v36;
	_ =	sdelay $0x2  }
0x4b4: {  	v50 =	vadd.s32 s22, v61  }
0x4b5: {  	v47 =	vand.u32 $0xFFD8, v50;
	[tilespmem:v33+s12+$0x0] =	vst.idx.msk $0xffff, v44  }
0x4b6: {  	v33 =	vor.u32 v23, v47;
	v36 =	vld.idx.msk [tilespmem:v49+s10+$0x0], $0xffff  }
0x4b7: {  	v49 =	vor.u32 v39, v37;
	_ =	sdelay $0x2  }
0x4b8: {  	v50 =	vadd.s32 s23, v60  }
0x4b9: {  	v47 =	vand.u32 $0x7FE8, v50;
	[tilespmem:v33+s12+$0x0] =	vst.idx.msk $0xffff, v36  }
0x4ba: {  	v33 =	vor.u32 v23, v47;
	v36 =	vld.idx.msk [tilespmem:v49+s10+$0x0], $0xffff  }
0x4bb: {  	v49 =	vor.u32 v43, v37;
	_ =	sdelay $0x2  }
0x4bc: {  	v50 =	vadd.s32 s23, v61  }
0x4bd: {  	v47 =	vand.u32 $0xFFE8, v50;
	[tilespmem:v33+s12+$0x0] =	vst.idx.msk $0xffff, v36  }
0x4be: {  	v33 =	vor.u32 v23, v47;
	v36 =	vld.idx.msk [tilespmem:v49+s10+$0x0], $0xffff  }
0x4bf: {  	v37 =	vor.u32 v39, v40;
	_ =	sdelay $0x1  }
0x4c0: {  	s22 =	sor.u32 s20, s24  }
0x4c1: {  	v49 =	vadd.s32 s22, v60  }
0x4c2: {  	v50 =	vand.u32 $0x7FF8, v49;
	[tilespmem:v33+s12+$0x0] =	vst.idx.msk $0xffff, v36  }
0x4c3: {  	v33 =	vld.idx.msk [tilespmem:v37+s10+$0x0], $0xffff;
	v37 =	vor.u32 v23, v50  }
0x4c4: {  	v36 =	vor.u32 v43, v40;
	_ =	sdelay $0x1  }
0x4c5: {  	s21 =	simm.s32 $0x70;
	s20 =	simm.s32 $0x0  }
.LBB2_25:
0x4c6: {  	s23 =	sadd.s32 $0xFFFFFFD0, s21;
	s20 =	sadd.s32 $0x4, s20  }
0x4c7: {  	v40 =	vmov s23;
	p0 =	slt.u32 s20, $0x4C;
	[tilespmem:v37+s12+$0x0] =	vst.idx.msk $0xffff, v33;
	v33 =	vadd.s32 s22, v61  }
0x4c8: {  	v37 =	vshll.u32 v40, $0x5;
	v36 =	vld.idx.msk [tilespmem:v36+s10+$0x0], $0xffff;
	v33 =	vand.u32 $0xFFF8, v33  }
0x4c9: {  	v37 =	vor.u32 v14, v37;
	v33 =	vor.u32 v23, v33  }
0x4ca: {  	v40 =	vor.u32 v39, v37  }
0x4cb: {  	s19 =	sadd.s32 $0x200, s19  }
0x4cc: {  	s22 =	sand.u32 $0x3C00, s19;
	s23 =	sand.u32 $0x40, s23  }
0x4cd: {  	s23 =	sor.u32 s23, s22  }
0x4ce: {  	v44 =	vadd.s32 s23, v60;
	[tilespmem:v33+s12+$0x0] =	vst.idx.msk $0xffff, v36  }
0x4cf: {  	v36 =	vand.u32 $0x7FC8, v44;
	v33 =	vld.idx.msk [tilespmem:v40+s10+$0x0], $0xffff  }
0x4d0: {  	v36 =	vor.u32 v23, v36  }
0x4d1: {  	v37 =	vor.u32 v43, v37;
	_ =	sdelay $0x2  }
0x4d2: {  	s24 =	sadd.s32 $0xFFFFFFE0, s21  }
0x4d3: {  	[tilespmem:v36+s12+$0x0] =	vst.idx.msk $0xffff, v33;
	v33 =	vadd.s32 s23, v61;
	v36 =	vmov s24  }
0x4d4: {  	v37 =	vld.idx.msk [tilespmem:v37+s10+$0x0], $0xffff;
	v33 =	vand.u32 $0xFFC8, v33;
	v36 =	vshll.u32 v36, $0x5  }
0x4d5: {  	v33 =	vor.u32 v23, v33;
	v36 =	vor.u32 v14, v36  }
0x4d6: {  	v40 =	vor.u32 v39, v36;
	_ =	sdelay $0x1  }
0x4d7: {  	s23 =	sand.u32 $0x50, s24  }
0x4d8: {  	s23 =	sor.u32 s22, s23  }
0x4d9: {  	[tilespmem:v33+s12+$0x0] =	vst.idx.msk $0xffff, v37;
	v33 =	vadd.s32 s23, v60  }
0x4da: {  	v37 =	vld.idx.msk [tilespmem:v40+s10+$0x0], $0xffff;
	v33 =	vand.u32 $0x7FD8, v33  }
0x4db: {  	v33 =	vor.u32 v23, v33  }
0x4dc: {  	v36 =	vor.u32 v43, v36;
	_ =	sdelay $0x2  }
0x4dd: {  	s24 =	sadd.s32 $0xFFFFFFF0, s21  }
0x4de: {  	[tilespmem:v33+s12+$0x0] =	vst.idx.msk $0xffff, v37;
	v33 =	vadd.s32 s23, v61;
	v37 =	vmov s24  }
0x4df: {  	v36 =	vld.idx.msk [tilespmem:v36+s10+$0x0], $0xffff;
	v33 =	vand.u32 $0xFFD8, v33;
	v37 =	vshll.u32 v37, $0x5  }
0x4e0: {  	v33 =	vor.u32 v23, v33;
	v37 =	vor.u32 v14, v37  }
0x4e1: {  	v40 =	vor.u32 v39, v37;
	_ =	sdelay $0x1  }
0x4e2: {  	s23 =	sand.u32 $0x60, s24  }
0x4e3: {  	s23 =	sor.u32 s22, s23  }
0x4e4: {  	[tilespmem:v33+s12+$0x0] =	vst.idx.msk $0xffff, v36;
	v33 =	vadd.s32 s23, v60  }
0x4e5: {  	v36 =	vld.idx.msk [tilespmem:v40+s10+$0x0], $0xffff;
	v33 =	vand.u32 $0x7FE8, v33  }
0x4e6: {  	v33 =	vor.u32 v23, v33  }
0x4e7: {  	v37 =	vor.u32 v43, v37;
	_ =	sdelay $0x3  }
0x4e8: {  	[tilespmem:v33+s12+$0x0] =	vst.idx.msk $0xffff, v36;
	v33 =	vadd.s32 s23, v61;
	v36 =	vmov s21  }
0x4e9: {  	v37 =	vld.idx.msk [tilespmem:v37+s10+$0x0], $0xffff;
	v33 =	vand.u32 $0xFFE8, v33;
	v36 =	vshll.u32 v36, $0x5  }
0x4ea: {  	v33 =	vor.u32 v23, v33;
	v36 =	vor.u32 v14, v36  }
0x4eb: {  	v40 =	vor.u32 v39, v36;
	_ =	sdelay $0x1  }
0x4ec: {  	s23 =	sand.u32 $0x70, s21  }
0x4ed: {  	s22 =	sor.u32 s22, s23  }
0x4ee: {  	[tilespmem:v33+s12+$0x0] =	vst.idx.msk $0xffff, v37;
	v37 =	vadd.s32 s22, v60  }
.Ltmp11:
0x4ef: {  	v33 =	vld.idx.msk [tilespmem:v40+s10+$0x0], $0xffff;
	v37 =	vand.u32 $0x7FF8, v37;
	(pc) =	sbr.rel @p0 .LBB2_25-.Ltmp11, $3  }
0x4f0: {  	v37 =	vor.u32 v23, v37  }
0x4f1: {  	v36 =	vor.u32 v43, v36;
	_ =	sdelay $0x1  }
0x4f2: {  	s21 =	sadd.s32 $0x40, s21  }
0x4f3: {  	_ =	sdelay $0x1  }
0x4f4: {  	v43 =	vld [tilespmem:$0x1FE80]  }
0x4f5: {  	v39 =	vadd.s32 s22, v61;
	v44 =	vld [tilespmem:$0x1FE90]  }
0x4f6: {  	[tilespmem:v37+s12+$0x0] =	vst.idx.msk $0xffff, v33;
	v46 =	vand.u32 $0xFFF8, v39  }
0x4f7: {  	v36 =	vld.idx.msk [tilespmem:v36+s10+$0x0], $0xffff;
	v49 =	vor.u32 v23, v46  }
0x4f8: {  	s21 =	simm.s32 $0x0  }
0x4f9: {  	v40 =	vmov s21  }
0x4fa: {  	v47 =	vshll.u32 v40, $0x5;
	v43 =	vcombine.low v43, v44  }
0x4fb: {  	v33 =	vor.u32 v14, v47;
	v47 =	vld [tilespmem:$0x1FFA0]  }
0x4fc: {  	v39 =	vand.u32 $0xF, v43;
	[tilespmem:v49+s12+$0x0] =	vst.idx.msk $0xffff, v36;
	v49 =	vld [tilespmem:$0x1FFB0]  }
0x4fd: {  	s19 =	simm.s32 $0x0;
	v37 =	vor.u32 v39, v33  }
0x4fe: {  	s20 =	sand.u32 $0x3C00, s19;
	s21 =	sand.u32 $0x40, s21  }
0x4ff: {  	s21 =	sor.u32 s21, s20  }
0x500: {  	v50 =	vadd.s32 s21, v62  }
0x501: {  	v46 =	vand.u32 $0x7FC8, v50;
	v43 =	vcombine.low v47, v49  }
0x502: {  	v36 =	vor.u32 v23, v46;
	v37 =	vld.idx.msk [tilespmem:v37+s10+$0x0], $0xffff  }
0x503: {  	v40 =	vor.u32 v43, v33;
	_ =	sdelay $0x1  }
0x504: {  	s31 =	simm.s32 $0x10  }
0x505: {  	v50 =	vadd.s32 s21, v63;
	v46 =	vmov s31  }
0x506: {  	v47 =	vand.u32 $0xFFC8, v50;
	v49 =	vshll.u32 v46, $0x5;
	[tilespmem:v36+s12+$0x0] =	vst.idx.msk $0xffff, v37  }
0x507: {  	v44 =	vor.u32 v23, v47;
	v36 =	vor.u32 v14, v49;
	v40 =	vld.idx.msk [tilespmem:v40+s10+$0x0], $0xffff  }
0x508: {  	v37 =	vor.u32 v39, v36  }
0x509: {  	s22 =	sand.u32 $0x50, s31  }
0x50a: {  	s22 =	sor.u32 s20, s22  }
0x50b: {  	v50 =	vadd.s32 s22, v62  }
0x50c: {  	v47 =	vand.u32 $0x7FD8, v50;
	[tilespmem:v44+s12+$0x0] =	vst.idx.msk $0xffff, v40  }
0x50d: {  	v40 =	vor.u32 v23, v47;
	v37 =	vld.idx.msk [tilespmem:v37+s10+$0x0], $0xffff  }
0x50e: {  	v44 =	vor.u32 v43, v36;
	_ =	sdelay $0x1  }
0x50f: {  	s23 =	simm.s32 $0x20  }
0x510: {  	v49 =	vadd.s32 s22, v63;
	v47 =	vmov s23  }
0x511: {  	v50 =	vand.u32 $0xFFD8, v49;
	v49 =	vshll.u32 v47, $0x5;
	[tilespmem:v40+s12+$0x0] =	vst.idx.msk $0xffff, v37  }
0x512: {  	v46 =	vor.u32 v23, v50;
	v37 =	vor.u32 v14, v49;
	v44 =	vld.idx.msk [tilespmem:v44+s10+$0x0], $0xffff  }
0x513: {  	v40 =	vor.u32 v39, v37  }
0x514: {  	s23 =	sand.u32 $0x60, s23  }
0x515: {  	s23 =	sor.u32 s20, s23  }
0x516: {  	v50 =	vadd.s32 s23, v62  }
0x517: {  	v49 =	vand.u32 $0x7FE8, v50;
	[tilespmem:v46+s12+$0x0] =	vst.idx.msk $0xffff, v44  }
0x518: {  	v44 =	vor.u32 v23, v49;
	v40 =	vld.idx.msk [tilespmem:v40+s10+$0x0], $0xffff  }
0x519: {  	v46 =	vor.u32 v43, v37;
	_ =	sdelay $0x1  }
0x51a: {  	s24 =	simm.s32 $0x30  }
0x51b: {  	v47 =	vadd.s32 s23, v63;
	v49 =	vmov s24  }
0x51c: {  	v50 =	vand.u32 $0xFFE8, v47;
	v49 =	vshll.u32 v49, $0x5;
	[tilespmem:v44+s12+$0x0] =	vst.idx.msk $0xffff, v40  }
0x51d: {  	v47 =	vor.u32 v23, v50;
	v40 =	vor.u32 v14, v49;
	v46 =	vld.idx.msk [tilespmem:v46+s10+$0x0], $0xffff  }
0x51e: {  	v44 =	vor.u32 v39, v40  }
0x51f: {  	s24 =	sand.u32 $0x70, s24  }
0x520: {  	s29 =	sor.u32 s20, s24  }
0x521: {  	v49 =	vadd.s32 s29, v62  }
0x522: {  	v50 =	vand.u32 $0x7FF8, v49;
	[tilespmem:v47+s12+$0x0] =	vst.idx.msk $0xffff, v46  }
0x523: {  	v47 =	vor.u32 v23, v50;
	v44 =	vld.idx.msk [tilespmem:v44+s10+$0x0], $0xffff  }
0x524: {  	v46 =	vor.u32 v43, v40;
	_ =	sdelay $0x1  }
0x525: {  	s25 =	simm.s32 $0x0;
	s26 =	simm.s32 $0x70;
	s28 =	simm.s32 $0x0  }
.LBB2_27:
0x526: {  	s30 =	sadd.s32 $0xFFFFFFD0, s26;
	s25 =	sadd.s32 $0x4, s25  }
0x527: {  	v49 =	vmov s30;
	p0 =	slt.u32 s25, $0x4C;
	[tilespmem:v47+s12+$0x0] =	vst.idx.msk $0xffff, v44;
	v44 =	vadd.s32 s29, v63  }
0x528: {  	v47 =	vshll.u32 v49, $0x5;
	v46 =	vld.idx.msk [tilespmem:v46+s10+$0x0], $0xffff;
	v44 =	vand.u32 $0xFFF8, v44  }
0x529: {  	v47 =	vor.u32 v14, v47;
	v44 =	vor.u32 v23, v44  }
0x52a: {  	v49 =	vor.u32 v39, v47  }
0x52b: {  	s28 =	sadd.s32 $0x200, s28  }
0x52c: {  	s29 =	sand.u32 $0x3C00, s28;
	s30 =	sand.u32 $0x40, s30  }
0x52d: {  	s30 =	sor.u32 s30, s29  }
0x52e: {  	v50 =	vadd.s32 s30, v62;
	[tilespmem:v44+s12+$0x0] =	vst.idx.msk $0xffff, v46  }
0x52f: {  	v46 =	vand.u32 $0x7FC8, v50;
	v44 =	vld.idx.msk [tilespmem:v49+s10+$0x0], $0xffff  }
0x530: {  	v46 =	vor.u32 v23, v46  }
0x531: {  	v47 =	vor.u32 v43, v47;
	_ =	sdelay $0x2  }
0x532: {  	s31 =	sadd.s32 $0xFFFFFFE0, s26  }
0x533: {  	[tilespmem:v46+s12+$0x0] =	vst.idx.msk $0xffff, v44;
	v44 =	vadd.s32 s30, v63;
	v46 =	vmov s31  }
0x534: {  	v47 =	vld.idx.msk [tilespmem:v47+s10+$0x0], $0xffff;
	v44 =	vand.u32 $0xFFC8, v44;
	v46 =	vshll.u32 v46, $0x5  }
0x535: {  	v44 =	vor.u32 v23, v44;
	v46 =	vor.u32 v14, v46  }
0x536: {  	v49 =	vor.u32 v39, v46;
	_ =	sdelay $0x1  }
0x537: {  	s30 =	sand.u32 $0x50, s31  }
0x538: {  	s30 =	sor.u32 s29, s30  }
0x539: {  	[tilespmem:v44+s12+$0x0] =	vst.idx.msk $0xffff, v47;
	v44 =	vadd.s32 s30, v62  }
0x53a: {  	v47 =	vld.idx.msk [tilespmem:v49+s10+$0x0], $0xffff;
	v44 =	vand.u32 $0x7FD8, v44  }
0x53b: {  	v44 =	vor.u32 v23, v44  }
0x53c: {  	v46 =	vor.u32 v43, v46;
	_ =	sdelay $0x2  }
0x53d: {  	s31 =	sadd.s32 $0xFFFFFFF0, s26  }
0x53e: {  	[tilespmem:v44+s12+$0x0] =	vst.idx.msk $0xffff, v47;
	v44 =	vadd.s32 s30, v63;
	v47 =	vmov s31  }
0x53f: {  	v46 =	vld.idx.msk [tilespmem:v46+s10+$0x0], $0xffff;
	v44 =	vand.u32 $0xFFD8, v44;
	v47 =	vshll.u32 v47, $0x5  }
0x540: {  	v44 =	vor.u32 v23, v44;
	v47 =	vor.u32 v14, v47  }
0x541: {  	v49 =	vor.u32 v39, v47;
	_ =	sdelay $0x1  }
0x542: {  	s30 =	sand.u32 $0x60, s31  }
0x543: {  	s30 =	sor.u32 s29, s30  }
0x544: {  	[tilespmem:v44+s12+$0x0] =	vst.idx.msk $0xffff, v46;
	v44 =	vadd.s32 s30, v62  }
0x545: {  	v46 =	vld.idx.msk [tilespmem:v49+s10+$0x0], $0xffff;
	v44 =	vand.u32 $0x7FE8, v44  }
0x546: {  	v44 =	vor.u32 v23, v44  }
0x547: {  	v47 =	vor.u32 v43, v47;
	_ =	sdelay $0x3  }
0x548: {  	[tilespmem:v44+s12+$0x0] =	vst.idx.msk $0xffff, v46;
	v44 =	vadd.s32 s30, v63;
	v46 =	vmov s26  }
0x549: {  	v47 =	vld.idx.msk [tilespmem:v47+s10+$0x0], $0xffff;
	v44 =	vand.u32 $0xFFE8, v44;
	v46 =	vshll.u32 v46, $0x5  }
0x54a: {  	v44 =	vor.u32 v23, v44;
	v46 =	vor.u32 v14, v46  }
0x54b: {  	v49 =	vor.u32 v39, v46;
	_ =	sdelay $0x1  }
0x54c: {  	s30 =	sand.u32 $0x70, s26  }
0x54d: {  	s29 =	sor.u32 s29, s30  }
0x54e: {  	[tilespmem:v44+s12+$0x0] =	vst.idx.msk $0xffff, v47;
	v47 =	vadd.s32 s29, v62  }
.Ltmp12:
0x54f: {  	v44 =	vld.idx.msk [tilespmem:v49+s10+$0x0], $0xffff;
	v47 =	vand.u32 $0x7FF8, v47;
	(pc) =	sbr.rel @p0 .LBB2_27-.Ltmp12, $3  }
0x550: {  	v47 =	vor.u32 v23, v47  }
0x551: {  	v46 =	vor.u32 v43, v46;
	_ =	sdelay $0x1  }
0x552: {  	s26 =	sadd.s32 $0x40, s26  }
0x553: {  	_ =	sdelay $0x2  }
0x554: {  	v39 =	vadd.s32 s29, v63;
	v43 =	vld [tilespmem:$0x1FEA0]  }
0x555: {  	v49 =	vld [tilespmem:$0x1FEB0];
	[tilespmem:v47+s12+$0x0] =	vst.idx.msk $0xffff, v44;
	v39 =	vand.u32 $0xFFF8, v39  }
0x556: {  	v44 =	vld.idx.msk [tilespmem:v46+s10+$0x0], $0xffff;
	v50 =	vor.u32 v23, v39;
	_ =	sdelay $0x3  }
0x557: {  	v43 =	vcombine.low v43, v49  }
0x558: {  	v49 =	vadd.s32 s21, v0;
	[tilespmem:v50+s12+$0x0] =	vst.idx.msk $0xffff, v44;
	v50 =	vld [tilespmem:$0x1FFC0]  }
0x559: {  	v39 =	vand.u32 $0xF, v43;
	v44 =	vand.u32 $0x7FC8, v49;
	v49 =	vld [tilespmem:$0x1FFD0]  }
0x55a: {  	v47 =	vor.u32 v39, v33;
	_ =	sdelay $0x3  }
0x55b: {  	v43 =	vcombine.low v50, v49  }
0x55c: {  	v44 =	vor.u32 v23, v44;
	v50 =	vld.idx.msk [tilespmem:v47+s10+$0x0], $0xffff  }
0x55d: {  	v33 =	vor.u32 v43, v33;
	_ =	sdelay $0x2  }
0x55e: {  	v49 =	vadd.s32 s21, v1  }
0x55f: {  	[tilespmem:v44+s12+$0x0] =	vst.idx.msk $0xffff, v50;
	v50 =	vand.u32 $0xFFC8, v49  }
0x560: {  	v33 =	vld.idx.msk [tilespmem:v33+s10+$0x0], $0xffff;
	v44 =	vor.u32 v23, v50  }
0x561: {  	v46 =	vor.u32 v39, v36;
	_ =	sdelay $0x2  }
0x562: {  	v49 =	vadd.s32 s22, v0  }
0x563: {  	v50 =	vand.u32 $0x7FD8, v49;
	[tilespmem:v44+s12+$0x0] =	vst.idx.msk $0xffff, v33  }
0x564: {  	v33 =	vor.u32 v23, v50;
	v44 =	vld.idx.msk [tilespmem:v46+s10+$0x0], $0xffff  }
0x565: {  	v49 =	vor.u32 v43, v36;
	_ =	sdelay $0x2  }
0x566: {  	v50 =	vadd.s32 s22, v1  }
0x567: {  	v47 =	vand.u32 $0xFFD8, v50;
	[tilespmem:v33+s12+$0x0] =	vst.idx.msk $0xffff, v44  }
0x568: {  	v33 =	vor.u32 v23, v47;
	v36 =	vld.idx.msk [tilespmem:v49+s10+$0x0], $0xffff  }
0x569: {  	v49 =	vor.u32 v39, v37;
	_ =	sdelay $0x2  }
0x56a: {  	v50 =	vadd.s32 s23, v0  }
0x56b: {  	v47 =	vand.u32 $0x7FE8, v50;
	[tilespmem:v33+s12+$0x0] =	vst.idx.msk $0xffff, v36  }
0x56c: {  	v33 =	vor.u32 v23, v47;
	v36 =	vld.idx.msk [tilespmem:v49+s10+$0x0], $0xffff  }
0x56d: {  	v49 =	vor.u32 v43, v37;
	_ =	sdelay $0x2  }
0x56e: {  	v50 =	vadd.s32 s23, v1  }
0x56f: {  	v47 =	vand.u32 $0xFFE8, v50;
	[tilespmem:v33+s12+$0x0] =	vst.idx.msk $0xffff, v36  }
0x570: {  	v33 =	vor.u32 v23, v47;
	v36 =	vld.idx.msk [tilespmem:v49+s10+$0x0], $0xffff  }
0x571: {  	v37 =	vor.u32 v39, v40;
	_ =	sdelay $0x1  }
0x572: {  	s22 =	sor.u32 s20, s24  }
0x573: {  	v49 =	vadd.s32 s22, v0  }
0x574: {  	v50 =	vand.u32 $0x7FF8, v49;
	[tilespmem:v33+s12+$0x0] =	vst.idx.msk $0xffff, v36  }
0x575: {  	v33 =	vld.idx.msk [tilespmem:v37+s10+$0x0], $0xffff;
	v37 =	vor.u32 v23, v50  }
0x576: {  	v36 =	vor.u32 v43, v40;
	_ =	sdelay $0x1  }
0x577: {  	s21 =	simm.s32 $0x70;
	s20 =	simm.s32 $0x0  }
.LBB2_29:
0x578: {  	s23 =	sadd.s32 $0xFFFFFFD0, s21;
	s20 =	sadd.s32 $0x4, s20  }
0x579: {  	v40 =	vmov s23;
	p0 =	slt.u32 s20, $0x4C;
	[tilespmem:v37+s12+$0x0] =	vst.idx.msk $0xffff, v33;
	v33 =	vadd.s32 s22, v1  }
0x57a: {  	v37 =	vshll.u32 v40, $0x5;
	v36 =	vld.idx.msk [tilespmem:v36+s10+$0x0], $0xffff;
	v33 =	vand.u32 $0xFFF8, v33  }
0x57b: {  	v37 =	vor.u32 v14, v37;
	v33 =	vor.u32 v23, v33  }
0x57c: {  	v40 =	vor.u32 v39, v37  }
0x57d: {  	s19 =	sadd.s32 $0x200, s19  }
0x57e: {  	s22 =	sand.u32 $0x3C00, s19;
	s23 =	sand.u32 $0x40, s23  }
0x57f: {  	s23 =	sor.u32 s23, s22  }
0x580: {  	v44 =	vadd.s32 s23, v0;
	[tilespmem:v33+s12+$0x0] =	vst.idx.msk $0xffff, v36  }
0x581: {  	v36 =	vand.u32 $0x7FC8, v44;
	v33 =	vld.idx.msk [tilespmem:v40+s10+$0x0], $0xffff  }
0x582: {  	v36 =	vor.u32 v23, v36  }
0x583: {  	v37 =	vor.u32 v43, v37;
	_ =	sdelay $0x2  }
0x584: {  	s24 =	sadd.s32 $0xFFFFFFE0, s21  }
0x585: {  	[tilespmem:v36+s12+$0x0] =	vst.idx.msk $0xffff, v33;
	v33 =	vadd.s32 s23, v1;
	v36 =	vmov s24  }
0x586: {  	v37 =	vld.idx.msk [tilespmem:v37+s10+$0x0], $0xffff;
	v33 =	vand.u32 $0xFFC8, v33;
	v36 =	vshll.u32 v36, $0x5  }
0x587: {  	v33 =	vor.u32 v23, v33;
	v36 =	vor.u32 v14, v36  }
0x588: {  	v40 =	vor.u32 v39, v36;
	_ =	sdelay $0x1  }
0x589: {  	s23 =	sand.u32 $0x50, s24  }
0x58a: {  	s23 =	sor.u32 s22, s23  }
0x58b: {  	[tilespmem:v33+s12+$0x0] =	vst.idx.msk $0xffff, v37;
	v33 =	vadd.s32 s23, v0  }
0x58c: {  	v37 =	vld.idx.msk [tilespmem:v40+s10+$0x0], $0xffff;
	v33 =	vand.u32 $0x7FD8, v33  }
0x58d: {  	v33 =	vor.u32 v23, v33  }
0x58e: {  	v36 =	vor.u32 v43, v36;
	_ =	sdelay $0x2  }
0x58f: {  	s24 =	sadd.s32 $0xFFFFFFF0, s21  }
0x590: {  	[tilespmem:v33+s12+$0x0] =	vst.idx.msk $0xffff, v37;
	v33 =	vadd.s32 s23, v1;
	v37 =	vmov s24  }
0x591: {  	v36 =	vld.idx.msk [tilespmem:v36+s10+$0x0], $0xffff;
	v33 =	vand.u32 $0xFFD8, v33;
	v37 =	vshll.u32 v37, $0x5  }
0x592: {  	v33 =	vor.u32 v23, v33;
	v37 =	vor.u32 v14, v37  }
0x593: {  	v40 =	vor.u32 v39, v37;
	_ =	sdelay $0x1  }
0x594: {  	s23 =	sand.u32 $0x60, s24  }
0x595: {  	s23 =	sor.u32 s22, s23  }
0x596: {  	[tilespmem:v33+s12+$0x0] =	vst.idx.msk $0xffff, v36;
	v33 =	vadd.s32 s23, v0  }
0x597: {  	v36 =	vld.idx.msk [tilespmem:v40+s10+$0x0], $0xffff;
	v33 =	vand.u32 $0x7FE8, v33  }
0x598: {  	v33 =	vor.u32 v23, v33  }
0x599: {  	v37 =	vor.u32 v43, v37;
	_ =	sdelay $0x3  }
0x59a: {  	[tilespmem:v33+s12+$0x0] =	vst.idx.msk $0xffff, v36;
	v33 =	vadd.s32 s23, v1;
	v36 =	vmov s21  }
0x59b: {  	v37 =	vld.idx.msk [tilespmem:v37+s10+$0x0], $0xffff;
	v33 =	vand.u32 $0xFFE8, v33;
	v36 =	vshll.u32 v36, $0x5  }
0x59c: {  	v33 =	vor.u32 v23, v33;
	v36 =	vor.u32 v14, v36  }
0x59d: {  	v40 =	vor.u32 v39, v36;
	_ =	sdelay $0x1  }
0x59e: {  	s23 =	sand.u32 $0x70, s21  }
0x59f: {  	s22 =	sor.u32 s22, s23  }
0x5a0: {  	[tilespmem:v33+s12+$0x0] =	vst.idx.msk $0xffff, v37;
	v37 =	vadd.s32 s22, v0  }
.Ltmp13:
0x5a1: {  	v33 =	vld.idx.msk [tilespmem:v40+s10+$0x0], $0xffff;
	v37 =	vand.u32 $0x7FF8, v37;
	(pc) =	sbr.rel @p0 .LBB2_29-.Ltmp13, $3  }
0x5a2: {  	v37 =	vor.u32 v23, v37  }
0x5a3: {  	v36 =	vor.u32 v43, v36;
	_ =	sdelay $0x1  }
0x5a4: {  	s21 =	sadd.s32 $0x40, s21  }
0x5a5: {  	_ =	sdelay $0x1  }
0x5a6: {  	v43 =	vld [tilespmem:$0x1FEC0]  }
0x5a7: {  	v39 =	vadd.s32 s22, v1;
	v44 =	vld [tilespmem:$0x1FED0]  }
0x5a8: {  	[tilespmem:v37+s12+$0x0] =	vst.idx.msk $0xffff, v33;
	v46 =	vand.u32 $0xFFF8, v39  }
0x5a9: {  	v36 =	vld.idx.msk [tilespmem:v36+s10+$0x0], $0xffff;
	v49 =	vor.u32 v23, v46  }
0x5aa: {  	s21 =	simm.s32 $0x0  }
0x5ab: {  	v40 =	vmov s21  }
0x5ac: {  	v47 =	vshll.u32 v40, $0x5;
	v43 =	vcombine.low v43, v44  }
0x5ad: {  	v33 =	vor.u32 v14, v47;
	v47 =	vld [tilespmem:$0x1FFE0]  }
0x5ae: {  	v39 =	vand.u32 $0xF, v43;
	[tilespmem:v49+s12+$0x0] =	vst.idx.msk $0xffff, v36;
	v49 =	vld [tilespmem:$0x1FFF0]  }
0x5af: {  	s19 =	simm.s32 $0x0;
	v37 =	vor.u32 v39, v33  }
0x5b0: {  	s20 =	sand.u32 $0x3C00, s19;
	s21 =	sand.u32 $0x40, s21  }
0x5b1: {  	s21 =	sor.u32 s21, s20  }
0x5b2: {  	v50 =	vadd.s32 s21, v6  }
0x5b3: {  	v46 =	vand.u32 $0x7FC8, v50;
	v43 =	vcombine.low v47, v49  }
0x5b4: {  	v36 =	vor.u32 v23, v46;
	v37 =	vld.idx.msk [tilespmem:v37+s10+$0x0], $0xffff  }
0x5b5: {  	v40 =	vor.u32 v43, v33;
	_ =	sdelay $0x1  }
0x5b6: {  	s31 =	simm.s32 $0x10  }
0x5b7: {  	v50 =	vadd.s32 s21, v7;
	v46 =	vmov s31  }
0x5b8: {  	v47 =	vand.u32 $0xFFC8, v50;
	v49 =	vshll.u32 v46, $0x5;
	[tilespmem:v36+s12+$0x0] =	vst.idx.msk $0xffff, v37  }
0x5b9: {  	v44 =	vor.u32 v23, v47;
	v36 =	vor.u32 v14, v49;
	v40 =	vld.idx.msk [tilespmem:v40+s10+$0x0], $0xffff  }
0x5ba: {  	v37 =	vor.u32 v39, v36  }
0x5bb: {  	s22 =	sand.u32 $0x50, s31  }
0x5bc: {  	s22 =	sor.u32 s20, s22  }
0x5bd: {  	v50 =	vadd.s32 s22, v6  }
0x5be: {  	v47 =	vand.u32 $0x7FD8, v50;
	[tilespmem:v44+s12+$0x0] =	vst.idx.msk $0xffff, v40  }
0x5bf: {  	v40 =	vor.u32 v23, v47;
	v37 =	vld.idx.msk [tilespmem:v37+s10+$0x0], $0xffff  }
0x5c0: {  	v44 =	vor.u32 v43, v36;
	_ =	sdelay $0x1  }
0x5c1: {  	s23 =	simm.s32 $0x20  }
0x5c2: {  	v49 =	vadd.s32 s22, v7;
	v47 =	vmov s23  }
0x5c3: {  	v50 =	vand.u32 $0xFFD8, v49;
	v49 =	vshll.u32 v47, $0x5;
	[tilespmem:v40+s12+$0x0] =	vst.idx.msk $0xffff, v37  }
0x5c4: {  	v46 =	vor.u32 v23, v50;
	v37 =	vor.u32 v14, v49;
	v44 =	vld.idx.msk [tilespmem:v44+s10+$0x0], $0xffff  }
0x5c5: {  	v40 =	vor.u32 v39, v37  }
0x5c6: {  	s23 =	sand.u32 $0x60, s23  }
0x5c7: {  	s23 =	sor.u32 s20, s23  }
0x5c8: {  	v50 =	vadd.s32 s23, v6  }
0x5c9: {  	v49 =	vand.u32 $0x7FE8, v50;
	[tilespmem:v46+s12+$0x0] =	vst.idx.msk $0xffff, v44  }
0x5ca: {  	v44 =	vor.u32 v23, v49;
	v40 =	vld.idx.msk [tilespmem:v40+s10+$0x0], $0xffff  }
0x5cb: {  	v46 =	vor.u32 v43, v37;
	_ =	sdelay $0x1  }
0x5cc: {  	s24 =	simm.s32 $0x30  }
0x5cd: {  	v47 =	vadd.s32 s23, v7;
	v49 =	vmov s24  }
0x5ce: {  	v50 =	vand.u32 $0xFFE8, v47;
	v49 =	vshll.u32 v49, $0x5;
	[tilespmem:v44+s12+$0x0] =	vst.idx.msk $0xffff, v40  }
0x5cf: {  	v47 =	vor.u32 v23, v50;
	v40 =	vor.u32 v14, v49;
	v46 =	vld.idx.msk [tilespmem:v46+s10+$0x0], $0xffff  }
0x5d0: {  	v44 =	vor.u32 v39, v40  }
0x5d1: {  	s24 =	sand.u32 $0x70, s24  }
0x5d2: {  	s29 =	sor.u32 s20, s24  }
0x5d3: {  	v49 =	vadd.s32 s29, v6  }
0x5d4: {  	v50 =	vand.u32 $0x7FF8, v49;
	[tilespmem:v47+s12+$0x0] =	vst.idx.msk $0xffff, v46  }
0x5d5: {  	v47 =	vor.u32 v23, v50;
	v44 =	vld.idx.msk [tilespmem:v44+s10+$0x0], $0xffff  }
0x5d6: {  	v46 =	vor.u32 v43, v40;
	_ =	sdelay $0x1  }
0x5d7: {  	s25 =	simm.s32 $0x0;
	s26 =	simm.s32 $0x70;
	s28 =	simm.s32 $0x0  }
.LBB2_31:
0x5d8: {  	s30 =	sadd.s32 $0xFFFFFFD0, s26;
	s25 =	sadd.s32 $0x4, s25  }
0x5d9: {  	v49 =	vmov s30;
	p0 =	slt.u32 s25, $0x4C;
	[tilespmem:v47+s12+$0x0] =	vst.idx.msk $0xffff, v44;
	v44 =	vadd.s32 s29, v7  }
0x5da: {  	v47 =	vshll.u32 v49, $0x5;
	v46 =	vld.idx.msk [tilespmem:v46+s10+$0x0], $0xffff;
	v44 =	vand.u32 $0xFFF8, v44  }
0x5db: {  	v47 =	vor.u32 v14, v47;
	v44 =	vor.u32 v23, v44  }
0x5dc: {  	v49 =	vor.u32 v39, v47  }
0x5dd: {  	s28 =	sadd.s32 $0x200, s28  }
0x5de: {  	s29 =	sand.u32 $0x3C00, s28;
	s30 =	sand.u32 $0x40, s30  }
0x5df: {  	s30 =	sor.u32 s30, s29  }
0x5e0: {  	v50 =	vadd.s32 s30, v6;
	[tilespmem:v44+s12+$0x0] =	vst.idx.msk $0xffff, v46  }
0x5e1: {  	v46 =	vand.u32 $0x7FC8, v50;
	v44 =	vld.idx.msk [tilespmem:v49+s10+$0x0], $0xffff  }
0x5e2: {  	v46 =	vor.u32 v23, v46  }
0x5e3: {  	v47 =	vor.u32 v43, v47;
	_ =	sdelay $0x2  }
0x5e4: {  	s31 =	sadd.s32 $0xFFFFFFE0, s26  }
0x5e5: {  	[tilespmem:v46+s12+$0x0] =	vst.idx.msk $0xffff, v44;
	v44 =	vadd.s32 s30, v7;
	v46 =	vmov s31  }
0x5e6: {  	v47 =	vld.idx.msk [tilespmem:v47+s10+$0x0], $0xffff;
	v44 =	vand.u32 $0xFFC8, v44;
	v46 =	vshll.u32 v46, $0x5  }
0x5e7: {  	v44 =	vor.u32 v23, v44;
	v46 =	vor.u32 v14, v46  }
0x5e8: {  	v49 =	vor.u32 v39, v46;
	_ =	sdelay $0x1  }
0x5e9: {  	s30 =	sand.u32 $0x50, s31  }
0x5ea: {  	s30 =	sor.u32 s29, s30  }
0x5eb: {  	[tilespmem:v44+s12+$0x0] =	vst.idx.msk $0xffff, v47;
	v44 =	vadd.s32 s30, v6  }
0x5ec: {  	v47 =	vld.idx.msk [tilespmem:v49+s10+$0x0], $0xffff;
	v44 =	vand.u32 $0x7FD8, v44  }
0x5ed: {  	v44 =	vor.u32 v23, v44  }
0x5ee: {  	v46 =	vor.u32 v43, v46;
	_ =	sdelay $0x2  }
0x5ef: {  	s31 =	sadd.s32 $0xFFFFFFF0, s26  }
0x5f0: {  	[tilespmem:v44+s12+$0x0] =	vst.idx.msk $0xffff, v47;
	v44 =	vadd.s32 s30, v7;
	v47 =	vmov s31  }
0x5f1: {  	v46 =	vld.idx.msk [tilespmem:v46+s10+$0x0], $0xffff;
	v44 =	vand.u32 $0xFFD8, v44;
	v47 =	vshll.u32 v47, $0x5  }
0x5f2: {  	v44 =	vor.u32 v23, v44;
	v47 =	vor.u32 v14, v47  }
0x5f3: {  	v49 =	vor.u32 v39, v47;
	_ =	sdelay $0x1  }
0x5f4: {  	s30 =	sand.u32 $0x60, s31  }
0x5f5: {  	s30 =	sor.u32 s29, s30  }
0x5f6: {  	[tilespmem:v44+s12+$0x0] =	vst.idx.msk $0xffff, v46;
	v44 =	vadd.s32 s30, v6  }
0x5f7: {  	v46 =	vld.idx.msk [tilespmem:v49+s10+$0x0], $0xffff;
	v44 =	vand.u32 $0x7FE8, v44  }
0x5f8: {  	v44 =	vor.u32 v23, v44  }
0x5f9: {  	v47 =	vor.u32 v43, v47;
	_ =	sdelay $0x3  }
0x5fa: {  	[tilespmem:v44+s12+$0x0] =	vst.idx.msk $0xffff, v46;
	v44 =	vadd.s32 s30, v7;
	v46 =	vmov s26  }
0x5fb: {  	v47 =	vld.idx.msk [tilespmem:v47+s10+$0x0], $0xffff;
	v44 =	vand.u32 $0xFFE8, v44;
	v46 =	vshll.u32 v46, $0x5  }
0x5fc: {  	v44 =	vor.u32 v23, v44;
	v46 =	vor.u32 v14, v46  }
0x5fd: {  	v49 =	vor.u32 v39, v46;
	_ =	sdelay $0x1  }
0x5fe: {  	s30 =	sand.u32 $0x70, s26  }
0x5ff: {  	s29 =	sor.u32 s29, s30  }
0x600: {  	[tilespmem:v44+s12+$0x0] =	vst.idx.msk $0xffff, v47;
	v47 =	vadd.s32 s29, v6  }
.Ltmp14:
0x601: {  	v44 =	vld.idx.msk [tilespmem:v49+s10+$0x0], $0xffff;
	v47 =	vand.u32 $0x7FF8, v47;
	(pc) =	sbr.rel @p0 .LBB2_31-.Ltmp14, $3  }
0x602: {  	v47 =	vor.u32 v23, v47  }
0x603: {  	v46 =	vor.u32 v43, v46;
	_ =	sdelay $0x1  }
0x604: {  	s26 =	sadd.s32 $0x40, s26  }
0x605: {  	v43 =	vld [tilespmem:$0x1FEE0]  }
0x606: {  	v49 =	vld [tilespmem:$0x1FEF0];
	_ =	sdelay $0x4  }
0x607: {  	v39 =	vadd.s32 s29, v7;
	v43 =	vcombine.low v43, v49  }
0x608: {  	[tilespmem:v47+s12+$0x0] =	vst.idx.msk $0xffff, v44;
	v39 =	vand.u32 $0xFFF8, v39  }
0x609: {  	v44 =	vld.idx.msk [tilespmem:v46+s10+$0x0], $0xffff;
	v50 =	vor.u32 v23, v39;
	v39 =	vand.u32 $0xF, v43  }
0x60a: {  	v47 =	vor.u32 v39, v33;
	_ =	sdelay $0x2  }
0x60b: {  	v49 =	vadd.s32 s21, v8  }
0x60c: {  	[tilespmem:v50+s12+$0x0] =	vst.idx.msk $0xffff, v44;
	v50 =	vand.u32 $0x7FC8, v49;
	v43 =	vcombine.low v21, v22  }
0x60d: {  	v44 =	vor.u32 v23, v50;
	v46 =	vld.idx.msk [tilespmem:v47+s10+$0x0], $0xffff  }
0x60e: {  	v33 =	vor.u32 v43, v33;
	_ =	sdelay $0x2  }
0x60f: {  	v49 =	vadd.s32 s21, v9  }
0x610: {  	v50 =	vand.u32 $0xFFC8, v49;
	[tilespmem:v44+s12+$0x0] =	vst.idx.msk $0xffff, v46  }
0x611: {  	v44 =	vor.u32 v23, v50;
	v33 =	vld.idx.msk [tilespmem:v33+s10+$0x0], $0xffff  }
0x612: {  	v46 =	vor.u32 v39, v36;
	_ =	sdelay $0x2  }
0x613: {  	v49 =	vadd.s32 s22, v8  }
0x614: {  	v50 =	vand.u32 $0x7FD8, v49;
	[tilespmem:v44+s12+$0x0] =	vst.idx.msk $0xffff, v33  }
0x615: {  	v33 =	vor.u32 v23, v50;
	v44 =	vld.idx.msk [tilespmem:v46+s10+$0x0], $0xffff  }
0x616: {  	v49 =	vor.u32 v43, v36;
	_ =	sdelay $0x2  }
0x617: {  	v50 =	vadd.s32 s22, v9  }
0x618: {  	v47 =	vand.u32 $0xFFD8, v50;
	[tilespmem:v33+s12+$0x0] =	vst.idx.msk $0xffff, v44  }
0x619: {  	v33 =	vor.u32 v23, v47;
	v36 =	vld.idx.msk [tilespmem:v49+s10+$0x0], $0xffff  }
0x61a: {  	v49 =	vor.u32 v39, v37;
	_ =	sdelay $0x2  }
0x61b: {  	v50 =	vadd.s32 s23, v8  }
0x61c: {  	v47 =	vand.u32 $0x7FE8, v50;
	[tilespmem:v33+s12+$0x0] =	vst.idx.msk $0xffff, v36  }
0x61d: {  	v33 =	vor.u32 v23, v47;
	v36 =	vld.idx.msk [tilespmem:v49+s10+$0x0], $0xffff  }
0x61e: {  	v49 =	vor.u32 v43, v37;
	_ =	sdelay $0x2  }
0x61f: {  	v50 =	vadd.s32 s23, v9  }
0x620: {  	v47 =	vand.u32 $0xFFE8, v50;
	[tilespmem:v33+s12+$0x0] =	vst.idx.msk $0xffff, v36  }
0x621: {  	v33 =	vor.u32 v23, v47;
	v36 =	vld.idx.msk [tilespmem:v49+s10+$0x0], $0xffff  }
0x622: {  	v37 =	vor.u32 v39, v40;
	_ =	sdelay $0x1  }
0x623: {  	s22 =	sor.u32 s20, s24  }
0x624: {  	v49 =	vadd.s32 s22, v8  }
0x625: {  	v50 =	vand.u32 $0x7FF8, v49;
	[tilespmem:v33+s12+$0x0] =	vst.idx.msk $0xffff, v36  }
0x626: {  	v33 =	vld.idx.msk [tilespmem:v37+s10+$0x0], $0xffff;
	v37 =	vor.u32 v23, v50  }
0x627: {  	v36 =	vor.u32 v43, v40;
	_ =	sdelay $0x1  }
0x628: {  	s21 =	simm.s32 $0x70;
	s20 =	simm.s32 $0x0  }
.LBB2_33:
0x629: {  	s23 =	sadd.s32 $0xFFFFFFD0, s21;
	s20 =	sadd.s32 $0x4, s20  }
0x62a: {  	v40 =	vmov s23;
	p0 =	slt.u32 s20, $0x4C;
	[tilespmem:v37+s12+$0x0] =	vst.idx.msk $0xffff, v33;
	v33 =	vadd.s32 s22, v9  }
0x62b: {  	v37 =	vshll.u32 v40, $0x5;
	v36 =	vld.idx.msk [tilespmem:v36+s10+$0x0], $0xffff;
	v33 =	vand.u32 $0xFFF8, v33  }
0x62c: {  	v37 =	vor.u32 v14, v37;
	v33 =	vor.u32 v23, v33  }
0x62d: {  	v40 =	vor.u32 v39, v37  }
0x62e: {  	s19 =	sadd.s32 $0x200, s19  }
0x62f: {  	s22 =	sand.u32 $0x3C00, s19;
	s23 =	sand.u32 $0x40, s23  }
0x630: {  	s23 =	sor.u32 s23, s22  }
0x631: {  	v44 =	vadd.s32 s23, v8;
	[tilespmem:v33+s12+$0x0] =	vst.idx.msk $0xffff, v36  }
0x632: {  	v36 =	vand.u32 $0x7FC8, v44;
	v33 =	vld.idx.msk [tilespmem:v40+s10+$0x0], $0xffff  }
0x633: {  	v36 =	vor.u32 v23, v36  }
0x634: {  	v37 =	vor.u32 v43, v37;
	_ =	sdelay $0x2  }
0x635: {  	s24 =	sadd.s32 $0xFFFFFFE0, s21  }
0x636: {  	[tilespmem:v36+s12+$0x0] =	vst.idx.msk $0xffff, v33;
	v33 =	vadd.s32 s23, v9;
	v36 =	vmov s24  }
0x637: {  	v37 =	vld.idx.msk [tilespmem:v37+s10+$0x0], $0xffff;
	v33 =	vand.u32 $0xFFC8, v33;
	v36 =	vshll.u32 v36, $0x5  }
0x638: {  	v33 =	vor.u32 v23, v33;
	v36 =	vor.u32 v14, v36  }
0x639: {  	v40 =	vor.u32 v39, v36;
	_ =	sdelay $0x1  }
0x63a: {  	s23 =	sand.u32 $0x50, s24  }
0x63b: {  	s23 =	sor.u32 s22, s23  }
0x63c: {  	[tilespmem:v33+s12+$0x0] =	vst.idx.msk $0xffff, v37;
	v33 =	vadd.s32 s23, v8  }
0x63d: {  	v37 =	vld.idx.msk [tilespmem:v40+s10+$0x0], $0xffff;
	v33 =	vand.u32 $0x7FD8, v33  }
0x63e: {  	v33 =	vor.u32 v23, v33  }
0x63f: {  	v36 =	vor.u32 v43, v36;
	_ =	sdelay $0x2  }
0x640: {  	s24 =	sadd.s32 $0xFFFFFFF0, s21  }
0x641: {  	[tilespmem:v33+s12+$0x0] =	vst.idx.msk $0xffff, v37;
	v33 =	vadd.s32 s23, v9;
	v37 =	vmov s24  }
0x642: {  	v36 =	vld.idx.msk [tilespmem:v36+s10+$0x0], $0xffff;
	v33 =	vand.u32 $0xFFD8, v33;
	v37 =	vshll.u32 v37, $0x5  }
0x643: {  	v33 =	vor.u32 v23, v33;
	v37 =	vor.u32 v14, v37  }
0x644: {  	v40 =	vor.u32 v39, v37;
	_ =	sdelay $0x1  }
0x645: {  	s23 =	sand.u32 $0x60, s24  }
0x646: {  	s23 =	sor.u32 s22, s23  }
0x647: {  	[tilespmem:v33+s12+$0x0] =	vst.idx.msk $0xffff, v36;
	v33 =	vadd.s32 s23, v8  }
0x648: {  	v36 =	vld.idx.msk [tilespmem:v40+s10+$0x0], $0xffff;
	v33 =	vand.u32 $0x7FE8, v33  }
0x649: {  	v33 =	vor.u32 v23, v33  }
0x64a: {  	v37 =	vor.u32 v43, v37;
	_ =	sdelay $0x3  }
0x64b: {  	[tilespmem:v33+s12+$0x0] =	vst.idx.msk $0xffff, v36;
	v33 =	vadd.s32 s23, v9;
	v36 =	vmov s21  }
0x64c: {  	v37 =	vld.idx.msk [tilespmem:v37+s10+$0x0], $0xffff;
	v33 =	vand.u32 $0xFFE8, v33;
	v36 =	vshll.u32 v36, $0x5  }
0x64d: {  	v33 =	vor.u32 v23, v33;
	v36 =	vor.u32 v14, v36  }
0x64e: {  	v40 =	vor.u32 v39, v36;
	_ =	sdelay $0x1  }
0x64f: {  	s23 =	sand.u32 $0x70, s21  }
0x650: {  	s22 =	sor.u32 s22, s23  }
0x651: {  	[tilespmem:v33+s12+$0x0] =	vst.idx.msk $0xffff, v37;
	v37 =	vadd.s32 s22, v8  }
.Ltmp15:
0x652: {  	v33 =	vld.idx.msk [tilespmem:v40+s10+$0x0], $0xffff;
	v37 =	vand.u32 $0x7FF8, v37;
	(pc) =	sbr.rel @p0 .LBB2_33-.Ltmp15, $3  }
0x653: {  	v37 =	vor.u32 v23, v37  }
0x654: {  	v36 =	vor.u32 v43, v36;
	_ =	sdelay $0x1  }
0x655: {  	s21 =	sadd.s32 $0x40, s21  }
0x656: {  	_ =	sdelay $0x2  }
0x657: {  	v39 =	vadd.s32 s22, v9  }
0x658: {  	[tilespmem:v37+s12+$0x0] =	vst.idx.msk $0xffff, v33;
	v50 =	vand.u32 $0xFFF8, v39  }
0x659: {  	s19 =	smul.u32 $0xA, s18;
	v36 =	vld.idx.msk [tilespmem:v36+s10+$0x0], $0xffff;
	v33 =	vor.u32 v23, v50;
	_ =	sdelay $0x1  }
0x65a: {  	s19 =	sadd.s32 s5, s19  }
0x65b: {  	s19 =	sshll.u32 s19, $0x7  }
0x65c: {  	s20 =	sadd.s32 s2, s19;
	s19 =	sand.u32 $0x1FFFFF80, s19  }
0x65d: {  	s18 =	sadd.s32 $0x1, s18;
	s19 =	sadd.s32 s2, s19;
	[tilespmem:v33+s12+$0x0] =	vst.idx.msk $0xffff, v36  }
0x65e: {  	[hbm4b:s20+s3] =	stream.linear.scatter [tilespmem:s12], [sflag:$0x3], $0x2800, $0x38;
	[tilespmem:$0x1A400] =	vst v63  }
0x65f: {  	p0 =	sne.s32 s18, $0x14;
	s30 =	sadd.s32 $0xC8000, s19  }
0x660: {  	[hbm4b:s30+s3] =	stream.linear.scatter [tilespmem:s13], [sflag:$0x3], $0x2800, $0x38;
	[tilespmem:$0x1A400] =	vst v63  }
.Ltmp16:
0x661: {  	_ = 	snop;
	(pc) =	sbr.rel @p0 .LBB2_2-.Ltmp16, $4  }
0x662: {  	s31 =	sadd.s32 $0x190000, s19  }
0x663: {  	[hbm4b:s31+s3] =	stream.linear.scatter [tilespmem:s14], [sflag:$0x3], $0x2800, $0x38;
	[tilespmem:$0x1A400] =	vst v63  }
0x664: {  	s19 =	sadd.s32 $0x258000, s19  }
0x665: {  	[hbm4b:s19+s3] =	stream.linear.scatter [tilespmem:s15], [sflag:$0x3], $0x2800, $0x38;
	[tilespmem:$0x1A400] =	vst v63  }
0x666: {  	_ =	swait.ge [sflag:s16], $0x2800  }
0x667: {  	[sflag:s16] =	ssyncset.done $0x0  }
0x668: {  	[sflag:s16] =	ssyncadd.s32 $0xFFFFD800  }
0x669: {  	_ =	swait.ge [sflag:s16], $0x2800  }
0x66a: {  	[sflag:s16] =	ssyncset.done $0x0  }
0x66b: {  	s17 =	sadd.s32 $0x1, s17;
	[sflag:s16] =	ssyncadd.s32 $0xFFFFD800  }
0x66c: {  	p0 =	sne.s32 s17, s7;
	_ =	swait.ge [sflag:s16], $0x2800  }
.Ltmp17:
0x66d: {  	[sflag:s16] =	ssyncset.done $0x0;
	(pc) =	sbr.rel @p0 .LBB2_1-.Ltmp17, $4  }
0x66e: {  	[sflag:s16] =	ssyncadd.s32 $0xFFFFD800  }
0x66f: {  	_ =	swait.ge [sflag:s16], $0x2800  }
0x670: {  	[sflag:s16] =	ssyncset.done $0x0  }
0x671: {  	[sflag:s16] =	ssyncadd.s32 $0xFFFFD800  }
0x672: {  	_ =	sfence.sel $0x180000  }
0x673: {  	[bflag:$0x0] =	sbarrier.arrive $0xFFFF  }
0x674: {  	p0 =	sne.s32 s0, $0x0;
	_ =	strace $0x90000047  }
0x675: {  	s0 =	sadd.s32 @!p0 $0x100000, s1;
	[bflag:$0x2] =	sbarrier.arrive $0xFFFF  }
0x676: {  	[sflag:s0] =	ssyncadd.tile.s32 @!p0 $0x1;
	_ =	shalt  }
.Lfunc_end2:
_tile_overlayer_lowered:
.L_overlay_start_2:
0x677: {  	(tag) =	ssettag $0x2  }
0x678: {  	s0 =	rddreg [dreg:$0x0];
	s2 =	stileid.u32  }
0x679: {  	s1 =	rddreg [dreg:$0x1];
	p0 =	sne.s32 s2, $0x0  }
0x67a: {  	s3 =	rddreg [dreg:$0x2];
	[bflag:$0x3] =	sbarrier.arrive $0xFFFF;
	s2 =	simm.s32 @!p0 $0x1C04  }
0x67b: {  	[timem:s3], [sflag:s2] =	dma.local @!p0 [hbm:s0], s1  }
0x67c: {  	s0 =	simm.s32 @!p0 $0x4  }
0x67d: {  	_ =	swait.ge @!p0 [sflag:s0], s1  }
0x67e: {  	s1 =	ssub.s32 @!p0 $0x0, s1;
	[sflag:s0] =	ssyncset.done @!p0 $0x0  }
0x67f: {  	[sflag:s0] =	ssyncadd.s32 @!p0 s1  }
0x680: {  	[bflag:$0x3] =	sbarrier.arrive $0xFFFF  }
0x681: {  	_ =	shalt  }

</sc_bundles>
